<compile_context>
chip_gen: v7x
topology: tpu7x:2x2x1
jax: 0.10.2.dev20260603
libtpu: 0.0.44.dev20260713+nightly
codegen_flags: <defaults>
</compile_context>

<pallas_src>
import jax
import jax.numpy as jnp
from jax import lax
from jax.experimental import pallas as pl
from jax.experimental.pallas import tpu as pltpu
from jax.experimental.pallas import tpu_sc as plsc

B = 16384
D = 16
L = 50
NE = 8
F = (NE + 1) * D
NC = 2
NS = 16
NW = NC * NS
S = B // NW
C = 128
NCH = S // C

HIST_COL = NE * D


def _sc_gather_body(idx8_hbm, hist_hbm,
                    emb_user, emb_item, ec0, ec1, ec2, ec3, ec4, ec5,
                    emb_hist,
                    feats_hbm,
                    idx8_v, hidx_v, rows8_v, hrows_v, feats_v,
                    sem_g, sem_h0, sem_h1):
    tables = (emb_user, emb_item, ec0, ec1, ec2, ec3, ec4, ec5)
    wid = lax.axis_index("s") * NC + lax.axis_index("c")

    @pl.loop(0, NCH)
    def _chunk(c):
        base = wid * S + c * C

        pltpu.sync_copy(idx8_hbm.at[:, pl.ds(base, C)], idx8_v)
        pltpu.sync_copy(hist_hbm.at[:, pl.ds(base, C)], hidx_v)

        descs = []
        for t in range(NE):
            descs.append(pltpu.async_copy(
                tables[t].at[idx8_v.at[t]], rows8_v.at[t], sem_g))

        sems = (sem_h0, sem_h1)

        def hfire(k, b):
            pltpu.async_copy(emb_hist.at[hidx_v.at[k]],
                             hrows_v.at[b], sems[b])

        def hwait(b):
            pltpu.make_async_copy(emb_hist.at[hidx_v.at[0]],
                                  hrows_v.at[b], sems[b]).wait()

        def hacc(b, store):
            @pl.loop(0, C, step=16)
            def _acc(r0):
                for dr in range(16):
                    r = r0 + dr
                    if store:
                        feats_v[r, pl.ds(HIST_COL, D)] = hrows_v[b, r, :]
                    else:
                        plsc.addupdate(feats_v.at[r, pl.ds(HIST_COL, D)],
                                       hrows_v[b, r, :])

        hfire(0, 0)
        hfire(1, 1)
        hwait(0)
        hacc(0, True)
        hfire(2, 0)

        @pl.loop(1, L - 1, step=2)
        def _hist(k):
            hwait(1)
            hacc(1, False)

            @pl.when(k + 2 < L)
            def _f1():
                hfire(k + 2, 1)

            hwait(0)
            hacc(0, False)

            @pl.when(k + 3 < L)
            def _f0():
                hfire(k + 3, 0)

        hwait(1)
        hacc(1, False)

        for t in range(NE):
            descs[t].wait()
        for t in range(NE):
            @pl.loop(0, C, step=16)
            def _place(r0, t=t):
                for dr in range(16):
                    r = r0 + dr
                    feats_v[r, pl.ds(t * D, D)] = rows8_v[t, r, :]

        pltpu.sync_copy(feats_v, feats_hbm.at[pl.ds(base, C), :])


def _sc_gather(idx8, histT, emb_user, emb_item, ec0, ec1, ec2, ec3, ec4,
               ec5, emb_hist):
    mesh = plsc.VectorSubcoreMesh(core_axis_name="c", subcore_axis_name="s")
    return pl.kernel(
        _sc_gather_body,
        out_type=jax.ShapeDtypeStruct((B, F), jnp.float32),
        mesh=mesh,
        scratch_types=[
            pltpu.VMEM((NE, C), jnp.int32),
            pltpu.VMEM((L, C), jnp.int32),
            pltpu.VMEM((NE, C, D), jnp.float32),
            pltpu.VMEM((2, C, D), jnp.float32),
            pltpu.VMEM((C, F), jnp.float32),
            pltpu.SemaphoreType.DMA,
            pltpu.SemaphoreType.DMA,
            pltpu.SemaphoreType.DMA,
        ],
        compiler_params=pltpu.CompilerParams(use_tc_tiling_on_sc=False),
    )(idx8, histT, emb_user, emb_item, ec0, ec1, ec2, ec3, ec4, ec5,
      emb_hist)


def _mlp_body(x_ref, ctn_ref, wv_ref, W1_ref, b1_ref, W2_ref, b2_ref,
              W3_ref, b3_ref, o_ref):
    x = x_ref[...]
    h = jnp.maximum(x @ W1_ref[...] + b1_ref[...][None, :], 0.0)
    h = jnp.maximum(h @ W2_ref[...] + b2_ref[...][None, :], 0.0)
    z = h @ W3_ref[...]
    lin = ctn_ref[...] @ wv_ref[...]
    r = z[:, 0] + lin[:, 0] + b3_ref[0]
    o_ref[...] = jax.nn.sigmoid(r)


def _mlp(feats, ctn, wvec, W1, b1, W2, b2, W3, b3):
    bm = 2048
    grid = (B // bm,)
    return pl.pallas_call(
        _mlp_body,
        grid=grid,
        in_specs=[
            pl.BlockSpec((bm, F), lambda i: (i, 0)),
            pl.BlockSpec((bm, 4), lambda i: (i, 0)),
            pl.BlockSpec((4, 1), lambda i: (0, 0)),
            pl.BlockSpec((F, 256), lambda i: (0, 0)),
            pl.BlockSpec((256,), lambda i: (0,)),
            pl.BlockSpec((256, 128), lambda i: (0, 0)),
            pl.BlockSpec((128,), lambda i: (0,)),
            pl.BlockSpec((128, 1), lambda i: (0, 0)),
            pl.BlockSpec((1,), lambda i: (0,)),
        ],
        out_specs=pl.BlockSpec((bm,), lambda i: (i,)),
        out_shape=jax.ShapeDtypeStruct((B,), jnp.float32),
    )(feats, ctn, wvec, W1, b1, W2, b2, W3, b3)


def kernel(user_id, item_id, cat_0, cat_1, cat_2, cat_3, cat_4, cat_5,
           ctn_0, ctn_1, ctn_2, ctn_3, hist_item,
           emb_user, emb_item, emb_cat_0, emb_cat_1, emb_cat_2, emb_cat_3,
           emb_cat_4, emb_cat_5, emb_hist,
           w_ctn_0, w_ctn_1, w_ctn_2, w_ctn_3,
           W1, b1, W2, b2, W3, b3):
    idx8 = jnp.stack([
        user_id[:, 0], item_id[:, 0], cat_0[:, 0], cat_1[:, 0],
        cat_2[:, 0], cat_3[:, 0], cat_4[:, 0], cat_5[:, 0],
    ]).astype(jnp.int32)
    histT = hist_item.T.astype(jnp.int32)

    feats = _sc_gather(idx8, histT, emb_user, emb_item, emb_cat_0,
                       emb_cat_1, emb_cat_2, emb_cat_3, emb_cat_4,
                       emb_cat_5, emb_hist)

    ctn = jnp.concatenate([ctn_0, ctn_1, ctn_2, ctn_3], axis=1)
    wvec = jnp.stack([w_ctn_0[0, 0], w_ctn_1[0, 0], w_ctn_2[0, 0],
                      w_ctn_3[0, 0]]).reshape(4, 1)
    return _mlp(feats, ctn, wvec, W1, b1, W2, b2, W3, b3)

# --- scband reference (transcript-rebuilt; emitter-appended) ---
"""Pipeline reference for scband-wide-and-deep-30013231464505 (READ-ONLY COPY).

The authoritative reference and input builder live on the scoring server;
editing this copy changes nothing except your own understanding.
"""

import jax, jax.numpy as jnp
import numpy as np

B = 16384
D = 16
L = 50
CAT_V = 100000
BIG_V = 1000000


def setup_inputs(seed: int = 0) -> dict:
    key = jax.random.key(seed)
    ks = jax.random.split(key, 40)
    inp = {}
    inp["user_id"] = jax.random.randint(ks[0], (B, 1), 0, BIG_V)
    inp["item_id"] = jax.random.randint(ks[1], (B, 1), 0, BIG_V)
    for i in range(6):
        inp["cat_%d" % i] = jax.random.randint(ks[2 + i], (B, 1), 0, CAT_V)
    for i in range(4):
        inp["ctn_%d" % i] = jax.random.normal(ks[8 + i], (B, 1), jnp.float32)
    inp["hist_item"] = jax.random.randint(ks[12], (B, L), 0, BIG_V)
    inp["emb_user"] = jax.random.uniform(ks[13], (BIG_V, D), jnp.float32, -0.01, 0.01)
    inp["emb_item"] = jax.random.uniform(ks[14], (BIG_V, D), jnp.float32, -0.01, 0.01)
    for i in range(6):
        inp["emb_cat_%d" % i] = jax.random.uniform(ks[15 + i], (CAT_V, D), jnp.float32, -0.01, 0.01)
    inp["emb_hist"] = jax.random.uniform(ks[21], (BIG_V, D), jnp.float32, -0.01, 0.01)
    for i in range(4):
        inp["w_ctn_%d" % i] = jax.random.uniform(ks[22 + i], (1, 1), jnp.float32, -0.01, 0.01)
    in_dim = 9 * D
    inp["W1"] = jax.random.normal(ks[26], (in_dim, 256), jnp.float32) * 0.02
    inp["b1"] = jnp.zeros((256,), jnp.float32)
    inp["W2"] = jax.random.normal(ks[27], (256, 128), jnp.float32) * 0.02
    inp["b2"] = jnp.zeros((128,), jnp.float32)
    inp["W3"] = jax.random.normal(ks[28], (128, 1), jnp.float32) * 0.02
    inp["b3"] = jnp.zeros((1,), jnp.float32)
    return inp


def reference(user_id, item_id, cat_0, cat_1, cat_2, cat_3, cat_4, cat_5,
              ctn_0, ctn_1, ctn_2, ctn_3, hist_item,
              emb_user, emb_item, emb_cat_0, emb_cat_1, emb_cat_2, emb_cat_3,
              emb_cat_4, emb_cat_5, emb_hist,
              w_ctn_0, w_ctn_1, w_ctn_2, w_ctn_3,
              W1, b1, W2, b2, W3, b3):
    # user id embedding: Embedding(x)[B,1,D].squeeze(1)
    embs = [jnp.take(emb_user, user_id[:, 0], axis=0),
            jnp.take(emb_item, item_id[:, 0], axis=0)]
    cats = [cat_0, cat_1, cat_2, cat_3, cat_4, cat_5]
    ecs = [emb_cat_0, emb_cat_1, emb_cat_2, emb_cat_3, emb_cat_4, emb_cat_5]
    for c, t in zip(cats, ecs):
        embs.append(jnp.take(t, c[:, 0], axis=0))
    # seq feature: Embedding(x)[B,L,D].sum(dim=1)
    embs.append(jnp.take(emb_hist, hist_item, axis=0).sum(axis=1))
    # wide part: Linear(1,1,bias=False) on each continuous feature
    linears = [ctn_0 @ w_ctn_0.T, ctn_1 @ w_ctn_1.T, ctn_2 @ w_ctn_2.T, ctn_3 @ w_ctn_3.T]
    linear_part = jnp.concatenate(linears, axis=1).sum(axis=1, keepdims=True)
    emb = jnp.concatenate(embs, axis=1)
    # deep MLP (dropout is identity in eval mode)
    h = jax.nn.relu(emb @ W1 + b1)
    h = jax.nn.relu(h @ W2 + b2)
    mlp_out = h @ W3 + b3
    res = (linear_part + mlp_out)[:, 0]
    return jax.nn.sigmoid(res)

if __name__ == "__main__":
    import jax
    _d = setup_inputs()
    print(jax.jit(kernel)(*tuple(_d.values())))

</pallas_src>

<mosaic_0001>
#map = affine_map<(d0, d1) -> (0, 0)>
module attributes {stable_mosaic.version = 14 : i64} {
  func.func @_sc_gather_body(%arg0: i32, %arg1: i32, %arg2: memref<8x16384xi32, #tpu.memory_space<hbm>>, %arg3: memref<50x16384xi32, #tpu.memory_space<hbm>>, %arg4: memref<1000000x16xf32, #tpu.memory_space<hbm>>, %arg5: memref<1000000x16xf32, #tpu.memory_space<hbm>>, %arg6: memref<100000x16xf32, #tpu.memory_space<hbm>>, %arg7: memref<100000x16xf32, #tpu.memory_space<hbm>>, %arg8: memref<100000x16xf32, #tpu.memory_space<hbm>>, %arg9: memref<100000x16xf32, #tpu.memory_space<hbm>>, %arg10: memref<100000x16xf32, #tpu.memory_space<hbm>>, %arg11: memref<100000x16xf32, #tpu.memory_space<hbm>>, %arg12: memref<1000000x16xf32, #tpu.memory_space<hbm>>, %arg13: memref<16384x144xf32, #tpu.memory_space<hbm>>, %arg14: memref<8x128xi32, #tpu.memory_space<vmem>>, %arg15: memref<50x128xi32, #tpu.memory_space<vmem>>, %arg16: memref<8x128x16xf32, #tpu.memory_space<vmem>>, %arg17: memref<2x128x16xf32, #tpu.memory_space<vmem>>, %arg18: memref<128x144xf32, #tpu.memory_space<vmem>>, %arg19: memref<!tpu.dma_semaphore, #tpu.memory_space<semaphore_mem>>, %arg20: memref<!tpu.dma_semaphore, #tpu.memory_space<semaphore_mem>>, %arg21: memref<!tpu.dma_semaphore, #tpu.memory_space<semaphore_mem>>) attributes {dimension_semantics = [#tpu.dimension_semantics<core_parallel>, #tpu.dimension_semantics<subcore_parallel>], iteration_bounds = array<i64: 2, 16>, scalar_prefetch = 0 : i64, scratch_operands = 8 : i64, tpu.core_type = #tpu.core_type<sc_vector_subcore>, window_params = [{transform_indices = #map}, {transform_indices = #map}, {transform_indices = #map}, {transform_indices = #map}, {transform_indices = #map}, {transform_indices = #map}, {transform_indices = #map}, {transform_indices = #map}, {transform_indices = #map}, {transform_indices = #map}, {transform_indices = #map}, {transform_indices = #map}]} {
    %mul3A = arith.constant 2 : i32
    %mul3A_0 = arith.muli %arg1, %mul3A : i32
    %add3A = arith.addi %mul3A_0, %arg0 : i32
    %scan3A = arith.constant 0 : i32
    %scan3A_1 = arith.constant 4 : i32
    %scan3A_2 = arith.addi %scan3A, %scan3A_1 : i32
    %scan3A_3 = arith.constant 1 : i32
    scf.for %scan3A_5 = %scan3A to %scan3A_2 step %scan3A_3  : i32 {
      %mul3A_6 = arith.constant 1 : i32
      %mul3A_7 = arith.muli %scan3A_5, %mul3A_6 : i32
      %add3A_8 = arith.constant 0 : i32
      %add3A_9 = arith.addi %add3A_8, %mul3A_7 : i32
      %mul3A_10 = arith.constant 512 : i32
      %mul3A_11 = arith.muli %add3A, %mul3A_10 : i32
      %mul3A_12 = arith.constant 128 : i32
      %mul3A_13 = arith.muli %add3A_9, %mul3A_12 : i32
      %add3A_14 = arith.addi %mul3A_11, %mul3A_13 : i32
      "tpu.region"() ({
        %run_scoped3A = tpu.sem_alloc : memref<!tpu.dma_semaphore, #tpu.memory_space<semaphore_mem>>
        %dma_start3A_320 = arith.constant 0 : i32
        %dma_start3A_321 = tpu.memref_slice %arg2[%dma_start3A_320, %add3A_14] : memref<8x16384xi32, #tpu.memory_space<hbm>> -> memref<8x128xi32, #tpu.memory_space<hbm>>
        %dma_start3A_322 = arith.constant 0 : i32
        %dma_start3A_323 = tpu.memref_slice %arg2[%dma_start3A_322, %add3A_14] : memref<8x16384xi32, #tpu.memory_space<hbm>> -> memref<8x128xi32, #tpu.memory_space<hbm>>
        tpu.enqueue_dma source(%dma_start3A_323 : memref<8x128xi32, #tpu.memory_space<hbm>>) target(%arg14 : memref<8x128xi32, #tpu.memory_space<vmem>>) target_semaphore(%run_scoped3A : memref<!tpu.dma_semaphore, #tpu.memory_space<semaphore_mem>>)
        %dma_wait3A_324 = arith.constant 0 : i32
        %dma_wait3A_325 = tpu.memref_slice %arg2[%dma_wait3A_324, %add3A_14] : memref<8x16384xi32, #tpu.memory_space<hbm>> -> memref<8x128xi32, #tpu.memory_space<hbm>>
        %dma_wait3A_326 = arith.constant 0 : i32
        %dma_wait3A_327 = tpu.memref_slice %arg2[%dma_wait3A_326, %add3A_14] : memref<8x16384xi32, #tpu.memory_space<hbm>> -> memref<8x128xi32, #tpu.memory_space<hbm>>
        tpu.wait_dma2 semaphore(%run_scoped3A : memref<!tpu.dma_semaphore, #tpu.memory_space<semaphore_mem>>) src(%dma_wait3A_327 : memref<8x128xi32, #tpu.memory_space<hbm>>) dst(%arg14 : memref<8x128xi32, #tpu.memory_space<vmem>>)
        tpu.yield
      }) : () -> ()
      "tpu.region"() ({
        %run_scoped3A = tpu.sem_alloc : memref<!tpu.dma_semaphore, #tpu.memory_space<semaphore_mem>>
        %dma_start3A_320 = arith.constant 0 : i32
        %dma_start3A_321 = tpu.memref_slice %arg3[%dma_start3A_320, %add3A_14] : memref<50x16384xi32, #tpu.memory_space<hbm>> -> memref<50x128xi32, #tpu.memory_space<hbm>>
        %dma_start3A_322 = arith.constant 0 : i32
        %dma_start3A_323 = tpu.memref_slice %arg3[%dma_start3A_322, %add3A_14] : memref<50x16384xi32, #tpu.memory_space<hbm>> -> memref<50x128xi32, #tpu.memory_space<hbm>>
        tpu.enqueue_dma source(%dma_start3A_323 : memref<50x128xi32, #tpu.memory_space<hbm>>) target(%arg15 : memref<50x128xi32, #tpu.memory_space<vmem>>) target_semaphore(%run_scoped3A : memref<!tpu.dma_semaphore, #tpu.memory_space<semaphore_mem>>)
        %dma_wait3A_324 = arith.constant 0 : i32
        %dma_wait3A_325 = tpu.memref_slice %arg3[%dma_wait3A_324, %add3A_14] : memref<50x16384xi32, #tpu.memory_space<hbm>> -> memref<50x128xi32, #tpu.memory_space<hbm>>
        %dma_wait3A_326 = arith.constant 0 : i32
        %dma_wait3A_327 = tpu.memref_slice %arg3[%dma_wait3A_326, %add3A_14] : memref<50x16384xi32, #tpu.memory_space<hbm>> -> memref<50x128xi32, #tpu.memory_space<hbm>>
        tpu.wait_dma2 semaphore(%run_scoped3A : memref<!tpu.dma_semaphore, #tpu.memory_space<semaphore_mem>>) src(%dma_wait3A_327 : memref<50x128xi32, #tpu.memory_space<hbm>>) dst(%arg15 : memref<50x128xi32, #tpu.memory_space<vmem>>)
        tpu.yield
      }) : () -> ()
      %dma_start3A = arith.constant 0 : i32
      %dma_start3A_15 = arith.constant 0 : i32
      %dma_start3A_16 = arith.constant 0 : i32
      %dma_start3A_17 = arith.constant 0 : i32
      %dma_start3A_18 = tpu.memref_slice %arg16[%dma_start3A_15, %dma_start3A_16, %dma_start3A_17] : memref<8x128x16xf32, #tpu.memory_space<vmem>> -> memref<1x128x16xf32, #tpu.memory_space<vmem>>
      %dma_start3A_19 = tpu.memref_squeeze %dma_start3A_18 : memref<1x128x16xf32, #tpu.memory_space<vmem>> -> memref<128x16xf32, #tpu.memory_space<vmem>>
      %dma_start3A_20 = arith.constant 0 : i32
      %dma_start3A_21 = tpu.memref_slice %arg14[%dma_start3A, %dma_start3A_20] : memref<8x128xi32, #tpu.memory_space<vmem>> -> memref<1x128xi32, #tpu.memory_space<vmem>>
      %dma_start3A_22 = tpu.memref_squeeze %dma_start3A_21 : memref<1x128xi32, #tpu.memory_space<vmem>> -> memref<128xi32, #tpu.memory_space<vmem>>
      %dma_start3A_23 = arith.constant 0 : i32
      %dma_start3A_24 = arith.constant 0 : i32
      %dma_start3A_25 = tpu.memref_slice %arg4[%dma_start3A_23, %dma_start3A_24] : memref<1000000x16xf32, #tpu.memory_space<hbm>> -> memref<1000000x16xf32, #tpu.memory_space<hbm>>
      tpu.enqueue_indirect_dma source(%dma_start3A_25 : memref<1000000x16xf32, #tpu.memory_space<hbm>>) target(%dma_start3A_19 : memref<128x16xf32, #tpu.memory_space<vmem>>) offsets(%dma_start3A_22 : memref<128xi32, #tpu.memory_space<vmem>>) semaphore(%arg19 : memref<!tpu.dma_semaphore, #tpu.memory_space<semaphore_mem>>)
      %dma_start3A_26 = arith.constant 1 : i32
      %dma_start3A_27 = arith.constant 1 : i32
      %dma_start3A_28 = arith.constant 0 : i32
      %dma_start3A_29 = arith.constant 0 : i32
      %dma_start3A_30 = tpu.memref_slice %arg16[%dma_start3A_27, %dma_start3A_28, %dma_start3A_29] : memref<8x128x16xf32, #tpu.memory_space<vmem>> -> memref<1x128x16xf32, #tpu.memory_space<vmem>>
      %dma_start3A_31 = tpu.memref_squeeze %dma_start3A_30 : memref<1x128x16xf32, #tpu.memory_space<vmem>> -> memref<128x16xf32, #tpu.memory_space<vmem>>
      %dma_start3A_32 = arith.constant 0 : i32
      %dma_start3A_33 = tpu.memref_slice %arg14[%dma_start3A_26, %dma_start3A_32] : memref<8x128xi32, #tpu.memory_space<vmem>> -> memref<1x128xi32, #tpu.memory_space<vmem>>
      %dma_start3A_34 = tpu.memref_squeeze %dma_start3A_33 : memref<1x128xi32, #tpu.memory_space<vmem>> -> memref<128xi32, #tpu.memory_space<vmem>>
      %dma_start3A_35 = arith.constant 0 : i32
      %dma_start3A_36 = arith.constant 0 : i32
      %dma_start3A_37 = tpu.memref_slice %arg5[%dma_start3A_35, %dma_start3A_36] : memref<1000000x16xf32, #tpu.memory_space<hbm>> -> memref<1000000x16xf32, #tpu.memory_space<hbm>>
      tpu.enqueue_indirect_dma source(%dma_start3A_37 : memref<1000000x16xf32, #tpu.memory_space<hbm>>) target(%dma_start3A_31 : memref<128x16xf32, #tpu.memory_space<vmem>>) offsets(%dma_start3A_34 : memref<128xi32, #tpu.memory_space<vmem>>) semaphore(%arg19 : memref<!tpu.dma_semaphore, #tpu.memory_space<semaphore_mem>>)
      %dma_start3A_38 = arith.constant 2 : i32
      %dma_start3A_39 = arith.constant 2 : i32
      %dma_start3A_40 = arith.constant 0 : i32
      %dma_start3A_41 = arith.constant 0 : i32
      %dma_start3A_42 = tpu.memref_slice %arg16[%dma_start3A_39, %dma_start3A_40, %dma_start3A_41] : memref<8x128x16xf32, #tpu.memory_space<vmem>> -> memref<1x128x16xf32, #tpu.memory_space<vmem>>
      %dma_start3A_43 = tpu.memref_squeeze %dma_start3A_42 : memref<1x128x16xf32, #tpu.memory_space<vmem>> -> memref<128x16xf32, #tpu.memory_space<vmem>>
      %dma_start3A_44 = arith.constant 0 : i32
      %dma_start3A_45 = tpu.memref_slice %arg14[%dma_start3A_38, %dma_start3A_44] : memref<8x128xi32, #tpu.memory_space<vmem>> -> memref<1x128xi32, #tpu.memory_space<vmem>>
      %dma_start3A_46 = tpu.memref_squeeze %dma_start3A_45 : memref<1x128xi32, #tpu.memory_space<vmem>> -> memref<128xi32, #tpu.memory_space<vmem>>
      %dma_start3A_47 = arith.constant 0 : i32
      %dma_start3A_48 = arith.constant 0 : i32
      %dma_start3A_49 = tpu.memref_slice %arg6[%dma_start3A_47, %dma_start3A_48] : memref<100000x16xf32, #tpu.memory_space<hbm>> -> memref<100000x16xf32, #tpu.memory_space<hbm>>
      tpu.enqueue_indirect_dma source(%dma_start3A_49 : memref<100000x16xf32, #tpu.memory_space<hbm>>) target(%dma_start3A_43 : memref<128x16xf32, #tpu.memory_space<vmem>>) offsets(%dma_start3A_46 : memref<128xi32, #tpu.memory_space<vmem>>) semaphore(%arg19 : memref<!tpu.dma_semaphore, #tpu.memory_space<semaphore_mem>>)
      %dma_start3A_50 = arith.constant 3 : i32
      %dma_start3A_51 = arith.constant 3 : i32
      %dma_start3A_52 = arith.constant 0 : i32
      %dma_start3A_53 = arith.constant 0 : i32
      %dma_start3A_54 = tpu.memref_slice %arg16[%dma_start3A_51, %dma_start3A_52, %dma_start3A_53] : memref<8x128x16xf32, #tpu.memory_space<vmem>> -> memref<1x128x16xf32, #tpu.memory_space<vmem>>
      %dma_start3A_55 = tpu.memref_squeeze %dma_start3A_54 : memref<1x128x16xf32, #tpu.memory_space<vmem>> -> memref<128x16xf32, #tpu.memory_space<vmem>>
      %dma_start3A_56 = arith.constant 0 : i32
      %dma_start3A_57 = tpu.memref_slice %arg14[%dma_start3A_50, %dma_start3A_56] : memref<8x128xi32, #tpu.memory_space<vmem>> -> memref<1x128xi32, #tpu.memory_space<vmem>>
      %dma_start3A_58 = tpu.memref_squeeze %dma_start3A_57 : memref<1x128xi32, #tpu.memory_space<vmem>> -> memref<128xi32, #tpu.memory_space<vmem>>
      %dma_start3A_59 = arith.constant 0 : i32
      %dma_start3A_60 = arith.constant 0 : i32
      %dma_start3A_61 = tpu.memref_slice %arg7[%dma_start3A_59, %dma_start3A_60] : memref<100000x16xf32, #tpu.memory_space<hbm>> -> memref<100000x16xf32, #tpu.memory_space<hbm>>
      tpu.enqueue_indirect_dma source(%dma_start3A_61 : memref<100000x16xf32, #tpu.memory_space<hbm>>) target(%dma_start3A_55 : memref<128x16xf32, #tpu.memory_space<vmem>>) offsets(%dma_start3A_58 : memref<128xi32, #tpu.memory_space<vmem>>) semaphore(%arg19 : memref<!tpu.dma_semaphore, #tpu.memory_space<semaphore_mem>>)
      %dma_start3A_62 = arith.constant 4 : i32
      %dma_start3A_63 = arith.constant 4 : i32
      %dma_start3A_64 = arith.constant 0 : i32
      %dma_start3A_65 = arith.constant 0 : i32
      %dma_start3A_66 = tpu.memref_slice %arg16[%dma_start3A_63, %dma_start3A_64, %dma_start3A_65] : memref<8x128x16xf32, #tpu.memory_space<vmem>> -> memref<1x128x16xf32, #tpu.memory_space<vmem>>
      %dma_start3A_67 = tpu.memref_squeeze %dma_start3A_66 : memref<1x128x16xf32, #tpu.memory_space<vmem>> -> memref<128x16xf32, #tpu.memory_space<vmem>>
      %dma_start3A_68 = arith.constant 0 : i32
      %dma_start3A_69 = tpu.memref_slice %arg14[%dma_start3A_62, %dma_start3A_68] : memref<8x128xi32, #tpu.memory_space<vmem>> -> memref<1x128xi32, #tpu.memory_space<vmem>>
      %dma_start3A_70 = tpu.memref_squeeze %dma_start3A_69 : memref<1x128xi32, #tpu.memory_space<vmem>> -> memref<128xi32, #tpu.memory_space<vmem>>
      %dma_start3A_71 = arith.constant 0 : i32
      %dma_start3A_72 = arith.constant 0 : i32
      %dma_start3A_73 = tpu.memref_slice %arg8[%dma_start3A_71, %dma_start3A_72] : memref<100000x16xf32, #tpu.memory_space<hbm>> -> memref<100000x16xf32, #tpu.memory_space<hbm>>
      tpu.enqueue_indirect_dma source(%dma_start3A_73 : memref<100000x16xf32, #tpu.memory_space<hbm>>) target(%dma_start3A_67 : memref<128x16xf32, #tpu.memory_space<vmem>>) offsets(%dma_start3A_70 : memref<128xi32, #tpu.memory_space<vmem>>) semaphore(%arg19 : memref<!tpu.dma_semaphore, #tpu.memory_space<semaphore_mem>>)
      %dma_start3A_74 = arith.constant 5 : i32
      %dma_start3A_75 = arith.constant 5 : i32
      %dma_start3A_76 = arith.constant 0 : i32
      %dma_start3A_77 = arith.constant 0 : i32
      %dma_start3A_78 = tpu.memref_slice %arg16[%dma_start3A_75, %dma_start3A_76, %dma_start3A_77] : memref<8x128x16xf32, #tpu.memory_space<vmem>> -> memref<1x128x16xf32, #tpu.memory_space<vmem>>
      %dma_start3A_79 = tpu.memref_squeeze %dma_start3A_78 : memref<1x128x16xf32, #tpu.memory_space<vmem>> -> memref<128x16xf32, #tpu.memory_space<vmem>>
      %dma_start3A_80 = arith.constant 0 : i32
      %dma_start3A_81 = tpu.memref_slice %arg14[%dma_start3A_74, %dma_start3A_80] : memref<8x128xi32, #tpu.memory_space<vmem>> -> memref<1x128xi32, #tpu.memory_space<vmem>>
      %dma_start3A_82 = tpu.memref_squeeze %dma_start3A_81 : memref<1x128xi32, #tpu.memory_space<vmem>> -> memref<128xi32, #tpu.memory_space<vmem>>
      %dma_start3A_83 = arith.constant 0 : i32
      %dma_start3A_84 = arith.constant 0 : i32
      %dma_start3A_85 = tpu.memref_slice %arg9[%dma_start3A_83, %dma_start3A_84] : memref<100000x16xf32, #tpu.memory_space<hbm>> -> memref<100000x16xf32, #tpu.memory_space<hbm>>
      tpu.enqueue_indirect_dma source(%dma_start3A_85 : memref<100000x16xf32, #tpu.memory_space<hbm>>) target(%dma_start3A_79 : memref<128x16xf32, #tpu.memory_space<vmem>>) offsets(%dma_start3A_82 : memref<128xi32, #tpu.memory_space<vmem>>) semaphore(%arg19 : memref<!tpu.dma_semaphore, #tpu.memory_space<semaphore_mem>>)
      %dma_start3A_86 = arith.constant 6 : i32
      %dma_start3A_87 = arith.constant 6 : i32
      %dma_start3A_88 = arith.constant 0 : i32
      %dma_start3A_89 = arith.constant 0 : i32
      %dma_start3A_90 = tpu.memref_slice %arg16[%dma_start3A_87, %dma_start3A_88, %dma_start3A_89] : memref<8x128x16xf32, #tpu.memory_space<vmem>> -> memref<1x128x16xf32, #tpu.memory_space<vmem>>
      %dma_start3A_91 = tpu.memref_squeeze %dma_start3A_90 : memref<1x128x16xf32, #tpu.memory_space<vmem>> -> memref<128x16xf32, #tpu.memory_space<vmem>>
      %dma_start3A_92 = arith.constant 0 : i32
      %dma_start3A_93 = tpu.memref_slice %arg14[%dma_start3A_86, %dma_start3A_92] : memref<8x128xi32, #tpu.memory_space<vmem>> -> memref<1x128xi32, #tpu.memory_space<vmem>>
      %dma_start3A_94 = tpu.memref_squeeze %dma_start3A_93 : memref<1x128xi32, #tpu.memory_space<vmem>> -> memref<128xi32, #tpu.memory_space<vmem>>
      %dma_start3A_95 = arith.constant 0 : i32
      %dma_start3A_96 = arith.constant 0 : i32
      %dma_start3A_97 = tpu.memref_slice %arg10[%dma_start3A_95, %dma_start3A_96] : memref<100000x16xf32, #tpu.memory_space<hbm>> -> memref<100000x16xf32, #tpu.memory_space<hbm>>
      tpu.enqueue_indirect_dma source(%dma_start3A_97 : memref<100000x16xf32, #tpu.memory_space<hbm>>) target(%dma_start3A_91 : memref<128x16xf32, #tpu.memory_space<vmem>>) offsets(%dma_start3A_94 : memref<128xi32, #tpu.memory_space<vmem>>) semaphore(%arg19 : memref<!tpu.dma_semaphore, #tpu.memory_space<semaphore_mem>>)
      %dma_start3A_98 = arith.constant 7 : i32
      %dma_start3A_99 = arith.constant 7 : i32
      %dma_start3A_100 = arith.constant 0 : i32
      %dma_start3A_101 = arith.constant 0 : i32
      %dma_start3A_102 = tpu.memref_slice %arg16[%dma_start3A_99, %dma_start3A_100, %dma_start3A_101] : memref<8x128x16xf32, #tpu.memory_space<vmem>> -> memref<1x128x16xf32, #tpu.memory_space<vmem>>
      %dma_start3A_103 = tpu.memref_squeeze %dma_start3A_102 : memref<1x128x16xf32, #tpu.memory_space<vmem>> -> memref<128x16xf32, #tpu.memory_space<vmem>>
      %dma_start3A_104 = arith.constant 0 : i32
      %dma_start3A_105 = tpu.memref_slice %arg14[%dma_start3A_98, %dma_start3A_104] : memref<8x128xi32, #tpu.memory_space<vmem>> -> memref<1x128xi32, #tpu.memory_space<vmem>>
      %dma_start3A_106 = tpu.memref_squeeze %dma_start3A_105 : memref<1x128xi32, #tpu.memory_space<vmem>> -> memref<128xi32, #tpu.memory_space<vmem>>
      %dma_start3A_107 = arith.constant 0 : i32
      %dma_start3A_108 = arith.constant 0 : i32
      %dma_start3A_109 = tpu.memref_slice %arg11[%dma_start3A_107, %dma_start3A_108] : memref<100000x16xf32, #tpu.memory_space<hbm>> -> memref<100000x16xf32, #tpu.memory_space<hbm>>
      tpu.enqueue_indirect_dma source(%dma_start3A_109 : memref<100000x16xf32, #tpu.memory_space<hbm>>) target(%dma_start3A_103 : memref<128x16xf32, #tpu.memory_space<vmem>>) offsets(%dma_start3A_106 : memref<128xi32, #tpu.memory_space<vmem>>) semaphore(%arg19 : memref<!tpu.dma_semaphore, #tpu.memory_space<semaphore_mem>>)
      %dma_start3A_110 = arith.constant 0 : i32
      %dma_start3A_111 = arith.constant 0 : i32
      %dma_start3A_112 = arith.constant 0 : i32
      %dma_start3A_113 = arith.constant 0 : i32
      %dma_start3A_114 = tpu.memref_slice %arg17[%dma_start3A_111, %dma_start3A_112, %dma_start3A_113] : memref<2x128x16xf32, #tpu.memory_space<vmem>> -> memref<1x128x16xf32, #tpu.memory_space<vmem>>
      %dma_start3A_115 = tpu.memref_squeeze %dma_start3A_114 : memref<1x128x16xf32, #tpu.memory_space<vmem>> -> memref<128x16xf32, #tpu.memory_space<vmem>>
      %dma_start3A_116 = arith.constant 0 : i32
      %dma_start3A_117 = tpu.memref_slice %arg15[%dma_start3A_110, %dma_start3A_116] : memref<50x128xi32, #tpu.memory_space<vmem>> -> memref<1x128xi32, #tpu.memory_space<vmem>>
      %dma_start3A_118 = tpu.memref_squeeze %dma_start3A_117 : memref<1x128xi32, #tpu.memory_space<vmem>> -> memref<128xi32, #tpu.memory_space<vmem>>
      %dma_start3A_119 = arith.constant 0 : i32
      %dma_start3A_120 = arith.constant 0 : i32
      %dma_start3A_121 = tpu.memref_slice %arg12[%dma_start3A_119, %dma_start3A_120] : memref<1000000x16xf32, #tpu.memory_space<hbm>> -> memref<1000000x16xf32, #tpu.memory_space<hbm>>
      tpu.enqueue_indirect_dma source(%dma_start3A_121 : memref<1000000x16xf32, #tpu.memory_space<hbm>>) target(%dma_start3A_115 : memref<128x16xf32, #tpu.memory_space<vmem>>) offsets(%dma_start3A_118 : memref<128xi32, #tpu.memory_space<vmem>>) semaphore(%arg20 : memref<!tpu.dma_semaphore, #tpu.memory_space<semaphore_mem>>)
      %dma_start3A_122 = arith.constant 1 : i32
      %dma_start3A_123 = arith.constant 1 : i32
      %dma_start3A_124 = arith.constant 0 : i32
      %dma_start3A_125 = arith.constant 0 : i32
      %dma_start3A_126 = tpu.memref_slice %arg17[%dma_start3A_123, %dma_start3A_124, %dma_start3A_125] : memref<2x128x16xf32, #tpu.memory_space<vmem>> -> memref<1x128x16xf32, #tpu.memory_space<vmem>>
      %dma_start3A_127 = tpu.memref_squeeze %dma_start3A_126 : memref<1x128x16xf32, #tpu.memory_space<vmem>> -> memref<128x16xf32, #tpu.memory_space<vmem>>
      %dma_start3A_128 = arith.constant 0 : i32
      %dma_start3A_129 = tpu.memref_slice %arg15[%dma_start3A_122, %dma_start3A_128] : memref<50x128xi32, #tpu.memory_space<vmem>> -> memref<1x128xi32, #tpu.memory_space<vmem>>
      %dma_start3A_130 = tpu.memref_squeeze %dma_start3A_129 : memref<1x128xi32, #tpu.memory_space<vmem>> -> memref<128xi32, #tpu.memory_space<vmem>>
      %dma_start3A_131 = arith.constant 0 : i32
      %dma_start3A_132 = arith.constant 0 : i32
      %dma_start3A_133 = tpu.memref_slice %arg12[%dma_start3A_131, %dma_start3A_132] : memref<1000000x16xf32, #tpu.memory_space<hbm>> -> memref<1000000x16xf32, #tpu.memory_space<hbm>>
      tpu.enqueue_indirect_dma source(%dma_start3A_133 : memref<1000000x16xf32, #tpu.memory_space<hbm>>) target(%dma_start3A_127 : memref<128x16xf32, #tpu.memory_space<vmem>>) offsets(%dma_start3A_130 : memref<128xi32, #tpu.memory_space<vmem>>) semaphore(%arg21 : memref<!tpu.dma_semaphore, #tpu.memory_space<semaphore_mem>>)
      %dma_wait3A = arith.constant 0 : i32
      %dma_wait3A_134 = arith.constant 0 : i32
      %dma_wait3A_135 = arith.constant 0 : i32
      %dma_wait3A_136 = arith.constant 0 : i32
      %dma_wait3A_137 = tpu.memref_slice %arg17[%dma_wait3A_134, %dma_wait3A_135, %dma_wait3A_136] : memref<2x128x16xf32, #tpu.memory_space<vmem>> -> memref<1x128x16xf32, #tpu.memory_space<vmem>>
      %dma_wait3A_138 = tpu.memref_squeeze %dma_wait3A_137 : memref<1x128x16xf32, #tpu.memory_space<vmem>> -> memref<128x16xf32, #tpu.memory_space<vmem>>
      %dma_wait3A_139 = arith.constant 0 : i32
      %dma_wait3A_140 = tpu.memref_slice %arg15[%dma_wait3A, %dma_wait3A_139] : memref<50x128xi32, #tpu.memory_space<vmem>> -> memref<1x128xi32, #tpu.memory_space<vmem>>
      %dma_wait3A_141 = tpu.memref_squeeze %dma_wait3A_140 : memref<1x128xi32, #tpu.memory_space<vmem>> -> memref<128xi32, #tpu.memory_space<vmem>>
      %dma_wait3A_142 = arith.constant 0 : i32
      %dma_wait3A_143 = arith.constant 0 : i32
      %dma_wait3A_144 = tpu.memref_slice %arg12[%dma_wait3A_142, %dma_wait3A_143] : memref<1000000x16xf32, #tpu.memory_space<hbm>> -> memref<1000000x16xf32, #tpu.memory_space<hbm>>
      tpu.wait_indirect_dma semaphore(%arg20 : memref<!tpu.dma_semaphore, #tpu.memory_space<semaphore_mem>>) src(%dma_wait3A_144 : memref<1000000x16xf32, #tpu.memory_space<hbm>>) dst(%dma_wait3A_138 : memref<128x16xf32, #tpu.memory_space<vmem>>)
      %scan3A_145 = arith.constant 0 : i32
      %scan3A_146 = arith.constant 8 : i32
      %scan3A_147 = arith.addi %scan3A_145, %scan3A_146 : i32
      %scan3A_148 = arith.constant 1 : i32
      scf.for %scan3A_320 = %scan3A_145 to %scan3A_147 step %scan3A_148  : i32 {
        %mul3A_321 = arith.constant 16 : i32
        %mul3A_322 = arith.muli %scan3A_320, %mul3A_321 : i32
        %add3A_323 = arith.constant 0 : i32
        %add3A_324 = arith.addi %add3A_323, %mul3A_322 : i32
        %add3A_325 = arith.constant 0 : i32
        %add3A_326 = arith.addi %add3A_324, %add3A_325 : i32
        %get3A = arith.constant 0 : i32
        %get3A_327 = arith.index_cast %get3A : i32 to index
        %get3A_328 = arith.index_cast %add3A_326 : i32 to index
        %get3A_329 = arith.constant 0 : index
        %get3A_330 = tpu.vector_load %arg17[%get3A_327, %get3A_328, %get3A_329] {strides = array<i32>} : memref<2x128x16xf32, #tpu.memory_space<vmem>>, vector<1x1x16xf32>,
        %get3A_331 = vector.shape_cast %get3A_330 : vector<1x1x16xf32> to vector<16xf32>
        %swap3A = arith.index_cast %add3A_326 : i32 to index
        %swap3A_332 = arith.constant 128 : index
        %swap3A_333 = tpu.vector_load %arg18[%swap3A, %swap3A_332] {strides = array<i32>} : memref<128x144xf32, #tpu.memory_space<vmem>>, vector<1x16xf32>,
        %swap3A_334 = vector.shape_cast %swap3A_333 : vector<1x16xf32> to vector<16xf32>
        %swap3A_335 = vector.shape_cast %get3A_331 : vector<16xf32> to vector<1x16xf32>
        tpu.vector_store %arg18[%swap3A, %swap3A_332], %swap3A_335 {strides = array<i32>} : memref<128x144xf32, #tpu.memory_space<vmem>>, vector<1x16xf32>,
        %add3A_336 = arith.constant 1 : i32
        %add3A_337 = arith.addi %add3A_324, %add3A_336 : i32
        %get3A_338 = arith.constant 0 : i32
        %get3A_339 = arith.index_cast %get3A_338 : i32 to index
        %get3A_340 = arith.index_cast %add3A_337 : i32 to index
        %get3A_341 = arith.constant 0 : index
        %get3A_342 = tpu.vector_load %arg17[%get3A_339, %get3A_340, %get3A_341] {strides = array<i32>} : memref<2x128x16xf32, #tpu.memory_space<vmem>>, vector<1x1x16xf32>,
        %get3A_343 = vector.shape_cast %get3A_342 : vector<1x1x16xf32> to vector<16xf32>
        %swap3A_344 = arith.index_cast %add3A_337 : i32 to index
        %swap3A_345 = arith.constant 128 : index
        %swap3A_346 = tpu.vector_load %arg18[%swap3A_344, %swap3A_345] {strides = array<i32>} : memref<128x144xf32, #tpu.memory_space<vmem>>, vector<1x16xf32>,
        %swap3A_347 = vector.shape_cast %swap3A_346 : vector<1x16xf32> to vector<16xf32>
        %swap3A_348 = vector.shape_cast %get3A_343 : vector<16xf32> to vector<1x16xf32>
        tpu.vector_store %arg18[%swap3A_344, %swap3A_345], %swap3A_348 {strides = array<i32>} : memref<128x144xf32, #tpu.memory_space<vmem>>, vector<1x16xf32>,
        %add3A_349 = arith.constant 2 : i32
        %add3A_350 = arith.addi %add3A_324, %add3A_349 : i32
        %get3A_351 = arith.constant 0 : i32
        %get3A_352 = arith.index_cast %get3A_351 : i32 to index
        %get3A_353 = arith.index_cast %add3A_350 : i32 to index
        %get3A_354 = arith.constant 0 : index
        %get3A_355 = tpu.vector_load %arg17[%get3A_352, %get3A_353, %get3A_354] {strides = array<i32>} : memref<2x128x16xf32, #tpu.memory_space<vmem>>, vector<1x1x16xf32>,
        %get3A_356 = vector.shape_cast %get3A_355 : vector<1x1x16xf32> to vector<16xf32>
        %swap3A_357 = arith.index_cast %add3A_350 : i32 to index
        %swap3A_358 = arith.constant 128 : index
        %swap3A_359 = tpu.vector_load %arg18[%swap3A_357, %swap3A_358] {strides = array<i32>} : memref<128x144xf32, #tpu.memory_space<vmem>>, vector<1x16xf32>,
        %swap3A_360 = vector.shape_cast %swap3A_359 : vector<1x16xf32> to vector<16xf32>
        %swap3A_361 = vector.shape_cast %get3A_356 : vector<16xf32> to vector<1x16xf32>
        tpu.vector_store %arg18[%swap3A_357, %swap3A_358], %swap3A_361 {strides = array<i32>} : memref<128x144xf32, #tpu.memory_space<vmem>>, vector<1x16xf32>,
        %add3A_362 = arith.constant 3 : i32
        %add3A_363 = arith.addi %add3A_324, %add3A_362 : i32
        %get3A_364 = arith.constant 0 : i32
        %get3A_365 = arith.index_cast %get3A_364 : i32 to index
        %get3A_366 = arith.index_cast %add3A_363 : i32 to index
        %get3A_367 = arith.constant 0 : index
        %get3A_368 = tpu.vector_load %arg17[%get3A_365, %get3A_366, %get3A_367] {strides = array<i32>} : memref<2x128x16xf32, #tpu.memory_space<vmem>>, vector<1x1x16xf32>,
        %get3A_369 = vector.shape_cast %get3A_368 : vector<1x1x16xf32> to vector<16xf32>
        %swap3A_370 = arith.index_cast %add3A_363 : i32 to index
        %swap3A_371 = arith.constant 128 : index
        %swap3A_372 = tpu.vector_load %arg18[%swap3A_370, %swap3A_371] {strides = array<i32>} : memref<128x144xf32, #tpu.memory_space<vmem>>, vector<1x16xf32>,
        %swap3A_373 = vector.shape_cast %swap3A_372 : vector<1x16xf32> to vector<16xf32>
        %swap3A_374 = vector.shape_cast %get3A_369 : vector<16xf32> to vector<1x16xf32>
        tpu.vector_store %arg18[%swap3A_370, %swap3A_371], %swap3A_374 {strides = array<i32>} : memref<128x144xf32, #tpu.memory_space<vmem>>, vector<1x16xf32>,
        %add3A_375 = arith.constant 4 : i32
        %add3A_376 = arith.addi %add3A_324, %add3A_375 : i32
        %get3A_377 = arith.constant 0 : i32
        %get3A_378 = arith.index_cast %get3A_377 : i32 to index
        %get3A_379 = arith.index_cast %add3A_376 : i32 to index
        %get3A_380 = arith.constant 0 : index
        %get3A_381 = tpu.vector_load %arg17[%get3A_378, %get3A_379, %get3A_380] {strides = array<i32>} : memref<2x128x16xf32, #tpu.memory_space<vmem>>, vector<1x1x16xf32>,
        %get3A_382 = vector.shape_cast %get3A_381 : vector<1x1x16xf32> to vector<16xf32>
        %swap3A_383 = arith.index_cast %add3A_376 : i32 to index
        %swap3A_384 = arith.constant 128 : index
        %swap3A_385 = tpu.vector_load %arg18[%swap3A_383, %swap3A_384] {strides = array<i32>} : memref<128x144xf32, #tpu.memory_space<vmem>>, vector<1x16xf32>,
        %swap3A_386 = vector.shape_cast %swap3A_385 : vector<1x16xf32> to vector<16xf32>
        %swap3A_387 = vector.shape_cast %get3A_382 : vector<16xf32> to vector<1x16xf32>
        tpu.vector_store %arg18[%swap3A_383, %swap3A_384], %swap3A_387 {strides = array<i32>} : memref<128x144xf32, #tpu.memory_space<vmem>>, vector<1x16xf32>,
        %add3A_388 = arith.constant 5 : i32
        %add3A_389 = arith.addi %add3A_324, %add3A_388 : i32
        %get3A_390 = arith.constant 0 : i32
        %get3A_391 = arith.index_cast %get3A_390 : i32 to index
        %get3A_392 = arith.index_cast %add3A_389 : i32 to index
        %get3A_393 = arith.constant 0 : index
        %get3A_394 = tpu.vector_load %arg17[%get3A_391, %get3A_392, %get3A_393] {strides = array<i32>} : memref<2x128x16xf32, #tpu.memory_space<vmem>>, vector<1x1x16xf32>,
        %get3A_395 = vector.shape_cast %get3A_394 : vector<1x1x16xf32> to vector<16xf32>
        %swap3A_396 = arith.index_cast %add3A_389 : i32 to index
        %swap3A_397 = arith.constant 128 : index
        %swap3A_398 = tpu.vector_load %arg18[%swap3A_396, %swap3A_397] {strides = array<i32>} : memref<128x144xf32, #tpu.memory_space<vmem>>, vector<1x16xf32>,
        %swap3A_399 = vector.shape_cast %swap3A_398 : vector<1x16xf32> to vector<16xf32>
        %swap3A_400 = vector.shape_cast %get3A_395 : vector<16xf32> to vector<1x16xf32>
        tpu.vector_store %arg18[%swap3A_396, %swap3A_397], %swap3A_400 {strides = array<i32>} : memref<128x144xf32, #tpu.memory_space<vmem>>, vector<1x16xf32>,
        %add3A_401 = arith.constant 6 : i32
        %add3A_402 = arith.addi %add3A_324, %add3A_401 : i32
        %get3A_403 = arith.constant 0 : i32
        %get3A_404 = arith.index_cast %get3A_403 : i32 to index
        %get3A_405 = arith.index_cast %add3A_402 : i32 to index
        %get3A_406 = arith.constant 0 : index
        %get3A_407 = tpu.vector_load %arg17[%get3A_404, %get3A_405, %get3A_406] {strides = array<i32>} : memref<2x128x16xf32, #tpu.memory_space<vmem>>, vector<1x1x16xf32>,
        %get3A_408 = vector.shape_cast %get3A_407 : vector<1x1x16xf32> to vector<16xf32>
        %swap3A_409 = arith.index_cast %add3A_402 : i32 to index
        %swap3A_410 = arith.constant 128 : index
        %swap3A_411 = tpu.vector_load %arg18[%swap3A_409, %swap3A_410] {strides = array<i32>} : memref<128x144xf32, #tpu.memory_space<vmem>>, vector<1x16xf32>,
        %swap3A_412 = vector.shape_cast %swap3A_411 : vector<1x16xf32> to vector<16xf32>
        %swap3A_413 = vector.shape_cast %get3A_408 : vector<16xf32> to vector<1x16xf32>
        tpu.vector_store %arg18[%swap3A_409, %swap3A_410], %swap3A_413 {strides = array<i32>} : memref<128x144xf32, #tpu.memory_space<vmem>>, vector<1x16xf32>,
        %add3A_414 = arith.constant 7 : i32
        %add3A_415 = arith.addi %add3A_324, %add3A_414 : i32
        %get3A_416 = arith.constant 0 : i32
        %get3A_417 = arith.index_cast %get3A_416 : i32 to index
        %get3A_418 = arith.index_cast %add3A_415 : i32 to index
        %get3A_419 = arith.constant 0 : index
        %get3A_420 = tpu.vector_load %arg17[%get3A_417, %get3A_418, %get3A_419] {strides = array<i32>} : memref<2x128x16xf32, #tpu.memory_space<vmem>>, vector<1x1x16xf32>,
        %get3A_421 = vector.shape_cast %get3A_420 : vector<1x1x16xf32> to vector<16xf32>
        %swap3A_422 = arith.index_cast %add3A_415 : i32 to index
        %swap3A_423 = arith.constant 128 : index
        %swap3A_424 = tpu.vector_load %arg18[%swap3A_422, %swap3A_423] {strides = array<i32>} : memref<128x144xf32, #tpu.memory_space<vmem>>, vector<1x16xf32>,
        %swap3A_425 = vector.shape_cast %swap3A_424 : vector<1x16xf32> to vector<16xf32>
        %swap3A_426 = vector.shape_cast %get3A_421 : vector<16xf32> to vector<1x16xf32>
        tpu.vector_store %arg18[%swap3A_422, %swap3A_423], %swap3A_426 {strides = array<i32>} : memref<128x144xf32, #tpu.memory_space<vmem>>, vector<1x16xf32>,
        %add3A_427 = arith.constant 8 : i32
        %add3A_428 = arith.addi %add3A_324, %add3A_427 : i32
        %get3A_429 = arith.constant 0 : i32
        %get3A_430 = arith.index_cast %get3A_429 : i32 to index
        %get3A_431 = arith.index_cast %add3A_428 : i32 to index
        %get3A_432 = arith.constant 0 : index
        %get3A_433 = tpu.vector_load %arg17[%get3A_430, %get3A_431, %get3A_432] {strides = array<i32>} : memref<2x128x16xf32, #tpu.memory_space<vmem>>, vector<1x1x16xf32>,
        %get3A_434 = vector.shape_cast %get3A_433 : vector<1x1x16xf32> to vector<16xf32>
        %swap3A_435 = arith.index_cast %add3A_428 : i32 to index
        %swap3A_436 = arith.constant 128 : index
        %swap3A_437 = tpu.vector_load %arg18[%swap3A_435, %swap3A_436] {strides = array<i32>} : memref<128x144xf32, #tpu.memory_space<vmem>>, vector<1x16xf32>,
        %swap3A_438 = vector.shape_cast %swap3A_437 : vector<1x16xf32> to vector<16xf32>
        %swap3A_439 = vector.shape_cast %get3A_434 : vector<16xf32> to vector<1x16xf32>
        tpu.vector_store %arg18[%swap3A_435, %swap3A_436], %swap3A_439 {strides = array<i32>} : memref<128x144xf32, #tpu.memory_space<vmem>>, vector<1x16xf32>,
        %add3A_440 = arith.constant 9 : i32
        %add3A_441 = arith.addi %add3A_324, %add3A_440 : i32
        %get3A_442 = arith.constant 0 : i32
        %get3A_443 = arith.index_cast %get3A_442 : i32 to index
        %get3A_444 = arith.index_cast %add3A_441 : i32 to index
        %get3A_445 = arith.constant 0 : index
        %get3A_446 = tpu.vector_load %arg17[%get3A_443, %get3A_444, %get3A_445] {strides = array<i32>} : memref<2x128x16xf32, #tpu.memory_space<vmem>>, vector<1x1x16xf32>,
        %get3A_447 = vector.shape_cast %get3A_446 : vector<1x1x16xf32> to vector<16xf32>
        %swap3A_448 = arith.index_cast %add3A_441 : i32 to index
        %swap3A_449 = arith.constant 128 : index
        %swap3A_450 = tpu.vector_load %arg18[%swap3A_448, %swap3A_449] {strides = array<i32>} : memref<128x144xf32, #tpu.memory_space<vmem>>, vector<1x16xf32>,
        %swap3A_451 = vector.shape_cast %swap3A_450 : vector<1x16xf32> to vector<16xf32>
        %swap3A_452 = vector.shape_cast %get3A_447 : vector<16xf32> to vector<1x16xf32>
        tpu.vector_store %arg18[%swap3A_448, %swap3A_449], %swap3A_452 {strides = array<i32>} : memref<128x144xf32, #tpu.memory_space<vmem>>, vector<1x16xf32>,
        %add3A_453 = arith.constant 10 : i32
        %add3A_454 = arith.addi %add3A_324, %add3A_453 : i32
        %get3A_455 = arith.constant 0 : i32
        %get3A_456 = arith.index_cast %get3A_455 : i32 to index
        %get3A_457 = arith.index_cast %add3A_454 : i32 to index
        %get3A_458 = arith.constant 0 : index
        %get3A_459 = tpu.vector_load %arg17[%get3A_456, %get3A_457, %get3A_458] {strides = array<i32>} : memref<2x128x16xf32, #tpu.memory_space<vmem>>, vector<1x1x16xf32>,
        %get3A_460 = vector.shape_cast %get3A_459 : vector<1x1x16xf32> to vector<16xf32>
        %swap3A_461 = arith.index_cast %add3A_454 : i32 to index
        %swap3A_462 = arith.constant 128 : index
        %swap3A_463 = tpu.vector_load %arg18[%swap3A_461, %swap3A_462] {strides = array<i32>} : memref<128x144xf32, #tpu.memory_space<vmem>>, vector<1x16xf32>,
        %swap3A_464 = vector.shape_cast %swap3A_463 : vector<1x16xf32> to vector<16xf32>
        %swap3A_465 = vector.shape_cast %get3A_460 : vector<16xf32> to vector<1x16xf32>
        tpu.vector_store %arg18[%swap3A_461, %swap3A_462], %swap3A_465 {strides = array<i32>} : memref<128x144xf32, #tpu.memory_space<vmem>>, vector<1x16xf32>,
        %add3A_466 = arith.constant 11 : i32
        %add3A_467 = arith.addi %add3A_324, %add3A_466 : i32
        %get3A_468 = arith.constant 0 : i32
        %get3A_469 = arith.index_cast %get3A_468 : i32 to index
        %get3A_470 = arith.index_cast %add3A_467 : i32 to index
        %get3A_471 = arith.constant 0 : index
        %get3A_472 = tpu.vector_load %arg17[%get3A_469, %get3A_470, %get3A_471] {strides = array<i32>} : memref<2x128x16xf32, #tpu.memory_space<vmem>>, vector<1x1x16xf32>,
        %get3A_473 = vector.shape_cast %get3A_472 : vector<1x1x16xf32> to vector<16xf32>
        %swap3A_474 = arith.index_cast %add3A_467 : i32 to index
        %swap3A_475 = arith.constant 128 : index
        %swap3A_476 = tpu.vector_load %arg18[%swap3A_474, %swap3A_475] {strides = array<i32>} : memref<128x144xf32, #tpu.memory_space<vmem>>, vector<1x16xf32>,
        %swap3A_477 = vector.shape_cast %swap3A_476 : vector<1x16xf32> to vector<16xf32>
        %swap3A_478 = vector.shape_cast %get3A_473 : vector<16xf32> to vector<1x16xf32>
        tpu.vector_store %arg18[%swap3A_474, %swap3A_475], %swap3A_478 {strides = array<i32>} : memref<128x144xf32, #tpu.memory_space<vmem>>, vector<1x16xf32>,
        %add3A_479 = arith.constant 12 : i32
        %add3A_480 = arith.addi %add3A_324, %add3A_479 : i32
        %get3A_481 = arith.constant 0 : i32
        %get3A_482 = arith.index_cast %get3A_481 : i32 to index
        %get3A_483 = arith.index_cast %add3A_480 : i32 to index
        %get3A_484 = arith.constant 0 : index
        %get3A_485 = tpu.vector_load %arg17[%get3A_482, %get3A_483, %get3A_484] {strides = array<i32>} : memref<2x128x16xf32, #tpu.memory_space<vmem>>, vector<1x1x16xf32>,
        %get3A_486 = vector.shape_cast %get3A_485 : vector<1x1x16xf32> to vector<16xf32>
        %swap3A_487 = arith.index_cast %add3A_480 : i32 to index
        %swap3A_488 = arith.constant 128 : index
        %swap3A_489 = tpu.vector_load %arg18[%swap3A_487, %swap3A_488] {strides = array<i32>} : memref<128x144xf32, #tpu.memory_space<vmem>>, vector<1x16xf32>,
        %swap3A_490 = vector.shape_cast %swap3A_489 : vector<1x16xf32> to vector<16xf32>
        %swap3A_491 = vector.shape_cast %get3A_486 : vector<16xf32> to vector<1x16xf32>
        tpu.vector_store %arg18[%swap3A_487, %swap3A_488], %swap3A_491 {strides = array<i32>} : memref<128x144xf32, #tpu.memory_space<vmem>>, vector<1x16xf32>,
        %add3A_492 = arith.constant 13 : i32
        %add3A_493 = arith.addi %add3A_324, %add3A_492 : i32
        %get3A_494 = arith.constant 0 : i32
        %get3A_495 = arith.index_cast %get3A_494 : i32 to index
        %get3A_496 = arith.index_cast %add3A_493 : i32 to index
        %get3A_497 = arith.constant 0 : index
        %get3A_498 = tpu.vector_load %arg17[%get3A_495, %get3A_496, %get3A_497] {strides = array<i32>} : memref<2x128x16xf32, #tpu.memory_space<vmem>>, vector<1x1x16xf32>,
        %get3A_499 = vector.shape_cast %get3A_498 : vector<1x1x16xf32> to vector<16xf32>
        %swap3A_500 = arith.index_cast %add3A_493 : i32 to index
        %swap3A_501 = arith.constant 128 : index
        %swap3A_502 = tpu.vector_load %arg18[%swap3A_500, %swap3A_501] {strides = array<i32>} : memref<128x144xf32, #tpu.memory_space<vmem>>, vector<1x16xf32>,
        %swap3A_503 = vector.shape_cast %swap3A_502 : vector<1x16xf32> to vector<16xf32>
        %swap3A_504 = vector.shape_cast %get3A_499 : vector<16xf32> to vector<1x16xf32>
        tpu.vector_store %arg18[%swap3A_500, %swap3A_501], %swap3A_504 {strides = array<i32>} : memref<128x144xf32, #tpu.memory_space<vmem>>, vector<1x16xf32>,
        %add3A_505 = arith.constant 14 : i32
        %add3A_506 = arith.addi %add3A_324, %add3A_505 : i32
        %get3A_507 = arith.constant 0 : i32
        %get3A_508 = arith.index_cast %get3A_507 : i32 to index
        %get3A_509 = arith.index_cast %add3A_506 : i32 to index
        %get3A_510 = arith.constant 0 : index
        %get3A_511 = tpu.vector_load %arg17[%get3A_508, %get3A_509, %get3A_510] {strides = array<i32>} : memref<2x128x16xf32, #tpu.memory_space<vmem>>, vector<1x1x16xf32>,
        %get3A_512 = vector.shape_cast %get3A_511 : vector<1x1x16xf32> to vector<16xf32>
        %swap3A_513 = arith.index_cast %add3A_506 : i32 to index
        %swap3A_514 = arith.constant 128 : index
        %swap3A_515 = tpu.vector_load %arg18[%swap3A_513, %swap3A_514] {strides = array<i32>} : memref<128x144xf32, #tpu.memory_space<vmem>>, vector<1x16xf32>,
        %swap3A_516 = vector.shape_cast %swap3A_515 : vector<1x16xf32> to vector<16xf32>
        %swap3A_517 = vector.shape_cast %get3A_512 : vector<16xf32> to vector<1x16xf32>
        tpu.vector_store %arg18[%swap3A_513, %swap3A_514], %swap3A_517 {strides = array<i32>} : memref<128x144xf32, #tpu.memory_space<vmem>>, vector<1x16xf32>,
        %add3A_518 = arith.constant 15 : i32
        %add3A_519 = arith.addi %add3A_324, %add3A_518 : i32
        %get3A_520 = arith.constant 0 : i32
        %get3A_521 = arith.index_cast %get3A_520 : i32 to index
        %get3A_522 = arith.index_cast %add3A_519 : i32 to index
        %get3A_523 = arith.constant 0 : index
        %get3A_524 = tpu.vector_load %arg17[%get3A_521, %get3A_522, %get3A_523] {strides = array<i32>} : memref<2x128x16xf32, #tpu.memory_space<vmem>>, vector<1x1x16xf32>,
        %get3A_525 = vector.shape_cast %get3A_524 : vector<1x1x16xf32> to vector<16xf32>
        %swap3A_526 = arith.index_cast %add3A_519 : i32 to index
        %swap3A_527 = arith.constant 128 : index
        %swap3A_528 = tpu.vector_load %arg18[%swap3A_526, %swap3A_527] {strides = array<i32>} : memref<128x144xf32, #tpu.memory_space<vmem>>, vector<1x16xf32>,
        %swap3A_529 = vector.shape_cast %swap3A_528 : vector<1x16xf32> to vector<16xf32>
        %swap3A_530 = vector.shape_cast %get3A_525 : vector<16xf32> to vector<1x16xf32>
        tpu.vector_store %arg18[%swap3A_526, %swap3A_527], %swap3A_530 {strides = array<i32>} : memref<128x144xf32, #tpu.memory_space<vmem>>, vector<1x16xf32>,
      }
      %scan3A_149 = arith.constant 8 : i32
      %dma_start3A_150 = arith.constant 2 : i32
      %dma_start3A_151 = arith.constant 0 : i32
      %dma_start3A_152 = arith.constant 0 : i32
      %dma_start3A_153 = arith.constant 0 : i32
      %dma_start3A_154 = tpu.memref_slice %arg17[%dma_start3A_151, %dma_start3A_152, %dma_start3A_153] : memref<2x128x16xf32, #tpu.memory_space<vmem>> -> memref<1x128x16xf32, #tpu.memory_space<vmem>>
      %dma_start3A_155 = tpu.memref_squeeze %dma_start3A_154 : memref<1x128x16xf32, #tpu.memory_space<vmem>> -> memref<128x16xf32, #tpu.memory_space<vmem>>
      %dma_start3A_156 = arith.constant 0 : i32
      %dma_start3A_157 = tpu.memref_slice %arg15[%dma_start3A_150, %dma_start3A_156] : memref<50x128xi32, #tpu.memory_space<vmem>> -> memref<1x128xi32, #tpu.memory_space<vmem>>
      %dma_start3A_158 = tpu.memref_squeeze %dma_start3A_157 : memref<1x128xi32, #tpu.memory_space<vmem>> -> memref<128xi32, #tpu.memory_space<vmem>>
      %dma_start3A_159 = arith.constant 0 : i32
      %dma_start3A_160 = arith.constant 0 : i32
      %dma_start3A_161 = tpu.memref_slice %arg12[%dma_start3A_159, %dma_start3A_160] : memref<1000000x16xf32, #tpu.memory_space<hbm>> -> memref<1000000x16xf32, #tpu.memory_space<hbm>>
      tpu.enqueue_indirect_dma source(%dma_start3A_161 : memref<1000000x16xf32, #tpu.memory_space<hbm>>) target(%dma_start3A_155 : memref<128x16xf32, #tpu.memory_space<vmem>>) offsets(%dma_start3A_158 : memref<128xi32, #tpu.memory_space<vmem>>) semaphore(%arg20 : memref<!tpu.dma_semaphore, #tpu.memory_space<semaphore_mem>>)
      %scan3A_162 = arith.constant 0 : i32
      %scan3A_163 = arith.constant 24 : i32
      %scan3A_164 = arith.addi %scan3A_162, %scan3A_163 : i32
      %scan3A_165 = arith.constant 1 : i32
      scf.for %scan3A_320 = %scan3A_162 to %scan3A_164 step %scan3A_165  : i32 {
        %mul3A_321 = arith.constant 2 : i32
        %mul3A_322 = arith.muli %scan3A_320, %mul3A_321 : i32
        %add3A_323 = arith.constant 1 : i32
        %add3A_324 = arith.addi %add3A_323, %mul3A_322 : i32
        %dma_wait3A_325 = arith.constant 0 : i32
        %dma_wait3A_326 = arith.constant 1 : i32
        %dma_wait3A_327 = arith.constant 0 : i32
        %dma_wait3A_328 = arith.constant 0 : i32
        %dma_wait3A_329 = tpu.memref_slice %arg17[%dma_wait3A_326, %dma_wait3A_327, %dma_wait3A_328] : memref<2x128x16xf32, #tpu.memory_space<vmem>> -> memref<1x128x16xf32, #tpu.memory_space<vmem>>
        %dma_wait3A_330 = tpu.memref_squeeze %dma_wait3A_329 : memref<1x128x16xf32, #tpu.memory_space<vmem>> -> memref<128x16xf32, #tpu.memory_space<vmem>>
        %dma_wait3A_331 = arith.constant 0 : i32
        %dma_wait3A_332 = tpu.memref_slice %arg15[%dma_wait3A_325, %dma_wait3A_331] : memref<50x128xi32, #tpu.memory_space<vmem>> -> memref<1x128xi32, #tpu.memory_space<vmem>>
        %dma_wait3A_333 = tpu.memref_squeeze %dma_wait3A_332 : memref<1x128xi32, #tpu.memory_space<vmem>> -> memref<128xi32, #tpu.memory_space<vmem>>
        %dma_wait3A_334 = arith.constant 0 : i32
        %dma_wait3A_335 = arith.constant 0 : i32
        %dma_wait3A_336 = tpu.memref_slice %arg12[%dma_wait3A_334, %dma_wait3A_335] : memref<1000000x16xf32, #tpu.memory_space<hbm>> -> memref<1000000x16xf32, #tpu.memory_space<hbm>>
        tpu.wait_indirect_dma semaphore(%arg21 : memref<!tpu.dma_semaphore, #tpu.memory_space<semaphore_mem>>) src(%dma_wait3A_336 : memref<1000000x16xf32, #tpu.memory_space<hbm>>) dst(%dma_wait3A_330 : memref<128x16xf32, #tpu.memory_space<vmem>>)
        %scan3A_337 = arith.constant 0 : i32
        %scan3A_338 = arith.constant 8 : i32
        %scan3A_339 = arith.addi %scan3A_337, %scan3A_338 : i32
        %scan3A_340 = arith.constant 1 : i32
        scf.for %scan3A_370 = %scan3A_337 to %scan3A_339 step %scan3A_340  : i32 {
          %mul3A_371 = arith.constant 16 : i32
          %mul3A_372 = arith.muli %scan3A_370, %mul3A_371 : i32
          %add3A_373 = arith.constant 0 : i32
          %add3A_374 = arith.addi %add3A_373, %mul3A_372 : i32
          %add3A_375 = arith.constant 0 : i32
          %add3A_376 = arith.addi %add3A_374, %add3A_375 : i32
          %get3A = arith.constant 1 : i32
          %get3A_377 = arith.index_cast %get3A : i32 to index
          %get3A_378 = arith.index_cast %add3A_376 : i32 to index
          %get3A_379 = arith.constant 0 : index
          %get3A_380 = tpu.vector_load %arg17[%get3A_377, %get3A_378, %get3A_379] {strides = array<i32>} : memref<2x128x16xf32, #tpu.memory_space<vmem>>, vector<1x1x16xf32>,
          %get3A_381 = vector.shape_cast %get3A_380 : vector<1x1x16xf32> to vector<16xf32>
          %swap3A = arith.index_cast %add3A_376 : i32 to index
          %swap3A_382 = arith.constant 128 : index
          %swap3A_383 = tpu.vector_load %arg18[%swap3A, %swap3A_382] {strides = array<i32>} : memref<128x144xf32, #tpu.memory_space<vmem>>, vector<1x16xf32>,
          %swap3A_384 = vector.shape_cast %swap3A_383 : vector<1x16xf32> to vector<16xf32>
          %swap3A_385 = vector.shape_cast %get3A_381 : vector<16xf32> to vector<1x16xf32>
          tpu.vector_store %arg18[%swap3A, %swap3A_382], %swap3A_385 {add = true, strides = array<i32>} : memref<128x144xf32, #tpu.memory_space<vmem>>, vector<1x16xf32>,
          %add3A_386 = arith.constant 1 : i32
          %add3A_387 = arith.addi %add3A_374, %add3A_386 : i32
          %get3A_388 = arith.constant 1 : i32
          %get3A_389 = arith.index_cast %get3A_388 : i32 to index
          %get3A_390 = arith.index_cast %add3A_387 : i32 to index
          %get3A_391 = arith.constant 0 : index
          %get3A_392 = tpu.vector_load %arg17[%get3A_389, %get3A_390, %get3A_391] {strides = array<i32>} : memref<2x128x16xf32, #tpu.memory_space<vmem>>, vector<1x1x16xf32>,
          %get3A_393 = vector.shape_cast %get3A_392 : vector<1x1x16xf32> to vector<16xf32>
          %swap3A_394 = arith.index_cast %add3A_387 : i32 to index
          %swap3A_395 = arith.constant 128 : index
          %swap3A_396 = tpu.vector_load %arg18[%swap3A_394, %swap3A_395] {strides = array<i32>} : memref<128x144xf32, #tpu.memory_space<vmem>>, vector<1x16xf32>,
          %swap3A_397 = vector.shape_cast %swap3A_396 : vector<1x16xf32> to vector<16xf32>
          %swap3A_398 = vector.shape_cast %get3A_393 : vector<16xf32> to vector<1x16xf32>
          tpu.vector_store %arg18[%swap3A_394, %swap3A_395], %swap3A_398 {add = true, strides = array<i32>} : memref<128x144xf32, #tpu.memory_space<vmem>>, vector<1x16xf32>,
          %add3A_399 = arith.constant 2 : i32
          %add3A_400 = arith.addi %add3A_374, %add3A_399 : i32
          %get3A_401 = arith.constant 1 : i32
          %get3A_402 = arith.index_cast %get3A_401 : i32 to index
          %get3A_403 = arith.index_cast %add3A_400 : i32 to index
          %get3A_404 = arith.constant 0 : index
          %get3A_405 = tpu.vector_load %arg17[%get3A_402, %get3A_403, %get3A_404] {strides = array<i32>} : memref<2x128x16xf32, #tpu.memory_space<vmem>>, vector<1x1x16xf32>,
          %get3A_406 = vector.shape_cast %get3A_405 : vector<1x1x16xf32> to vector<16xf32>
          %swap3A_407 = arith.index_cast %add3A_400 : i32 to index
          %swap3A_408 = arith.constant 128 : index
          %swap3A_409 = tpu.vector_load %arg18[%swap3A_407, %swap3A_408] {strides = array<i32>} : memref<128x144xf32, #tpu.memory_space<vmem>>, vector<1x16xf32>,
          %swap3A_410 = vector.shape_cast %swap3A_409 : vector<1x16xf32> to vector<16xf32>
          %swap3A_411 = vector.shape_cast %get3A_406 : vector<16xf32> to vector<1x16xf32>
          tpu.vector_store %arg18[%swap3A_407, %swap3A_408], %swap3A_411 {add = true, strides = array<i32>} : memref<128x144xf32, #tpu.memory_space<vmem>>, vector<1x16xf32>,
          %add3A_412 = arith.constant 3 : i32
          %add3A_413 = arith.addi %add3A_374, %add3A_412 : i32
          %get3A_414 = arith.constant 1 : i32
          %get3A_415 = arith.index_cast %get3A_414 : i32 to index
          %get3A_416 = arith.index_cast %add3A_413 : i32 to index
          %get3A_417 = arith.constant 0 : index
          %get3A_418 = tpu.vector_load %arg17[%get3A_415, %get3A_416, %get3A_417] {strides = array<i32>} : memref<2x128x16xf32, #tpu.memory_space<vmem>>, vector<1x1x16xf32>,
          %get3A_419 = vector.shape_cast %get3A_418 : vector<1x1x16xf32> to vector<16xf32>
          %swap3A_420 = arith.index_cast %add3A_413 : i32 to index
          %swap3A_421 = arith.constant 128 : index
          %swap3A_422 = tpu.vector_load %arg18[%swap3A_420, %swap3A_421] {strides = array<i32>} : memref<128x144xf32, #tpu.memory_space<vmem>>, vector<1x16xf32>,
          %swap3A_423 = vector.shape_cast %swap3A_422 : vector<1x16xf32> to vector<16xf32>
          %swap3A_424 = vector.shape_cast %get3A_419 : vector<16xf32> to vector<1x16xf32>
          tpu.vector_store %arg18[%swap3A_420, %swap3A_421], %swap3A_424 {add = true, strides = array<i32>} : memref<128x144xf32, #tpu.memory_space<vmem>>, vector<1x16xf32>,
          %add3A_425 = arith.constant 4 : i32
          %add3A_426 = arith.addi %add3A_374, %add3A_425 : i32
          %get3A_427 = arith.constant 1 : i32
          %get3A_428 = arith.index_cast %get3A_427 : i32 to index
          %get3A_429 = arith.index_cast %add3A_426 : i32 to index
          %get3A_430 = arith.constant 0 : index
          %get3A_431 = tpu.vector_load %arg17[%get3A_428, %get3A_429, %get3A_430] {strides = array<i32>} : memref<2x128x16xf32, #tpu.memory_space<vmem>>, vector<1x1x16xf32>,
          %get3A_432 = vector.shape_cast %get3A_431 : vector<1x1x16xf32> to vector<16xf32>
          %swap3A_433 = arith.index_cast %add3A_426 : i32 to index
          %swap3A_434 = arith.constant 128 : index
          %swap3A_435 = tpu.vector_load %arg18[%swap3A_433, %swap3A_434] {strides = array<i32>} : memref<128x144xf32, #tpu.memory_space<vmem>>, vector<1x16xf32>,
          %swap3A_436 = vector.shape_cast %swap3A_435 : vector<1x16xf32> to vector<16xf32>
          %swap3A_437 = vector.shape_cast %get3A_432 : vector<16xf32> to vector<1x16xf32>
          tpu.vector_store %arg18[%swap3A_433, %swap3A_434], %swap3A_437 {add = true, strides = array<i32>} : memref<128x144xf32, #tpu.memory_space<vmem>>, vector<1x16xf32>,
          %add3A_438 = arith.constant 5 : i32
          %add3A_439 = arith.addi %add3A_374, %add3A_438 : i32
          %get3A_440 = arith.constant 1 : i32
          %get3A_441 = arith.index_cast %get3A_440 : i32 to index
          %get3A_442 = arith.index_cast %add3A_439 : i32 to index
          %get3A_443 = arith.constant 0 : index
          %get3A_444 = tpu.vector_load %arg17[%get3A_441, %get3A_442, %get3A_443] {strides = array<i32>} : memref<2x128x16xf32, #tpu.memory_space<vmem>>, vector<1x1x16xf32>,
          %get3A_445 = vector.shape_cast %get3A_444 : vector<1x1x16xf32> to vector<16xf32>
          %swap3A_446 = arith.index_cast %add3A_439 : i32 to index
          %swap3A_447 = arith.constant 128 : index
          %swap3A_448 = tpu.vector_load %arg18[%swap3A_446, %swap3A_447] {strides = array<i32>} : memref<128x144xf32, #tpu.memory_space<vmem>>, vector<1x16xf32>,
          %swap3A_449 = vector.shape_cast %swap3A_448 : vector<1x16xf32> to vector<16xf32>
          %swap3A_450 = vector.shape_cast %get3A_445 : vector<16xf32> to vector<1x16xf32>
          tpu.vector_store %arg18[%swap3A_446, %swap3A_447], %swap3A_450 {add = true, strides = array<i32>} : memref<128x144xf32, #tpu.memory_space<vmem>>, vector<1x16xf32>,
          %add3A_451 = arith.constant 6 : i32
          %add3A_452 = arith.addi %add3A_374, %add3A_451 : i32
          %get3A_453 = arith.constant 1 : i32
          %get3A_454 = arith.index_cast %get3A_453 : i32 to index
          %get3A_455 = arith.index_cast %add3A_452 : i32 to index
          %get3A_456 = arith.constant 0 : index
          %get3A_457 = tpu.vector_load %arg17[%get3A_454, %get3A_455, %get3A_456] {strides = array<i32>} : memref<2x128x16xf32, #tpu.memory_space<vmem>>, vector<1x1x16xf32>,
          %get3A_458 = vector.shape_cast %get3A_457 : vector<1x1x16xf32> to vector<16xf32>
          %swap3A_459 = arith.index_cast %add3A_452 : i32 to index
          %swap3A_460 = arith.constant 128 : index
          %swap3A_461 = tpu.vector_load %arg18[%swap3A_459, %swap3A_460] {strides = array<i32>} : memref<128x144xf32, #tpu.memory_space<vmem>>, vector<1x16xf32>,
          %swap3A_462 = vector.shape_cast %swap3A_461 : vector<1x16xf32> to vector<16xf32>
          %swap3A_463 = vector.shape_cast %get3A_458 : vector<16xf32> to vector<1x16xf32>
          tpu.vector_store %arg18[%swap3A_459, %swap3A_460], %swap3A_463 {add = true, strides = array<i32>} : memref<128x144xf32, #tpu.memory_space<vmem>>, vector<1x16xf32>,
          %add3A_464 = arith.constant 7 : i32
          %add3A_465 = arith.addi %add3A_374, %add3A_464 : i32
          %get3A_466 = arith.constant 1 : i32
          %get3A_467 = arith.index_cast %get3A_466 : i32 to index
          %get3A_468 = arith.index_cast %add3A_465 : i32 to index
          %get3A_469 = arith.constant 0 : index
          %get3A_470 = tpu.vector_load %arg17[%get3A_467, %get3A_468, %get3A_469] {strides = array<i32>} : memref<2x128x16xf32, #tpu.memory_space<vmem>>, vector<1x1x16xf32>,
          %get3A_471 = vector.shape_cast %get3A_470 : vector<1x1x16xf32> to vector<16xf32>
          %swap3A_472 = arith.index_cast %add3A_465 : i32 to index
          %swap3A_473 = arith.constant 128 : index
          %swap3A_474 = tpu.vector_load %arg18[%swap3A_472, %swap3A_473] {strides = array<i32>} : memref<128x144xf32, #tpu.memory_space<vmem>>, vector<1x16xf32>,
          %swap3A_475 = vector.shape_cast %swap3A_474 : vector<1x16xf32> to vector<16xf32>
          %swap3A_476 = vector.shape_cast %get3A_471 : vector<16xf32> to vector<1x16xf32>
          tpu.vector_store %arg18[%swap3A_472, %swap3A_473], %swap3A_476 {add = true, strides = array<i32>} : memref<128x144xf32, #tpu.memory_space<vmem>>, vector<1x16xf32>,
          %add3A_477 = arith.constant 8 : i32
          %add3A_478 = arith.addi %add3A_374, %add3A_477 : i32
          %get3A_479 = arith.constant 1 : i32
          %get3A_480 = arith.index_cast %get3A_479 : i32 to index
          %get3A_481 = arith.index_cast %add3A_478 : i32 to index
          %get3A_482 = arith.constant 0 : index
          %get3A_483 = tpu.vector_load %arg17[%get3A_480, %get3A_481, %get3A_482] {strides = array<i32>} : memref<2x128x16xf32, #tpu.memory_space<vmem>>, vector<1x1x16xf32>,
          %get3A_484 = vector.shape_cast %get3A_483 : vector<1x1x16xf32> to vector<16xf32>
          %swap3A_485 = arith.index_cast %add3A_478 : i32 to index
          %swap3A_486 = arith.constant 128 : index
          %swap3A_487 = tpu.vector_load %arg18[%swap3A_485, %swap3A_486] {strides = array<i32>} : memref<128x144xf32, #tpu.memory_space<vmem>>, vector<1x16xf32>,
          %swap3A_488 = vector.shape_cast %swap3A_487 : vector<1x16xf32> to vector<16xf32>
          %swap3A_489 = vector.shape_cast %get3A_484 : vector<16xf32> to vector<1x16xf32>
          tpu.vector_store %arg18[%swap3A_485, %swap3A_486], %swap3A_489 {add = true, strides = array<i32>} : memref<128x144xf32, #tpu.memory_space<vmem>>, vector<1x16xf32>,
          %add3A_490 = arith.constant 9 : i32
          %add3A_491 = arith.addi %add3A_374, %add3A_490 : i32
          %get3A_492 = arith.constant 1 : i32
          %get3A_493 = arith.index_cast %get3A_492 : i32 to index
          %get3A_494 = arith.index_cast %add3A_491 : i32 to index
          %get3A_495 = arith.constant 0 : index
          %get3A_496 = tpu.vector_load %arg17[%get3A_493, %get3A_494, %get3A_495] {strides = array<i32>} : memref<2x128x16xf32, #tpu.memory_space<vmem>>, vector<1x1x16xf32>,
          %get3A_497 = vector.shape_cast %get3A_496 : vector<1x1x16xf32> to vector<16xf32>
          %swap3A_498 = arith.index_cast %add3A_491 : i32 to index
          %swap3A_499 = arith.constant 128 : index
          %swap3A_500 = tpu.vector_load %arg18[%swap3A_498, %swap3A_499] {strides = array<i32>} : memref<128x144xf32, #tpu.memory_space<vmem>>, vector<1x16xf32>,
          %swap3A_501 = vector.shape_cast %swap3A_500 : vector<1x16xf32> to vector<16xf32>
          %swap3A_502 = vector.shape_cast %get3A_497 : vector<16xf32> to vector<1x16xf32>
          tpu.vector_store %arg18[%swap3A_498, %swap3A_499], %swap3A_502 {add = true, strides = array<i32>} : memref<128x144xf32, #tpu.memory_space<vmem>>, vector<1x16xf32>,
          %add3A_503 = arith.constant 10 : i32
          %add3A_504 = arith.addi %add3A_374, %add3A_503 : i32
          %get3A_505 = arith.constant 1 : i32
          %get3A_506 = arith.index_cast %get3A_505 : i32 to index
          %get3A_507 = arith.index_cast %add3A_504 : i32 to index
          %get3A_508 = arith.constant 0 : index
          %get3A_509 = tpu.vector_load %arg17[%get3A_506, %get3A_507, %get3A_508] {strides = array<i32>} : memref<2x128x16xf32, #tpu.memory_space<vmem>>, vector<1x1x16xf32>,
          %get3A_510 = vector.shape_cast %get3A_509 : vector<1x1x16xf32> to vector<16xf32>
          %swap3A_511 = arith.index_cast %add3A_504 : i32 to index
          %swap3A_512 = arith.constant 128 : index
          %swap3A_513 = tpu.vector_load %arg18[%swap3A_511, %swap3A_512] {strides = array<i32>} : memref<128x144xf32, #tpu.memory_space<vmem>>, vector<1x16xf32>,
          %swap3A_514 = vector.shape_cast %swap3A_513 : vector<1x16xf32> to vector<16xf32>
          %swap3A_515 = vector.shape_cast %get3A_510 : vector<16xf32> to vector<1x16xf32>
          tpu.vector_store %arg18[%swap3A_511, %swap3A_512], %swap3A_515 {add = true, strides = array<i32>} : memref<128x144xf32, #tpu.memory_space<vmem>>, vector<1x16xf32>,
          %add3A_516 = arith.constant 11 : i32
          %add3A_517 = arith.addi %add3A_374, %add3A_516 : i32
          %get3A_518 = arith.constant 1 : i32
          %get3A_519 = arith.index_cast %get3A_518 : i32 to index
          %get3A_520 = arith.index_cast %add3A_517 : i32 to index
          %get3A_521 = arith.constant 0 : index
          %get3A_522 = tpu.vector_load %arg17[%get3A_519, %get3A_520, %get3A_521] {strides = array<i32>} : memref<2x128x16xf32, #tpu.memory_space<vmem>>, vector<1x1x16xf32>,
          %get3A_523 = vector.shape_cast %get3A_522 : vector<1x1x16xf32> to vector<16xf32>
          %swap3A_524 = arith.index_cast %add3A_517 : i32 to index
          %swap3A_525 = arith.constant 128 : index
          %swap3A_526 = tpu.vector_load %arg18[%swap3A_524, %swap3A_525] {strides = array<i32>} : memref<128x144xf32, #tpu.memory_space<vmem>>, vector<1x16xf32>,
          %swap3A_527 = vector.shape_cast %swap3A_526 : vector<1x16xf32> to vector<16xf32>
          %swap3A_528 = vector.shape_cast %get3A_523 : vector<16xf32> to vector<1x16xf32>
          tpu.vector_store %arg18[%swap3A_524, %swap3A_525], %swap3A_528 {add = true, strides = array<i32>} : memref<128x144xf32, #tpu.memory_space<vmem>>, vector<1x16xf32>,
          %add3A_529 = arith.constant 12 : i32
          %add3A_530 = arith.addi %add3A_374, %add3A_529 : i32
          %get3A_531 = arith.constant 1 : i32
          %get3A_532 = arith.index_cast %get3A_531 : i32 to index
          %get3A_533 = arith.index_cast %add3A_530 : i32 to index
          %get3A_534 = arith.constant 0 : index
          %get3A_535 = tpu.vector_load %arg17[%get3A_532, %get3A_533, %get3A_534] {strides = array<i32>} : memref<2x128x16xf32, #tpu.memory_space<vmem>>, vector<1x1x16xf32>,
          %get3A_536 = vector.shape_cast %get3A_535 : vector<1x1x16xf32> to vector<16xf32>
          %swap3A_537 = arith.index_cast %add3A_530 : i32 to index
          %swap3A_538 = arith.constant 128 : index
          %swap3A_539 = tpu.vector_load %arg18[%swap3A_537, %swap3A_538] {strides = array<i32>} : memref<128x144xf32, #tpu.memory_space<vmem>>, vector<1x16xf32>,
          %swap3A_540 = vector.shape_cast %swap3A_539 : vector<1x16xf32> to vector<16xf32>
          %swap3A_541 = vector.shape_cast %get3A_536 : vector<16xf32> to vector<1x16xf32>
          tpu.vector_store %arg18[%swap3A_537, %swap3A_538], %swap3A_541 {add = true, strides = array<i32>} : memref<128x144xf32, #tpu.memory_space<vmem>>, vector<1x16xf32>,
          %add3A_542 = arith.constant 13 : i32
          %add3A_543 = arith.addi %add3A_374, %add3A_542 : i32
          %get3A_544 = arith.constant 1 : i32
          %get3A_545 = arith.index_cast %get3A_544 : i32 to index
          %get3A_546 = arith.index_cast %add3A_543 : i32 to index
          %get3A_547 = arith.constant 0 : index
          %get3A_548 = tpu.vector_load %arg17[%get3A_545, %get3A_546, %get3A_547] {strides = array<i32>} : memref<2x128x16xf32, #tpu.memory_space<vmem>>, vector<1x1x16xf32>,
          %get3A_549 = vector.shape_cast %get3A_548 : vector<1x1x16xf32> to vector<16xf32>
          %swap3A_550 = arith.index_cast %add3A_543 : i32 to index
          %swap3A_551 = arith.constant 128 : index
          %swap3A_552 = tpu.vector_load %arg18[%swap3A_550, %swap3A_551] {strides = array<i32>} : memref<128x144xf32, #tpu.memory_space<vmem>>, vector<1x16xf32>,
          %swap3A_553 = vector.shape_cast %swap3A_552 : vector<1x16xf32> to vector<16xf32>
          %swap3A_554 = vector.shape_cast %get3A_549 : vector<16xf32> to vector<1x16xf32>
          tpu.vector_store %arg18[%swap3A_550, %swap3A_551], %swap3A_554 {add = true, strides = array<i32>} : memref<128x144xf32, #tpu.memory_space<vmem>>, vector<1x16xf32>,
          %add3A_555 = arith.constant 14 : i32
          %add3A_556 = arith.addi %add3A_374, %add3A_555 : i32
          %get3A_557 = arith.constant 1 : i32
          %get3A_558 = arith.index_cast %get3A_557 : i32 to index
          %get3A_559 = arith.index_cast %add3A_556 : i32 to index
          %get3A_560 = arith.constant 0 : index
          %get3A_561 = tpu.vector_load %arg17[%get3A_558, %get3A_559, %get3A_560] {strides = array<i32>} : memref<2x128x16xf32, #tpu.memory_space<vmem>>, vector<1x1x16xf32>,
          %get3A_562 = vector.shape_cast %get3A_561 : vector<1x1x16xf32> to vector<16xf32>
          %swap3A_563 = arith.index_cast %add3A_556 : i32 to index
          %swap3A_564 = arith.constant 128 : index
          %swap3A_565 = tpu.vector_load %arg18[%swap3A_563, %swap3A_564] {strides = array<i32>} : memref<128x144xf32, #tpu.memory_space<vmem>>, vector<1x16xf32>,
          %swap3A_566 = vector.shape_cast %swap3A_565 : vector<1x16xf32> to vector<16xf32>
          %swap3A_567 = vector.shape_cast %get3A_562 : vector<16xf32> to vector<1x16xf32>
          tpu.vector_store %arg18[%swap3A_563, %swap3A_564], %swap3A_567 {add = true, strides = array<i32>} : memref<128x144xf32, #tpu.memory_space<vmem>>, vector<1x16xf32>,
          %add3A_568 = arith.constant 15 : i32
          %add3A_569 = arith.addi %add3A_374, %add3A_568 : i32
          %get3A_570 = arith.constant 1 : i32
          %get3A_571 = arith.index_cast %get3A_570 : i32 to index
          %get3A_572 = arith.index_cast %add3A_569 : i32 to index
          %get3A_573 = arith.constant 0 : index
          %get3A_574 = tpu.vector_load %arg17[%get3A_571, %get3A_572, %get3A_573] {strides = array<i32>} : memref<2x128x16xf32, #tpu.memory_space<vmem>>, vector<1x1x16xf32>,
          %get3A_575 = vector.shape_cast %get3A_574 : vector<1x1x16xf32> to vector<16xf32>
          %swap3A_576 = arith.index_cast %add3A_569 : i32 to index
          %swap3A_577 = arith.constant 128 : index
          %swap3A_578 = tpu.vector_load %arg18[%swap3A_576, %swap3A_577] {strides = array<i32>} : memref<128x144xf32, #tpu.memory_space<vmem>>, vector<1x16xf32>,
          %swap3A_579 = vector.shape_cast %swap3A_578 : vector<1x16xf32> to vector<16xf32>
          %swap3A_580 = vector.shape_cast %get3A_575 : vector<16xf32> to vector<1x16xf32>
          tpu.vector_store %arg18[%swap3A_576, %swap3A_577], %swap3A_580 {add = true, strides = array<i32>} : memref<128x144xf32, #tpu.memory_space<vmem>>, vector<1x16xf32>,
        }
        %scan3A_341 = arith.constant 8 : i32
        %add3A_342 = arith.constant 2 : i32
        %add3A_343 = arith.addi %add3A_324, %add3A_342 : i32
        %lt3A = arith.constant 50 : i32
        %lt3A_344 = arith.cmpi slt, %add3A_343, %lt3A : i32
        %convert_element_type3A = arith.extui %lt3A_344 : i1 to i32
        %cond3A = arith.constant 0 : i32
        %cond3A_345 = arith.cmpi ne, %convert_element_type3A, %cond3A : i32
        scf.if %cond3A_345 {
          %add3A_370 = arith.constant 2 : i32
          %add3A_371 = arith.addi %add3A_324, %add3A_370 : i32
          %dma_start3A_372 = arith.constant 1 : i32
          %dma_start3A_373 = arith.constant 0 : i32
          %dma_start3A_374 = arith.constant 0 : i32
          %dma_start3A_375 = tpu.memref_slice %arg17[%dma_start3A_372, %dma_start3A_373, %dma_start3A_374] : memref<2x128x16xf32, #tpu.memory_space<vmem>> -> memref<1x128x16xf32, #tpu.memory_space<vmem>>
          %dma_start3A_376 = tpu.memref_squeeze %dma_start3A_375 : memref<1x128x16xf32, #tpu.memory_space<vmem>> -> memref<128x16xf32, #tpu.memory_space<vmem>>
          %dma_start3A_377 = arith.constant 0 : i32
          %dma_start3A_378 = tpu.memref_slice %arg15[%add3A_371, %dma_start3A_377] : memref<50x128xi32, #tpu.memory_space<vmem>> -> memref<1x128xi32, #tpu.memory_space<vmem>>
          %dma_start3A_379 = tpu.memref_squeeze %dma_start3A_378 : memref<1x128xi32, #tpu.memory_space<vmem>> -> memref<128xi32, #tpu.memory_space<vmem>>
          %dma_start3A_380 = arith.constant 0 : i32
          %dma_start3A_381 = arith.constant 0 : i32
          %dma_start3A_382 = tpu.memref_slice %arg12[%dma_start3A_380, %dma_start3A_381] : memref<1000000x16xf32, #tpu.memory_space<hbm>> -> memref<1000000x16xf32, #tpu.memory_space<hbm>>
          tpu.enqueue_indirect_dma source(%dma_start3A_382 : memref<1000000x16xf32, #tpu.memory_space<hbm>>) target(%dma_start3A_376 : memref<128x16xf32, #tpu.memory_space<vmem>>) offsets(%dma_start3A_379 : memref<128xi32, #tpu.memory_space<vmem>>) semaphore(%arg21 : memref<!tpu.dma_semaphore, #tpu.memory_space<semaphore_mem>>)
        } else {
        }
        %dma_wait3A_346 = arith.constant 0 : i32
        %dma_wait3A_347 = arith.constant 0 : i32
        %dma_wait3A_348 = arith.constant 0 : i32
        %dma_wait3A_349 = arith.constant 0 : i32
        %dma_wait3A_350 = tpu.memref_slice %arg17[%dma_wait3A_347, %dma_wait3A_348, %dma_wait3A_349] : memref<2x128x16xf32, #tpu.memory_space<vmem>> -> memref<1x128x16xf32, #tpu.memory_space<vmem>>
        %dma_wait3A_351 = tpu.memref_squeeze %dma_wait3A_350 : memref<1x128x16xf32, #tpu.memory_space<vmem>> -> memref<128x16xf32, #tpu.memory_space<vmem>>
        %dma_wait3A_352 = arith.constant 0 : i32
        %dma_wait3A_353 = tpu.memref_slice %arg15[%dma_wait3A_346, %dma_wait3A_352] : memref<50x128xi32, #tpu.memory_space<vmem>> -> memref<1x128xi32, #tpu.memory_space<vmem>>
        %dma_wait3A_354 = tpu.memref_squeeze %dma_wait3A_353 : memref<1x128xi32, #tpu.memory_space<vmem>> -> memref<128xi32, #tpu.memory_space<vmem>>
        %dma_wait3A_355 = arith.constant 0 : i32
        %dma_wait3A_356 = arith.constant 0 : i32
        %dma_wait3A_357 = tpu.memref_slice %arg12[%dma_wait3A_355, %dma_wait3A_356] : memref<1000000x16xf32, #tpu.memory_space<hbm>> -> memref<1000000x16xf32, #tpu.memory_space<hbm>>
        tpu.wait_indirect_dma semaphore(%arg20 : memref<!tpu.dma_semaphore, #tpu.memory_space<semaphore_mem>>) src(%dma_wait3A_357 : memref<1000000x16xf32, #tpu.memory_space<hbm>>) dst(%dma_wait3A_351 : memref<128x16xf32, #tpu.memory_space<vmem>>)
        %scan3A_358 = arith.constant 0 : i32
        %scan3A_359 = arith.constant 8 : i32
        %scan3A_360 = arith.addi %scan3A_358, %scan3A_359 : i32
        %scan3A_361 = arith.constant 1 : i32
        scf.for %scan3A_370 = %scan3A_358 to %scan3A_360 step %scan3A_361  : i32 {
          %mul3A_371 = arith.constant 16 : i32
          %mul3A_372 = arith.muli %scan3A_370, %mul3A_371 : i32
          %add3A_373 = arith.constant 0 : i32
          %add3A_374 = arith.addi %add3A_373, %mul3A_372 : i32
          %add3A_375 = arith.constant 0 : i32
          %add3A_376 = arith.addi %add3A_374, %add3A_375 : i32
          %get3A = arith.constant 0 : i32
          %get3A_377 = arith.index_cast %get3A : i32 to index
          %get3A_378 = arith.index_cast %add3A_376 : i32 to index
          %get3A_379 = arith.constant 0 : index
          %get3A_380 = tpu.vector_load %arg17[%get3A_377, %get3A_378, %get3A_379] {strides = array<i32>} : memref<2x128x16xf32, #tpu.memory_space<vmem>>, vector<1x1x16xf32>,
          %get3A_381 = vector.shape_cast %get3A_380 : vector<1x1x16xf32> to vector<16xf32>
          %swap3A = arith.index_cast %add3A_376 : i32 to index
          %swap3A_382 = arith.constant 128 : index
          %swap3A_383 = tpu.vector_load %arg18[%swap3A, %swap3A_382] {strides = array<i32>} : memref<128x144xf32, #tpu.memory_space<vmem>>, vector<1x16xf32>,
          %swap3A_384 = vector.shape_cast %swap3A_383 : vector<1x16xf32> to vector<16xf32>
          %swap3A_385 = vector.shape_cast %get3A_381 : vector<16xf32> to vector<1x16xf32>
          tpu.vector_store %arg18[%swap3A, %swap3A_382], %swap3A_385 {add = true, strides = array<i32>} : memref<128x144xf32, #tpu.memory_space<vmem>>, vector<1x16xf32>,
          %add3A_386 = arith.constant 1 : i32
          %add3A_387 = arith.addi %add3A_374, %add3A_386 : i32
          %get3A_388 = arith.constant 0 : i32
          %get3A_389 = arith.index_cast %get3A_388 : i32 to index
          %get3A_390 = arith.index_cast %add3A_387 : i32 to index
          %get3A_391 = arith.constant 0 : index
          %get3A_392 = tpu.vector_load %arg17[%get3A_389, %get3A_390, %get3A_391] {strides = array<i32>} : memref<2x128x16xf32, #tpu.memory_space<vmem>>, vector<1x1x16xf32>,
          %get3A_393 = vector.shape_cast %get3A_392 : vector<1x1x16xf32> to vector<16xf32>
          %swap3A_394 = arith.index_cast %add3A_387 : i32 to index
          %swap3A_395 = arith.constant 128 : index
          %swap3A_396 = tpu.vector_load %arg18[%swap3A_394, %swap3A_395] {strides = array<i32>} : memref<128x144xf32, #tpu.memory_space<vmem>>, vector<1x16xf32>,
          %swap3A_397 = vector.shape_cast %swap3A_396 : vector<1x16xf32> to vector<16xf32>
          %swap3A_398 = vector.shape_cast %get3A_393 : vector<16xf32> to vector<1x16xf32>
          tpu.vector_store %arg18[%swap3A_394, %swap3A_395], %swap3A_398 {add = true, strides = array<i32>} : memref<128x144xf32, #tpu.memory_space<vmem>>, vector<1x16xf32>,
          %add3A_399 = arith.constant 2 : i32
          %add3A_400 = arith.addi %add3A_374, %add3A_399 : i32
          %get3A_401 = arith.constant 0 : i32
          %get3A_402 = arith.index_cast %get3A_401 : i32 to index
          %get3A_403 = arith.index_cast %add3A_400 : i32 to index
          %get3A_404 = arith.constant 0 : index
          %get3A_405 = tpu.vector_load %arg17[%get3A_402, %get3A_403, %get3A_404] {strides = array<i32>} : memref<2x128x16xf32, #tpu.memory_space<vmem>>, vector<1x1x16xf32>,
          %get3A_406 = vector.shape_cast %get3A_405 : vector<1x1x16xf32> to vector<16xf32>
          %swap3A_407 = arith.index_cast %add3A_400 : i32 to index
          %swap3A_408 = arith.constant 128 : index
          %swap3A_409 = tpu.vector_load %arg18[%swap3A_407, %swap3A_408] {strides = array<i32>} : memref<128x144xf32, #tpu.memory_space<vmem>>, vector<1x16xf32>,
          %swap3A_410 = vector.shape_cast %swap3A_409 : vector<1x16xf32> to vector<16xf32>
          %swap3A_411 = vector.shape_cast %get3A_406 : vector<16xf32> to vector<1x16xf32>
          tpu.vector_store %arg18[%swap3A_407, %swap3A_408], %swap3A_411 {add = true, strides = array<i32>} : memref<128x144xf32, #tpu.memory_space<vmem>>, vector<1x16xf32>,
          %add3A_412 = arith.constant 3 : i32
          %add3A_413 = arith.addi %add3A_374, %add3A_412 : i32
          %get3A_414 = arith.constant 0 : i32
          %get3A_415 = arith.index_cast %get3A_414 : i32 to index
          %get3A_416 = arith.index_cast %add3A_413 : i32 to index
          %get3A_417 = arith.constant 0 : index
          %get3A_418 = tpu.vector_load %arg17[%get3A_415, %get3A_416, %get3A_417] {strides = array<i32>} : memref<2x128x16xf32, #tpu.memory_space<vmem>>, vector<1x1x16xf32>,
          %get3A_419 = vector.shape_cast %get3A_418 : vector<1x1x16xf32> to vector<16xf32>
          %swap3A_420 = arith.index_cast %add3A_413 : i32 to index
          %swap3A_421 = arith.constant 128 : index
          %swap3A_422 = tpu.vector_load %arg18[%swap3A_420, %swap3A_421] {strides = array<i32>} : memref<128x144xf32, #tpu.memory_space<vmem>>, vector<1x16xf32>,
          %swap3A_423 = vector.shape_cast %swap3A_422 : vector<1x16xf32> to vector<16xf32>
          %swap3A_424 = vector.shape_cast %get3A_419 : vector<16xf32> to vector<1x16xf32>
          tpu.vector_store %arg18[%swap3A_420, %swap3A_421], %swap3A_424 {add = true, strides = array<i32>} : memref<128x144xf32, #tpu.memory_space<vmem>>, vector<1x16xf32>,
          %add3A_425 = arith.constant 4 : i32
          %add3A_426 = arith.addi %add3A_374, %add3A_425 : i32
          %get3A_427 = arith.constant 0 : i32
          %get3A_428 = arith.index_cast %get3A_427 : i32 to index
          %get3A_429 = arith.index_cast %add3A_426 : i32 to index
          %get3A_430 = arith.constant 0 : index
          %get3A_431 = tpu.vector_load %arg17[%get3A_428, %get3A_429, %get3A_430] {strides = array<i32>} : memref<2x128x16xf32, #tpu.memory_space<vmem>>, vector<1x1x16xf32>,
          %get3A_432 = vector.shape_cast %get3A_431 : vector<1x1x16xf32> to vector<16xf32>
          %swap3A_433 = arith.index_cast %add3A_426 : i32 to index
          %swap3A_434 = arith.constant 128 : index
          %swap3A_435 = tpu.vector_load %arg18[%swap3A_433, %swap3A_434] {strides = array<i32>} : memref<128x144xf32, #tpu.memory_space<vmem>>, vector<1x16xf32>,
          %swap3A_436 = vector.shape_cast %swap3A_435 : vector<1x16xf32> to vector<16xf32>
          %swap3A_437 = vector.shape_cast %get3A_432 : vector<16xf32> to vector<1x16xf32>
          tpu.vector_store %arg18[%swap3A_433, %swap3A_434], %swap3A_437 {add = true, strides = array<i32>} : memref<128x144xf32, #tpu.memory_space<vmem>>, vector<1x16xf32>,
          %add3A_438 = arith.constant 5 : i32
          %add3A_439 = arith.addi %add3A_374, %add3A_438 : i32
          %get3A_440 = arith.constant 0 : i32
          %get3A_441 = arith.index_cast %get3A_440 : i32 to index
          %get3A_442 = arith.index_cast %add3A_439 : i32 to index
          %get3A_443 = arith.constant 0 : index
          %get3A_444 = tpu.vector_load %arg17[%get3A_441, %get3A_442, %get3A_443] {strides = array<i32>} : memref<2x128x16xf32, #tpu.memory_space<vmem>>, vector<1x1x16xf32>,
          %get3A_445 = vector.shape_cast %get3A_444 : vector<1x1x16xf32> to vector<16xf32>
          %swap3A_446 = arith.index_cast %add3A_439 : i32 to index
          %swap3A_447 = arith.constant 128 : index
          %swap3A_448 = tpu.vector_load %arg18[%swap3A_446, %swap3A_447] {strides = array<i32>} : memref<128x144xf32, #tpu.memory_space<vmem>>, vector<1x16xf32>,
          %swap3A_449 = vector.shape_cast %swap3A_448 : vector<1x16xf32> to vector<16xf32>
          %swap3A_450 = vector.shape_cast %get3A_445 : vector<16xf32> to vector<1x16xf32>
          tpu.vector_store %arg18[%swap3A_446, %swap3A_447], %swap3A_450 {add = true, strides = array<i32>} : memref<128x144xf32, #tpu.memory_space<vmem>>, vector<1x16xf32>,
          %add3A_451 = arith.constant 6 : i32
          %add3A_452 = arith.addi %add3A_374, %add3A_451 : i32
          %get3A_453 = arith.constant 0 : i32
          %get3A_454 = arith.index_cast %get3A_453 : i32 to index
          %get3A_455 = arith.index_cast %add3A_452 : i32 to index
          %get3A_456 = arith.constant 0 : index
          %get3A_457 = tpu.vector_load %arg17[%get3A_454, %get3A_455, %get3A_456] {strides = array<i32>} : memref<2x128x16xf32, #tpu.memory_space<vmem>>, vector<1x1x16xf32>,
          %get3A_458 = vector.shape_cast %get3A_457 : vector<1x1x16xf32> to vector<16xf32>
          %swap3A_459 = arith.index_cast %add3A_452 : i32 to index
          %swap3A_460 = arith.constant 128 : index
          %swap3A_461 = tpu.vector_load %arg18[%swap3A_459, %swap3A_460] {strides = array<i32>} : memref<128x144xf32, #tpu.memory_space<vmem>>, vector<1x16xf32>,
          %swap3A_462 = vector.shape_cast %swap3A_461 : vector<1x16xf32> to vector<16xf32>
          %swap3A_463 = vector.shape_cast %get3A_458 : vector<16xf32> to vector<1x16xf32>
          tpu.vector_store %arg18[%swap3A_459, %swap3A_460], %swap3A_463 {add = true, strides = array<i32>} : memref<128x144xf32, #tpu.memory_space<vmem>>, vector<1x16xf32>,
          %add3A_464 = arith.constant 7 : i32
          %add3A_465 = arith.addi %add3A_374, %add3A_464 : i32
          %get3A_466 = arith.constant 0 : i32
          %get3A_467 = arith.index_cast %get3A_466 : i32 to index
          %get3A_468 = arith.index_cast %add3A_465 : i32 to index
          %get3A_469 = arith.constant 0 : index
          %get3A_470 = tpu.vector_load %arg17[%get3A_467, %get3A_468, %get3A_469] {strides = array<i32>} : memref<2x128x16xf32, #tpu.memory_space<vmem>>, vector<1x1x16xf32>,
          %get3A_471 = vector.shape_cast %get3A_470 : vector<1x1x16xf32> to vector<16xf32>
          %swap3A_472 = arith.index_cast %add3A_465 : i32 to index
          %swap3A_473 = arith.constant 128 : index
          %swap3A_474 = tpu.vector_load %arg18[%swap3A_472, %swap3A_473] {strides = array<i32>} : memref<128x144xf32, #tpu.memory_space<vmem>>, vector<1x16xf32>,
          %swap3A_475 = vector.shape_cast %swap3A_474 : vector<1x16xf32> to vector<16xf32>
          %swap3A_476 = vector.shape_cast %get3A_471 : vector<16xf32> to vector<1x16xf32>
          tpu.vector_store %arg18[%swap3A_472, %swap3A_473], %swap3A_476 {add = true, strides = array<i32>} : memref<128x144xf32, #tpu.memory_space<vmem>>, vector<1x16xf32>,
          %add3A_477 = arith.constant 8 : i32
          %add3A_478 = arith.addi %add3A_374, %add3A_477 : i32
          %get3A_479 = arith.constant 0 : i32
          %get3A_480 = arith.index_cast %get3A_479 : i32 to index
          %get3A_481 = arith.index_cast %add3A_478 : i32 to index
          %get3A_482 = arith.constant 0 : index
          %get3A_483 = tpu.vector_load %arg17[%get3A_480, %get3A_481, %get3A_482] {strides = array<i32>} : memref<2x128x16xf32, #tpu.memory_space<vmem>>, vector<1x1x16xf32>,
          %get3A_484 = vector.shape_cast %get3A_483 : vector<1x1x16xf32> to vector<16xf32>
          %swap3A_485 = arith.index_cast %add3A_478 : i32 to index
          %swap3A_486 = arith.constant 128 : index
          %swap3A_487 = tpu.vector_load %arg18[%swap3A_485, %swap3A_486] {strides = array<i32>} : memref<128x144xf32, #tpu.memory_space<vmem>>, vector<1x16xf32>,
          %swap3A_488 = vector.shape_cast %swap3A_487 : vector<1x16xf32> to vector<16xf32>
          %swap3A_489 = vector.shape_cast %get3A_484 : vector<16xf32> to vector<1x16xf32>
          tpu.vector_store %arg18[%swap3A_485, %swap3A_486], %swap3A_489 {add = true, strides = array<i32>} : memref<128x144xf32, #tpu.memory_space<vmem>>, vector<1x16xf32>,
          %add3A_490 = arith.constant 9 : i32
          %add3A_491 = arith.addi %add3A_374, %add3A_490 : i32
          %get3A_492 = arith.constant 0 : i32
          %get3A_493 = arith.index_cast %get3A_492 : i32 to index
          %get3A_494 = arith.index_cast %add3A_491 : i32 to index
          %get3A_495 = arith.constant 0 : index
          %get3A_496 = tpu.vector_load %arg17[%get3A_493, %get3A_494, %get3A_495] {strides = array<i32>} : memref<2x128x16xf32, #tpu.memory_space<vmem>>, vector<1x1x16xf32>,
          %get3A_497 = vector.shape_cast %get3A_496 : vector<1x1x16xf32> to vector<16xf32>
          %swap3A_498 = arith.index_cast %add3A_491 : i32 to index
          %swap3A_499 = arith.constant 128 : index
          %swap3A_500 = tpu.vector_load %arg18[%swap3A_498, %swap3A_499] {strides = array<i32>} : memref<128x144xf32, #tpu.memory_space<vmem>>, vector<1x16xf32>,
          %swap3A_501 = vector.shape_cast %swap3A_500 : vector<1x16xf32> to vector<16xf32>
          %swap3A_502 = vector.shape_cast %get3A_497 : vector<16xf32> to vector<1x16xf32>
          tpu.vector_store %arg18[%swap3A_498, %swap3A_499], %swap3A_502 {add = true, strides = array<i32>} : memref<128x144xf32, #tpu.memory_space<vmem>>, vector<1x16xf32>,
          %add3A_503 = arith.constant 10 : i32
          %add3A_504 = arith.addi %add3A_374, %add3A_503 : i32
          %get3A_505 = arith.constant 0 : i32
          %get3A_506 = arith.index_cast %get3A_505 : i32 to index
          %get3A_507 = arith.index_cast %add3A_504 : i32 to index
          %get3A_508 = arith.constant 0 : index
          %get3A_509 = tpu.vector_load %arg17[%get3A_506, %get3A_507, %get3A_508] {strides = array<i32>} : memref<2x128x16xf32, #tpu.memory_space<vmem>>, vector<1x1x16xf32>,
          %get3A_510 = vector.shape_cast %get3A_509 : vector<1x1x16xf32> to vector<16xf32>
          %swap3A_511 = arith.index_cast %add3A_504 : i32 to index
          %swap3A_512 = arith.constant 128 : index
          %swap3A_513 = tpu.vector_load %arg18[%swap3A_511, %swap3A_512] {strides = array<i32>} : memref<128x144xf32, #tpu.memory_space<vmem>>, vector<1x16xf32>,
          %swap3A_514 = vector.shape_cast %swap3A_513 : vector<1x16xf32> to vector<16xf32>
          %swap3A_515 = vector.shape_cast %get3A_510 : vector<16xf32> to vector<1x16xf32>
          tpu.vector_store %arg18[%swap3A_511, %swap3A_512], %swap3A_515 {add = true, strides = array<i32>} : memref<128x144xf32, #tpu.memory_space<vmem>>, vector<1x16xf32>,
          %add3A_516 = arith.constant 11 : i32
          %add3A_517 = arith.addi %add3A_374, %add3A_516 : i32
          %get3A_518 = arith.constant 0 : i32
          %get3A_519 = arith.index_cast %get3A_518 : i32 to index
          %get3A_520 = arith.index_cast %add3A_517 : i32 to index
          %get3A_521 = arith.constant 0 : index
          %get3A_522 = tpu.vector_load %arg17[%get3A_519, %get3A_520, %get3A_521] {strides = array<i32>} : memref<2x128x16xf32, #tpu.memory_space<vmem>>, vector<1x1x16xf32>,
          %get3A_523 = vector.shape_cast %get3A_522 : vector<1x1x16xf32> to vector<16xf32>
          %swap3A_524 = arith.index_cast %add3A_517 : i32 to index
          %swap3A_525 = arith.constant 128 : index
          %swap3A_526 = tpu.vector_load %arg18[%swap3A_524, %swap3A_525] {strides = array<i32>} : memref<128x144xf32, #tpu.memory_space<vmem>>, vector<1x16xf32>,
          %swap3A_527 = vector.shape_cast %swap3A_526 : vector<1x16xf32> to vector<16xf32>
          %swap3A_528 = vector.shape_cast %get3A_523 : vector<16xf32> to vector<1x16xf32>
          tpu.vector_store %arg18[%swap3A_524, %swap3A_525], %swap3A_528 {add = true, strides = array<i32>} : memref<128x144xf32, #tpu.memory_space<vmem>>, vector<1x16xf32>,
          %add3A_529 = arith.constant 12 : i32
          %add3A_530 = arith.addi %add3A_374, %add3A_529 : i32
          %get3A_531 = arith.constant 0 : i32
          %get3A_532 = arith.index_cast %get3A_531 : i32 to index
          %get3A_533 = arith.index_cast %add3A_530 : i32 to index
          %get3A_534 = arith.constant 0 : index
          %get3A_535 = tpu.vector_load %arg17[%get3A_532, %get3A_533, %get3A_534] {strides = array<i32>} : memref<2x128x16xf32, #tpu.memory_space<vmem>>, vector<1x1x16xf32>,
          %get3A_536 = vector.shape_cast %get3A_535 : vector<1x1x16xf32> to vector<16xf32>
          %swap3A_537 = arith.index_cast %add3A_530 : i32 to index
          %swap3A_538 = arith.constant 128 : index
          %swap3A_539 = tpu.vector_load %arg18[%swap3A_537, %swap3A_538] {strides = array<i32>} : memref<128x144xf32, #tpu.memory_space<vmem>>, vector<1x16xf32>,
          %swap3A_540 = vector.shape_cast %swap3A_539 : vector<1x16xf32> to vector<16xf32>
          %swap3A_541 = vector.shape_cast %get3A_536 : vector<16xf32> to vector<1x16xf32>
          tpu.vector_store %arg18[%swap3A_537, %swap3A_538], %swap3A_541 {add = true, strides = array<i32>} : memref<128x144xf32, #tpu.memory_space<vmem>>, vector<1x16xf32>,
          %add3A_542 = arith.constant 13 : i32
          %add3A_543 = arith.addi %add3A_374, %add3A_542 : i32
          %get3A_544 = arith.constant 0 : i32
          %get3A_545 = arith.index_cast %get3A_544 : i32 to index
          %get3A_546 = arith.index_cast %add3A_543 : i32 to index
          %get3A_547 = arith.constant 0 : index
          %get3A_548 = tpu.vector_load %arg17[%get3A_545, %get3A_546, %get3A_547] {strides = array<i32>} : memref<2x128x16xf32, #tpu.memory_space<vmem>>, vector<1x1x16xf32>,
          %get3A_549 = vector.shape_cast %get3A_548 : vector<1x1x16xf32> to vector<16xf32>
          %swap3A_550 = arith.index_cast %add3A_543 : i32 to index
          %swap3A_551 = arith.constant 128 : index
          %swap3A_552 = tpu.vector_load %arg18[%swap3A_550, %swap3A_551] {strides = array<i32>} : memref<128x144xf32, #tpu.memory_space<vmem>>, vector<1x16xf32>,
          %swap3A_553 = vector.shape_cast %swap3A_552 : vector<1x16xf32> to vector<16xf32>
          %swap3A_554 = vector.shape_cast %get3A_549 : vector<16xf32> to vector<1x16xf32>
          tpu.vector_store %arg18[%swap3A_550, %swap3A_551], %swap3A_554 {add = true, strides = array<i32>} : memref<128x144xf32, #tpu.memory_space<vmem>>, vector<1x16xf32>,
          %add3A_555 = arith.constant 14 : i32
          %add3A_556 = arith.addi %add3A_374, %add3A_555 : i32
          %get3A_557 = arith.constant 0 : i32
          %get3A_558 = arith.index_cast %get3A_557 : i32 to index
          %get3A_559 = arith.index_cast %add3A_556 : i32 to index
          %get3A_560 = arith.constant 0 : index
          %get3A_561 = tpu.vector_load %arg17[%get3A_558, %get3A_559, %get3A_560] {strides = array<i32>} : memref<2x128x16xf32, #tpu.memory_space<vmem>>, vector<1x1x16xf32>,
          %get3A_562 = vector.shape_cast %get3A_561 : vector<1x1x16xf32> to vector<16xf32>
          %swap3A_563 = arith.index_cast %add3A_556 : i32 to index
          %swap3A_564 = arith.constant 128 : index
          %swap3A_565 = tpu.vector_load %arg18[%swap3A_563, %swap3A_564] {strides = array<i32>} : memref<128x144xf32, #tpu.memory_space<vmem>>, vector<1x16xf32>,
          %swap3A_566 = vector.shape_cast %swap3A_565 : vector<1x16xf32> to vector<16xf32>
          %swap3A_567 = vector.shape_cast %get3A_562 : vector<16xf32> to vector<1x16xf32>
          tpu.vector_store %arg18[%swap3A_563, %swap3A_564], %swap3A_567 {add = true, strides = array<i32>} : memref<128x144xf32, #tpu.memory_space<vmem>>, vector<1x16xf32>,
          %add3A_568 = arith.constant 15 : i32
          %add3A_569 = arith.addi %add3A_374, %add3A_568 : i32
          %get3A_570 = arith.constant 0 : i32
          %get3A_571 = arith.index_cast %get3A_570 : i32 to index
          %get3A_572 = arith.index_cast %add3A_569 : i32 to index
          %get3A_573 = arith.constant 0 : index
          %get3A_574 = tpu.vector_load %arg17[%get3A_571, %get3A_572, %get3A_573] {strides = array<i32>} : memref<2x128x16xf32, #tpu.memory_space<vmem>>, vector<1x1x16xf32>,
          %get3A_575 = vector.shape_cast %get3A_574 : vector<1x1x16xf32> to vector<16xf32>
          %swap3A_576 = arith.index_cast %add3A_569 : i32 to index
          %swap3A_577 = arith.constant 128 : index
          %swap3A_578 = tpu.vector_load %arg18[%swap3A_576, %swap3A_577] {strides = array<i32>} : memref<128x144xf32, #tpu.memory_space<vmem>>, vector<1x16xf32>,
          %swap3A_579 = vector.shape_cast %swap3A_578 : vector<1x16xf32> to vector<16xf32>
          %swap3A_580 = vector.shape_cast %get3A_575 : vector<16xf32> to vector<1x16xf32>
          tpu.vector_store %arg18[%swap3A_576, %swap3A_577], %swap3A_580 {add = true, strides = array<i32>} : memref<128x144xf32, #tpu.memory_space<vmem>>, vector<1x16xf32>,
        }
        %scan3A_362 = arith.constant 8 : i32
        %add3A_363 = arith.constant 3 : i32
        %add3A_364 = arith.addi %add3A_324, %add3A_363 : i32
        %lt3A_365 = arith.constant 50 : i32
        %lt3A_366 = arith.cmpi slt, %add3A_364, %lt3A_365 : i32
        %convert_element_type3A_367 = arith.extui %lt3A_366 : i1 to i32
        %cond3A_368 = arith.constant 0 : i32
        %cond3A_369 = arith.cmpi ne, %convert_element_type3A_367, %cond3A_368 : i32
        scf.if %cond3A_369 {
          %add3A_370 = arith.constant 3 : i32
          %add3A_371 = arith.addi %add3A_324, %add3A_370 : i32
          %dma_start3A_372 = arith.constant 0 : i32
          %dma_start3A_373 = arith.constant 0 : i32
          %dma_start3A_374 = arith.constant 0 : i32
          %dma_start3A_375 = tpu.memref_slice %arg17[%dma_start3A_372, %dma_start3A_373, %dma_start3A_374] : memref<2x128x16xf32, #tpu.memory_space<vmem>> -> memref<1x128x16xf32, #tpu.memory_space<vmem>>
          %dma_start3A_376 = tpu.memref_squeeze %dma_start3A_375 : memref<1x128x16xf32, #tpu.memory_space<vmem>> -> memref<128x16xf32, #tpu.memory_space<vmem>>
          %dma_start3A_377 = arith.constant 0 : i32
          %dma_start3A_378 = tpu.memref_slice %arg15[%add3A_371, %dma_start3A_377] : memref<50x128xi32, #tpu.memory_space<vmem>> -> memref<1x128xi32, #tpu.memory_space<vmem>>
          %dma_start3A_379 = tpu.memref_squeeze %dma_start3A_378 : memref<1x128xi32, #tpu.memory_space<vmem>> -> memref<128xi32, #tpu.memory_space<vmem>>
          %dma_start3A_380 = arith.constant 0 : i32
          %dma_start3A_381 = arith.constant 0 : i32
          %dma_start3A_382 = tpu.memref_slice %arg12[%dma_start3A_380, %dma_start3A_381] : memref<1000000x16xf32, #tpu.memory_space<hbm>> -> memref<1000000x16xf32, #tpu.memory_space<hbm>>
          tpu.enqueue_indirect_dma source(%dma_start3A_382 : memref<1000000x16xf32, #tpu.memory_space<hbm>>) target(%dma_start3A_376 : memref<128x16xf32, #tpu.memory_space<vmem>>) offsets(%dma_start3A_379 : memref<128xi32, #tpu.memory_space<vmem>>) semaphore(%arg20 : memref<!tpu.dma_semaphore, #tpu.memory_space<semaphore_mem>>)
        } else {
        }
      }
      %scan3A_166 = arith.constant 24 : i32
      %dma_wait3A_167 = arith.constant 0 : i32
      %dma_wait3A_168 = arith.constant 1 : i32
      %dma_wait3A_169 = arith.constant 0 : i32
      %dma_wait3A_170 = arith.constant 0 : i32
      %dma_wait3A_171 = tpu.memref_slice %arg17[%dma_wait3A_168, %dma_wait3A_169, %dma_wait3A_170] : memref<2x128x16xf32, #tpu.memory_space<vmem>> -> memref<1x128x16xf32, #tpu.memory_space<vmem>>
      %dma_wait3A_172 = tpu.memref_squeeze %dma_wait3A_171 : memref<1x128x16xf32, #tpu.memory_space<vmem>> -> memref<128x16xf32, #tpu.memory_space<vmem>>
      %dma_wait3A_173 = arith.constant 0 : i32
      %dma_wait3A_174 = tpu.memref_slice %arg15[%dma_wait3A_167, %dma_wait3A_173] : memref<50x128xi32, #tpu.memory_space<vmem>> -> memref<1x128xi32, #tpu.memory_space<vmem>>
      %dma_wait3A_175 = tpu.memref_squeeze %dma_wait3A_174 : memref<1x128xi32, #tpu.memory_space<vmem>> -> memref<128xi32, #tpu.memory_space<vmem>>
      %dma_wait3A_176 = arith.constant 0 : i32
      %dma_wait3A_177 = arith.constant 0 : i32
      %dma_wait3A_178 = tpu.memref_slice %arg12[%dma_wait3A_176, %dma_wait3A_177] : memref<1000000x16xf32, #tpu.memory_space<hbm>> -> memref<1000000x16xf32, #tpu.memory_space<hbm>>
      tpu.wait_indirect_dma semaphore(%arg21 : memref<!tpu.dma_semaphore, #tpu.memory_space<semaphore_mem>>) src(%dma_wait3A_178 : memref<1000000x16xf32, #tpu.memory_space<hbm>>) dst(%dma_wait3A_172 : memref<128x16xf32, #tpu.memory_space<vmem>>)
      %scan3A_179 = arith.constant 0 : i32
      %scan3A_180 = arith.constant 8 : i32
      %scan3A_181 = arith.addi %scan3A_179, %scan3A_180 : i32
      %scan3A_182 = arith.constant 1 : i32
      scf.for %scan3A_320 = %scan3A_179 to %scan3A_181 step %scan3A_182  : i32 {
        %mul3A_321 = arith.constant 16 : i32
        %mul3A_322 = arith.muli %scan3A_320, %mul3A_321 : i32
        %add3A_323 = arith.constant 0 : i32
        %add3A_324 = arith.addi %add3A_323, %mul3A_322 : i32
        %add3A_325 = arith.constant 0 : i32
        %add3A_326 = arith.addi %add3A_324, %add3A_325 : i32
        %get3A = arith.constant 1 : i32
        %get3A_327 = arith.index_cast %get3A : i32 to index
        %get3A_328 = arith.index_cast %add3A_326 : i32 to index
        %get3A_329 = arith.constant 0 : index
        %get3A_330 = tpu.vector_load %arg17[%get3A_327, %get3A_328, %get3A_329] {strides = array<i32>} : memref<2x128x16xf32, #tpu.memory_space<vmem>>, vector<1x1x16xf32>,
        %get3A_331 = vector.shape_cast %get3A_330 : vector<1x1x16xf32> to vector<16xf32>
        %swap3A = arith.index_cast %add3A_326 : i32 to index
        %swap3A_332 = arith.constant 128 : index
        %swap3A_333 = tpu.vector_load %arg18[%swap3A, %swap3A_332] {strides = array<i32>} : memref<128x144xf32, #tpu.memory_space<vmem>>, vector<1x16xf32>,
        %swap3A_334 = vector.shape_cast %swap3A_333 : vector<1x16xf32> to vector<16xf32>
        %swap3A_335 = vector.shape_cast %get3A_331 : vector<16xf32> to vector<1x16xf32>
        tpu.vector_store %arg18[%swap3A, %swap3A_332], %swap3A_335 {add = true, strides = array<i32>} : memref<128x144xf32, #tpu.memory_space<vmem>>, vector<1x16xf32>,
        %add3A_336 = arith.constant 1 : i32
        %add3A_337 = arith.addi %add3A_324, %add3A_336 : i32
        %get3A_338 = arith.constant 1 : i32
        %get3A_339 = arith.index_cast %get3A_338 : i32 to index
        %get3A_340 = arith.index_cast %add3A_337 : i32 to index
        %get3A_341 = arith.constant 0 : index
        %get3A_342 = tpu.vector_load %arg17[%get3A_339, %get3A_340, %get3A_341] {strides = array<i32>} : memref<2x128x16xf32, #tpu.memory_space<vmem>>, vector<1x1x16xf32>,
        %get3A_343 = vector.shape_cast %get3A_342 : vector<1x1x16xf32> to vector<16xf32>
        %swap3A_344 = arith.index_cast %add3A_337 : i32 to index
        %swap3A_345 = arith.constant 128 : index
        %swap3A_346 = tpu.vector_load %arg18[%swap3A_344, %swap3A_345] {strides = array<i32>} : memref<128x144xf32, #tpu.memory_space<vmem>>, vector<1x16xf32>,
        %swap3A_347 = vector.shape_cast %swap3A_346 : vector<1x16xf32> to vector<16xf32>
        %swap3A_348 = vector.shape_cast %get3A_343 : vector<16xf32> to vector<1x16xf32>
        tpu.vector_store %arg18[%swap3A_344, %swap3A_345], %swap3A_348 {add = true, strides = array<i32>} : memref<128x144xf32, #tpu.memory_space<vmem>>, vector<1x16xf32>,
        %add3A_349 = arith.constant 2 : i32
        %add3A_350 = arith.addi %add3A_324, %add3A_349 : i32
        %get3A_351 = arith.constant 1 : i32
        %get3A_352 = arith.index_cast %get3A_351 : i32 to index
        %get3A_353 = arith.index_cast %add3A_350 : i32 to index
        %get3A_354 = arith.constant 0 : index
        %get3A_355 = tpu.vector_load %arg17[%get3A_352, %get3A_353, %get3A_354] {strides = array<i32>} : memref<2x128x16xf32, #tpu.memory_space<vmem>>, vector<1x1x16xf32>,
        %get3A_356 = vector.shape_cast %get3A_355 : vector<1x1x16xf32> to vector<16xf32>
        %swap3A_357 = arith.index_cast %add3A_350 : i32 to index
        %swap3A_358 = arith.constant 128 : index
        %swap3A_359 = tpu.vector_load %arg18[%swap3A_357, %swap3A_358] {strides = array<i32>} : memref<128x144xf32, #tpu.memory_space<vmem>>, vector<1x16xf32>,
        %swap3A_360 = vector.shape_cast %swap3A_359 : vector<1x16xf32> to vector<16xf32>
        %swap3A_361 = vector.shape_cast %get3A_356 : vector<16xf32> to vector<1x16xf32>
        tpu.vector_store %arg18[%swap3A_357, %swap3A_358], %swap3A_361 {add = true, strides = array<i32>} : memref<128x144xf32, #tpu.memory_space<vmem>>, vector<1x16xf32>,
        %add3A_362 = arith.constant 3 : i32
        %add3A_363 = arith.addi %add3A_324, %add3A_362 : i32
        %get3A_364 = arith.constant 1 : i32
        %get3A_365 = arith.index_cast %get3A_364 : i32 to index
        %get3A_366 = arith.index_cast %add3A_363 : i32 to index
        %get3A_367 = arith.constant 0 : index
        %get3A_368 = tpu.vector_load %arg17[%get3A_365, %get3A_366, %get3A_367] {strides = array<i32>} : memref<2x128x16xf32, #tpu.memory_space<vmem>>, vector<1x1x16xf32>,
        %get3A_369 = vector.shape_cast %get3A_368 : vector<1x1x16xf32> to vector<16xf32>
        %swap3A_370 = arith.index_cast %add3A_363 : i32 to index
        %swap3A_371 = arith.constant 128 : index
        %swap3A_372 = tpu.vector_load %arg18[%swap3A_370, %swap3A_371] {strides = array<i32>} : memref<128x144xf32, #tpu.memory_space<vmem>>, vector<1x16xf32>,
        %swap3A_373 = vector.shape_cast %swap3A_372 : vector<1x16xf32> to vector<16xf32>
        %swap3A_374 = vector.shape_cast %get3A_369 : vector<16xf32> to vector<1x16xf32>
        tpu.vector_store %arg18[%swap3A_370, %swap3A_371], %swap3A_374 {add = true, strides = array<i32>} : memref<128x144xf32, #tpu.memory_space<vmem>>, vector<1x16xf32>,
        %add3A_375 = arith.constant 4 : i32
        %add3A_376 = arith.addi %add3A_324, %add3A_375 : i32
        %get3A_377 = arith.constant 1 : i32
        %get3A_378 = arith.index_cast %get3A_377 : i32 to index
        %get3A_379 = arith.index_cast %add3A_376 : i32 to index
        %get3A_380 = arith.constant 0 : index
        %get3A_381 = tpu.vector_load %arg17[%get3A_378, %get3A_379, %get3A_380] {strides = array<i32>} : memref<2x128x16xf32, #tpu.memory_space<vmem>>, vector<1x1x16xf32>,
        %get3A_382 = vector.shape_cast %get3A_381 : vector<1x1x16xf32> to vector<16xf32>
        %swap3A_383 = arith.index_cast %add3A_376 : i32 to index
        %swap3A_384 = arith.constant 128 : index
        %swap3A_385 = tpu.vector_load %arg18[%swap3A_383, %swap3A_384] {strides = array<i32>} : memref<128x144xf32, #tpu.memory_space<vmem>>, vector<1x16xf32>,
        %swap3A_386 = vector.shape_cast %swap3A_385 : vector<1x16xf32> to vector<16xf32>
        %swap3A_387 = vector.shape_cast %get3A_382 : vector<16xf32> to vector<1x16xf32>
        tpu.vector_store %arg18[%swap3A_383, %swap3A_384], %swap3A_387 {add = true, strides = array<i32>} : memref<128x144xf32, #tpu.memory_space<vmem>>, vector<1x16xf32>,
        %add3A_388 = arith.constant 5 : i32
        %add3A_389 = arith.addi %add3A_324, %add3A_388 : i32
        %get3A_390 = arith.constant 1 : i32
        %get3A_391 = arith.index_cast %get3A_390 : i32 to index
        %get3A_392 = arith.index_cast %add3A_389 : i32 to index
        %get3A_393 = arith.constant 0 : index
        %get3A_394 = tpu.vector_load %arg17[%get3A_391, %get3A_392, %get3A_393] {strides = array<i32>} : memref<2x128x16xf32, #tpu.memory_space<vmem>>, vector<1x1x16xf32>,
        %get3A_395 = vector.shape_cast %get3A_394 : vector<1x1x16xf32> to vector<16xf32>
        %swap3A_396 = arith.index_cast %add3A_389 : i32 to index
        %swap3A_397 = arith.constant 128 : index
        %swap3A_398 = tpu.vector_load %arg18[%swap3A_396, %swap3A_397] {strides = array<i32>} : memref<128x144xf32, #tpu.memory_space<vmem>>, vector<1x16xf32>,
        %swap3A_399 = vector.shape_cast %swap3A_398 : vector<1x16xf32> to vector<16xf32>
        %swap3A_400 = vector.shape_cast %get3A_395 : vector<16xf32> to vector<1x16xf32>
        tpu.vector_store %arg18[%swap3A_396, %swap3A_397], %swap3A_400 {add = true, strides = array<i32>} : memref<128x144xf32, #tpu.memory_space<vmem>>, vector<1x16xf32>,
        %add3A_401 = arith.constant 6 : i32
        %add3A_402 = arith.addi %add3A_324, %add3A_401 : i32
        %get3A_403 = arith.constant 1 : i32
        %get3A_404 = arith.index_cast %get3A_403 : i32 to index
        %get3A_405 = arith.index_cast %add3A_402 : i32 to index
        %get3A_406 = arith.constant 0 : index
        %get3A_407 = tpu.vector_load %arg17[%get3A_404, %get3A_405, %get3A_406] {strides = array<i32>} : memref<2x128x16xf32, #tpu.memory_space<vmem>>, vector<1x1x16xf32>,
        %get3A_408 = vector.shape_cast %get3A_407 : vector<1x1x16xf32> to vector<16xf32>
        %swap3A_409 = arith.index_cast %add3A_402 : i32 to index
        %swap3A_410 = arith.constant 128 : index
        %swap3A_411 = tpu.vector_load %arg18[%swap3A_409, %swap3A_410] {strides = array<i32>} : memref<128x144xf32, #tpu.memory_space<vmem>>, vector<1x16xf32>,
        %swap3A_412 = vector.shape_cast %swap3A_411 : vector<1x16xf32> to vector<16xf32>
        %swap3A_413 = vector.shape_cast %get3A_408 : vector<16xf32> to vector<1x16xf32>
        tpu.vector_store %arg18[%swap3A_409, %swap3A_410], %swap3A_413 {add = true, strides = array<i32>} : memref<128x144xf32, #tpu.memory_space<vmem>>, vector<1x16xf32>,
        %add3A_414 = arith.constant 7 : i32
        %add3A_415 = arith.addi %add3A_324, %add3A_414 : i32
        %get3A_416 = arith.constant 1 : i32
        %get3A_417 = arith.index_cast %get3A_416 : i32 to index
        %get3A_418 = arith.index_cast %add3A_415 : i32 to index
        %get3A_419 = arith.constant 0 : index
        %get3A_420 = tpu.vector_load %arg17[%get3A_417, %get3A_418, %get3A_419] {strides = array<i32>} : memref<2x128x16xf32, #tpu.memory_space<vmem>>, vector<1x1x16xf32>,
        %get3A_421 = vector.shape_cast %get3A_420 : vector<1x1x16xf32> to vector<16xf32>
        %swap3A_422 = arith.index_cast %add3A_415 : i32 to index
        %swap3A_423 = arith.constant 128 : index
        %swap3A_424 = tpu.vector_load %arg18[%swap3A_422, %swap3A_423] {strides = array<i32>} : memref<128x144xf32, #tpu.memory_space<vmem>>, vector<1x16xf32>,
        %swap3A_425 = vector.shape_cast %swap3A_424 : vector<1x16xf32> to vector<16xf32>
        %swap3A_426 = vector.shape_cast %get3A_421 : vector<16xf32> to vector<1x16xf32>
        tpu.vector_store %arg18[%swap3A_422, %swap3A_423], %swap3A_426 {add = true, strides = array<i32>} : memref<128x144xf32, #tpu.memory_space<vmem>>, vector<1x16xf32>,
        %add3A_427 = arith.constant 8 : i32
        %add3A_428 = arith.addi %add3A_324, %add3A_427 : i32
        %get3A_429 = arith.constant 1 : i32
        %get3A_430 = arith.index_cast %get3A_429 : i32 to index
        %get3A_431 = arith.index_cast %add3A_428 : i32 to index
        %get3A_432 = arith.constant 0 : index
        %get3A_433 = tpu.vector_load %arg17[%get3A_430, %get3A_431, %get3A_432] {strides = array<i32>} : memref<2x128x16xf32, #tpu.memory_space<vmem>>, vector<1x1x16xf32>,
        %get3A_434 = vector.shape_cast %get3A_433 : vector<1x1x16xf32> to vector<16xf32>
        %swap3A_435 = arith.index_cast %add3A_428 : i32 to index
        %swap3A_436 = arith.constant 128 : index
        %swap3A_437 = tpu.vector_load %arg18[%swap3A_435, %swap3A_436] {strides = array<i32>} : memref<128x144xf32, #tpu.memory_space<vmem>>, vector<1x16xf32>,
        %swap3A_438 = vector.shape_cast %swap3A_437 : vector<1x16xf32> to vector<16xf32>
        %swap3A_439 = vector.shape_cast %get3A_434 : vector<16xf32> to vector<1x16xf32>
        tpu.vector_store %arg18[%swap3A_435, %swap3A_436], %swap3A_439 {add = true, strides = array<i32>} : memref<128x144xf32, #tpu.memory_space<vmem>>, vector<1x16xf32>,
        %add3A_440 = arith.constant 9 : i32
        %add3A_441 = arith.addi %add3A_324, %add3A_440 : i32
        %get3A_442 = arith.constant 1 : i32
        %get3A_443 = arith.index_cast %get3A_442 : i32 to index
        %get3A_444 = arith.index_cast %add3A_441 : i32 to index
        %get3A_445 = arith.constant 0 : index
        %get3A_446 = tpu.vector_load %arg17[%get3A_443, %get3A_444, %get3A_445] {strides = array<i32>} : memref<2x128x16xf32, #tpu.memory_space<vmem>>, vector<1x1x16xf32>,
        %get3A_447 = vector.shape_cast %get3A_446 : vector<1x1x16xf32> to vector<16xf32>
        %swap3A_448 = arith.index_cast %add3A_441 : i32 to index
        %swap3A_449 = arith.constant 128 : index
        %swap3A_450 = tpu.vector_load %arg18[%swap3A_448, %swap3A_449] {strides = array<i32>} : memref<128x144xf32, #tpu.memory_space<vmem>>, vector<1x16xf32>,
        %swap3A_451 = vector.shape_cast %swap3A_450 : vector<1x16xf32> to vector<16xf32>
        %swap3A_452 = vector.shape_cast %get3A_447 : vector<16xf32> to vector<1x16xf32>
        tpu.vector_store %arg18[%swap3A_448, %swap3A_449], %swap3A_452 {add = true, strides = array<i32>} : memref<128x144xf32, #tpu.memory_space<vmem>>, vector<1x16xf32>,
        %add3A_453 = arith.constant 10 : i32
        %add3A_454 = arith.addi %add3A_324, %add3A_453 : i32
        %get3A_455 = arith.constant 1 : i32
        %get3A_456 = arith.index_cast %get3A_455 : i32 to index
        %get3A_457 = arith.index_cast %add3A_454 : i32 to index
        %get3A_458 = arith.constant 0 : index
        %get3A_459 = tpu.vector_load %arg17[%get3A_456, %get3A_457, %get3A_458] {strides = array<i32>} : memref<2x128x16xf32, #tpu.memory_space<vmem>>, vector<1x1x16xf32>,
        %get3A_460 = vector.shape_cast %get3A_459 : vector<1x1x16xf32> to vector<16xf32>
        %swap3A_461 = arith.index_cast %add3A_454 : i32 to index
        %swap3A_462 = arith.constant 128 : index
        %swap3A_463 = tpu.vector_load %arg18[%swap3A_461, %swap3A_462] {strides = array<i32>} : memref<128x144xf32, #tpu.memory_space<vmem>>, vector<1x16xf32>,
        %swap3A_464 = vector.shape_cast %swap3A_463 : vector<1x16xf32> to vector<16xf32>
        %swap3A_465 = vector.shape_cast %get3A_460 : vector<16xf32> to vector<1x16xf32>
        tpu.vector_store %arg18[%swap3A_461, %swap3A_462], %swap3A_465 {add = true, strides = array<i32>} : memref<128x144xf32, #tpu.memory_space<vmem>>, vector<1x16xf32>,
        %add3A_466 = arith.constant 11 : i32
        %add3A_467 = arith.addi %add3A_324, %add3A_466 : i32
        %get3A_468 = arith.constant 1 : i32
        %get3A_469 = arith.index_cast %get3A_468 : i32 to index
        %get3A_470 = arith.index_cast %add3A_467 : i32 to index
        %get3A_471 = arith.constant 0 : index
        %get3A_472 = tpu.vector_load %arg17[%get3A_469, %get3A_470, %get3A_471] {strides = array<i32>} : memref<2x128x16xf32, #tpu.memory_space<vmem>>, vector<1x1x16xf32>,
        %get3A_473 = vector.shape_cast %get3A_472 : vector<1x1x16xf32> to vector<16xf32>
        %swap3A_474 = arith.index_cast %add3A_467 : i32 to index
        %swap3A_475 = arith.constant 128 : index
        %swap3A_476 = tpu.vector_load %arg18[%swap3A_474, %swap3A_475] {strides = array<i32>} : memref<128x144xf32, #tpu.memory_space<vmem>>, vector<1x16xf32>,
        %swap3A_477 = vector.shape_cast %swap3A_476 : vector<1x16xf32> to vector<16xf32>
        %swap3A_478 = vector.shape_cast %get3A_473 : vector<16xf32> to vector<1x16xf32>
        tpu.vector_store %arg18[%swap3A_474, %swap3A_475], %swap3A_478 {add = true, strides = array<i32>} : memref<128x144xf32, #tpu.memory_space<vmem>>, vector<1x16xf32>,
        %add3A_479 = arith.constant 12 : i32
        %add3A_480 = arith.addi %add3A_324, %add3A_479 : i32
        %get3A_481 = arith.constant 1 : i32
        %get3A_482 = arith.index_cast %get3A_481 : i32 to index
        %get3A_483 = arith.index_cast %add3A_480 : i32 to index
        %get3A_484 = arith.constant 0 : index
        %get3A_485 = tpu.vector_load %arg17[%get3A_482, %get3A_483, %get3A_484] {strides = array<i32>} : memref<2x128x16xf32, #tpu.memory_space<vmem>>, vector<1x1x16xf32>,
        %get3A_486 = vector.shape_cast %get3A_485 : vector<1x1x16xf32> to vector<16xf32>
        %swap3A_487 = arith.index_cast %add3A_480 : i32 to index
        %swap3A_488 = arith.constant 128 : index
        %swap3A_489 = tpu.vector_load %arg18[%swap3A_487, %swap3A_488] {strides = array<i32>} : memref<128x144xf32, #tpu.memory_space<vmem>>, vector<1x16xf32>,
        %swap3A_490 = vector.shape_cast %swap3A_489 : vector<1x16xf32> to vector<16xf32>
        %swap3A_491 = vector.shape_cast %get3A_486 : vector<16xf32> to vector<1x16xf32>
        tpu.vector_store %arg18[%swap3A_487, %swap3A_488], %swap3A_491 {add = true, strides = array<i32>} : memref<128x144xf32, #tpu.memory_space<vmem>>, vector<1x16xf32>,
        %add3A_492 = arith.constant 13 : i32
        %add3A_493 = arith.addi %add3A_324, %add3A_492 : i32
        %get3A_494 = arith.constant 1 : i32
        %get3A_495 = arith.index_cast %get3A_494 : i32 to index
        %get3A_496 = arith.index_cast %add3A_493 : i32 to index
        %get3A_497 = arith.constant 0 : index
        %get3A_498 = tpu.vector_load %arg17[%get3A_495, %get3A_496, %get3A_497] {strides = array<i32>} : memref<2x128x16xf32, #tpu.memory_space<vmem>>, vector<1x1x16xf32>,
        %get3A_499 = vector.shape_cast %get3A_498 : vector<1x1x16xf32> to vector<16xf32>
        %swap3A_500 = arith.index_cast %add3A_493 : i32 to index
        %swap3A_501 = arith.constant 128 : index
        %swap3A_502 = tpu.vector_load %arg18[%swap3A_500, %swap3A_501] {strides = array<i32>} : memref<128x144xf32, #tpu.memory_space<vmem>>, vector<1x16xf32>,
        %swap3A_503 = vector.shape_cast %swap3A_502 : vector<1x16xf32> to vector<16xf32>
        %swap3A_504 = vector.shape_cast %get3A_499 : vector<16xf32> to vector<1x16xf32>
        tpu.vector_store %arg18[%swap3A_500, %swap3A_501], %swap3A_504 {add = true, strides = array<i32>} : memref<128x144xf32, #tpu.memory_space<vmem>>, vector<1x16xf32>,
        %add3A_505 = arith.constant 14 : i32
        %add3A_506 = arith.addi %add3A_324, %add3A_505 : i32
        %get3A_507 = arith.constant 1 : i32
        %get3A_508 = arith.index_cast %get3A_507 : i32 to index
        %get3A_509 = arith.index_cast %add3A_506 : i32 to index
        %get3A_510 = arith.constant 0 : index
        %get3A_511 = tpu.vector_load %arg17[%get3A_508, %get3A_509, %get3A_510] {strides = array<i32>} : memref<2x128x16xf32, #tpu.memory_space<vmem>>, vector<1x1x16xf32>,
        %get3A_512 = vector.shape_cast %get3A_511 : vector<1x1x16xf32> to vector<16xf32>
        %swap3A_513 = arith.index_cast %add3A_506 : i32 to index
        %swap3A_514 = arith.constant 128 : index
        %swap3A_515 = tpu.vector_load %arg18[%swap3A_513, %swap3A_514] {strides = array<i32>} : memref<128x144xf32, #tpu.memory_space<vmem>>, vector<1x16xf32>,
        %swap3A_516 = vector.shape_cast %swap3A_515 : vector<1x16xf32> to vector<16xf32>
        %swap3A_517 = vector.shape_cast %get3A_512 : vector<16xf32> to vector<1x16xf32>
        tpu.vector_store %arg18[%swap3A_513, %swap3A_514], %swap3A_517 {add = true, strides = array<i32>} : memref<128x144xf32, #tpu.memory_space<vmem>>, vector<1x16xf32>,
        %add3A_518 = arith.constant 15 : i32
        %add3A_519 = arith.addi %add3A_324, %add3A_518 : i32
        %get3A_520 = arith.constant 1 : i32
        %get3A_521 = arith.index_cast %get3A_520 : i32 to index
        %get3A_522 = arith.index_cast %add3A_519 : i32 to index
        %get3A_523 = arith.constant 0 : index
        %get3A_524 = tpu.vector_load %arg17[%get3A_521, %get3A_522, %get3A_523] {strides = array<i32>} : memref<2x128x16xf32, #tpu.memory_space<vmem>>, vector<1x1x16xf32>,
        %get3A_525 = vector.shape_cast %get3A_524 : vector<1x1x16xf32> to vector<16xf32>
        %swap3A_526 = arith.index_cast %add3A_519 : i32 to index
        %swap3A_527 = arith.constant 128 : index
        %swap3A_528 = tpu.vector_load %arg18[%swap3A_526, %swap3A_527] {strides = array<i32>} : memref<128x144xf32, #tpu.memory_space<vmem>>, vector<1x16xf32>,
        %swap3A_529 = vector.shape_cast %swap3A_528 : vector<1x16xf32> to vector<16xf32>
        %swap3A_530 = vector.shape_cast %get3A_525 : vector<16xf32> to vector<1x16xf32>
        tpu.vector_store %arg18[%swap3A_526, %swap3A_527], %swap3A_530 {add = true, strides = array<i32>} : memref<128x144xf32, #tpu.memory_space<vmem>>, vector<1x16xf32>,
      }
      %scan3A_183 = arith.constant 8 : i32
      %dma_wait3A_184 = arith.constant 0 : i32
      %dma_wait3A_185 = arith.constant 0 : i32
      %dma_wait3A_186 = arith.constant 0 : i32
      %dma_wait3A_187 = arith.constant 0 : i32
      %dma_wait3A_188 = tpu.memref_slice %arg16[%dma_wait3A_185, %dma_wait3A_186, %dma_wait3A_187] : memref<8x128x16xf32, #tpu.memory_space<vmem>> -> memref<1x128x16xf32, #tpu.memory_space<vmem>>
      %dma_wait3A_189 = tpu.memref_squeeze %dma_wait3A_188 : memref<1x128x16xf32, #tpu.memory_space<vmem>> -> memref<128x16xf32, #tpu.memory_space<vmem>>
      %dma_wait3A_190 = arith.constant 0 : i32
      %dma_wait3A_191 = tpu.memref_slice %arg14[%dma_wait3A_184, %dma_wait3A_190] : memref<8x128xi32, #tpu.memory_space<vmem>> -> memref<1x128xi32, #tpu.memory_space<vmem>>
      %dma_wait3A_192 = tpu.memref_squeeze %dma_wait3A_191 : memref<1x128xi32, #tpu.memory_space<vmem>> -> memref<128xi32, #tpu.memory_space<vmem>>
      %dma_wait3A_193 = arith.constant 0 : i32
      %dma_wait3A_194 = arith.constant 0 : i32
      %dma_wait3A_195 = tpu.memref_slice %arg4[%dma_wait3A_193, %dma_wait3A_194] : memref<1000000x16xf32, #tpu.memory_space<hbm>> -> memref<1000000x16xf32, #tpu.memory_space<hbm>>
      tpu.wait_indirect_dma semaphore(%arg19 : memref<!tpu.dma_semaphore, #tpu.memory_space<semaphore_mem>>) src(%dma_wait3A_195 : memref<1000000x16xf32, #tpu.memory_space<hbm>>) dst(%dma_wait3A_189 : memref<128x16xf32, #tpu.memory_space<vmem>>)
      %dma_wait3A_196 = arith.constant 1 : i32
      %dma_wait3A_197 = arith.constant 1 : i32
      %dma_wait3A_198 = arith.constant 0 : i32
      %dma_wait3A_199 = arith.constant 0 : i32
      %dma_wait3A_200 = tpu.memref_slice %arg16[%dma_wait3A_197, %dma_wait3A_198, %dma_wait3A_199] : memref<8x128x16xf32, #tpu.memory_space<vmem>> -> memref<1x128x16xf32, #tpu.memory_space<vmem>>
      %dma_wait3A_201 = tpu.memref_squeeze %dma_wait3A_200 : memref<1x128x16xf32, #tpu.memory_space<vmem>> -> memref<128x16xf32, #tpu.memory_space<vmem>>
      %dma_wait3A_202 = arith.constant 0 : i32
      %dma_wait3A_203 = tpu.memref_slice %arg14[%dma_wait3A_196, %dma_wait3A_202] : memref<8x128xi32, #tpu.memory_space<vmem>> -> memref<1x128xi32, #tpu.memory_space<vmem>>
      %dma_wait3A_204 = tpu.memref_squeeze %dma_wait3A_203 : memref<1x128xi32, #tpu.memory_space<vmem>> -> memref<128xi32, #tpu.memory_space<vmem>>
      %dma_wait3A_205 = arith.constant 0 : i32
      %dma_wait3A_206 = arith.constant 0 : i32
      %dma_wait3A_207 = tpu.memref_slice %arg5[%dma_wait3A_205, %dma_wait3A_206] : memref<1000000x16xf32, #tpu.memory_space<hbm>> -> memref<1000000x16xf32, #tpu.memory_space<hbm>>
      tpu.wait_indirect_dma semaphore(%arg19 : memref<!tpu.dma_semaphore, #tpu.memory_space<semaphore_mem>>) src(%dma_wait3A_207 : memref<1000000x16xf32, #tpu.memory_space<hbm>>) dst(%dma_wait3A_201 : memref<128x16xf32, #tpu.memory_space<vmem>>)
      %dma_wait3A_208 = arith.constant 2 : i32
      %dma_wait3A_209 = arith.constant 2 : i32
      %dma_wait3A_210 = arith.constant 0 : i32
      %dma_wait3A_211 = arith.constant 0 : i32
      %dma_wait3A_212 = tpu.memref_slice %arg16[%dma_wait3A_209, %dma_wait3A_210, %dma_wait3A_211] : memref<8x128x16xf32, #tpu.memory_space<vmem>> -> memref<1x128x16xf32, #tpu.memory_space<vmem>>
      %dma_wait3A_213 = tpu.memref_squeeze %dma_wait3A_212 : memref<1x128x16xf32, #tpu.memory_space<vmem>> -> memref<128x16xf32, #tpu.memory_space<vmem>>
      %dma_wait3A_214 = arith.constant 0 : i32
      %dma_wait3A_215 = tpu.memref_slice %arg14[%dma_wait3A_208, %dma_wait3A_214] : memref<8x128xi32, #tpu.memory_space<vmem>> -> memref<1x128xi32, #tpu.memory_space<vmem>>
      %dma_wait3A_216 = tpu.memref_squeeze %dma_wait3A_215 : memref<1x128xi32, #tpu.memory_space<vmem>> -> memref<128xi32, #tpu.memory_space<vmem>>
      %dma_wait3A_217 = arith.constant 0 : i32
      %dma_wait3A_218 = arith.constant 0 : i32
      %dma_wait3A_219 = tpu.memref_slice %arg6[%dma_wait3A_217, %dma_wait3A_218] : memref<100000x16xf32, #tpu.memory_space<hbm>> -> memref<100000x16xf32, #tpu.memory_space<hbm>>
      tpu.wait_indirect_dma semaphore(%arg19 : memref<!tpu.dma_semaphore, #tpu.memory_space<semaphore_mem>>) src(%dma_wait3A_219 : memref<100000x16xf32, #tpu.memory_space<hbm>>) dst(%dma_wait3A_213 : memref<128x16xf32, #tpu.memory_space<vmem>>)
      %dma_wait3A_220 = arith.constant 3 : i32
      %dma_wait3A_221 = arith.constant 3 : i32
      %dma_wait3A_222 = arith.constant 0 : i32
      %dma_wait3A_223 = arith.constant 0 : i32
      %dma_wait3A_224 = tpu.memref_slice %arg16[%dma_wait3A_221, %dma_wait3A_222, %dma_wait3A_223] : memref<8x128x16xf32, #tpu.memory_space<vmem>> -> memref<1x128x16xf32, #tpu.memory_space<vmem>>
      %dma_wait3A_225 = tpu.memref_squeeze %dma_wait3A_224 : memref<1x128x16xf32, #tpu.memory_space<vmem>> -> memref<128x16xf32, #tpu.memory_space<vmem>>
      %dma_wait3A_226 = arith.constant 0 : i32
      %dma_wait3A_227 = tpu.memref_slice %arg14[%dma_wait3A_220, %dma_wait3A_226] : memref<8x128xi32, #tpu.memory_space<vmem>> -> memref<1x128xi32, #tpu.memory_space<vmem>>
      %dma_wait3A_228 = tpu.memref_squeeze %dma_wait3A_227 : memref<1x128xi32, #tpu.memory_space<vmem>> -> memref<128xi32, #tpu.memory_space<vmem>>
      %dma_wait3A_229 = arith.constant 0 : i32
      %dma_wait3A_230 = arith.constant 0 : i32
      %dma_wait3A_231 = tpu.memref_slice %arg7[%dma_wait3A_229, %dma_wait3A_230] : memref<100000x16xf32, #tpu.memory_space<hbm>> -> memref<100000x16xf32, #tpu.memory_space<hbm>>
      tpu.wait_indirect_dma semaphore(%arg19 : memref<!tpu.dma_semaphore, #tpu.memory_space<semaphore_mem>>) src(%dma_wait3A_231 : memref<100000x16xf32, #tpu.memory_space<hbm>>) dst(%dma_wait3A_225 : memref<128x16xf32, #tpu.memory_space<vmem>>)
      %dma_wait3A_232 = arith.constant 4 : i32
      %dma_wait3A_233 = arith.constant 4 : i32
      %dma_wait3A_234 = arith.constant 0 : i32
      %dma_wait3A_235 = arith.constant 0 : i32
      %dma_wait3A_236 = tpu.memref_slice %arg16[%dma_wait3A_233, %dma_wait3A_234, %dma_wait3A_235] : memref<8x128x16xf32, #tpu.memory_space<vmem>> -> memref<1x128x16xf32, #tpu.memory_space<vmem>>
      %dma_wait3A_237 = tpu.memref_squeeze %dma_wait3A_236 : memref<1x128x16xf32, #tpu.memory_space<vmem>> -> memref<128x16xf32, #tpu.memory_space<vmem>>
      %dma_wait3A_238 = arith.constant 0 : i32
      %dma_wait3A_239 = tpu.memref_slice %arg14[%dma_wait3A_232, %dma_wait3A_238] : memref<8x128xi32, #tpu.memory_space<vmem>> -> memref<1x128xi32, #tpu.memory_space<vmem>>
      %dma_wait3A_240 = tpu.memref_squeeze %dma_wait3A_239 : memref<1x128xi32, #tpu.memory_space<vmem>> -> memref<128xi32, #tpu.memory_space<vmem>>
      %dma_wait3A_241 = arith.constant 0 : i32
      %dma_wait3A_242 = arith.constant 0 : i32
      %dma_wait3A_243 = tpu.memref_slice %arg8[%dma_wait3A_241, %dma_wait3A_242] : memref<100000x16xf32, #tpu.memory_space<hbm>> -> memref<100000x16xf32, #tpu.memory_space<hbm>>
      tpu.wait_indirect_dma semaphore(%arg19 : memref<!tpu.dma_semaphore, #tpu.memory_space<semaphore_mem>>) src(%dma_wait3A_243 : memref<100000x16xf32, #tpu.memory_space<hbm>>) dst(%dma_wait3A_237 : memref<128x16xf32, #tpu.memory_space<vmem>>)
      %dma_wait3A_244 = arith.constant 5 : i32
      %dma_wait3A_245 = arith.constant 5 : i32
      %dma_wait3A_246 = arith.constant 0 : i32
      %dma_wait3A_247 = arith.constant 0 : i32
      %dma_wait3A_248 = tpu.memref_slice %arg16[%dma_wait3A_245, %dma_wait3A_246, %dma_wait3A_247] : memref<8x128x16xf32, #tpu.memory_space<vmem>> -> memref<1x128x16xf32, #tpu.memory_space<vmem>>
      %dma_wait3A_249 = tpu.memref_squeeze %dma_wait3A_248 : memref<1x128x16xf32, #tpu.memory_space<vmem>> -> memref<128x16xf32, #tpu.memory_space<vmem>>
      %dma_wait3A_250 = arith.constant 0 : i32
      %dma_wait3A_251 = tpu.memref_slice %arg14[%dma_wait3A_244, %dma_wait3A_250] : memref<8x128xi32, #tpu.memory_space<vmem>> -> memref<1x128xi32, #tpu.memory_space<vmem>>
      %dma_wait3A_252 = tpu.memref_squeeze %dma_wait3A_251 : memref<1x128xi32, #tpu.memory_space<vmem>> -> memref<128xi32, #tpu.memory_space<vmem>>
      %dma_wait3A_253 = arith.constant 0 : i32
      %dma_wait3A_254 = arith.constant 0 : i32
      %dma_wait3A_255 = tpu.memref_slice %arg9[%dma_wait3A_253, %dma_wait3A_254] : memref<100000x16xf32, #tpu.memory_space<hbm>> -> memref<100000x16xf32, #tpu.memory_space<hbm>>
      tpu.wait_indirect_dma semaphore(%arg19 : memref<!tpu.dma_semaphore, #tpu.memory_space<semaphore_mem>>) src(%dma_wait3A_255 : memref<100000x16xf32, #tpu.memory_space<hbm>>) dst(%dma_wait3A_249 : memref<128x16xf32, #tpu.memory_space<vmem>>)
      %dma_wait3A_256 = arith.constant 6 : i32
      %dma_wait3A_257 = arith.constant 6 : i32
      %dma_wait3A_258 = arith.constant 0 : i32
      %dma_wait3A_259 = arith.constant 0 : i32
      %dma_wait3A_260 = tpu.memref_slice %arg16[%dma_wait3A_257, %dma_wait3A_258, %dma_wait3A_259] : memref<8x128x16xf32, #tpu.memory_space<vmem>> -> memref<1x128x16xf32, #tpu.memory_space<vmem>>
      %dma_wait3A_261 = tpu.memref_squeeze %dma_wait3A_260 : memref<1x128x16xf32, #tpu.memory_space<vmem>> -> memref<128x16xf32, #tpu.memory_space<vmem>>
      %dma_wait3A_262 = arith.constant 0 : i32
      %dma_wait3A_263 = tpu.memref_slice %arg14[%dma_wait3A_256, %dma_wait3A_262] : memref<8x128xi32, #tpu.memory_space<vmem>> -> memref<1x128xi32, #tpu.memory_space<vmem>>
      %dma_wait3A_264 = tpu.memref_squeeze %dma_wait3A_263 : memref<1x128xi32, #tpu.memory_space<vmem>> -> memref<128xi32, #tpu.memory_space<vmem>>
      %dma_wait3A_265 = arith.constant 0 : i32
      %dma_wait3A_266 = arith.constant 0 : i32
      %dma_wait3A_267 = tpu.memref_slice %arg10[%dma_wait3A_265, %dma_wait3A_266] : memref<100000x16xf32, #tpu.memory_space<hbm>> -> memref<100000x16xf32, #tpu.memory_space<hbm>>
      tpu.wait_indirect_dma semaphore(%arg19 : memref<!tpu.dma_semaphore, #tpu.memory_space<semaphore_mem>>) src(%dma_wait3A_267 : memref<100000x16xf32, #tpu.memory_space<hbm>>) dst(%dma_wait3A_261 : memref<128x16xf32, #tpu.memory_space<vmem>>)
      %dma_wait3A_268 = arith.constant 7 : i32
      %dma_wait3A_269 = arith.constant 7 : i32
      %dma_wait3A_270 = arith.constant 0 : i32
      %dma_wait3A_271 = arith.constant 0 : i32
      %dma_wait3A_272 = tpu.memref_slice %arg16[%dma_wait3A_269, %dma_wait3A_270, %dma_wait3A_271] : memref<8x128x16xf32, #tpu.memory_space<vmem>> -> memref<1x128x16xf32, #tpu.memory_space<vmem>>
      %dma_wait3A_273 = tpu.memref_squeeze %dma_wait3A_272 : memref<1x128x16xf32, #tpu.memory_space<vmem>> -> memref<128x16xf32, #tpu.memory_space<vmem>>
      %dma_wait3A_274 = arith.constant 0 : i32
      %dma_wait3A_275 = tpu.memref_slice %arg14[%dma_wait3A_268, %dma_wait3A_274] : memref<8x128xi32, #tpu.memory_space<vmem>> -> memref<1x128xi32, #tpu.memory_space<vmem>>
      %dma_wait3A_276 = tpu.memref_squeeze %dma_wait3A_275 : memref<1x128xi32, #tpu.memory_space<vmem>> -> memref<128xi32, #tpu.memory_space<vmem>>
      %dma_wait3A_277 = arith.constant 0 : i32
      %dma_wait3A_278 = arith.constant 0 : i32
      %dma_wait3A_279 = tpu.memref_slice %arg11[%dma_wait3A_277, %dma_wait3A_278] : memref<100000x16xf32, #tpu.memory_space<hbm>> -> memref<100000x16xf32, #tpu.memory_space<hbm>>
      tpu.wait_indirect_dma semaphore(%arg19 : memref<!tpu.dma_semaphore, #tpu.memory_space<semaphore_mem>>) src(%dma_wait3A_279 : memref<100000x16xf32, #tpu.memory_space<hbm>>) dst(%dma_wait3A_273 : memref<128x16xf32, #tpu.memory_space<vmem>>)
      %scan3A_280 = arith.constant 0 : i32
      %scan3A_281 = arith.constant 8 : i32
      %scan3A_282 = arith.addi %scan3A_280, %scan3A_281 : i32
      %scan3A_283 = arith.constant 1 : i32
      scf.for %scan3A_320 = %scan3A_280 to %scan3A_282 step %scan3A_283  : i32 {
        %mul3A_321 = arith.constant 16 : i32
        %mul3A_322 = arith.muli %scan3A_320, %mul3A_321 : i32
        %add3A_323 = arith.constant 0 : i32
        %add3A_324 = arith.addi %add3A_323, %mul3A_322 : i32
        %add3A_325 = arith.constant 0 : i32
        %add3A_326 = arith.addi %add3A_324, %add3A_325 : i32
        %get3A = arith.constant 0 : i32
        %get3A_327 = arith.index_cast %get3A : i32 to index
        %get3A_328 = arith.index_cast %add3A_326 : i32 to index
        %get3A_329 = arith.constant 0 : index
        %get3A_330 = tpu.vector_load %arg16[%get3A_327, %get3A_328, %get3A_329] {strides = array<i32>} : memref<8x128x16xf32, #tpu.memory_space<vmem>>, vector<1x1x16xf32>,
        %get3A_331 = vector.shape_cast %get3A_330 : vector<1x1x16xf32> to vector<16xf32>
        %swap3A = arith.index_cast %add3A_326 : i32 to index
        %swap3A_332 = arith.constant 0 : index
        %swap3A_333 = tpu.vector_load %arg18[%swap3A, %swap3A_332] {strides = array<i32>} : memref<128x144xf32, #tpu.memory_space<vmem>>, vector<1x16xf32>,
        %swap3A_334 = vector.shape_cast %swap3A_333 : vector<1x16xf32> to vector<16xf32>
        %swap3A_335 = vector.shape_cast %get3A_331 : vector<16xf32> to vector<1x16xf32>
        tpu.vector_store %arg18[%swap3A, %swap3A_332], %swap3A_335 {strides = array<i32>} : memref<128x144xf32, #tpu.memory_space<vmem>>, vector<1x16xf32>,
        %add3A_336 = arith.constant 1 : i32
        %add3A_337 = arith.addi %add3A_324, %add3A_336 : i32
        %get3A_338 = arith.constant 0 : i32
        %get3A_339 = arith.index_cast %get3A_338 : i32 to index
        %get3A_340 = arith.index_cast %add3A_337 : i32 to index
        %get3A_341 = arith.constant 0 : index
        %get3A_342 = tpu.vector_load %arg16[%get3A_339, %get3A_340, %get3A_341] {strides = array<i32>} : memref<8x128x16xf32, #tpu.memory_space<vmem>>, vector<1x1x16xf32>,
        %get3A_343 = vector.shape_cast %get3A_342 : vector<1x1x16xf32> to vector<16xf32>
        %swap3A_344 = arith.index_cast %add3A_337 : i32 to index
        %swap3A_345 = arith.constant 0 : index
        %swap3A_346 = tpu.vector_load %arg18[%swap3A_344, %swap3A_345] {strides = array<i32>} : memref<128x144xf32, #tpu.memory_space<vmem>>, vector<1x16xf32>,
        %swap3A_347 = vector.shape_cast %swap3A_346 : vector<1x16xf32> to vector<16xf32>
        %swap3A_348 = vector.shape_cast %get3A_343 : vector<16xf32> to vector<1x16xf32>
        tpu.vector_store %arg18[%swap3A_344, %swap3A_345], %swap3A_348 {strides = array<i32>} : memref<128x144xf32, #tpu.memory_space<vmem>>, vector<1x16xf32>,
        %add3A_349 = arith.constant 2 : i32
        %add3A_350 = arith.addi %add3A_324, %add3A_349 : i32
        %get3A_351 = arith.constant 0 : i32
        %get3A_352 = arith.index_cast %get3A_351 : i32 to index
        %get3A_353 = arith.index_cast %add3A_350 : i32 to index
        %get3A_354 = arith.constant 0 : index
        %get3A_355 = tpu.vector_load %arg16[%get3A_352, %get3A_353, %get3A_354] {strides = array<i32>} : memref<8x128x16xf32, #tpu.memory_space<vmem>>, vector<1x1x16xf32>,
        %get3A_356 = vector.shape_cast %get3A_355 : vector<1x1x16xf32> to vector<16xf32>
        %swap3A_357 = arith.index_cast %add3A_350 : i32 to index
        %swap3A_358 = arith.constant 0 : index
        %swap3A_359 = tpu.vector_load %arg18[%swap3A_357, %swap3A_358] {strides = array<i32>} : memref<128x144xf32, #tpu.memory_space<vmem>>, vector<1x16xf32>,
        %swap3A_360 = vector.shape_cast %swap3A_359 : vector<1x16xf32> to vector<16xf32>
        %swap3A_361 = vector.shape_cast %get3A_356 : vector<16xf32> to vector<1x16xf32>
        tpu.vector_store %arg18[%swap3A_357, %swap3A_358], %swap3A_361 {strides = array<i32>} : memref<128x144xf32, #tpu.memory_space<vmem>>, vector<1x16xf32>,
        %add3A_362 = arith.constant 3 : i32
        %add3A_363 = arith.addi %add3A_324, %add3A_362 : i32
        %get3A_364 = arith.constant 0 : i32
        %get3A_365 = arith.index_cast %get3A_364 : i32 to index
        %get3A_366 = arith.index_cast %add3A_363 : i32 to index
        %get3A_367 = arith.constant 0 : index
        %get3A_368 = tpu.vector_load %arg16[%get3A_365, %get3A_366, %get3A_367] {strides = array<i32>} : memref<8x128x16xf32, #tpu.memory_space<vmem>>, vector<1x1x16xf32>,
        %get3A_369 = vector.shape_cast %get3A_368 : vector<1x1x16xf32> to vector<16xf32>
        %swap3A_370 = arith.index_cast %add3A_363 : i32 to index
        %swap3A_371 = arith.constant 0 : index
        %swap3A_372 = tpu.vector_load %arg18[%swap3A_370, %swap3A_371] {strides = array<i32>} : memref<128x144xf32, #tpu.memory_space<vmem>>, vector<1x16xf32>,
        %swap3A_373 = vector.shape_cast %swap3A_372 : vector<1x16xf32> to vector<16xf32>
        %swap3A_374 = vector.shape_cast %get3A_369 : vector<16xf32> to vector<1x16xf32>
        tpu.vector_store %arg18[%swap3A_370, %swap3A_371], %swap3A_374 {strides = array<i32>} : memref<128x144xf32, #tpu.memory_space<vmem>>, vector<1x16xf32>,
        %add3A_375 = arith.constant 4 : i32
        %add3A_376 = arith.addi %add3A_324, %add3A_375 : i32
        %get3A_377 = arith.constant 0 : i32
        %get3A_378 = arith.index_cast %get3A_377 : i32 to index
        %get3A_379 = arith.index_cast %add3A_376 : i32 to index
        %get3A_380 = arith.constant 0 : index
        %get3A_381 = tpu.vector_load %arg16[%get3A_378, %get3A_379, %get3A_380] {strides = array<i32>} : memref<8x128x16xf32, #tpu.memory_space<vmem>>, vector<1x1x16xf32>,
        %get3A_382 = vector.shape_cast %get3A_381 : vector<1x1x16xf32> to vector<16xf32>
        %swap3A_383 = arith.index_cast %add3A_376 : i32 to index
        %swap3A_384 = arith.constant 0 : index
        %swap3A_385 = tpu.vector_load %arg18[%swap3A_383, %swap3A_384] {strides = array<i32>} : memref<128x144xf32, #tpu.memory_space<vmem>>, vector<1x16xf32>,
        %swap3A_386 = vector.shape_cast %swap3A_385 : vector<1x16xf32> to vector<16xf32>
        %swap3A_387 = vector.shape_cast %get3A_382 : vector<16xf32> to vector<1x16xf32>
        tpu.vector_store %arg18[%swap3A_383, %swap3A_384], %swap3A_387 {strides = array<i32>} : memref<128x144xf32, #tpu.memory_space<vmem>>, vector<1x16xf32>,
        %add3A_388 = arith.constant 5 : i32
        %add3A_389 = arith.addi %add3A_324, %add3A_388 : i32
        %get3A_390 = arith.constant 0 : i32
        %get3A_391 = arith.index_cast %get3A_390 : i32 to index
        %get3A_392 = arith.index_cast %add3A_389 : i32 to index
        %get3A_393 = arith.constant 0 : index
        %get3A_394 = tpu.vector_load %arg16[%get3A_391, %get3A_392, %get3A_393] {strides = array<i32>} : memref<8x128x16xf32, #tpu.memory_space<vmem>>, vector<1x1x16xf32>,
        %get3A_395 = vector.shape_cast %get3A_394 : vector<1x1x16xf32> to vector<16xf32>
        %swap3A_396 = arith.index_cast %add3A_389 : i32 to index
        %swap3A_397 = arith.constant 0 : index
        %swap3A_398 = tpu.vector_load %arg18[%swap3A_396, %swap3A_397] {strides = array<i32>} : memref<128x144xf32, #tpu.memory_space<vmem>>, vector<1x16xf32>,
        %swap3A_399 = vector.shape_cast %swap3A_398 : vector<1x16xf32> to vector<16xf32>
        %swap3A_400 = vector.shape_cast %get3A_395 : vector<16xf32> to vector<1x16xf32>
        tpu.vector_store %arg18[%swap3A_396, %swap3A_397], %swap3A_400 {strides = array<i32>} : memref<128x144xf32, #tpu.memory_space<vmem>>, vector<1x16xf32>,
        %add3A_401 = arith.constant 6 : i32
        %add3A_402 = arith.addi %add3A_324, %add3A_401 : i32
        %get3A_403 = arith.constant 0 : i32
        %get3A_404 = arith.index_cast %get3A_403 : i32 to index
        %get3A_405 = arith.index_cast %add3A_402 : i32 to index
        %get3A_406 = arith.constant 0 : index
        %get3A_407 = tpu.vector_load %arg16[%get3A_404, %get3A_405, %get3A_406] {strides = array<i32>} : memref<8x128x16xf32, #tpu.memory_space<vmem>>, vector<1x1x16xf32>,
        %get3A_408 = vector.shape_cast %get3A_407 : vector<1x1x16xf32> to vector<16xf32>
        %swap3A_409 = arith.index_cast %add3A_402 : i32 to index
        %swap3A_410 = arith.constant 0 : index
        %swap3A_411 = tpu.vector_load %arg18[%swap3A_409, %swap3A_410] {strides = array<i32>} : memref<128x144xf32, #tpu.memory_space<vmem>>, vector<1x16xf32>,
        %swap3A_412 = vector.shape_cast %swap3A_411 : vector<1x16xf32> to vector<16xf32>
        %swap3A_413 = vector.shape_cast %get3A_408 : vector<16xf32> to vector<1x16xf32>
        tpu.vector_store %arg18[%swap3A_409, %swap3A_410], %swap3A_413 {strides = array<i32>} : memref<128x144xf32, #tpu.memory_space<vmem>>, vector<1x16xf32>,
        %add3A_414 = arith.constant 7 : i32
        %add3A_415 = arith.addi %add3A_324, %add3A_414 : i32
        %get3A_416 = arith.constant 0 : i32
        %get3A_417 = arith.index_cast %get3A_416 : i32 to index
        %get3A_418 = arith.index_cast %add3A_415 : i32 to index
        %get3A_419 = arith.constant 0 : index
        %get3A_420 = tpu.vector_load %arg16[%get3A_417, %get3A_418, %get3A_419] {strides = array<i32>} : memref<8x128x16xf32, #tpu.memory_space<vmem>>, vector<1x1x16xf32>,
        %get3A_421 = vector.shape_cast %get3A_420 : vector<1x1x16xf32> to vector<16xf32>
        %swap3A_422 = arith.index_cast %add3A_415 : i32 to index
        %swap3A_423 = arith.constant 0 : index
        %swap3A_424 = tpu.vector_load %arg18[%swap3A_422, %swap3A_423] {strides = array<i32>} : memref<128x144xf32, #tpu.memory_space<vmem>>, vector<1x16xf32>,
        %swap3A_425 = vector.shape_cast %swap3A_424 : vector<1x16xf32> to vector<16xf32>
        %swap3A_426 = vector.shape_cast %get3A_421 : vector<16xf32> to vector<1x16xf32>
        tpu.vector_store %arg18[%swap3A_422, %swap3A_423], %swap3A_426 {strides = array<i32>} : memref<128x144xf32, #tpu.memory_space<vmem>>, vector<1x16xf32>,
        %add3A_427 = arith.constant 8 : i32
        %add3A_428 = arith.addi %add3A_324, %add3A_427 : i32
        %get3A_429 = arith.constant 0 : i32
        %get3A_430 = arith.index_cast %get3A_429 : i32 to index
        %get3A_431 = arith.index_cast %add3A_428 : i32 to index
        %get3A_432 = arith.constant 0 : index
        %get3A_433 = tpu.vector_load %arg16[%get3A_430, %get3A_431, %get3A_432] {strides = array<i32>} : memref<8x128x16xf32, #tpu.memory_space<vmem>>, vector<1x1x16xf32>,
        %get3A_434 = vector.shape_cast %get3A_433 : vector<1x1x16xf32> to vector<16xf32>
        %swap3A_435 = arith.index_cast %add3A_428 : i32 to index
        %swap3A_436 = arith.constant 0 : index
        %swap3A_437 = tpu.vector_load %arg18[%swap3A_435, %swap3A_436] {strides = array<i32>} : memref<128x144xf32, #tpu.memory_space<vmem>>, vector<1x16xf32>,
        %swap3A_438 = vector.shape_cast %swap3A_437 : vector<1x16xf32> to vector<16xf32>
        %swap3A_439 = vector.shape_cast %get3A_434 : vector<16xf32> to vector<1x16xf32>
        tpu.vector_store %arg18[%swap3A_435, %swap3A_436], %swap3A_439 {strides = array<i32>} : memref<128x144xf32, #tpu.memory_space<vmem>>, vector<1x16xf32>,
        %add3A_440 = arith.constant 9 : i32
        %add3A_441 = arith.addi %add3A_324, %add3A_440 : i32
        %get3A_442 = arith.constant 0 : i32
        %get3A_443 = arith.index_cast %get3A_442 : i32 to index
        %get3A_444 = arith.index_cast %add3A_441 : i32 to index
        %get3A_445 = arith.constant 0 : index
        %get3A_446 = tpu.vector_load %arg16[%get3A_443, %get3A_444, %get3A_445] {strides = array<i32>} : memref<8x128x16xf32, #tpu.memory_space<vmem>>, vector<1x1x16xf32>,
        %get3A_447 = vector.shape_cast %get3A_446 : vector<1x1x16xf32> to vector<16xf32>
        %swap3A_448 = arith.index_cast %add3A_441 : i32 to index
        %swap3A_449 = arith.constant 0 : index
        %swap3A_450 = tpu.vector_load %arg18[%swap3A_448, %swap3A_449] {strides = array<i32>} : memref<128x144xf32, #tpu.memory_space<vmem>>, vector<1x16xf32>,
        %swap3A_451 = vector.shape_cast %swap3A_450 : vector<1x16xf32> to vector<16xf32>
        %swap3A_452 = vector.shape_cast %get3A_447 : vector<16xf32> to vector<1x16xf32>
        tpu.vector_store %arg18[%swap3A_448, %swap3A_449], %swap3A_452 {strides = array<i32>} : memref<128x144xf32, #tpu.memory_space<vmem>>, vector<1x16xf32>,
        %add3A_453 = arith.constant 10 : i32
        %add3A_454 = arith.addi %add3A_324, %add3A_453 : i32
        %get3A_455 = arith.constant 0 : i32
        %get3A_456 = arith.index_cast %get3A_455 : i32 to index
        %get3A_457 = arith.index_cast %add3A_454 : i32 to index
        %get3A_458 = arith.constant 0 : index
        %get3A_459 = tpu.vector_load %arg16[%get3A_456, %get3A_457, %get3A_458] {strides = array<i32>} : memref<8x128x16xf32, #tpu.memory_space<vmem>>, vector<1x1x16xf32>,
        %get3A_460 = vector.shape_cast %get3A_459 : vector<1x1x16xf32> to vector<16xf32>
        %swap3A_461 = arith.index_cast %add3A_454 : i32 to index
        %swap3A_462 = arith.constant 0 : index
        %swap3A_463 = tpu.vector_load %arg18[%swap3A_461, %swap3A_462] {strides = array<i32>} : memref<128x144xf32, #tpu.memory_space<vmem>>, vector<1x16xf32>,
        %swap3A_464 = vector.shape_cast %swap3A_463 : vector<1x16xf32> to vector<16xf32>
        %swap3A_465 = vector.shape_cast %get3A_460 : vector<16xf32> to vector<1x16xf32>
        tpu.vector_store %arg18[%swap3A_461, %swap3A_462], %swap3A_465 {strides = array<i32>} : memref<128x144xf32, #tpu.memory_space<vmem>>, vector<1x16xf32>,
        %add3A_466 = arith.constant 11 : i32
        %add3A_467 = arith.addi %add3A_324, %add3A_466 : i32
        %get3A_468 = arith.constant 0 : i32
        %get3A_469 = arith.index_cast %get3A_468 : i32 to index
        %get3A_470 = arith.index_cast %add3A_467 : i32 to index
        %get3A_471 = arith.constant 0 : index
        %get3A_472 = tpu.vector_load %arg16[%get3A_469, %get3A_470, %get3A_471] {strides = array<i32>} : memref<8x128x16xf32, #tpu.memory_space<vmem>>, vector<1x1x16xf32>,
        %get3A_473 = vector.shape_cast %get3A_472 : vector<1x1x16xf32> to vector<16xf32>
        %swap3A_474 = arith.index_cast %add3A_467 : i32 to index
        %swap3A_475 = arith.constant 0 : index
        %swap3A_476 = tpu.vector_load %arg18[%swap3A_474, %swap3A_475] {strides = array<i32>} : memref<128x144xf32, #tpu.memory_space<vmem>>, vector<1x16xf32>,
        %swap3A_477 = vector.shape_cast %swap3A_476 : vector<1x16xf32> to vector<16xf32>
        %swap3A_478 = vector.shape_cast %get3A_473 : vector<16xf32> to vector<1x16xf32>
        tpu.vector_store %arg18[%swap3A_474, %swap3A_475], %swap3A_478 {strides = array<i32>} : memref<128x144xf32, #tpu.memory_space<vmem>>, vector<1x16xf32>,
        %add3A_479 = arith.constant 12 : i32
        %add3A_480 = arith.addi %add3A_324, %add3A_479 : i32
        %get3A_481 = arith.constant 0 : i32
        %get3A_482 = arith.index_cast %get3A_481 : i32 to index
        %get3A_483 = arith.index_cast %add3A_480 : i32 to index
        %get3A_484 = arith.constant 0 : index
        %get3A_485 = tpu.vector_load %arg16[%get3A_482, %get3A_483, %get3A_484] {strides = array<i32>} : memref<8x128x16xf32, #tpu.memory_space<vmem>>, vector<1x1x16xf32>,
        %get3A_486 = vector.shape_cast %get3A_485 : vector<1x1x16xf32> to vector<16xf32>
        %swap3A_487 = arith.index_cast %add3A_480 : i32 to index
        %swap3A_488 = arith.constant 0 : index
        %swap3A_489 = tpu.vector_load %arg18[%swap3A_487, %swap3A_488] {strides = array<i32>} : memref<128x144xf32, #tpu.memory_space<vmem>>, vector<1x16xf32>,
        %swap3A_490 = vector.shape_cast %swap3A_489 : vector<1x16xf32> to vector<16xf32>
        %swap3A_491 = vector.shape_cast %get3A_486 : vector<16xf32> to vector<1x16xf32>
        tpu.vector_store %arg18[%swap3A_487, %swap3A_488], %swap3A_491 {strides = array<i32>} : memref<128x144xf32, #tpu.memory_space<vmem>>, vector<1x16xf32>,
        %add3A_492 = arith.constant 13 : i32
        %add3A_493 = arith.addi %add3A_324, %add3A_492 : i32
        %get3A_494 = arith.constant 0 : i32
        %get3A_495 = arith.index_cast %get3A_494 : i32 to index
        %get3A_496 = arith.index_cast %add3A_493 : i32 to index
        %get3A_497 = arith.constant 0 : index
        %get3A_498 = tpu.vector_load %arg16[%get3A_495, %get3A_496, %get3A_497] {strides = array<i32>} : memref<8x128x16xf32, #tpu.memory_space<vmem>>, vector<1x1x16xf32>,
        %get3A_499 = vector.shape_cast %get3A_498 : vector<1x1x16xf32> to vector<16xf32>
        %swap3A_500 = arith.index_cast %add3A_493 : i32 to index
        %swap3A_501 = arith.constant 0 : index
        %swap3A_502 = tpu.vector_load %arg18[%swap3A_500, %swap3A_501] {strides = array<i32>} : memref<128x144xf32, #tpu.memory_space<vmem>>, vector<1x16xf32>,
        %swap3A_503 = vector.shape_cast %swap3A_502 : vector<1x16xf32> to vector<16xf32>
        %swap3A_504 = vector.shape_cast %get3A_499 : vector<16xf32> to vector<1x16xf32>
        tpu.vector_store %arg18[%swap3A_500, %swap3A_501], %swap3A_504 {strides = array<i32>} : memref<128x144xf32, #tpu.memory_space<vmem>>, vector<1x16xf32>,
        %add3A_505 = arith.constant 14 : i32
        %add3A_506 = arith.addi %add3A_324, %add3A_505 : i32
        %get3A_507 = arith.constant 0 : i32
        %get3A_508 = arith.index_cast %get3A_507 : i32 to index
        %get3A_509 = arith.index_cast %add3A_506 : i32 to index
        %get3A_510 = arith.constant 0 : index
        %get3A_511 = tpu.vector_load %arg16[%get3A_508, %get3A_509, %get3A_510] {strides = array<i32>} : memref<8x128x16xf32, #tpu.memory_space<vmem>>, vector<1x1x16xf32>,
        %get3A_512 = vector.shape_cast %get3A_511 : vector<1x1x16xf32> to vector<16xf32>
        %swap3A_513 = arith.index_cast %add3A_506 : i32 to index
        %swap3A_514 = arith.constant 0 : index
        %swap3A_515 = tpu.vector_load %arg18[%swap3A_513, %swap3A_514] {strides = array<i32>} : memref<128x144xf32, #tpu.memory_space<vmem>>, vector<1x16xf32>,
        %swap3A_516 = vector.shape_cast %swap3A_515 : vector<1x16xf32> to vector<16xf32>
        %swap3A_517 = vector.shape_cast %get3A_512 : vector<16xf32> to vector<1x16xf32>
        tpu.vector_store %arg18[%swap3A_513, %swap3A_514], %swap3A_517 {strides = array<i32>} : memref<128x144xf32, #tpu.memory_space<vmem>>, vector<1x16xf32>,
        %add3A_518 = arith.constant 15 : i32
        %add3A_519 = arith.addi %add3A_324, %add3A_518 : i32
        %get3A_520 = arith.constant 0 : i32
        %get3A_521 = arith.index_cast %get3A_520 : i32 to index
        %get3A_522 = arith.index_cast %add3A_519 : i32 to index
        %get3A_523 = arith.constant 0 : index
        %get3A_524 = tpu.vector_load %arg16[%get3A_521, %get3A_522, %get3A_523] {strides = array<i32>} : memref<8x128x16xf32, #tpu.memory_space<vmem>>, vector<1x1x16xf32>,
        %get3A_525 = vector.shape_cast %get3A_524 : vector<1x1x16xf32> to vector<16xf32>
        %swap3A_526 = arith.index_cast %add3A_519 : i32 to index
        %swap3A_527 = arith.constant 0 : index
        %swap3A_528 = tpu.vector_load %arg18[%swap3A_526, %swap3A_527] {strides = array<i32>} : memref<128x144xf32, #tpu.memory_space<vmem>>, vector<1x16xf32>,
        %swap3A_529 = vector.shape_cast %swap3A_528 : vector<1x16xf32> to vector<16xf32>
        %swap3A_530 = vector.shape_cast %get3A_525 : vector<16xf32> to vector<1x16xf32>
        tpu.vector_store %arg18[%swap3A_526, %swap3A_527], %swap3A_530 {strides = array<i32>} : memref<128x144xf32, #tpu.memory_space<vmem>>, vector<1x16xf32>,
      }
      %scan3A_284 = arith.constant 8 : i32
      %scan3A_285 = arith.constant 0 : i32
      %scan3A_286 = arith.constant 8 : i32
      %scan3A_287 = arith.addi %scan3A_285, %scan3A_286 : i32
      %scan3A_288 = arith.constant 1 : i32
      scf.for %scan3A_320 = %scan3A_285 to %scan3A_287 step %scan3A_288  : i32 {
        %mul3A_321 = arith.constant 16 : i32
        %mul3A_322 = arith.muli %scan3A_320, %mul3A_321 : i32
        %add3A_323 = arith.constant 0 : i32
        %add3A_324 = arith.addi %add3A_323, %mul3A_322 : i32
        %add3A_325 = arith.constant 0 : i32
        %add3A_326 = arith.addi %add3A_324, %add3A_325 : i32
        %get3A = arith.constant 1 : i32
        %get3A_327 = arith.index_cast %get3A : i32 to index
        %get3A_328 = arith.index_cast %add3A_326 : i32 to index
        %get3A_329 = arith.constant 0 : index
        %get3A_330 = tpu.vector_load %arg16[%get3A_327, %get3A_328, %get3A_329] {strides = array<i32>} : memref<8x128x16xf32, #tpu.memory_space<vmem>>, vector<1x1x16xf32>,
        %get3A_331 = vector.shape_cast %get3A_330 : vector<1x1x16xf32> to vector<16xf32>
        %swap3A = arith.index_cast %add3A_326 : i32 to index
        %swap3A_332 = arith.constant 16 : index
        %swap3A_333 = tpu.vector_load %arg18[%swap3A, %swap3A_332] {strides = array<i32>} : memref<128x144xf32, #tpu.memory_space<vmem>>, vector<1x16xf32>,
        %swap3A_334 = vector.shape_cast %swap3A_333 : vector<1x16xf32> to vector<16xf32>
        %swap3A_335 = vector.shape_cast %get3A_331 : vector<16xf32> to vector<1x16xf32>
        tpu.vector_store %arg18[%swap3A, %swap3A_332], %swap3A_335 {strides = array<i32>} : memref<128x144xf32, #tpu.memory_space<vmem>>, vector<1x16xf32>,
        %add3A_336 = arith.constant 1 : i32
        %add3A_337 = arith.addi %add3A_324, %add3A_336 : i32
        %get3A_338 = arith.constant 1 : i32
        %get3A_339 = arith.index_cast %get3A_338 : i32 to index
        %get3A_340 = arith.index_cast %add3A_337 : i32 to index
        %get3A_341 = arith.constant 0 : index
        %get3A_342 = tpu.vector_load %arg16[%get3A_339, %get3A_340, %get3A_341] {strides = array<i32>} : memref<8x128x16xf32, #tpu.memory_space<vmem>>, vector<1x1x16xf32>,
        %get3A_343 = vector.shape_cast %get3A_342 : vector<1x1x16xf32> to vector<16xf32>
        %swap3A_344 = arith.index_cast %add3A_337 : i32 to index
        %swap3A_345 = arith.constant 16 : index
        %swap3A_346 = tpu.vector_load %arg18[%swap3A_344, %swap3A_345] {strides = array<i32>} : memref<128x144xf32, #tpu.memory_space<vmem>>, vector<1x16xf32>,
        %swap3A_347 = vector.shape_cast %swap3A_346 : vector<1x16xf32> to vector<16xf32>
        %swap3A_348 = vector.shape_cast %get3A_343 : vector<16xf32> to vector<1x16xf32>
        tpu.vector_store %arg18[%swap3A_344, %swap3A_345], %swap3A_348 {strides = array<i32>} : memref<128x144xf32, #tpu.memory_space<vmem>>, vector<1x16xf32>,
        %add3A_349 = arith.constant 2 : i32
        %add3A_350 = arith.addi %add3A_324, %add3A_349 : i32
        %get3A_351 = arith.constant 1 : i32
        %get3A_352 = arith.index_cast %get3A_351 : i32 to index
        %get3A_353 = arith.index_cast %add3A_350 : i32 to index
        %get3A_354 = arith.constant 0 : index
        %get3A_355 = tpu.vector_load %arg16[%get3A_352, %get3A_353, %get3A_354] {strides = array<i32>} : memref<8x128x16xf32, #tpu.memory_space<vmem>>, vector<1x1x16xf32>,
        %get3A_356 = vector.shape_cast %get3A_355 : vector<1x1x16xf32> to vector<16xf32>
        %swap3A_357 = arith.index_cast %add3A_350 : i32 to index
        %swap3A_358 = arith.constant 16 : index
        %swap3A_359 = tpu.vector_load %arg18[%swap3A_357, %swap3A_358] {strides = array<i32>} : memref<128x144xf32, #tpu.memory_space<vmem>>, vector<1x16xf32>,
        %swap3A_360 = vector.shape_cast %swap3A_359 : vector<1x16xf32> to vector<16xf32>
        %swap3A_361 = vector.shape_cast %get3A_356 : vector<16xf32> to vector<1x16xf32>
        tpu.vector_store %arg18[%swap3A_357, %swap3A_358], %swap3A_361 {strides = array<i32>} : memref<128x144xf32, #tpu.memory_space<vmem>>, vector<1x16xf32>,
        %add3A_362 = arith.constant 3 : i32
        %add3A_363 = arith.addi %add3A_324, %add3A_362 : i32
        %get3A_364 = arith.constant 1 : i32
        %get3A_365 = arith.index_cast %get3A_364 : i32 to index
        %get3A_366 = arith.index_cast %add3A_363 : i32 to index
        %get3A_367 = arith.constant 0 : index
        %get3A_368 = tpu.vector_load %arg16[%get3A_365, %get3A_366, %get3A_367] {strides = array<i32>} : memref<8x128x16xf32, #tpu.memory_space<vmem>>, vector<1x1x16xf32>,
        %get3A_369 = vector.shape_cast %get3A_368 : vector<1x1x16xf32> to vector<16xf32>
        %swap3A_370 = arith.index_cast %add3A_363 : i32 to index
        %swap3A_371 = arith.constant 16 : index
        %swap3A_372 = tpu.vector_load %arg18[%swap3A_370, %swap3A_371] {strides = array<i32>} : memref<128x144xf32, #tpu.memory_space<vmem>>, vector<1x16xf32>,
        %swap3A_373 = vector.shape_cast %swap3A_372 : vector<1x16xf32> to vector<16xf32>
        %swap3A_374 = vector.shape_cast %get3A_369 : vector<16xf32> to vector<1x16xf32>
        tpu.vector_store %arg18[%swap3A_370, %swap3A_371], %swap3A_374 {strides = array<i32>} : memref<128x144xf32, #tpu.memory_space<vmem>>, vector<1x16xf32>,
        %add3A_375 = arith.constant 4 : i32
        %add3A_376 = arith.addi %add3A_324, %add3A_375 : i32
        %get3A_377 = arith.constant 1 : i32
        %get3A_378 = arith.index_cast %get3A_377 : i32 to index
        %get3A_379 = arith.index_cast %add3A_376 : i32 to index
        %get3A_380 = arith.constant 0 : index
        %get3A_381 = tpu.vector_load %arg16[%get3A_378, %get3A_379, %get3A_380] {strides = array<i32>} : memref<8x128x16xf32, #tpu.memory_space<vmem>>, vector<1x1x16xf32>,
        %get3A_382 = vector.shape_cast %get3A_381 : vector<1x1x16xf32> to vector<16xf32>
        %swap3A_383 = arith.index_cast %add3A_376 : i32 to index
        %swap3A_384 = arith.constant 16 : index
        %swap3A_385 = tpu.vector_load %arg18[%swap3A_383, %swap3A_384] {strides = array<i32>} : memref<128x144xf32, #tpu.memory_space<vmem>>, vector<1x16xf32>,
        %swap3A_386 = vector.shape_cast %swap3A_385 : vector<1x16xf32> to vector<16xf32>
        %swap3A_387 = vector.shape_cast %get3A_382 : vector<16xf32> to vector<1x16xf32>
        tpu.vector_store %arg18[%swap3A_383, %swap3A_384], %swap3A_387 {strides = array<i32>} : memref<128x144xf32, #tpu.memory_space<vmem>>, vector<1x16xf32>,
        %add3A_388 = arith.constant 5 : i32
        %add3A_389 = arith.addi %add3A_324, %add3A_388 : i32
        %get3A_390 = arith.constant 1 : i32
        %get3A_391 = arith.index_cast %get3A_390 : i32 to index
        %get3A_392 = arith.index_cast %add3A_389 : i32 to index
        %get3A_393 = arith.constant 0 : index
        %get3A_394 = tpu.vector_load %arg16[%get3A_391, %get3A_392, %get3A_393] {strides = array<i32>} : memref<8x128x16xf32, #tpu.memory_space<vmem>>, vector<1x1x16xf32>,
        %get3A_395 = vector.shape_cast %get3A_394 : vector<1x1x16xf32> to vector<16xf32>
        %swap3A_396 = arith.index_cast %add3A_389 : i32 to index
        %swap3A_397 = arith.constant 16 : index
        %swap3A_398 = tpu.vector_load %arg18[%swap3A_396, %swap3A_397] {strides = array<i32>} : memref<128x144xf32, #tpu.memory_space<vmem>>, vector<1x16xf32>,
        %swap3A_399 = vector.shape_cast %swap3A_398 : vector<1x16xf32> to vector<16xf32>
        %swap3A_400 = vector.shape_cast %get3A_395 : vector<16xf32> to vector<1x16xf32>
        tpu.vector_store %arg18[%swap3A_396, %swap3A_397], %swap3A_400 {strides = array<i32>} : memref<128x144xf32, #tpu.memory_space<vmem>>, vector<1x16xf32>,
        %add3A_401 = arith.constant 6 : i32
        %add3A_402 = arith.addi %add3A_324, %add3A_401 : i32
        %get3A_403 = arith.constant 1 : i32
        %get3A_404 = arith.index_cast %get3A_403 : i32 to index
        %get3A_405 = arith.index_cast %add3A_402 : i32 to index
        %get3A_406 = arith.constant 0 : index
        %get3A_407 = tpu.vector_load %arg16[%get3A_404, %get3A_405, %get3A_406] {strides = array<i32>} : memref<8x128x16xf32, #tpu.memory_space<vmem>>, vector<1x1x16xf32>,
        %get3A_408 = vector.shape_cast %get3A_407 : vector<1x1x16xf32> to vector<16xf32>
        %swap3A_409 = arith.index_cast %add3A_402 : i32 to index
        %swap3A_410 = arith.constant 16 : index
        %swap3A_411 = tpu.vector_load %arg18[%swap3A_409, %swap3A_410] {strides = array<i32>} : memref<128x144xf32, #tpu.memory_space<vmem>>, vector<1x16xf32>,
        %swap3A_412 = vector.shape_cast %swap3A_411 : vector<1x16xf32> to vector<16xf32>
        %swap3A_413 = vector.shape_cast %get3A_408 : vector<16xf32> to vector<1x16xf32>
        tpu.vector_store %arg18[%swap3A_409, %swap3A_410], %swap3A_413 {strides = array<i32>} : memref<128x144xf32, #tpu.memory_space<vmem>>, vector<1x16xf32>,
        %add3A_414 = arith.constant 7 : i32
        %add3A_415 = arith.addi %add3A_324, %add3A_414 : i32
        %get3A_416 = arith.constant 1 : i32
        %get3A_417 = arith.index_cast %get3A_416 : i32 to index
        %get3A_418 = arith.index_cast %add3A_415 : i32 to index
        %get3A_419 = arith.constant 0 : index
        %get3A_420 = tpu.vector_load %arg16[%get3A_417, %get3A_418, %get3A_419] {strides = array<i32>} : memref<8x128x16xf32, #tpu.memory_space<vmem>>, vector<1x1x16xf32>,
        %get3A_421 = vector.shape_cast %get3A_420 : vector<1x1x16xf32> to vector<16xf32>
        %swap3A_422 = arith.index_cast %add3A_415 : i32 to index
        %swap3A_423 = arith.constant 16 : index
        %swap3A_424 = tpu.vector_load %arg18[%swap3A_422, %swap3A_423] {strides = array<i32>} : memref<128x144xf32, #tpu.memory_space<vmem>>, vector<1x16xf32>,
        %swap3A_425 = vector.shape_cast %swap3A_424 : vector<1x16xf32> to vector<16xf32>
        %swap3A_426 = vector.shape_cast %get3A_421 : vector<16xf32> to vector<1x16xf32>
        tpu.vector_store %arg18[%swap3A_422, %swap3A_423], %swap3A_426 {strides = array<i32>} : memref<128x144xf32, #tpu.memory_space<vmem>>, vector<1x16xf32>,
        %add3A_427 = arith.constant 8 : i32
        %add3A_428 = arith.addi %add3A_324, %add3A_427 : i32
        %get3A_429 = arith.constant 1 : i32
        %get3A_430 = arith.index_cast %get3A_429 : i32 to index
        %get3A_431 = arith.index_cast %add3A_428 : i32 to index
        %get3A_432 = arith.constant 0 : index
        %get3A_433 = tpu.vector_load %arg16[%get3A_430, %get3A_431, %get3A_432] {strides = array<i32>} : memref<8x128x16xf32, #tpu.memory_space<vmem>>, vector<1x1x16xf32>,
        %get3A_434 = vector.shape_cast %get3A_433 : vector<1x1x16xf32> to vector<16xf32>
        %swap3A_435 = arith.index_cast %add3A_428 : i32 to index
        %swap3A_436 = arith.constant 16 : index
        %swap3A_437 = tpu.vector_load %arg18[%swap3A_435, %swap3A_436] {strides = array<i32>} : memref<128x144xf32, #tpu.memory_space<vmem>>, vector<1x16xf32>,
        %swap3A_438 = vector.shape_cast %swap3A_437 : vector<1x16xf32> to vector<16xf32>
        %swap3A_439 = vector.shape_cast %get3A_434 : vector<16xf32> to vector<1x16xf32>
        tpu.vector_store %arg18[%swap3A_435, %swap3A_436], %swap3A_439 {strides = array<i32>} : memref<128x144xf32, #tpu.memory_space<vmem>>, vector<1x16xf32>,
        %add3A_440 = arith.constant 9 : i32
        %add3A_441 = arith.addi %add3A_324, %add3A_440 : i32
        %get3A_442 = arith.constant 1 : i32
        %get3A_443 = arith.index_cast %get3A_442 : i32 to index
        %get3A_444 = arith.index_cast %add3A_441 : i32 to index
        %get3A_445 = arith.constant 0 : index
        %get3A_446 = tpu.vector_load %arg16[%get3A_443, %get3A_444, %get3A_445] {strides = array<i32>} : memref<8x128x16xf32, #tpu.memory_space<vmem>>, vector<1x1x16xf32>,
        %get3A_447 = vector.shape_cast %get3A_446 : vector<1x1x16xf32> to vector<16xf32>
        %swap3A_448 = arith.index_cast %add3A_441 : i32 to index
        %swap3A_449 = arith.constant 16 : index
        %swap3A_450 = tpu.vector_load %arg18[%swap3A_448, %swap3A_449] {strides = array<i32>} : memref<128x144xf32, #tpu.memory_space<vmem>>, vector<1x16xf32>,
        %swap3A_451 = vector.shape_cast %swap3A_450 : vector<1x16xf32> to vector<16xf32>
        %swap3A_452 = vector.shape_cast %get3A_447 : vector<16xf32> to vector<1x16xf32>
        tpu.vector_store %arg18[%swap3A_448, %swap3A_449], %swap3A_452 {strides = array<i32>} : memref<128x144xf32, #tpu.memory_space<vmem>>, vector<1x16xf32>,
        %add3A_453 = arith.constant 10 : i32
        %add3A_454 = arith.addi %add3A_324, %add3A_453 : i32
        %get3A_455 = arith.constant 1 : i32
        %get3A_456 = arith.index_cast %get3A_455 : i32 to index
        %get3A_457 = arith.index_cast %add3A_454 : i32 to index
        %get3A_458 = arith.constant 0 : index
        %get3A_459 = tpu.vector_load %arg16[%get3A_456, %get3A_457, %get3A_458] {strides = array<i32>} : memref<8x128x16xf32, #tpu.memory_space<vmem>>, vector<1x1x16xf32>,
        %get3A_460 = vector.shape_cast %get3A_459 : vector<1x1x16xf32> to vector<16xf32>
        %swap3A_461 = arith.index_cast %add3A_454 : i32 to index
        %swap3A_462 = arith.constant 16 : index
        %swap3A_463 = tpu.vector_load %arg18[%swap3A_461, %swap3A_462] {strides = array<i32>} : memref<128x144xf32, #tpu.memory_space<vmem>>, vector<1x16xf32>,
        %swap3A_464 = vector.shape_cast %swap3A_463 : vector<1x16xf32> to vector<16xf32>
        %swap3A_465 = vector.shape_cast %get3A_460 : vector<16xf32> to vector<1x16xf32>
        tpu.vector_store %arg18[%swap3A_461, %swap3A_462], %swap3A_465 {strides = array<i32>} : memref<128x144xf32, #tpu.memory_space<vmem>>, vector<1x16xf32>,
        %add3A_466 = arith.constant 11 : i32
        %add3A_467 = arith.addi %add3A_324, %add3A_466 : i32
        %get3A_468 = arith.constant 1 : i32
        %get3A_469 = arith.index_cast %get3A_468 : i32 to index
        %get3A_470 = arith.index_cast %add3A_467 : i32 to index
        %get3A_471 = arith.constant 0 : index
        %get3A_472 = tpu.vector_load %arg16[%get3A_469, %get3A_470, %get3A_471] {strides = array<i32>} : memref<8x128x16xf32, #tpu.memory_space<vmem>>, vector<1x1x16xf32>,
        %get3A_473 = vector.shape_cast %get3A_472 : vector<1x1x16xf32> to vector<16xf32>
        %swap3A_474 = arith.index_cast %add3A_467 : i32 to index
        %swap3A_475 = arith.constant 16 : index
        %swap3A_476 = tpu.vector_load %arg18[%swap3A_474, %swap3A_475] {strides = array<i32>} : memref<128x144xf32, #tpu.memory_space<vmem>>, vector<1x16xf32>,
        %swap3A_477 = vector.shape_cast %swap3A_476 : vector<1x16xf32> to vector<16xf32>
        %swap3A_478 = vector.shape_cast %get3A_473 : vector<16xf32> to vector<1x16xf32>
        tpu.vector_store %arg18[%swap3A_474, %swap3A_475], %swap3A_478 {strides = array<i32>} : memref<128x144xf32, #tpu.memory_space<vmem>>, vector<1x16xf32>,
        %add3A_479 = arith.constant 12 : i32
        %add3A_480 = arith.addi %add3A_324, %add3A_479 : i32
        %get3A_481 = arith.constant 1 : i32
        %get3A_482 = arith.index_cast %get3A_481 : i32 to index
        %get3A_483 = arith.index_cast %add3A_480 : i32 to index
        %get3A_484 = arith.constant 0 : index
        %get3A_485 = tpu.vector_load %arg16[%get3A_482, %get3A_483, %get3A_484] {strides = array<i32>} : memref<8x128x16xf32, #tpu.memory_space<vmem>>, vector<1x1x16xf32>,
        %get3A_486 = vector.shape_cast %get3A_485 : vector<1x1x16xf32> to vector<16xf32>
        %swap3A_487 = arith.index_cast %add3A_480 : i32 to index
        %swap3A_488 = arith.constant 16 : index
        %swap3A_489 = tpu.vector_load %arg18[%swap3A_487, %swap3A_488] {strides = array<i32>} : memref<128x144xf32, #tpu.memory_space<vmem>>, vector<1x16xf32>,
        %swap3A_490 = vector.shape_cast %swap3A_489 : vector<1x16xf32> to vector<16xf32>
        %swap3A_491 = vector.shape_cast %get3A_486 : vector<16xf32> to vector<1x16xf32>
        tpu.vector_store %arg18[%swap3A_487, %swap3A_488], %swap3A_491 {strides = array<i32>} : memref<128x144xf32, #tpu.memory_space<vmem>>, vector<1x16xf32>,
        %add3A_492 = arith.constant 13 : i32
        %add3A_493 = arith.addi %add3A_324, %add3A_492 : i32
        %get3A_494 = arith.constant 1 : i32
        %get3A_495 = arith.index_cast %get3A_494 : i32 to index
        %get3A_496 = arith.index_cast %add3A_493 : i32 to index
        %get3A_497 = arith.constant 0 : index
        %get3A_498 = tpu.vector_load %arg16[%get3A_495, %get3A_496, %get3A_497] {strides = array<i32>} : memref<8x128x16xf32, #tpu.memory_space<vmem>>, vector<1x1x16xf32>,
        %get3A_499 = vector.shape_cast %get3A_498 : vector<1x1x16xf32> to vector<16xf32>
        %swap3A_500 = arith.index_cast %add3A_493 : i32 to index
        %swap3A_501 = arith.constant 16 : index
        %swap3A_502 = tpu.vector_load %arg18[%swap3A_500, %swap3A_501] {strides = array<i32>} : memref<128x144xf32, #tpu.memory_space<vmem>>, vector<1x16xf32>,
        %swap3A_503 = vector.shape_cast %swap3A_502 : vector<1x16xf32> to vector<16xf32>
        %swap3A_504 = vector.shape_cast %get3A_499 : vector<16xf32> to vector<1x16xf32>
        tpu.vector_store %arg18[%swap3A_500, %swap3A_501], %swap3A_504 {strides = array<i32>} : memref<128x144xf32, #tpu.memory_space<vmem>>, vector<1x16xf32>,
        %add3A_505 = arith.constant 14 : i32
        %add3A_506 = arith.addi %add3A_324, %add3A_505 : i32
        %get3A_507 = arith.constant 1 : i32
        %get3A_508 = arith.index_cast %get3A_507 : i32 to index
        %get3A_509 = arith.index_cast %add3A_506 : i32 to index
        %get3A_510 = arith.constant 0 : index
        %get3A_511 = tpu.vector_load %arg16[%get3A_508, %get3A_509, %get3A_510] {strides = array<i32>} : memref<8x128x16xf32, #tpu.memory_space<vmem>>, vector<1x1x16xf32>,
        %get3A_512 = vector.shape_cast %get3A_511 : vector<1x1x16xf32> to vector<16xf32>
        %swap3A_513 = arith.index_cast %add3A_506 : i32 to index
        %swap3A_514 = arith.constant 16 : index
        %swap3A_515 = tpu.vector_load %arg18[%swap3A_513, %swap3A_514] {strides = array<i32>} : memref<128x144xf32, #tpu.memory_space<vmem>>, vector<1x16xf32>,
        %swap3A_516 = vector.shape_cast %swap3A_515 : vector<1x16xf32> to vector<16xf32>
        %swap3A_517 = vector.shape_cast %get3A_512 : vector<16xf32> to vector<1x16xf32>
        tpu.vector_store %arg18[%swap3A_513, %swap3A_514], %swap3A_517 {strides = array<i32>} : memref<128x144xf32, #tpu.memory_space<vmem>>, vector<1x16xf32>,
        %add3A_518 = arith.constant 15 : i32
        %add3A_519 = arith.addi %add3A_324, %add3A_518 : i32
        %get3A_520 = arith.constant 1 : i32
        %get3A_521 = arith.index_cast %get3A_520 : i32 to index
        %get3A_522 = arith.index_cast %add3A_519 : i32 to index
        %get3A_523 = arith.constant 0 : index
        %get3A_524 = tpu.vector_load %arg16[%get3A_521, %get3A_522, %get3A_523] {strides = array<i32>} : memref<8x128x16xf32, #tpu.memory_space<vmem>>, vector<1x1x16xf32>,
        %get3A_525 = vector.shape_cast %get3A_524 : vector<1x1x16xf32> to vector<16xf32>
        %swap3A_526 = arith.index_cast %add3A_519 : i32 to index
        %swap3A_527 = arith.constant 16 : index
        %swap3A_528 = tpu.vector_load %arg18[%swap3A_526, %swap3A_527] {strides = array<i32>} : memref<128x144xf32, #tpu.memory_space<vmem>>, vector<1x16xf32>,
        %swap3A_529 = vector.shape_cast %swap3A_528 : vector<1x16xf32> to vector<16xf32>
        %swap3A_530 = vector.shape_cast %get3A_525 : vector<16xf32> to vector<1x16xf32>
        tpu.vector_store %arg18[%swap3A_526, %swap3A_527], %swap3A_530 {strides = array<i32>} : memref<128x144xf32, #tpu.memory_space<vmem>>, vector<1x16xf32>,
      }
      %scan3A_289 = arith.constant 8 : i32
      %scan3A_290 = arith.constant 0 : i32
      %scan3A_291 = arith.constant 8 : i32
      %scan3A_292 = arith.addi %scan3A_290, %scan3A_291 : i32
      %scan3A_293 = arith.constant 1 : i32
      scf.for %scan3A_320 = %scan3A_290 to %scan3A_292 step %scan3A_293  : i32 {
        %mul3A_321 = arith.constant 16 : i32
        %mul3A_322 = arith.muli %scan3A_320, %mul3A_321 : i32
        %add3A_323 = arith.constant 0 : i32
        %add3A_324 = arith.addi %add3A_323, %mul3A_322 : i32
        %add3A_325 = arith.constant 0 : i32
        %add3A_326 = arith.addi %add3A_324, %add3A_325 : i32
        %get3A = arith.constant 2 : i32
        %get3A_327 = arith.index_cast %get3A : i32 to index
        %get3A_328 = arith.index_cast %add3A_326 : i32 to index
        %get3A_329 = arith.constant 0 : index
        %get3A_330 = tpu.vector_load %arg16[%get3A_327, %get3A_328, %get3A_329] {strides = array<i32>} : memref<8x128x16xf32, #tpu.memory_space<vmem>>, vector<1x1x16xf32>,
        %get3A_331 = vector.shape_cast %get3A_330 : vector<1x1x16xf32> to vector<16xf32>
        %swap3A = arith.index_cast %add3A_326 : i32 to index
        %swap3A_332 = arith.constant 32 : index
        %swap3A_333 = tpu.vector_load %arg18[%swap3A, %swap3A_332] {strides = array<i32>} : memref<128x144xf32, #tpu.memory_space<vmem>>, vector<1x16xf32>,
        %swap3A_334 = vector.shape_cast %swap3A_333 : vector<1x16xf32> to vector<16xf32>
        %swap3A_335 = vector.shape_cast %get3A_331 : vector<16xf32> to vector<1x16xf32>
        tpu.vector_store %arg18[%swap3A, %swap3A_332], %swap3A_335 {strides = array<i32>} : memref<128x144xf32, #tpu.memory_space<vmem>>, vector<1x16xf32>,
        %add3A_336 = arith.constant 1 : i32
        %add3A_337 = arith.addi %add3A_324, %add3A_336 : i32
        %get3A_338 = arith.constant 2 : i32
        %get3A_339 = arith.index_cast %get3A_338 : i32 to index
        %get3A_340 = arith.index_cast %add3A_337 : i32 to index
        %get3A_341 = arith.constant 0 : index
        %get3A_342 = tpu.vector_load %arg16[%get3A_339, %get3A_340, %get3A_341] {strides = array<i32>} : memref<8x128x16xf32, #tpu.memory_space<vmem>>, vector<1x1x16xf32>,
        %get3A_343 = vector.shape_cast %get3A_342 : vector<1x1x16xf32> to vector<16xf32>
        %swap3A_344 = arith.index_cast %add3A_337 : i32 to index
        %swap3A_345 = arith.constant 32 : index
        %swap3A_346 = tpu.vector_load %arg18[%swap3A_344, %swap3A_345] {strides = array<i32>} : memref<128x144xf32, #tpu.memory_space<vmem>>, vector<1x16xf32>,
        %swap3A_347 = vector.shape_cast %swap3A_346 : vector<1x16xf32> to vector<16xf32>
        %swap3A_348 = vector.shape_cast %get3A_343 : vector<16xf32> to vector<1x16xf32>
        tpu.vector_store %arg18[%swap3A_344, %swap3A_345], %swap3A_348 {strides = array<i32>} : memref<128x144xf32, #tpu.memory_space<vmem>>, vector<1x16xf32>,
        %add3A_349 = arith.constant 2 : i32
        %add3A_350 = arith.addi %add3A_324, %add3A_349 : i32
        %get3A_351 = arith.constant 2 : i32
        %get3A_352 = arith.index_cast %get3A_351 : i32 to index
        %get3A_353 = arith.index_cast %add3A_350 : i32 to index
        %get3A_354 = arith.constant 0 : index
        %get3A_355 = tpu.vector_load %arg16[%get3A_352, %get3A_353, %get3A_354] {strides = array<i32>} : memref<8x128x16xf32, #tpu.memory_space<vmem>>, vector<1x1x16xf32>,
        %get3A_356 = vector.shape_cast %get3A_355 : vector<1x1x16xf32> to vector<16xf32>
        %swap3A_357 = arith.index_cast %add3A_350 : i32 to index
        %swap3A_358 = arith.constant 32 : index
        %swap3A_359 = tpu.vector_load %arg18[%swap3A_357, %swap3A_358] {strides = array<i32>} : memref<128x144xf32, #tpu.memory_space<vmem>>, vector<1x16xf32>,
        %swap3A_360 = vector.shape_cast %swap3A_359 : vector<1x16xf32> to vector<16xf32>
        %swap3A_361 = vector.shape_cast %get3A_356 : vector<16xf32> to vector<1x16xf32>
        tpu.vector_store %arg18[%swap3A_357, %swap3A_358], %swap3A_361 {strides = array<i32>} : memref<128x144xf32, #tpu.memory_space<vmem>>, vector<1x16xf32>,
        %add3A_362 = arith.constant 3 : i32
        %add3A_363 = arith.addi %add3A_324, %add3A_362 : i32
        %get3A_364 = arith.constant 2 : i32
        %get3A_365 = arith.index_cast %get3A_364 : i32 to index
        %get3A_366 = arith.index_cast %add3A_363 : i32 to index
        %get3A_367 = arith.constant 0 : index
        %get3A_368 = tpu.vector_load %arg16[%get3A_365, %get3A_366, %get3A_367] {strides = array<i32>} : memref<8x128x16xf32, #tpu.memory_space<vmem>>, vector<1x1x16xf32>,
        %get3A_369 = vector.shape_cast %get3A_368 : vector<1x1x16xf32> to vector<16xf32>
        %swap3A_370 = arith.index_cast %add3A_363 : i32 to index
        %swap3A_371 = arith.constant 32 : index
        %swap3A_372 = tpu.vector_load %arg18[%swap3A_370, %swap3A_371] {strides = array<i32>} : memref<128x144xf32, #tpu.memory_space<vmem>>, vector<1x16xf32>,
        %swap3A_373 = vector.shape_cast %swap3A_372 : vector<1x16xf32> to vector<16xf32>
        %swap3A_374 = vector.shape_cast %get3A_369 : vector<16xf32> to vector<1x16xf32>
        tpu.vector_store %arg18[%swap3A_370, %swap3A_371], %swap3A_374 {strides = array<i32>} : memref<128x144xf32, #tpu.memory_space<vmem>>, vector<1x16xf32>,
        %add3A_375 = arith.constant 4 : i32
        %add3A_376 = arith.addi %add3A_324, %add3A_375 : i32
        %get3A_377 = arith.constant 2 : i32
        %get3A_378 = arith.index_cast %get3A_377 : i32 to index
        %get3A_379 = arith.index_cast %add3A_376 : i32 to index
        %get3A_380 = arith.constant 0 : index
        %get3A_381 = tpu.vector_load %arg16[%get3A_378, %get3A_379, %get3A_380] {strides = array<i32>} : memref<8x128x16xf32, #tpu.memory_space<vmem>>, vector<1x1x16xf32>,
        %get3A_382 = vector.shape_cast %get3A_381 : vector<1x1x16xf32> to vector<16xf32>
        %swap3A_383 = arith.index_cast %add3A_376 : i32 to index
        %swap3A_384 = arith.constant 32 : index
        %swap3A_385 = tpu.vector_load %arg18[%swap3A_383, %swap3A_384] {strides = array<i32>} : memref<128x144xf32, #tpu.memory_space<vmem>>, vector<1x16xf32>,
        %swap3A_386 = vector.shape_cast %swap3A_385 : vector<1x16xf32> to vector<16xf32>
        %swap3A_387 = vector.shape_cast %get3A_382 : vector<16xf32> to vector<1x16xf32>
        tpu.vector_store %arg18[%swap3A_383, %swap3A_384], %swap3A_387 {strides = array<i32>} : memref<128x144xf32, #tpu.memory_space<vmem>>, vector<1x16xf32>,
        %add3A_388 = arith.constant 5 : i32
        %add3A_389 = arith.addi %add3A_324, %add3A_388 : i32
        %get3A_390 = arith.constant 2 : i32
        %get3A_391 = arith.index_cast %get3A_390 : i32 to index
        %get3A_392 = arith.index_cast %add3A_389 : i32 to index
        %get3A_393 = arith.constant 0 : index
        %get3A_394 = tpu.vector_load %arg16[%get3A_391, %get3A_392, %get3A_393] {strides = array<i32>} : memref<8x128x16xf32, #tpu.memory_space<vmem>>, vector<1x1x16xf32>,
        %get3A_395 = vector.shape_cast %get3A_394 : vector<1x1x16xf32> to vector<16xf32>
        %swap3A_396 = arith.index_cast %add3A_389 : i32 to index
        %swap3A_397 = arith.constant 32 : index
        %swap3A_398 = tpu.vector_load %arg18[%swap3A_396, %swap3A_397] {strides = array<i32>} : memref<128x144xf32, #tpu.memory_space<vmem>>, vector<1x16xf32>,
        %swap3A_399 = vector.shape_cast %swap3A_398 : vector<1x16xf32> to vector<16xf32>
        %swap3A_400 = vector.shape_cast %get3A_395 : vector<16xf32> to vector<1x16xf32>
        tpu.vector_store %arg18[%swap3A_396, %swap3A_397], %swap3A_400 {strides = array<i32>} : memref<128x144xf32, #tpu.memory_space<vmem>>, vector<1x16xf32>,
        %add3A_401 = arith.constant 6 : i32
        %add3A_402 = arith.addi %add3A_324, %add3A_401 : i32
        %get3A_403 = arith.constant 2 : i32
        %get3A_404 = arith.index_cast %get3A_403 : i32 to index
        %get3A_405 = arith.index_cast %add3A_402 : i32 to index
        %get3A_406 = arith.constant 0 : index
        %get3A_407 = tpu.vector_load %arg16[%get3A_404, %get3A_405, %get3A_406] {strides = array<i32>} : memref<8x128x16xf32, #tpu.memory_space<vmem>>, vector<1x1x16xf32>,
        %get3A_408 = vector.shape_cast %get3A_407 : vector<1x1x16xf32> to vector<16xf32>
        %swap3A_409 = arith.index_cast %add3A_402 : i32 to index
        %swap3A_410 = arith.constant 32 : index
        %swap3A_411 = tpu.vector_load %arg18[%swap3A_409, %swap3A_410] {strides = array<i32>} : memref<128x144xf32, #tpu.memory_space<vmem>>, vector<1x16xf32>,
        %swap3A_412 = vector.shape_cast %swap3A_411 : vector<1x16xf32> to vector<16xf32>
        %swap3A_413 = vector.shape_cast %get3A_408 : vector<16xf32> to vector<1x16xf32>
        tpu.vector_store %arg18[%swap3A_409, %swap3A_410], %swap3A_413 {strides = array<i32>} : memref<128x144xf32, #tpu.memory_space<vmem>>, vector<1x16xf32>,
        %add3A_414 = arith.constant 7 : i32
        %add3A_415 = arith.addi %add3A_324, %add3A_414 : i32
        %get3A_416 = arith.constant 2 : i32
        %get3A_417 = arith.index_cast %get3A_416 : i32 to index
        %get3A_418 = arith.index_cast %add3A_415 : i32 to index
        %get3A_419 = arith.constant 0 : index
        %get3A_420 = tpu.vector_load %arg16[%get3A_417, %get3A_418, %get3A_419] {strides = array<i32>} : memref<8x128x16xf32, #tpu.memory_space<vmem>>, vector<1x1x16xf32>,
        %get3A_421 = vector.shape_cast %get3A_420 : vector<1x1x16xf32> to vector<16xf32>
        %swap3A_422 = arith.index_cast %add3A_415 : i32 to index
        %swap3A_423 = arith.constant 32 : index
        %swap3A_424 = tpu.vector_load %arg18[%swap3A_422, %swap3A_423] {strides = array<i32>} : memref<128x144xf32, #tpu.memory_space<vmem>>, vector<1x16xf32>,
        %swap3A_425 = vector.shape_cast %swap3A_424 : vector<1x16xf32> to vector<16xf32>
        %swap3A_426 = vector.shape_cast %get3A_421 : vector<16xf32> to vector<1x16xf32>
        tpu.vector_store %arg18[%swap3A_422, %swap3A_423], %swap3A_426 {strides = array<i32>} : memref<128x144xf32, #tpu.memory_space<vmem>>, vector<1x16xf32>,
        %add3A_427 = arith.constant 8 : i32
        %add3A_428 = arith.addi %add3A_324, %add3A_427 : i32
        %get3A_429 = arith.constant 2 : i32
        %get3A_430 = arith.index_cast %get3A_429 : i32 to index
        %get3A_431 = arith.index_cast %add3A_428 : i32 to index
        %get3A_432 = arith.constant 0 : index
        %get3A_433 = tpu.vector_load %arg16[%get3A_430, %get3A_431, %get3A_432] {strides = array<i32>} : memref<8x128x16xf32, #tpu.memory_space<vmem>>, vector<1x1x16xf32>,
        %get3A_434 = vector.shape_cast %get3A_433 : vector<1x1x16xf32> to vector<16xf32>
        %swap3A_435 = arith.index_cast %add3A_428 : i32 to index
        %swap3A_436 = arith.constant 32 : index
        %swap3A_437 = tpu.vector_load %arg18[%swap3A_435, %swap3A_436] {strides = array<i32>} : memref<128x144xf32, #tpu.memory_space<vmem>>, vector<1x16xf32>,
        %swap3A_438 = vector.shape_cast %swap3A_437 : vector<1x16xf32> to vector<16xf32>
        %swap3A_439 = vector.shape_cast %get3A_434 : vector<16xf32> to vector<1x16xf32>
        tpu.vector_store %arg18[%swap3A_435, %swap3A_436], %swap3A_439 {strides = array<i32>} : memref<128x144xf32, #tpu.memory_space<vmem>>, vector<1x16xf32>,
        %add3A_440 = arith.constant 9 : i32
        %add3A_441 = arith.addi %add3A_324, %add3A_440 : i32
        %get3A_442 = arith.constant 2 : i32
        %get3A_443 = arith.index_cast %get3A_442 : i32 to index
        %get3A_444 = arith.index_cast %add3A_441 : i32 to index
        %get3A_445 = arith.constant 0 : index
        %get3A_446 = tpu.vector_load %arg16[%get3A_443, %get3A_444, %get3A_445] {strides = array<i32>} : memref<8x128x16xf32, #tpu.memory_space<vmem>>, vector<1x1x16xf32>,
        %get3A_447 = vector.shape_cast %get3A_446 : vector<1x1x16xf32> to vector<16xf32>
        %swap3A_448 = arith.index_cast %add3A_441 : i32 to index
        %swap3A_449 = arith.constant 32 : index
        %swap3A_450 = tpu.vector_load %arg18[%swap3A_448, %swap3A_449] {strides = array<i32>} : memref<128x144xf32, #tpu.memory_space<vmem>>, vector<1x16xf32>,
        %swap3A_451 = vector.shape_cast %swap3A_450 : vector<1x16xf32> to vector<16xf32>
        %swap3A_452 = vector.shape_cast %get3A_447 : vector<16xf32> to vector<1x16xf32>
        tpu.vector_store %arg18[%swap3A_448, %swap3A_449], %swap3A_452 {strides = array<i32>} : memref<128x144xf32, #tpu.memory_space<vmem>>, vector<1x16xf32>,
        %add3A_453 = arith.constant 10 : i32
        %add3A_454 = arith.addi %add3A_324, %add3A_453 : i32
        %get3A_455 = arith.constant 2 : i32
        %get3A_456 = arith.index_cast %get3A_455 : i32 to index
        %get3A_457 = arith.index_cast %add3A_454 : i32 to index
        %get3A_458 = arith.constant 0 : index
        %get3A_459 = tpu.vector_load %arg16[%get3A_456, %get3A_457, %get3A_458] {strides = array<i32>} : memref<8x128x16xf32, #tpu.memory_space<vmem>>, vector<1x1x16xf32>,
        %get3A_460 = vector.shape_cast %get3A_459 : vector<1x1x16xf32> to vector<16xf32>
        %swap3A_461 = arith.index_cast %add3A_454 : i32 to index
        %swap3A_462 = arith.constant 32 : index
        %swap3A_463 = tpu.vector_load %arg18[%swap3A_461, %swap3A_462] {strides = array<i32>} : memref<128x144xf32, #tpu.memory_space<vmem>>, vector<1x16xf32>,
        %swap3A_464 = vector.shape_cast %swap3A_463 : vector<1x16xf32> to vector<16xf32>
        %swap3A_465 = vector.shape_cast %get3A_460 : vector<16xf32> to vector<1x16xf32>
        tpu.vector_store %arg18[%swap3A_461, %swap3A_462], %swap3A_465 {strides = array<i32>} : memref<128x144xf32, #tpu.memory_space<vmem>>, vector<1x16xf32>,
        %add3A_466 = arith.constant 11 : i32
        %add3A_467 = arith.addi %add3A_324, %add3A_466 : i32
        %get3A_468 = arith.constant 2 : i32
        %get3A_469 = arith.index_cast %get3A_468 : i32 to index
        %get3A_470 = arith.index_cast %add3A_467 : i32 to index
        %get3A_471 = arith.constant 0 : index
        %get3A_472 = tpu.vector_load %arg16[%get3A_469, %get3A_470, %get3A_471] {strides = array<i32>} : memref<8x128x16xf32, #tpu.memory_space<vmem>>, vector<1x1x16xf32>,
        %get3A_473 = vector.shape_cast %get3A_472 : vector<1x1x16xf32> to vector<16xf32>
        %swap3A_474 = arith.index_cast %add3A_467 : i32 to index
        %swap3A_475 = arith.constant 32 : index
        %swap3A_476 = tpu.vector_load %arg18[%swap3A_474, %swap3A_475] {strides = array<i32>} : memref<128x144xf32, #tpu.memory_space<vmem>>, vector<1x16xf32>,
        %swap3A_477 = vector.shape_cast %swap3A_476 : vector<1x16xf32> to vector<16xf32>
        %swap3A_478 = vector.shape_cast %get3A_473 : vector<16xf32> to vector<1x16xf32>
        tpu.vector_store %arg18[%swap3A_474, %swap3A_475], %swap3A_478 {strides = array<i32>} : memref<128x144xf32, #tpu.memory_space<vmem>>, vector<1x16xf32>,
        %add3A_479 = arith.constant 12 : i32
        %add3A_480 = arith.addi %add3A_324, %add3A_479 : i32
        %get3A_481 = arith.constant 2 : i32
        %get3A_482 = arith.index_cast %get3A_481 : i32 to index
        %get3A_483 = arith.index_cast %add3A_480 : i32 to index
        %get3A_484 = arith.constant 0 : index
        %get3A_485 = tpu.vector_load %arg16[%get3A_482, %get3A_483, %get3A_484] {strides = array<i32>} : memref<8x128x16xf32, #tpu.memory_space<vmem>>, vector<1x1x16xf32>,
        %get3A_486 = vector.shape_cast %get3A_485 : vector<1x1x16xf32> to vector<16xf32>
        %swap3A_487 = arith.index_cast %add3A_480 : i32 to index
        %swap3A_488 = arith.constant 32 : index
        %swap3A_489 = tpu.vector_load %arg18[%swap3A_487, %swap3A_488] {strides = array<i32>} : memref<128x144xf32, #tpu.memory_space<vmem>>, vector<1x16xf32>,
        %swap3A_490 = vector.shape_cast %swap3A_489 : vector<1x16xf32> to vector<16xf32>
        %swap3A_491 = vector.shape_cast %get3A_486 : vector<16xf32> to vector<1x16xf32>
        tpu.vector_store %arg18[%swap3A_487, %swap3A_488], %swap3A_491 {strides = array<i32>} : memref<128x144xf32, #tpu.memory_space<vmem>>, vector<1x16xf32>,
        %add3A_492 = arith.constant 13 : i32
        %add3A_493 = arith.addi %add3A_324, %add3A_492 : i32
        %get3A_494 = arith.constant 2 : i32
        %get3A_495 = arith.index_cast %get3A_494 : i32 to index
        %get3A_496 = arith.index_cast %add3A_493 : i32 to index
        %get3A_497 = arith.constant 0 : index
        %get3A_498 = tpu.vector_load %arg16[%get3A_495, %get3A_496, %get3A_497] {strides = array<i32>} : memref<8x128x16xf32, #tpu.memory_space<vmem>>, vector<1x1x16xf32>,
        %get3A_499 = vector.shape_cast %get3A_498 : vector<1x1x16xf32> to vector<16xf32>
        %swap3A_500 = arith.index_cast %add3A_493 : i32 to index
        %swap3A_501 = arith.constant 32 : index
        %swap3A_502 = tpu.vector_load %arg18[%swap3A_500, %swap3A_501] {strides = array<i32>} : memref<128x144xf32, #tpu.memory_space<vmem>>, vector<1x16xf32>,
        %swap3A_503 = vector.shape_cast %swap3A_502 : vector<1x16xf32> to vector<16xf32>
        %swap3A_504 = vector.shape_cast %get3A_499 : vector<16xf32> to vector<1x16xf32>
        tpu.vector_store %arg18[%swap3A_500, %swap3A_501], %swap3A_504 {strides = array<i32>} : memref<128x144xf32, #tpu.memory_space<vmem>>, vector<1x16xf32>,
        %add3A_505 = arith.constant 14 : i32
        %add3A_506 = arith.addi %add3A_324, %add3A_505 : i32
        %get3A_507 = arith.constant 2 : i32
        %get3A_508 = arith.index_cast %get3A_507 : i32 to index
        %get3A_509 = arith.index_cast %add3A_506 : i32 to index
        %get3A_510 = arith.constant 0 : index
        %get3A_511 = tpu.vector_load %arg16[%get3A_508, %get3A_509, %get3A_510] {strides = array<i32>} : memref<8x128x16xf32, #tpu.memory_space<vmem>>, vector<1x1x16xf32>,
        %get3A_512 = vector.shape_cast %get3A_511 : vector<1x1x16xf32> to vector<16xf32>
        %swap3A_513 = arith.index_cast %add3A_506 : i32 to index
        %swap3A_514 = arith.constant 32 : index
        %swap3A_515 = tpu.vector_load %arg18[%swap3A_513, %swap3A_514] {strides = array<i32>} : memref<128x144xf32, #tpu.memory_space<vmem>>, vector<1x16xf32>,
        %swap3A_516 = vector.shape_cast %swap3A_515 : vector<1x16xf32> to vector<16xf32>
        %swap3A_517 = vector.shape_cast %get3A_512 : vector<16xf32> to vector<1x16xf32>
        tpu.vector_store %arg18[%swap3A_513, %swap3A_514], %swap3A_517 {strides = array<i32>} : memref<128x144xf32, #tpu.memory_space<vmem>>, vector<1x16xf32>,
        %add3A_518 = arith.constant 15 : i32
        %add3A_519 = arith.addi %add3A_324, %add3A_518 : i32
        %get3A_520 = arith.constant 2 : i32
        %get3A_521 = arith.index_cast %get3A_520 : i32 to index
        %get3A_522 = arith.index_cast %add3A_519 : i32 to index
        %get3A_523 = arith.constant 0 : index
        %get3A_524 = tpu.vector_load %arg16[%get3A_521, %get3A_522, %get3A_523] {strides = array<i32>} : memref<8x128x16xf32, #tpu.memory_space<vmem>>, vector<1x1x16xf32>,
        %get3A_525 = vector.shape_cast %get3A_524 : vector<1x1x16xf32> to vector<16xf32>
        %swap3A_526 = arith.index_cast %add3A_519 : i32 to index
        %swap3A_527 = arith.constant 32 : index
        %swap3A_528 = tpu.vector_load %arg18[%swap3A_526, %swap3A_527] {strides = array<i32>} : memref<128x144xf32, #tpu.memory_space<vmem>>, vector<1x16xf32>,
        %swap3A_529 = vector.shape_cast %swap3A_528 : vector<1x16xf32> to vector<16xf32>
        %swap3A_530 = vector.shape_cast %get3A_525 : vector<16xf32> to vector<1x16xf32>
        tpu.vector_store %arg18[%swap3A_526, %swap3A_527], %swap3A_530 {strides = array<i32>} : memref<128x144xf32, #tpu.memory_space<vmem>>, vector<1x16xf32>,
      }
      %scan3A_294 = arith.constant 8 : i32
      %scan3A_295 = arith.constant 0 : i32
      %scan3A_296 = arith.constant 8 : i32
      %scan3A_297 = arith.addi %scan3A_295, %scan3A_296 : i32
      %scan3A_298 = arith.constant 1 : i32
      scf.for %scan3A_320 = %scan3A_295 to %scan3A_297 step %scan3A_298  : i32 {
        %mul3A_321 = arith.constant 16 : i32
        %mul3A_322 = arith.muli %scan3A_320, %mul3A_321 : i32
        %add3A_323 = arith.constant 0 : i32
        %add3A_324 = arith.addi %add3A_323, %mul3A_322 : i32
        %add3A_325 = arith.constant 0 : i32
        %add3A_326 = arith.addi %add3A_324, %add3A_325 : i32
        %get3A = arith.constant 3 : i32
        %get3A_327 = arith.index_cast %get3A : i32 to index
        %get3A_328 = arith.index_cast %add3A_326 : i32 to index
        %get3A_329 = arith.constant 0 : index
        %get3A_330 = tpu.vector_load %arg16[%get3A_327, %get3A_328, %get3A_329] {strides = array<i32>} : memref<8x128x16xf32, #tpu.memory_space<vmem>>, vector<1x1x16xf32>,
        %get3A_331 = vector.shape_cast %get3A_330 : vector<1x1x16xf32> to vector<16xf32>
        %swap3A = arith.index_cast %add3A_326 : i32 to index
        %swap3A_332 = arith.constant 48 : index
        %swap3A_333 = tpu.vector_load %arg18[%swap3A, %swap3A_332] {strides = array<i32>} : memref<128x144xf32, #tpu.memory_space<vmem>>, vector<1x16xf32>,
        %swap3A_334 = vector.shape_cast %swap3A_333 : vector<1x16xf32> to vector<16xf32>
        %swap3A_335 = vector.shape_cast %get3A_331 : vector<16xf32> to vector<1x16xf32>
        tpu.vector_store %arg18[%swap3A, %swap3A_332], %swap3A_335 {strides = array<i32>} : memref<128x144xf32, #tpu.memory_space<vmem>>, vector<1x16xf32>,
        %add3A_336 = arith.constant 1 : i32
        %add3A_337 = arith.addi %add3A_324, %add3A_336 : i32
        %get3A_338 = arith.constant 3 : i32
        %get3A_339 = arith.index_cast %get3A_338 : i32 to index
        %get3A_340 = arith.index_cast %add3A_337 : i32 to index
        %get3A_341 = arith.constant 0 : index
        %get3A_342 = tpu.vector_load %arg16[%get3A_339, %get3A_340, %get3A_341] {strides = array<i32>} : memref<8x128x16xf32, #tpu.memory_space<vmem>>, vector<1x1x16xf32>,
        %get3A_343 = vector.shape_cast %get3A_342 : vector<1x1x16xf32> to vector<16xf32>
        %swap3A_344 = arith.index_cast %add3A_337 : i32 to index
        %swap3A_345 = arith.constant 48 : index
        %swap3A_346 = tpu.vector_load %arg18[%swap3A_344, %swap3A_345] {strides = array<i32>} : memref<128x144xf32, #tpu.memory_space<vmem>>, vector<1x16xf32>,
        %swap3A_347 = vector.shape_cast %swap3A_346 : vector<1x16xf32> to vector<16xf32>
        %swap3A_348 = vector.shape_cast %get3A_343 : vector<16xf32> to vector<1x16xf32>
        tpu.vector_store %arg18[%swap3A_344, %swap3A_345], %swap3A_348 {strides = array<i32>} : memref<128x144xf32, #tpu.memory_space<vmem>>, vector<1x16xf32>,
        %add3A_349 = arith.constant 2 : i32
        %add3A_350 = arith.addi %add3A_324, %add3A_349 : i32
        %get3A_351 = arith.constant 3 : i32
        %get3A_352 = arith.index_cast %get3A_351 : i32 to index
        %get3A_353 = arith.index_cast %add3A_350 : i32 to index
        %get3A_354 = arith.constant 0 : index
        %get3A_355 = tpu.vector_load %arg16[%get3A_352, %get3A_353, %get3A_354] {strides = array<i32>} : memref<8x128x16xf32, #tpu.memory_space<vmem>>, vector<1x1x16xf32>,
        %get3A_356 = vector.shape_cast %get3A_355 : vector<1x1x16xf32> to vector<16xf32>
        %swap3A_357 = arith.index_cast %add3A_350 : i32 to index
        %swap3A_358 = arith.constant 48 : index
        %swap3A_359 = tpu.vector_load %arg18[%swap3A_357, %swap3A_358] {strides = array<i32>} : memref<128x144xf32, #tpu.memory_space<vmem>>, vector<1x16xf32>,
        %swap3A_360 = vector.shape_cast %swap3A_359 : vector<1x16xf32> to vector<16xf32>
        %swap3A_361 = vector.shape_cast %get3A_356 : vector<16xf32> to vector<1x16xf32>
        tpu.vector_store %arg18[%swap3A_357, %swap3A_358], %swap3A_361 {strides = array<i32>} : memref<128x144xf32, #tpu.memory_space<vmem>>, vector<1x16xf32>,
        %add3A_362 = arith.constant 3 : i32
        %add3A_363 = arith.addi %add3A_324, %add3A_362 : i32
        %get3A_364 = arith.constant 3 : i32
        %get3A_365 = arith.index_cast %get3A_364 : i32 to index
        %get3A_366 = arith.index_cast %add3A_363 : i32 to index
        %get3A_367 = arith.constant 0 : index
        %get3A_368 = tpu.vector_load %arg16[%get3A_365, %get3A_366, %get3A_367] {strides = array<i32>} : memref<8x128x16xf32, #tpu.memory_space<vmem>>, vector<1x1x16xf32>,
        %get3A_369 = vector.shape_cast %get3A_368 : vector<1x1x16xf32> to vector<16xf32>
        %swap3A_370 = arith.index_cast %add3A_363 : i32 to index
        %swap3A_371 = arith.constant 48 : index
        %swap3A_372 = tpu.vector_load %arg18[%swap3A_370, %swap3A_371] {strides = array<i32>} : memref<128x144xf32, #tpu.memory_space<vmem>>, vector<1x16xf32>,
        %swap3A_373 = vector.shape_cast %swap3A_372 : vector<1x16xf32> to vector<16xf32>
        %swap3A_374 = vector.shape_cast %get3A_369 : vector<16xf32> to vector<1x16xf32>
        tpu.vector_store %arg18[%swap3A_370, %swap3A_371], %swap3A_374 {strides = array<i32>} : memref<128x144xf32, #tpu.memory_space<vmem>>, vector<1x16xf32>,
        %add3A_375 = arith.constant 4 : i32
        %add3A_376 = arith.addi %add3A_324, %add3A_375 : i32
        %get3A_377 = arith.constant 3 : i32
        %get3A_378 = arith.index_cast %get3A_377 : i32 to index
        %get3A_379 = arith.index_cast %add3A_376 : i32 to index
        %get3A_380 = arith.constant 0 : index
        %get3A_381 = tpu.vector_load %arg16[%get3A_378, %get3A_379, %get3A_380] {strides = array<i32>} : memref<8x128x16xf32, #tpu.memory_space<vmem>>, vector<1x1x16xf32>,
        %get3A_382 = vector.shape_cast %get3A_381 : vector<1x1x16xf32> to vector<16xf32>
        %swap3A_383 = arith.index_cast %add3A_376 : i32 to index
        %swap3A_384 = arith.constant 48 : index
        %swap3A_385 = tpu.vector_load %arg18[%swap3A_383, %swap3A_384] {strides = array<i32>} : memref<128x144xf32, #tpu.memory_space<vmem>>, vector<1x16xf32>,
        %swap3A_386 = vector.shape_cast %swap3A_385 : vector<1x16xf32> to vector<16xf32>
        %swap3A_387 = vector.shape_cast %get3A_382 : vector<16xf32> to vector<1x16xf32>
        tpu.vector_store %arg18[%swap3A_383, %swap3A_384], %swap3A_387 {strides = array<i32>} : memref<128x144xf32, #tpu.memory_space<vmem>>, vector<1x16xf32>,
        %add3A_388 = arith.constant 5 : i32
        %add3A_389 = arith.addi %add3A_324, %add3A_388 : i32
        %get3A_390 = arith.constant 3 : i32
        %get3A_391 = arith.index_cast %get3A_390 : i32 to index
        %get3A_392 = arith.index_cast %add3A_389 : i32 to index
        %get3A_393 = arith.constant 0 : index
        %get3A_394 = tpu.vector_load %arg16[%get3A_391, %get3A_392, %get3A_393] {strides = array<i32>} : memref<8x128x16xf32, #tpu.memory_space<vmem>>, vector<1x1x16xf32>,
        %get3A_395 = vector.shape_cast %get3A_394 : vector<1x1x16xf32> to vector<16xf32>
        %swap3A_396 = arith.index_cast %add3A_389 : i32 to index
        %swap3A_397 = arith.constant 48 : index
        %swap3A_398 = tpu.vector_load %arg18[%swap3A_396, %swap3A_397] {strides = array<i32>} : memref<128x144xf32, #tpu.memory_space<vmem>>, vector<1x16xf32>,
        %swap3A_399 = vector.shape_cast %swap3A_398 : vector<1x16xf32> to vector<16xf32>
        %swap3A_400 = vector.shape_cast %get3A_395 : vector<16xf32> to vector<1x16xf32>
        tpu.vector_store %arg18[%swap3A_396, %swap3A_397], %swap3A_400 {strides = array<i32>} : memref<128x144xf32, #tpu.memory_space<vmem>>, vector<1x16xf32>,
        %add3A_401 = arith.constant 6 : i32
        %add3A_402 = arith.addi %add3A_324, %add3A_401 : i32
        %get3A_403 = arith.constant 3 : i32
        %get3A_404 = arith.index_cast %get3A_403 : i32 to index
        %get3A_405 = arith.index_cast %add3A_402 : i32 to index
        %get3A_406 = arith.constant 0 : index
        %get3A_407 = tpu.vector_load %arg16[%get3A_404, %get3A_405, %get3A_406] {strides = array<i32>} : memref<8x128x16xf32, #tpu.memory_space<vmem>>, vector<1x1x16xf32>,
        %get3A_408 = vector.shape_cast %get3A_407 : vector<1x1x16xf32> to vector<16xf32>
        %swap3A_409 = arith.index_cast %add3A_402 : i32 to index
        %swap3A_410 = arith.constant 48 : index
        %swap3A_411 = tpu.vector_load %arg18[%swap3A_409, %swap3A_410] {strides = array<i32>} : memref<128x144xf32, #tpu.memory_space<vmem>>, vector<1x16xf32>,
        %swap3A_412 = vector.shape_cast %swap3A_411 : vector<1x16xf32> to vector<16xf32>
        %swap3A_413 = vector.shape_cast %get3A_408 : vector<16xf32> to vector<1x16xf32>
        tpu.vector_store %arg18[%swap3A_409, %swap3A_410], %swap3A_413 {strides = array<i32>} : memref<128x144xf32, #tpu.memory_space<vmem>>, vector<1x16xf32>,
        %add3A_414 = arith.constant 7 : i32
        %add3A_415 = arith.addi %add3A_324, %add3A_414 : i32
        %get3A_416 = arith.constant 3 : i32
        %get3A_417 = arith.index_cast %get3A_416 : i32 to index
        %get3A_418 = arith.index_cast %add3A_415 : i32 to index
        %get3A_419 = arith.constant 0 : index
        %get3A_420 = tpu.vector_load %arg16[%get3A_417, %get3A_418, %get3A_419] {strides = array<i32>} : memref<8x128x16xf32, #tpu.memory_space<vmem>>, vector<1x1x16xf32>,
        %get3A_421 = vector.shape_cast %get3A_420 : vector<1x1x16xf32> to vector<16xf32>
        %swap3A_422 = arith.index_cast %add3A_415 : i32 to index
        %swap3A_423 = arith.constant 48 : index
        %swap3A_424 = tpu.vector_load %arg18[%swap3A_422, %swap3A_423] {strides = array<i32>} : memref<128x144xf32, #tpu.memory_space<vmem>>, vector<1x16xf32>,
        %swap3A_425 = vector.shape_cast %swap3A_424 : vector<1x16xf32> to vector<16xf32>
        %swap3A_426 = vector.shape_cast %get3A_421 : vector<16xf32> to vector<1x16xf32>
        tpu.vector_store %arg18[%swap3A_422, %swap3A_423], %swap3A_426 {strides = array<i32>} : memref<128x144xf32, #tpu.memory_space<vmem>>, vector<1x16xf32>,
        %add3A_427 = arith.constant 8 : i32
        %add3A_428 = arith.addi %add3A_324, %add3A_427 : i32
        %get3A_429 = arith.constant 3 : i32
        %get3A_430 = arith.index_cast %get3A_429 : i32 to index
        %get3A_431 = arith.index_cast %add3A_428 : i32 to index
        %get3A_432 = arith.constant 0 : index
        %get3A_433 = tpu.vector_load %arg16[%get3A_430, %get3A_431, %get3A_432] {strides = array<i32>} : memref<8x128x16xf32, #tpu.memory_space<vmem>>, vector<1x1x16xf32>,
        %get3A_434 = vector.shape_cast %get3A_433 : vector<1x1x16xf32> to vector<16xf32>
        %swap3A_435 = arith.index_cast %add3A_428 : i32 to index
        %swap3A_436 = arith.constant 48 : index
        %swap3A_437 = tpu.vector_load %arg18[%swap3A_435, %swap3A_436] {strides = array<i32>} : memref<128x144xf32, #tpu.memory_space<vmem>>, vector<1x16xf32>,
        %swap3A_438 = vector.shape_cast %swap3A_437 : vector<1x16xf32> to vector<16xf32>
        %swap3A_439 = vector.shape_cast %get3A_434 : vector<16xf32> to vector<1x16xf32>
        tpu.vector_store %arg18[%swap3A_435, %swap3A_436], %swap3A_439 {strides = array<i32>} : memref<128x144xf32, #tpu.memory_space<vmem>>, vector<1x16xf32>,
        %add3A_440 = arith.constant 9 : i32
        %add3A_441 = arith.addi %add3A_324, %add3A_440 : i32
        %get3A_442 = arith.constant 3 : i32
        %get3A_443 = arith.index_cast %get3A_442 : i32 to index
        %get3A_444 = arith.index_cast %add3A_441 : i32 to index
        %get3A_445 = arith.constant 0 : index
        %get3A_446 = tpu.vector_load %arg16[%get3A_443, %get3A_444, %get3A_445] {strides = array<i32>} : memref<8x128x16xf32, #tpu.memory_space<vmem>>, vector<1x1x16xf32>,
        %get3A_447 = vector.shape_cast %get3A_446 : vector<1x1x16xf32> to vector<16xf32>
        %swap3A_448 = arith.index_cast %add3A_441 : i32 to index
        %swap3A_449 = arith.constant 48 : index
        %swap3A_450 = tpu.vector_load %arg18[%swap3A_448, %swap3A_449] {strides = array<i32>} : memref<128x144xf32, #tpu.memory_space<vmem>>, vector<1x16xf32>,
        %swap3A_451 = vector.shape_cast %swap3A_450 : vector<1x16xf32> to vector<16xf32>
        %swap3A_452 = vector.shape_cast %get3A_447 : vector<16xf32> to vector<1x16xf32>
        tpu.vector_store %arg18[%swap3A_448, %swap3A_449], %swap3A_452 {strides = array<i32>} : memref<128x144xf32, #tpu.memory_space<vmem>>, vector<1x16xf32>,
        %add3A_453 = arith.constant 10 : i32
        %add3A_454 = arith.addi %add3A_324, %add3A_453 : i32
        %get3A_455 = arith.constant 3 : i32
        %get3A_456 = arith.index_cast %get3A_455 : i32 to index
        %get3A_457 = arith.index_cast %add3A_454 : i32 to index
        %get3A_458 = arith.constant 0 : index
        %get3A_459 = tpu.vector_load %arg16[%get3A_456, %get3A_457, %get3A_458] {strides = array<i32>} : memref<8x128x16xf32, #tpu.memory_space<vmem>>, vector<1x1x16xf32>,
        %get3A_460 = vector.shape_cast %get3A_459 : vector<1x1x16xf32> to vector<16xf32>
        %swap3A_461 = arith.index_cast %add3A_454 : i32 to index
        %swap3A_462 = arith.constant 48 : index
        %swap3A_463 = tpu.vector_load %arg18[%swap3A_461, %swap3A_462] {strides = array<i32>} : memref<128x144xf32, #tpu.memory_space<vmem>>, vector<1x16xf32>,
        %swap3A_464 = vector.shape_cast %swap3A_463 : vector<1x16xf32> to vector<16xf32>
        %swap3A_465 = vector.shape_cast %get3A_460 : vector<16xf32> to vector<1x16xf32>
        tpu.vector_store %arg18[%swap3A_461, %swap3A_462], %swap3A_465 {strides = array<i32>} : memref<128x144xf32, #tpu.memory_space<vmem>>, vector<1x16xf32>,
        %add3A_466 = arith.constant 11 : i32
        %add3A_467 = arith.addi %add3A_324, %add3A_466 : i32
        %get3A_468 = arith.constant 3 : i32
        %get3A_469 = arith.index_cast %get3A_468 : i32 to index
        %get3A_470 = arith.index_cast %add3A_467 : i32 to index
        %get3A_471 = arith.constant 0 : index
        %get3A_472 = tpu.vector_load %arg16[%get3A_469, %get3A_470, %get3A_471] {strides = array<i32>} : memref<8x128x16xf32, #tpu.memory_space<vmem>>, vector<1x1x16xf32>,
        %get3A_473 = vector.shape_cast %get3A_472 : vector<1x1x16xf32> to vector<16xf32>
        %swap3A_474 = arith.index_cast %add3A_467 : i32 to index
        %swap3A_475 = arith.constant 48 : index
        %swap3A_476 = tpu.vector_load %arg18[%swap3A_474, %swap3A_475] {strides = array<i32>} : memref<128x144xf32, #tpu.memory_space<vmem>>, vector<1x16xf32>,
        %swap3A_477 = vector.shape_cast %swap3A_476 : vector<1x16xf32> to vector<16xf32>
        %swap3A_478 = vector.shape_cast %get3A_473 : vector<16xf32> to vector<1x16xf32>
        tpu.vector_store %arg18[%swap3A_474, %swap3A_475], %swap3A_478 {strides = array<i32>} : memref<128x144xf32, #tpu.memory_space<vmem>>, vector<1x16xf32>,
        %add3A_479 = arith.constant 12 : i32
        %add3A_480 = arith.addi %add3A_324, %add3A_479 : i32
        %get3A_481 = arith.constant 3 : i32
        %get3A_482 = arith.index_cast %get3A_481 : i32 to index
        %get3A_483 = arith.index_cast %add3A_480 : i32 to index
        %get3A_484 = arith.constant 0 : index
        %get3A_485 = tpu.vector_load %arg16[%get3A_482, %get3A_483, %get3A_484] {strides = array<i32>} : memref<8x128x16xf32, #tpu.memory_space<vmem>>, vector<1x1x16xf32>,
        %get3A_486 = vector.shape_cast %get3A_485 : vector<1x1x16xf32> to vector<16xf32>
        %swap3A_487 = arith.index_cast %add3A_480 : i32 to index
        %swap3A_488 = arith.constant 48 : index
        %swap3A_489 = tpu.vector_load %arg18[%swap3A_487, %swap3A_488] {strides = array<i32>} : memref<128x144xf32, #tpu.memory_space<vmem>>, vector<1x16xf32>,
        %swap3A_490 = vector.shape_cast %swap3A_489 : vector<1x16xf32> to vector<16xf32>
        %swap3A_491 = vector.shape_cast %get3A_486 : vector<16xf32> to vector<1x16xf32>
        tpu.vector_store %arg18[%swap3A_487, %swap3A_488], %swap3A_491 {strides = array<i32>} : memref<128x144xf32, #tpu.memory_space<vmem>>, vector<1x16xf32>,
        %add3A_492 = arith.constant 13 : i32
        %add3A_493 = arith.addi %add3A_324, %add3A_492 : i32
        %get3A_494 = arith.constant 3 : i32
        %get3A_495 = arith.index_cast %get3A_494 : i32 to index
        %get3A_496 = arith.index_cast %add3A_493 : i32 to index
        %get3A_497 = arith.constant 0 : index
        %get3A_498 = tpu.vector_load %arg16[%get3A_495, %get3A_496, %get3A_497] {strides = array<i32>} : memref<8x128x16xf32, #tpu.memory_space<vmem>>, vector<1x1x16xf32>,
        %get3A_499 = vector.shape_cast %get3A_498 : vector<1x1x16xf32> to vector<16xf32>
        %swap3A_500 = arith.index_cast %add3A_493 : i32 to index
        %swap3A_501 = arith.constant 48 : index
        %swap3A_502 = tpu.vector_load %arg18[%swap3A_500, %swap3A_501] {strides = array<i32>} : memref<128x144xf32, #tpu.memory_space<vmem>>, vector<1x16xf32>,
        %swap3A_503 = vector.shape_cast %swap3A_502 : vector<1x16xf32> to vector<16xf32>
        %swap3A_504 = vector.shape_cast %get3A_499 : vector<16xf32> to vector<1x16xf32>
        tpu.vector_store %arg18[%swap3A_500, %swap3A_501], %swap3A_504 {strides = array<i32>} : memref<128x144xf32, #tpu.memory_space<vmem>>, vector<1x16xf32>,
        %add3A_505 = arith.constant 14 : i32
        %add3A_506 = arith.addi %add3A_324, %add3A_505 : i32
        %get3A_507 = arith.constant 3 : i32
        %get3A_508 = arith.index_cast %get3A_507 : i32 to index
        %get3A_509 = arith.index_cast %add3A_506 : i32 to index
        %get3A_510 = arith.constant 0 : index
        %get3A_511 = tpu.vector_load %arg16[%get3A_508, %get3A_509, %get3A_510] {strides = array<i32>} : memref<8x128x16xf32, #tpu.memory_space<vmem>>, vector<1x1x16xf32>,
        %get3A_512 = vector.shape_cast %get3A_511 : vector<1x1x16xf32> to vector<16xf32>
        %swap3A_513 = arith.index_cast %add3A_506 : i32 to index
        %swap3A_514 = arith.constant 48 : index
        %swap3A_515 = tpu.vector_load %arg18[%swap3A_513, %swap3A_514] {strides = array<i32>} : memref<128x144xf32, #tpu.memory_space<vmem>>, vector<1x16xf32>,
        %swap3A_516 = vector.shape_cast %swap3A_515 : vector<1x16xf32> to vector<16xf32>
        %swap3A_517 = vector.shape_cast %get3A_512 : vector<16xf32> to vector<1x16xf32>
        tpu.vector_store %arg18[%swap3A_513, %swap3A_514], %swap3A_517 {strides = array<i32>} : memref<128x144xf32, #tpu.memory_space<vmem>>, vector<1x16xf32>,
        %add3A_518 = arith.constant 15 : i32
        %add3A_519 = arith.addi %add3A_324, %add3A_518 : i32
        %get3A_520 = arith.constant 3 : i32
        %get3A_521 = arith.index_cast %get3A_520 : i32 to index
        %get3A_522 = arith.index_cast %add3A_519 : i32 to index
        %get3A_523 = arith.constant 0 : index
        %get3A_524 = tpu.vector_load %arg16[%get3A_521, %get3A_522, %get3A_523] {strides = array<i32>} : memref<8x128x16xf32, #tpu.memory_space<vmem>>, vector<1x1x16xf32>,
        %get3A_525 = vector.shape_cast %get3A_524 : vector<1x1x16xf32> to vector<16xf32>
        %swap3A_526 = arith.index_cast %add3A_519 : i32 to index
        %swap3A_527 = arith.constant 48 : index
        %swap3A_528 = tpu.vector_load %arg18[%swap3A_526, %swap3A_527] {strides = array<i32>} : memref<128x144xf32, #tpu.memory_space<vmem>>, vector<1x16xf32>,
        %swap3A_529 = vector.shape_cast %swap3A_528 : vector<1x16xf32> to vector<16xf32>
        %swap3A_530 = vector.shape_cast %get3A_525 : vector<16xf32> to vector<1x16xf32>
        tpu.vector_store %arg18[%swap3A_526, %swap3A_527], %swap3A_530 {strides = array<i32>} : memref<128x144xf32, #tpu.memory_space<vmem>>, vector<1x16xf32>,
      }
      %scan3A_299 = arith.constant 8 : i32
      %scan3A_300 = arith.constant 0 : i32
      %scan3A_301 = arith.constant 8 : i32
      %scan3A_302 = arith.addi %scan3A_300, %scan3A_301 : i32
      %scan3A_303 = arith.constant 1 : i32
      scf.for %scan3A_320 = %scan3A_300 to %scan3A_302 step %scan3A_303  : i32 {
        %mul3A_321 = arith.constant 16 : i32
        %mul3A_322 = arith.muli %scan3A_320, %mul3A_321 : i32
        %add3A_323 = arith.constant 0 : i32
        %add3A_324 = arith.addi %add3A_323, %mul3A_322 : i32
        %add3A_325 = arith.constant 0 : i32
        %add3A_326 = arith.addi %add3A_324, %add3A_325 : i32
        %get3A = arith.constant 4 : i32
        %get3A_327 = arith.index_cast %get3A : i32 to index
        %get3A_328 = arith.index_cast %add3A_326 : i32 to index
        %get3A_329 = arith.constant 0 : index
        %get3A_330 = tpu.vector_load %arg16[%get3A_327, %get3A_328, %get3A_329] {strides = array<i32>} : memref<8x128x16xf32, #tpu.memory_space<vmem>>, vector<1x1x16xf32>,
        %get3A_331 = vector.shape_cast %get3A_330 : vector<1x1x16xf32> to vector<16xf32>
        %swap3A = arith.index_cast %add3A_326 : i32 to index
        %swap3A_332 = arith.constant 64 : index
        %swap3A_333 = tpu.vector_load %arg18[%swap3A, %swap3A_332] {strides = array<i32>} : memref<128x144xf32, #tpu.memory_space<vmem>>, vector<1x16xf32>,
        %swap3A_334 = vector.shape_cast %swap3A_333 : vector<1x16xf32> to vector<16xf32>
        %swap3A_335 = vector.shape_cast %get3A_331 : vector<16xf32> to vector<1x16xf32>
        tpu.vector_store %arg18[%swap3A, %swap3A_332], %swap3A_335 {strides = array<i32>} : memref<128x144xf32, #tpu.memory_space<vmem>>, vector<1x16xf32>,
        %add3A_336 = arith.constant 1 : i32
        %add3A_337 = arith.addi %add3A_324, %add3A_336 : i32
        %get3A_338 = arith.constant 4 : i32
        %get3A_339 = arith.index_cast %get3A_338 : i32 to index
        %get3A_340 = arith.index_cast %add3A_337 : i32 to index
        %get3A_341 = arith.constant 0 : index
        %get3A_342 = tpu.vector_load %arg16[%get3A_339, %get3A_340, %get3A_341] {strides = array<i32>} : memref<8x128x16xf32, #tpu.memory_space<vmem>>, vector<1x1x16xf32>,
        %get3A_343 = vector.shape_cast %get3A_342 : vector<1x1x16xf32> to vector<16xf32>
        %swap3A_344 = arith.index_cast %add3A_337 : i32 to index
        %swap3A_345 = arith.constant 64 : index
        %swap3A_346 = tpu.vector_load %arg18[%swap3A_344, %swap3A_345] {strides = array<i32>} : memref<128x144xf32, #tpu.memory_space<vmem>>, vector<1x16xf32>,
        %swap3A_347 = vector.shape_cast %swap3A_346 : vector<1x16xf32> to vector<16xf32>
        %swap3A_348 = vector.shape_cast %get3A_343 : vector<16xf32> to vector<1x16xf32>
        tpu.vector_store %arg18[%swap3A_344, %swap3A_345], %swap3A_348 {strides = array<i32>} : memref<128x144xf32, #tpu.memory_space<vmem>>, vector<1x16xf32>,
        %add3A_349 = arith.constant 2 : i32
        %add3A_350 = arith.addi %add3A_324, %add3A_349 : i32
        %get3A_351 = arith.constant 4 : i32
        %get3A_352 = arith.index_cast %get3A_351 : i32 to index
        %get3A_353 = arith.index_cast %add3A_350 : i32 to index
        %get3A_354 = arith.constant 0 : index
        %get3A_355 = tpu.vector_load %arg16[%get3A_352, %get3A_353, %get3A_354] {strides = array<i32>} : memref<8x128x16xf32, #tpu.memory_space<vmem>>, vector<1x1x16xf32>,
        %get3A_356 = vector.shape_cast %get3A_355 : vector<1x1x16xf32> to vector<16xf32>
        %swap3A_357 = arith.index_cast %add3A_350 : i32 to index
        %swap3A_358 = arith.constant 64 : index
        %swap3A_359 = tpu.vector_load %arg18[%swap3A_357, %swap3A_358] {strides = array<i32>} : memref<128x144xf32, #tpu.memory_space<vmem>>, vector<1x16xf32>,
        %swap3A_360 = vector.shape_cast %swap3A_359 : vector<1x16xf32> to vector<16xf32>
        %swap3A_361 = vector.shape_cast %get3A_356 : vector<16xf32> to vector<1x16xf32>
        tpu.vector_store %arg18[%swap3A_357, %swap3A_358], %swap3A_361 {strides = array<i32>} : memref<128x144xf32, #tpu.memory_space<vmem>>, vector<1x16xf32>,
        %add3A_362 = arith.constant 3 : i32
        %add3A_363 = arith.addi %add3A_324, %add3A_362 : i32
        %get3A_364 = arith.constant 4 : i32
        %get3A_365 = arith.index_cast %get3A_364 : i32 to index
        %get3A_366 = arith.index_cast %add3A_363 : i32 to index
        %get3A_367 = arith.constant 0 : index
        %get3A_368 = tpu.vector_load %arg16[%get3A_365, %get3A_366, %get3A_367] {strides = array<i32>} : memref<8x128x16xf32, #tpu.memory_space<vmem>>, vector<1x1x16xf32>,
        %get3A_369 = vector.shape_cast %get3A_368 : vector<1x1x16xf32> to vector<16xf32>
        %swap3A_370 = arith.index_cast %add3A_363 : i32 to index
        %swap3A_371 = arith.constant 64 : index
        %swap3A_372 = tpu.vector_load %arg18[%swap3A_370, %swap3A_371] {strides = array<i32>} : memref<128x144xf32, #tpu.memory_space<vmem>>, vector<1x16xf32>,
        %swap3A_373 = vector.shape_cast %swap3A_372 : vector<1x16xf32> to vector<16xf32>
        %swap3A_374 = vector.shape_cast %get3A_369 : vector<16xf32> to vector<1x16xf32>
        tpu.vector_store %arg18[%swap3A_370, %swap3A_371], %swap3A_374 {strides = array<i32>} : memref<128x144xf32, #tpu.memory_space<vmem>>, vector<1x16xf32>,
        %add3A_375 = arith.constant 4 : i32
        %add3A_376 = arith.addi %add3A_324, %add3A_375 : i32
        %get3A_377 = arith.constant 4 : i32
        %get3A_378 = arith.index_cast %get3A_377 : i32 to index
        %get3A_379 = arith.index_cast %add3A_376 : i32 to index
        %get3A_380 = arith.constant 0 : index
        %get3A_381 = tpu.vector_load %arg16[%get3A_378, %get3A_379, %get3A_380] {strides = array<i32>} : memref<8x128x16xf32, #tpu.memory_space<vmem>>, vector<1x1x16xf32>,
        %get3A_382 = vector.shape_cast %get3A_381 : vector<1x1x16xf32> to vector<16xf32>
        %swap3A_383 = arith.index_cast %add3A_376 : i32 to index
        %swap3A_384 = arith.constant 64 : index
        %swap3A_385 = tpu.vector_load %arg18[%swap3A_383, %swap3A_384] {strides = array<i32>} : memref<128x144xf32, #tpu.memory_space<vmem>>, vector<1x16xf32>,
        %swap3A_386 = vector.shape_cast %swap3A_385 : vector<1x16xf32> to vector<16xf32>
        %swap3A_387 = vector.shape_cast %get3A_382 : vector<16xf32> to vector<1x16xf32>
        tpu.vector_store %arg18[%swap3A_383, %swap3A_384], %swap3A_387 {strides = array<i32>} : memref<128x144xf32, #tpu.memory_space<vmem>>, vector<1x16xf32>,
        %add3A_388 = arith.constant 5 : i32
        %add3A_389 = arith.addi %add3A_324, %add3A_388 : i32
        %get3A_390 = arith.constant 4 : i32
        %get3A_391 = arith.index_cast %get3A_390 : i32 to index
        %get3A_392 = arith.index_cast %add3A_389 : i32 to index
        %get3A_393 = arith.constant 0 : index
        %get3A_394 = tpu.vector_load %arg16[%get3A_391, %get3A_392, %get3A_393] {strides = array<i32>} : memref<8x128x16xf32, #tpu.memory_space<vmem>>, vector<1x1x16xf32>,
        %get3A_395 = vector.shape_cast %get3A_394 : vector<1x1x16xf32> to vector<16xf32>
        %swap3A_396 = arith.index_cast %add3A_389 : i32 to index
        %swap3A_397 = arith.constant 64 : index
        %swap3A_398 = tpu.vector_load %arg18[%swap3A_396, %swap3A_397] {strides = array<i32>} : memref<128x144xf32, #tpu.memory_space<vmem>>, vector<1x16xf32>,
        %swap3A_399 = vector.shape_cast %swap3A_398 : vector<1x16xf32> to vector<16xf32>
        %swap3A_400 = vector.shape_cast %get3A_395 : vector<16xf32> to vector<1x16xf32>
        tpu.vector_store %arg18[%swap3A_396, %swap3A_397], %swap3A_400 {strides = array<i32>} : memref<128x144xf32, #tpu.memory_space<vmem>>, vector<1x16xf32>,
        %add3A_401 = arith.constant 6 : i32
        %add3A_402 = arith.addi %add3A_324, %add3A_401 : i32
        %get3A_403 = arith.constant 4 : i32
        %get3A_404 = arith.index_cast %get3A_403 : i32 to index
        %get3A_405 = arith.index_cast %add3A_402 : i32 to index
        %get3A_406 = arith.constant 0 : index
        %get3A_407 = tpu.vector_load %arg16[%get3A_404, %get3A_405, %get3A_406] {strides = array<i32>} : memref<8x128x16xf32, #tpu.memory_space<vmem>>, vector<1x1x16xf32>,
        %get3A_408 = vector.shape_cast %get3A_407 : vector<1x1x16xf32> to vector<16xf32>
        %swap3A_409 = arith.index_cast %add3A_402 : i32 to index
        %swap3A_410 = arith.constant 64 : index
        %swap3A_411 = tpu.vector_load %arg18[%swap3A_409, %swap3A_410] {strides = array<i32>} : memref<128x144xf32, #tpu.memory_space<vmem>>, vector<1x16xf32>,
        %swap3A_412 = vector.shape_cast %swap3A_411 : vector<1x16xf32> to vector<16xf32>
        %swap3A_413 = vector.shape_cast %get3A_408 : vector<16xf32> to vector<1x16xf32>
        tpu.vector_store %arg18[%swap3A_409, %swap3A_410], %swap3A_413 {strides = array<i32>} : memref<128x144xf32, #tpu.memory_space<vmem>>, vector<1x16xf32>,
        %add3A_414 = arith.constant 7 : i32
        %add3A_415 = arith.addi %add3A_324, %add3A_414 : i32
        %get3A_416 = arith.constant 4 : i32
        %get3A_417 = arith.index_cast %get3A_416 : i32 to index
        %get3A_418 = arith.index_cast %add3A_415 : i32 to index
        %get3A_419 = arith.constant 0 : index
        %get3A_420 = tpu.vector_load %arg16[%get3A_417, %get3A_418, %get3A_419] {strides = array<i32>} : memref<8x128x16xf32, #tpu.memory_space<vmem>>, vector<1x1x16xf32>,
        %get3A_421 = vector.shape_cast %get3A_420 : vector<1x1x16xf32> to vector<16xf32>
        %swap3A_422 = arith.index_cast %add3A_415 : i32 to index
        %swap3A_423 = arith.constant 64 : index
        %swap3A_424 = tpu.vector_load %arg18[%swap3A_422, %swap3A_423] {strides = array<i32>} : memref<128x144xf32, #tpu.memory_space<vmem>>, vector<1x16xf32>,
        %swap3A_425 = vector.shape_cast %swap3A_424 : vector<1x16xf32> to vector<16xf32>
        %swap3A_426 = vector.shape_cast %get3A_421 : vector<16xf32> to vector<1x16xf32>
        tpu.vector_store %arg18[%swap3A_422, %swap3A_423], %swap3A_426 {strides = array<i32>} : memref<128x144xf32, #tpu.memory_space<vmem>>, vector<1x16xf32>,
        %add3A_427 = arith.constant 8 : i32
        %add3A_428 = arith.addi %add3A_324, %add3A_427 : i32
        %get3A_429 = arith.constant 4 : i32
        %get3A_430 = arith.index_cast %get3A_429 : i32 to index
        %get3A_431 = arith.index_cast %add3A_428 : i32 to index
        %get3A_432 = arith.constant 0 : index
        %get3A_433 = tpu.vector_load %arg16[%get3A_430, %get3A_431, %get3A_432] {strides = array<i32>} : memref<8x128x16xf32, #tpu.memory_space<vmem>>, vector<1x1x16xf32>,
        %get3A_434 = vector.shape_cast %get3A_433 : vector<1x1x16xf32> to vector<16xf32>
        %swap3A_435 = arith.index_cast %add3A_428 : i32 to index
        %swap3A_436 = arith.constant 64 : index
        %swap3A_437 = tpu.vector_load %arg18[%swap3A_435, %swap3A_436] {strides = array<i32>} : memref<128x144xf32, #tpu.memory_space<vmem>>, vector<1x16xf32>,
        %swap3A_438 = vector.shape_cast %swap3A_437 : vector<1x16xf32> to vector<16xf32>
        %swap3A_439 = vector.shape_cast %get3A_434 : vector<16xf32> to vector<1x16xf32>
        tpu.vector_store %arg18[%swap3A_435, %swap3A_436], %swap3A_439 {strides = array<i32>} : memref<128x144xf32, #tpu.memory_space<vmem>>, vector<1x16xf32>,
        %add3A_440 = arith.constant 9 : i32
        %add3A_441 = arith.addi %add3A_324, %add3A_440 : i32
        %get3A_442 = arith.constant 4 : i32
        %get3A_443 = arith.index_cast %get3A_442 : i32 to index
        %get3A_444 = arith.index_cast %add3A_441 : i32 to index
        %get3A_445 = arith.constant 0 : index
        %get3A_446 = tpu.vector_load %arg16[%get3A_443, %get3A_444, %get3A_445] {strides = array<i32>} : memref<8x128x16xf32, #tpu.memory_space<vmem>>, vector<1x1x16xf32>,
        %get3A_447 = vector.shape_cast %get3A_446 : vector<1x1x16xf32> to vector<16xf32>
        %swap3A_448 = arith.index_cast %add3A_441 : i32 to index
        %swap3A_449 = arith.constant 64 : index
        %swap3A_450 = tpu.vector_load %arg18[%swap3A_448, %swap3A_449] {strides = array<i32>} : memref<128x144xf32, #tpu.memory_space<vmem>>, vector<1x16xf32>,
        %swap3A_451 = vector.shape_cast %swap3A_450 : vector<1x16xf32> to vector<16xf32>
        %swap3A_452 = vector.shape_cast %get3A_447 : vector<16xf32> to vector<1x16xf32>
        tpu.vector_store %arg18[%swap3A_448, %swap3A_449], %swap3A_452 {strides = array<i32>} : memref<128x144xf32, #tpu.memory_space<vmem>>, vector<1x16xf32>,
        %add3A_453 = arith.constant 10 : i32
        %add3A_454 = arith.addi %add3A_324, %add3A_453 : i32
        %get3A_455 = arith.constant 4 : i32
        %get3A_456 = arith.index_cast %get3A_455 : i32 to index
        %get3A_457 = arith.index_cast %add3A_454 : i32 to index
        %get3A_458 = arith.constant 0 : index
        %get3A_459 = tpu.vector_load %arg16[%get3A_456, %get3A_457, %get3A_458] {strides = array<i32>} : memref<8x128x16xf32, #tpu.memory_space<vmem>>, vector<1x1x16xf32>,
        %get3A_460 = vector.shape_cast %get3A_459 : vector<1x1x16xf32> to vector<16xf32>
        %swap3A_461 = arith.index_cast %add3A_454 : i32 to index
        %swap3A_462 = arith.constant 64 : index
        %swap3A_463 = tpu.vector_load %arg18[%swap3A_461, %swap3A_462] {strides = array<i32>} : memref<128x144xf32, #tpu.memory_space<vmem>>, vector<1x16xf32>,
        %swap3A_464 = vector.shape_cast %swap3A_463 : vector<1x16xf32> to vector<16xf32>
        %swap3A_465 = vector.shape_cast %get3A_460 : vector<16xf32> to vector<1x16xf32>
        tpu.vector_store %arg18[%swap3A_461, %swap3A_462], %swap3A_465 {strides = array<i32>} : memref<128x144xf32, #tpu.memory_space<vmem>>, vector<1x16xf32>,
        %add3A_466 = arith.constant 11 : i32
        %add3A_467 = arith.addi %add3A_324, %add3A_466 : i32
        %get3A_468 = arith.constant 4 : i32
        %get3A_469 = arith.index_cast %get3A_468 : i32 to index
        %get3A_470 = arith.index_cast %add3A_467 : i32 to index
        %get3A_471 = arith.constant 0 : index
        %get3A_472 = tpu.vector_load %arg16[%get3A_469, %get3A_470, %get3A_471] {strides = array<i32>} : memref<8x128x16xf32, #tpu.memory_space<vmem>>, vector<1x1x16xf32>,
        %get3A_473 = vector.shape_cast %get3A_472 : vector<1x1x16xf32> to vector<16xf32>
        %swap3A_474 = arith.index_cast %add3A_467 : i32 to index
        %swap3A_475 = arith.constant 64 : index
        %swap3A_476 = tpu.vector_load %arg18[%swap3A_474, %swap3A_475] {strides = array<i32>} : memref<128x144xf32, #tpu.memory_space<vmem>>, vector<1x16xf32>,
        %swap3A_477 = vector.shape_cast %swap3A_476 : vector<1x16xf32> to vector<16xf32>
        %swap3A_478 = vector.shape_cast %get3A_473 : vector<16xf32> to vector<1x16xf32>
        tpu.vector_store %arg18[%swap3A_474, %swap3A_475], %swap3A_478 {strides = array<i32>} : memref<128x144xf32, #tpu.memory_space<vmem>>, vector<1x16xf32>,
        %add3A_479 = arith.constant 12 : i32
        %add3A_480 = arith.addi %add3A_324, %add3A_479 : i32
        %get3A_481 = arith.constant 4 : i32
        %get3A_482 = arith.index_cast %get3A_481 : i32 to index
        %get3A_483 = arith.index_cast %add3A_480 : i32 to index
        %get3A_484 = arith.constant 0 : index
        %get3A_485 = tpu.vector_load %arg16[%get3A_482, %get3A_483, %get3A_484] {strides = array<i32>} : memref<8x128x16xf32, #tpu.memory_space<vmem>>, vector<1x1x16xf32>,
        %get3A_486 = vector.shape_cast %get3A_485 : vector<1x1x16xf32> to vector<16xf32>
        %swap3A_487 = arith.index_cast %add3A_480 : i32 to index
        %swap3A_488 = arith.constant 64 : index
        %swap3A_489 = tpu.vector_load %arg18[%swap3A_487, %swap3A_488] {strides = array<i32>} : memref<128x144xf32, #tpu.memory_space<vmem>>, vector<1x16xf32>,
        %swap3A_490 = vector.shape_cast %swap3A_489 : vector<1x16xf32> to vector<16xf32>
        %swap3A_491 = vector.shape_cast %get3A_486 : vector<16xf32> to vector<1x16xf32>
        tpu.vector_store %arg18[%swap3A_487, %swap3A_488], %swap3A_491 {strides = array<i32>} : memref<128x144xf32, #tpu.memory_space<vmem>>, vector<1x16xf32>,
        %add3A_492 = arith.constant 13 : i32
        %add3A_493 = arith.addi %add3A_324, %add3A_492 : i32
        %get3A_494 = arith.constant 4 : i32
        %get3A_495 = arith.index_cast %get3A_494 : i32 to index
        %get3A_496 = arith.index_cast %add3A_493 : i32 to index
        %get3A_497 = arith.constant 0 : index
        %get3A_498 = tpu.vector_load %arg16[%get3A_495, %get3A_496, %get3A_497] {strides = array<i32>} : memref<8x128x16xf32, #tpu.memory_space<vmem>>, vector<1x1x16xf32>,
        %get3A_499 = vector.shape_cast %get3A_498 : vector<1x1x16xf32> to vector<16xf32>
        %swap3A_500 = arith.index_cast %add3A_493 : i32 to index
        %swap3A_501 = arith.constant 64 : index
        %swap3A_502 = tpu.vector_load %arg18[%swap3A_500, %swap3A_501] {strides = array<i32>} : memref<128x144xf32, #tpu.memory_space<vmem>>, vector<1x16xf32>,
        %swap3A_503 = vector.shape_cast %swap3A_502 : vector<1x16xf32> to vector<16xf32>
        %swap3A_504 = vector.shape_cast %get3A_499 : vector<16xf32> to vector<1x16xf32>
        tpu.vector_store %arg18[%swap3A_500, %swap3A_501], %swap3A_504 {strides = array<i32>} : memref<128x144xf32, #tpu.memory_space<vmem>>, vector<1x16xf32>,
        %add3A_505 = arith.constant 14 : i32
        %add3A_506 = arith.addi %add3A_324, %add3A_505 : i32
        %get3A_507 = arith.constant 4 : i32
        %get3A_508 = arith.index_cast %get3A_507 : i32 to index
        %get3A_509 = arith.index_cast %add3A_506 : i32 to index
        %get3A_510 = arith.constant 0 : index
        %get3A_511 = tpu.vector_load %arg16[%get3A_508, %get3A_509, %get3A_510] {strides = array<i32>} : memref<8x128x16xf32, #tpu.memory_space<vmem>>, vector<1x1x16xf32>,
        %get3A_512 = vector.shape_cast %get3A_511 : vector<1x1x16xf32> to vector<16xf32>
        %swap3A_513 = arith.index_cast %add3A_506 : i32 to index
        %swap3A_514 = arith.constant 64 : index
        %swap3A_515 = tpu.vector_load %arg18[%swap3A_513, %swap3A_514] {strides = array<i32>} : memref<128x144xf32, #tpu.memory_space<vmem>>, vector<1x16xf32>,
        %swap3A_516 = vector.shape_cast %swap3A_515 : vector<1x16xf32> to vector<16xf32>
        %swap3A_517 = vector.shape_cast %get3A_512 : vector<16xf32> to vector<1x16xf32>
        tpu.vector_store %arg18[%swap3A_513, %swap3A_514], %swap3A_517 {strides = array<i32>} : memref<128x144xf32, #tpu.memory_space<vmem>>, vector<1x16xf32>,
        %add3A_518 = arith.constant 15 : i32
        %add3A_519 = arith.addi %add3A_324, %add3A_518 : i32
        %get3A_520 = arith.constant 4 : i32
        %get3A_521 = arith.index_cast %get3A_520 : i32 to index
        %get3A_522 = arith.index_cast %add3A_519 : i32 to index
        %get3A_523 = arith.constant 0 : index
        %get3A_524 = tpu.vector_load %arg16[%get3A_521, %get3A_522, %get3A_523] {strides = array<i32>} : memref<8x128x16xf32, #tpu.memory_space<vmem>>, vector<1x1x16xf32>,
        %get3A_525 = vector.shape_cast %get3A_524 : vector<1x1x16xf32> to vector<16xf32>
        %swap3A_526 = arith.index_cast %add3A_519 : i32 to index
        %swap3A_527 = arith.constant 64 : index
        %swap3A_528 = tpu.vector_load %arg18[%swap3A_526, %swap3A_527] {strides = array<i32>} : memref<128x144xf32, #tpu.memory_space<vmem>>, vector<1x16xf32>,
        %swap3A_529 = vector.shape_cast %swap3A_528 : vector<1x16xf32> to vector<16xf32>
        %swap3A_530 = vector.shape_cast %get3A_525 : vector<16xf32> to vector<1x16xf32>
        tpu.vector_store %arg18[%swap3A_526, %swap3A_527], %swap3A_530 {strides = array<i32>} : memref<128x144xf32, #tpu.memory_space<vmem>>, vector<1x16xf32>,
      }
      %scan3A_304 = arith.constant 8 : i32
      %scan3A_305 = arith.constant 0 : i32
      %scan3A_306 = arith.constant 8 : i32
      %scan3A_307 = arith.addi %scan3A_305, %scan3A_306 : i32
      %scan3A_308 = arith.constant 1 : i32
      scf.for %scan3A_320 = %scan3A_305 to %scan3A_307 step %scan3A_308  : i32 {
        %mul3A_321 = arith.constant 16 : i32
        %mul3A_322 = arith.muli %scan3A_320, %mul3A_321 : i32
        %add3A_323 = arith.constant 0 : i32
        %add3A_324 = arith.addi %add3A_323, %mul3A_322 : i32
        %add3A_325 = arith.constant 0 : i32
        %add3A_326 = arith.addi %add3A_324, %add3A_325 : i32
        %get3A = arith.constant 5 : i32
        %get3A_327 = arith.index_cast %get3A : i32 to index
        %get3A_328 = arith.index_cast %add3A_326 : i32 to index
        %get3A_329 = arith.constant 0 : index
        %get3A_330 = tpu.vector_load %arg16[%get3A_327, %get3A_328, %get3A_329] {strides = array<i32>} : memref<8x128x16xf32, #tpu.memory_space<vmem>>, vector<1x1x16xf32>,
        %get3A_331 = vector.shape_cast %get3A_330 : vector<1x1x16xf32> to vector<16xf32>
        %swap3A = arith.index_cast %add3A_326 : i32 to index
        %swap3A_332 = arith.constant 80 : index
        %swap3A_333 = tpu.vector_load %arg18[%swap3A, %swap3A_332] {strides = array<i32>} : memref<128x144xf32, #tpu.memory_space<vmem>>, vector<1x16xf32>,
        %swap3A_334 = vector.shape_cast %swap3A_333 : vector<1x16xf32> to vector<16xf32>
        %swap3A_335 = vector.shape_cast %get3A_331 : vector<16xf32> to vector<1x16xf32>
        tpu.vector_store %arg18[%swap3A, %swap3A_332], %swap3A_335 {strides = array<i32>} : memref<128x144xf32, #tpu.memory_space<vmem>>, vector<1x16xf32>,
        %add3A_336 = arith.constant 1 : i32
        %add3A_337 = arith.addi %add3A_324, %add3A_336 : i32
        %get3A_338 = arith.constant 5 : i32
        %get3A_339 = arith.index_cast %get3A_338 : i32 to index
        %get3A_340 = arith.index_cast %add3A_337 : i32 to index
        %get3A_341 = arith.constant 0 : index
        %get3A_342 = tpu.vector_load %arg16[%get3A_339, %get3A_340, %get3A_341] {strides = array<i32>} : memref<8x128x16xf32, #tpu.memory_space<vmem>>, vector<1x1x16xf32>,
        %get3A_343 = vector.shape_cast %get3A_342 : vector<1x1x16xf32> to vector<16xf32>
        %swap3A_344 = arith.index_cast %add3A_337 : i32 to index
        %swap3A_345 = arith.constant 80 : index
        %swap3A_346 = tpu.vector_load %arg18[%swap3A_344, %swap3A_345] {strides = array<i32>} : memref<128x144xf32, #tpu.memory_space<vmem>>, vector<1x16xf32>,
        %swap3A_347 = vector.shape_cast %swap3A_346 : vector<1x16xf32> to vector<16xf32>
        %swap3A_348 = vector.shape_cast %get3A_343 : vector<16xf32> to vector<1x16xf32>
        tpu.vector_store %arg18[%swap3A_344, %swap3A_345], %swap3A_348 {strides = array<i32>} : memref<128x144xf32, #tpu.memory_space<vmem>>, vector<1x16xf32>,
        %add3A_349 = arith.constant 2 : i32
        %add3A_350 = arith.addi %add3A_324, %add3A_349 : i32
        %get3A_351 = arith.constant 5 : i32
        %get3A_352 = arith.index_cast %get3A_351 : i32 to index
        %get3A_353 = arith.index_cast %add3A_350 : i32 to index
        %get3A_354 = arith.constant 0 : index
        %get3A_355 = tpu.vector_load %arg16[%get3A_352, %get3A_353, %get3A_354] {strides = array<i32>} : memref<8x128x16xf32, #tpu.memory_space<vmem>>, vector<1x1x16xf32>,
        %get3A_356 = vector.shape_cast %get3A_355 : vector<1x1x16xf32> to vector<16xf32>
        %swap3A_357 = arith.index_cast %add3A_350 : i32 to index
        %swap3A_358 = arith.constant 80 : index
        %swap3A_359 = tpu.vector_load %arg18[%swap3A_357, %swap3A_358] {strides = array<i32>} : memref<128x144xf32, #tpu.memory_space<vmem>>, vector<1x16xf32>,
        %swap3A_360 = vector.shape_cast %swap3A_359 : vector<1x16xf32> to vector<16xf32>
        %swap3A_361 = vector.shape_cast %get3A_356 : vector<16xf32> to vector<1x16xf32>
        tpu.vector_store %arg18[%swap3A_357, %swap3A_358], %swap3A_361 {strides = array<i32>} : memref<128x144xf32, #tpu.memory_space<vmem>>, vector<1x16xf32>,
        %add3A_362 = arith.constant 3 : i32
        %add3A_363 = arith.addi %add3A_324, %add3A_362 : i32
        %get3A_364 = arith.constant 5 : i32
        %get3A_365 = arith.index_cast %get3A_364 : i32 to index
        %get3A_366 = arith.index_cast %add3A_363 : i32 to index
        %get3A_367 = arith.constant 0 : index
        %get3A_368 = tpu.vector_load %arg16[%get3A_365, %get3A_366, %get3A_367] {strides = array<i32>} : memref<8x128x16xf32, #tpu.memory_space<vmem>>, vector<1x1x16xf32>,
        %get3A_369 = vector.shape_cast %get3A_368 : vector<1x1x16xf32> to vector<16xf32>
        %swap3A_370 = arith.index_cast %add3A_363 : i32 to index
        %swap3A_371 = arith.constant 80 : index
        %swap3A_372 = tpu.vector_load %arg18[%swap3A_370, %swap3A_371] {strides = array<i32>} : memref<128x144xf32, #tpu.memory_space<vmem>>, vector<1x16xf32>,
        %swap3A_373 = vector.shape_cast %swap3A_372 : vector<1x16xf32> to vector<16xf32>
        %swap3A_374 = vector.shape_cast %get3A_369 : vector<16xf32> to vector<1x16xf32>
        tpu.vector_store %arg18[%swap3A_370, %swap3A_371], %swap3A_374 {strides = array<i32>} : memref<128x144xf32, #tpu.memory_space<vmem>>, vector<1x16xf32>,
        %add3A_375 = arith.constant 4 : i32
        %add3A_376 = arith.addi %add3A_324, %add3A_375 : i32
        %get3A_377 = arith.constant 5 : i32
        %get3A_378 = arith.index_cast %get3A_377 : i32 to index
        %get3A_379 = arith.index_cast %add3A_376 : i32 to index
        %get3A_380 = arith.constant 0 : index
        %get3A_381 = tpu.vector_load %arg16[%get3A_378, %get3A_379, %get3A_380] {strides = array<i32>} : memref<8x128x16xf32, #tpu.memory_space<vmem>>, vector<1x1x16xf32>,
        %get3A_382 = vector.shape_cast %get3A_381 : vector<1x1x16xf32> to vector<16xf32>
        %swap3A_383 = arith.index_cast %add3A_376 : i32 to index
        %swap3A_384 = arith.constant 80 : index
        %swap3A_385 = tpu.vector_load %arg18[%swap3A_383, %swap3A_384] {strides = array<i32>} : memref<128x144xf32, #tpu.memory_space<vmem>>, vector<1x16xf32>,
        %swap3A_386 = vector.shape_cast %swap3A_385 : vector<1x16xf32> to vector<16xf32>
        %swap3A_387 = vector.shape_cast %get3A_382 : vector<16xf32> to vector<1x16xf32>
        tpu.vector_store %arg18[%swap3A_383, %swap3A_384], %swap3A_387 {strides = array<i32>} : memref<128x144xf32, #tpu.memory_space<vmem>>, vector<1x16xf32>,
        %add3A_388 = arith.constant 5 : i32
        %add3A_389 = arith.addi %add3A_324, %add3A_388 : i32
        %get3A_390 = arith.constant 5 : i32
        %get3A_391 = arith.index_cast %get3A_390 : i32 to index
        %get3A_392 = arith.index_cast %add3A_389 : i32 to index
        %get3A_393 = arith.constant 0 : index
        %get3A_394 = tpu.vector_load %arg16[%get3A_391, %get3A_392, %get3A_393] {strides = array<i32>} : memref<8x128x16xf32, #tpu.memory_space<vmem>>, vector<1x1x16xf32>,
        %get3A_395 = vector.shape_cast %get3A_394 : vector<1x1x16xf32> to vector<16xf32>
        %swap3A_396 = arith.index_cast %add3A_389 : i32 to index
        %swap3A_397 = arith.constant 80 : index
        %swap3A_398 = tpu.vector_load %arg18[%swap3A_396, %swap3A_397] {strides = array<i32>} : memref<128x144xf32, #tpu.memory_space<vmem>>, vector<1x16xf32>,
        %swap3A_399 = vector.shape_cast %swap3A_398 : vector<1x16xf32> to vector<16xf32>
        %swap3A_400 = vector.shape_cast %get3A_395 : vector<16xf32> to vector<1x16xf32>
        tpu.vector_store %arg18[%swap3A_396, %swap3A_397], %swap3A_400 {strides = array<i32>} : memref<128x144xf32, #tpu.memory_space<vmem>>, vector<1x16xf32>,
        %add3A_401 = arith.constant 6 : i32
        %add3A_402 = arith.addi %add3A_324, %add3A_401 : i32
        %get3A_403 = arith.constant 5 : i32
        %get3A_404 = arith.index_cast %get3A_403 : i32 to index
        %get3A_405 = arith.index_cast %add3A_402 : i32 to index
        %get3A_406 = arith.constant 0 : index
        %get3A_407 = tpu.vector_load %arg16[%get3A_404, %get3A_405, %get3A_406] {strides = array<i32>} : memref<8x128x16xf32, #tpu.memory_space<vmem>>, vector<1x1x16xf32>,
        %get3A_408 = vector.shape_cast %get3A_407 : vector<1x1x16xf32> to vector<16xf32>
        %swap3A_409 = arith.index_cast %add3A_402 : i32 to index
        %swap3A_410 = arith.constant 80 : index
        %swap3A_411 = tpu.vector_load %arg18[%swap3A_409, %swap3A_410] {strides = array<i32>} : memref<128x144xf32, #tpu.memory_space<vmem>>, vector<1x16xf32>,
        %swap3A_412 = vector.shape_cast %swap3A_411 : vector<1x16xf32> to vector<16xf32>
        %swap3A_413 = vector.shape_cast %get3A_408 : vector<16xf32> to vector<1x16xf32>
        tpu.vector_store %arg18[%swap3A_409, %swap3A_410], %swap3A_413 {strides = array<i32>} : memref<128x144xf32, #tpu.memory_space<vmem>>, vector<1x16xf32>,
        %add3A_414 = arith.constant 7 : i32
        %add3A_415 = arith.addi %add3A_324, %add3A_414 : i32
        %get3A_416 = arith.constant 5 : i32
        %get3A_417 = arith.index_cast %get3A_416 : i32 to index
        %get3A_418 = arith.index_cast %add3A_415 : i32 to index
        %get3A_419 = arith.constant 0 : index
        %get3A_420 = tpu.vector_load %arg16[%get3A_417, %get3A_418, %get3A_419] {strides = array<i32>} : memref<8x128x16xf32, #tpu.memory_space<vmem>>, vector<1x1x16xf32>,
        %get3A_421 = vector.shape_cast %get3A_420 : vector<1x1x16xf32> to vector<16xf32>
        %swap3A_422 = arith.index_cast %add3A_415 : i32 to index
        %swap3A_423 = arith.constant 80 : index
        %swap3A_424 = tpu.vector_load %arg18[%swap3A_422, %swap3A_423] {strides = array<i32>} : memref<128x144xf32, #tpu.memory_space<vmem>>, vector<1x16xf32>,
        %swap3A_425 = vector.shape_cast %swap3A_424 : vector<1x16xf32> to vector<16xf32>
        %swap3A_426 = vector.shape_cast %get3A_421 : vector<16xf32> to vector<1x16xf32>
        tpu.vector_store %arg18[%swap3A_422, %swap3A_423], %swap3A_426 {strides = array<i32>} : memref<128x144xf32, #tpu.memory_space<vmem>>, vector<1x16xf32>,
        %add3A_427 = arith.constant 8 : i32
        %add3A_428 = arith.addi %add3A_324, %add3A_427 : i32
        %get3A_429 = arith.constant 5 : i32
        %get3A_430 = arith.index_cast %get3A_429 : i32 to index
        %get3A_431 = arith.index_cast %add3A_428 : i32 to index
        %get3A_432 = arith.constant 0 : index
        %get3A_433 = tpu.vector_load %arg16[%get3A_430, %get3A_431, %get3A_432] {strides = array<i32>} : memref<8x128x16xf32, #tpu.memory_space<vmem>>, vector<1x1x16xf32>,
        %get3A_434 = vector.shape_cast %get3A_433 : vector<1x1x16xf32> to vector<16xf32>
        %swap3A_435 = arith.index_cast %add3A_428 : i32 to index
        %swap3A_436 = arith.constant 80 : index
        %swap3A_437 = tpu.vector_load %arg18[%swap3A_435, %swap3A_436] {strides = array<i32>} : memref<128x144xf32, #tpu.memory_space<vmem>>, vector<1x16xf32>,
        %swap3A_438 = vector.shape_cast %swap3A_437 : vector<1x16xf32> to vector<16xf32>
        %swap3A_439 = vector.shape_cast %get3A_434 : vector<16xf32> to vector<1x16xf32>
        tpu.vector_store %arg18[%swap3A_435, %swap3A_436], %swap3A_439 {strides = array<i32>} : memref<128x144xf32, #tpu.memory_space<vmem>>, vector<1x16xf32>,
        %add3A_440 = arith.constant 9 : i32
        %add3A_441 = arith.addi %add3A_324, %add3A_440 : i32
        %get3A_442 = arith.constant 5 : i32
        %get3A_443 = arith.index_cast %get3A_442 : i32 to index
        %get3A_444 = arith.index_cast %add3A_441 : i32 to index
        %get3A_445 = arith.constant 0 : index
        %get3A_446 = tpu.vector_load %arg16[%get3A_443, %get3A_444, %get3A_445] {strides = array<i32>} : memref<8x128x16xf32, #tpu.memory_space<vmem>>, vector<1x1x16xf32>,
        %get3A_447 = vector.shape_cast %get3A_446 : vector<1x1x16xf32> to vector<16xf32>
        %swap3A_448 = arith.index_cast %add3A_441 : i32 to index
        %swap3A_449 = arith.constant 80 : index
        %swap3A_450 = tpu.vector_load %arg18[%swap3A_448, %swap3A_449] {strides = array<i32>} : memref<128x144xf32, #tpu.memory_space<vmem>>, vector<1x16xf32>,
        %swap3A_451 = vector.shape_cast %swap3A_450 : vector<1x16xf32> to vector<16xf32>
        %swap3A_452 = vector.shape_cast %get3A_447 : vector<16xf32> to vector<1x16xf32>
        tpu.vector_store %arg18[%swap3A_448, %swap3A_449], %swap3A_452 {strides = array<i32>} : memref<128x144xf32, #tpu.memory_space<vmem>>, vector<1x16xf32>,
        %add3A_453 = arith.constant 10 : i32
        %add3A_454 = arith.addi %add3A_324, %add3A_453 : i32
        %get3A_455 = arith.constant 5 : i32
        %get3A_456 = arith.index_cast %get3A_455 : i32 to index
        %get3A_457 = arith.index_cast %add3A_454 : i32 to index
        %get3A_458 = arith.constant 0 : index
        %get3A_459 = tpu.vector_load %arg16[%get3A_456, %get3A_457, %get3A_458] {strides = array<i32>} : memref<8x128x16xf32, #tpu.memory_space<vmem>>, vector<1x1x16xf32>,
        %get3A_460 = vector.shape_cast %get3A_459 : vector<1x1x16xf32> to vector<16xf32>
        %swap3A_461 = arith.index_cast %add3A_454 : i32 to index
        %swap3A_462 = arith.constant 80 : index
        %swap3A_463 = tpu.vector_load %arg18[%swap3A_461, %swap3A_462] {strides = array<i32>} : memref<128x144xf32, #tpu.memory_space<vmem>>, vector<1x16xf32>,
        %swap3A_464 = vector.shape_cast %swap3A_463 : vector<1x16xf32> to vector<16xf32>
        %swap3A_465 = vector.shape_cast %get3A_460 : vector<16xf32> to vector<1x16xf32>
        tpu.vector_store %arg18[%swap3A_461, %swap3A_462], %swap3A_465 {strides = array<i32>} : memref<128x144xf32, #tpu.memory_space<vmem>>, vector<1x16xf32>,
        %add3A_466 = arith.constant 11 : i32
        %add3A_467 = arith.addi %add3A_324, %add3A_466 : i32
        %get3A_468 = arith.constant 5 : i32
        %get3A_469 = arith.index_cast %get3A_468 : i32 to index
        %get3A_470 = arith.index_cast %add3A_467 : i32 to index
        %get3A_471 = arith.constant 0 : index
        %get3A_472 = tpu.vector_load %arg16[%get3A_469, %get3A_470, %get3A_471] {strides = array<i32>} : memref<8x128x16xf32, #tpu.memory_space<vmem>>, vector<1x1x16xf32>,
        %get3A_473 = vector.shape_cast %get3A_472 : vector<1x1x16xf32> to vector<16xf32>
        %swap3A_474 = arith.index_cast %add3A_467 : i32 to index
        %swap3A_475 = arith.constant 80 : index
        %swap3A_476 = tpu.vector_load %arg18[%swap3A_474, %swap3A_475] {strides = array<i32>} : memref<128x144xf32, #tpu.memory_space<vmem>>, vector<1x16xf32>,
        %swap3A_477 = vector.shape_cast %swap3A_476 : vector<1x16xf32> to vector<16xf32>
        %swap3A_478 = vector.shape_cast %get3A_473 : vector<16xf32> to vector<1x16xf32>
        tpu.vector_store %arg18[%swap3A_474, %swap3A_475], %swap3A_478 {strides = array<i32>} : memref<128x144xf32, #tpu.memory_space<vmem>>, vector<1x16xf32>,
        %add3A_479 = arith.constant 12 : i32
        %add3A_480 = arith.addi %add3A_324, %add3A_479 : i32
        %get3A_481 = arith.constant 5 : i32
        %get3A_482 = arith.index_cast %get3A_481 : i32 to index
        %get3A_483 = arith.index_cast %add3A_480 : i32 to index
        %get3A_484 = arith.constant 0 : index
        %get3A_485 = tpu.vector_load %arg16[%get3A_482, %get3A_483, %get3A_484] {strides = array<i32>} : memref<8x128x16xf32, #tpu.memory_space<vmem>>, vector<1x1x16xf32>,
        %get3A_486 = vector.shape_cast %get3A_485 : vector<1x1x16xf32> to vector<16xf32>
        %swap3A_487 = arith.index_cast %add3A_480 : i32 to index
        %swap3A_488 = arith.constant 80 : index
        %swap3A_489 = tpu.vector_load %arg18[%swap3A_487, %swap3A_488] {strides = array<i32>} : memref<128x144xf32, #tpu.memory_space<vmem>>, vector<1x16xf32>,
        %swap3A_490 = vector.shape_cast %swap3A_489 : vector<1x16xf32> to vector<16xf32>
        %swap3A_491 = vector.shape_cast %get3A_486 : vector<16xf32> to vector<1x16xf32>
        tpu.vector_store %arg18[%swap3A_487, %swap3A_488], %swap3A_491 {strides = array<i32>} : memref<128x144xf32, #tpu.memory_space<vmem>>, vector<1x16xf32>,
        %add3A_492 = arith.constant 13 : i32
        %add3A_493 = arith.addi %add3A_324, %add3A_492 : i32
        %get3A_494 = arith.constant 5 : i32
        %get3A_495 = arith.index_cast %get3A_494 : i32 to index
        %get3A_496 = arith.index_cast %add3A_493 : i32 to index
        %get3A_497 = arith.constant 0 : index
        %get3A_498 = tpu.vector_load %arg16[%get3A_495, %get3A_496, %get3A_497] {strides = array<i32>} : memref<8x128x16xf32, #tpu.memory_space<vmem>>, vector<1x1x16xf32>,
        %get3A_499 = vector.shape_cast %get3A_498 : vector<1x1x16xf32> to vector<16xf32>
        %swap3A_500 = arith.index_cast %add3A_493 : i32 to index
        %swap3A_501 = arith.constant 80 : index
        %swap3A_502 = tpu.vector_load %arg18[%swap3A_500, %swap3A_501] {strides = array<i32>} : memref<128x144xf32, #tpu.memory_space<vmem>>, vector<1x16xf32>,
        %swap3A_503 = vector.shape_cast %swap3A_502 : vector<1x16xf32> to vector<16xf32>
        %swap3A_504 = vector.shape_cast %get3A_499 : vector<16xf32> to vector<1x16xf32>
        tpu.vector_store %arg18[%swap3A_500, %swap3A_501], %swap3A_504 {strides = array<i32>} : memref<128x144xf32, #tpu.memory_space<vmem>>, vector<1x16xf32>,
        %add3A_505 = arith.constant 14 : i32
        %add3A_506 = arith.addi %add3A_324, %add3A_505 : i32
        %get3A_507 = arith.constant 5 : i32
        %get3A_508 = arith.index_cast %get3A_507 : i32 to index
        %get3A_509 = arith.index_cast %add3A_506 : i32 to index
        %get3A_510 = arith.constant 0 : index
        %get3A_511 = tpu.vector_load %arg16[%get3A_508, %get3A_509, %get3A_510] {strides = array<i32>} : memref<8x128x16xf32, #tpu.memory_space<vmem>>, vector<1x1x16xf32>,
        %get3A_512 = vector.shape_cast %get3A_511 : vector<1x1x16xf32> to vector<16xf32>
        %swap3A_513 = arith.index_cast %add3A_506 : i32 to index
        %swap3A_514 = arith.constant 80 : index
        %swap3A_515 = tpu.vector_load %arg18[%swap3A_513, %swap3A_514] {strides = array<i32>} : memref<128x144xf32, #tpu.memory_space<vmem>>, vector<1x16xf32>,
        %swap3A_516 = vector.shape_cast %swap3A_515 : vector<1x16xf32> to vector<16xf32>
        %swap3A_517 = vector.shape_cast %get3A_512 : vector<16xf32> to vector<1x16xf32>
        tpu.vector_store %arg18[%swap3A_513, %swap3A_514], %swap3A_517 {strides = array<i32>} : memref<128x144xf32, #tpu.memory_space<vmem>>, vector<1x16xf32>,
        %add3A_518 = arith.constant 15 : i32
        %add3A_519 = arith.addi %add3A_324, %add3A_518 : i32
        %get3A_520 = arith.constant 5 : i32
        %get3A_521 = arith.index_cast %get3A_520 : i32 to index
        %get3A_522 = arith.index_cast %add3A_519 : i32 to index
        %get3A_523 = arith.constant 0 : index
        %get3A_524 = tpu.vector_load %arg16[%get3A_521, %get3A_522, %get3A_523] {strides = array<i32>} : memref<8x128x16xf32, #tpu.memory_space<vmem>>, vector<1x1x16xf32>,
        %get3A_525 = vector.shape_cast %get3A_524 : vector<1x1x16xf32> to vector<16xf32>
        %swap3A_526 = arith.index_cast %add3A_519 : i32 to index
        %swap3A_527 = arith.constant 80 : index
        %swap3A_528 = tpu.vector_load %arg18[%swap3A_526, %swap3A_527] {strides = array<i32>} : memref<128x144xf32, #tpu.memory_space<vmem>>, vector<1x16xf32>,
        %swap3A_529 = vector.shape_cast %swap3A_528 : vector<1x16xf32> to vector<16xf32>
        %swap3A_530 = vector.shape_cast %get3A_525 : vector<16xf32> to vector<1x16xf32>
        tpu.vector_store %arg18[%swap3A_526, %swap3A_527], %swap3A_530 {strides = array<i32>} : memref<128x144xf32, #tpu.memory_space<vmem>>, vector<1x16xf32>,
      }
      %scan3A_309 = arith.constant 8 : i32
      %scan3A_310 = arith.constant 0 : i32
      %scan3A_311 = arith.constant 8 : i32
      %scan3A_312 = arith.addi %scan3A_310, %scan3A_311 : i32
      %scan3A_313 = arith.constant 1 : i32
      scf.for %scan3A_320 = %scan3A_310 to %scan3A_312 step %scan3A_313  : i32 {
        %mul3A_321 = arith.constant 16 : i32
        %mul3A_322 = arith.muli %scan3A_320, %mul3A_321 : i32
        %add3A_323 = arith.constant 0 : i32
        %add3A_324 = arith.addi %add3A_323, %mul3A_322 : i32
        %add3A_325 = arith.constant 0 : i32
        %add3A_326 = arith.addi %add3A_324, %add3A_325 : i32
        %get3A = arith.constant 6 : i32
        %get3A_327 = arith.index_cast %get3A : i32 to index
        %get3A_328 = arith.index_cast %add3A_326 : i32 to index
        %get3A_329 = arith.constant 0 : index
        %get3A_330 = tpu.vector_load %arg16[%get3A_327, %get3A_328, %get3A_329] {strides = array<i32>} : memref<8x128x16xf32, #tpu.memory_space<vmem>>, vector<1x1x16xf32>,
        %get3A_331 = vector.shape_cast %get3A_330 : vector<1x1x16xf32> to vector<16xf32>
        %swap3A = arith.index_cast %add3A_326 : i32 to index
        %swap3A_332 = arith.constant 96 : index
        %swap3A_333 = tpu.vector_load %arg18[%swap3A, %swap3A_332] {strides = array<i32>} : memref<128x144xf32, #tpu.memory_space<vmem>>, vector<1x16xf32>,
        %swap3A_334 = vector.shape_cast %swap3A_333 : vector<1x16xf32> to vector<16xf32>
        %swap3A_335 = vector.shape_cast %get3A_331 : vector<16xf32> to vector<1x16xf32>
        tpu.vector_store %arg18[%swap3A, %swap3A_332], %swap3A_335 {strides = array<i32>} : memref<128x144xf32, #tpu.memory_space<vmem>>, vector<1x16xf32>,
        %add3A_336 = arith.constant 1 : i32
        %add3A_337 = arith.addi %add3A_324, %add3A_336 : i32
        %get3A_338 = arith.constant 6 : i32
        %get3A_339 = arith.index_cast %get3A_338 : i32 to index
        %get3A_340 = arith.index_cast %add3A_337 : i32 to index
        %get3A_341 = arith.constant 0 : index
        %get3A_342 = tpu.vector_load %arg16[%get3A_339, %get3A_340, %get3A_341] {strides = array<i32>} : memref<8x128x16xf32, #tpu.memory_space<vmem>>, vector<1x1x16xf32>,
        %get3A_343 = vector.shape_cast %get3A_342 : vector<1x1x16xf32> to vector<16xf32>
        %swap3A_344 = arith.index_cast %add3A_337 : i32 to index
        %swap3A_345 = arith.constant 96 : index
        %swap3A_346 = tpu.vector_load %arg18[%swap3A_344, %swap3A_345] {strides = array<i32>} : memref<128x144xf32, #tpu.memory_space<vmem>>, vector<1x16xf32>,
        %swap3A_347 = vector.shape_cast %swap3A_346 : vector<1x16xf32> to vector<16xf32>
        %swap3A_348 = vector.shape_cast %get3A_343 : vector<16xf32> to vector<1x16xf32>
        tpu.vector_store %arg18[%swap3A_344, %swap3A_345], %swap3A_348 {strides = array<i32>} : memref<128x144xf32, #tpu.memory_space<vmem>>, vector<1x16xf32>,
        %add3A_349 = arith.constant 2 : i32
        %add3A_350 = arith.addi %add3A_324, %add3A_349 : i32
        %get3A_351 = arith.constant 6 : i32
        %get3A_352 = arith.index_cast %get3A_351 : i32 to index
        %get3A_353 = arith.index_cast %add3A_350 : i32 to index
        %get3A_354 = arith.constant 0 : index
        %get3A_355 = tpu.vector_load %arg16[%get3A_352, %get3A_353, %get3A_354] {strides = array<i32>} : memref<8x128x16xf32, #tpu.memory_space<vmem>>, vector<1x1x16xf32>,
        %get3A_356 = vector.shape_cast %get3A_355 : vector<1x1x16xf32> to vector<16xf32>
        %swap3A_357 = arith.index_cast %add3A_350 : i32 to index
        %swap3A_358 = arith.constant 96 : index
        %swap3A_359 = tpu.vector_load %arg18[%swap3A_357, %swap3A_358] {strides = array<i32>} : memref<128x144xf32, #tpu.memory_space<vmem>>, vector<1x16xf32>,
        %swap3A_360 = vector.shape_cast %swap3A_359 : vector<1x16xf32> to vector<16xf32>
        %swap3A_361 = vector.shape_cast %get3A_356 : vector<16xf32> to vector<1x16xf32>
        tpu.vector_store %arg18[%swap3A_357, %swap3A_358], %swap3A_361 {strides = array<i32>} : memref<128x144xf32, #tpu.memory_space<vmem>>, vector<1x16xf32>,
        %add3A_362 = arith.constant 3 : i32
        %add3A_363 = arith.addi %add3A_324, %add3A_362 : i32
        %get3A_364 = arith.constant 6 : i32
        %get3A_365 = arith.index_cast %get3A_364 : i32 to index
        %get3A_366 = arith.index_cast %add3A_363 : i32 to index
        %get3A_367 = arith.constant 0 : index
        %get3A_368 = tpu.vector_load %arg16[%get3A_365, %get3A_366, %get3A_367] {strides = array<i32>} : memref<8x128x16xf32, #tpu.memory_space<vmem>>, vector<1x1x16xf32>,
        %get3A_369 = vector.shape_cast %get3A_368 : vector<1x1x16xf32> to vector<16xf32>
        %swap3A_370 = arith.index_cast %add3A_363 : i32 to index
        %swap3A_371 = arith.constant 96 : index
        %swap3A_372 = tpu.vector_load %arg18[%swap3A_370, %swap3A_371] {strides = array<i32>} : memref<128x144xf32, #tpu.memory_space<vmem>>, vector<1x16xf32>,
        %swap3A_373 = vector.shape_cast %swap3A_372 : vector<1x16xf32> to vector<16xf32>
        %swap3A_374 = vector.shape_cast %get3A_369 : vector<16xf32> to vector<1x16xf32>
        tpu.vector_store %arg18[%swap3A_370, %swap3A_371], %swap3A_374 {strides = array<i32>} : memref<128x144xf32, #tpu.memory_space<vmem>>, vector<1x16xf32>,
        %add3A_375 = arith.constant 4 : i32
        %add3A_376 = arith.addi %add3A_324, %add3A_375 : i32
        %get3A_377 = arith.constant 6 : i32
        %get3A_378 = arith.index_cast %get3A_377 : i32 to index
        %get3A_379 = arith.index_cast %add3A_376 : i32 to index
        %get3A_380 = arith.constant 0 : index
        %get3A_381 = tpu.vector_load %arg16[%get3A_378, %get3A_379, %get3A_380] {strides = array<i32>} : memref<8x128x16xf32, #tpu.memory_space<vmem>>, vector<1x1x16xf32>,
        %get3A_382 = vector.shape_cast %get3A_381 : vector<1x1x16xf32> to vector<16xf32>
        %swap3A_383 = arith.index_cast %add3A_376 : i32 to index
        %swap3A_384 = arith.constant 96 : index
        %swap3A_385 = tpu.vector_load %arg18[%swap3A_383, %swap3A_384] {strides = array<i32>} : memref<128x144xf32, #tpu.memory_space<vmem>>, vector<1x16xf32>,
        %swap3A_386 = vector.shape_cast %swap3A_385 : vector<1x16xf32> to vector<16xf32>
        %swap3A_387 = vector.shape_cast %get3A_382 : vector<16xf32> to vector<1x16xf32>
        tpu.vector_store %arg18[%swap3A_383, %swap3A_384], %swap3A_387 {strides = array<i32>} : memref<128x144xf32, #tpu.memory_space<vmem>>, vector<1x16xf32>,
        %add3A_388 = arith.constant 5 : i32
        %add3A_389 = arith.addi %add3A_324, %add3A_388 : i32
        %get3A_390 = arith.constant 6 : i32
        %get3A_391 = arith.index_cast %get3A_390 : i32 to index
        %get3A_392 = arith.index_cast %add3A_389 : i32 to index
        %get3A_393 = arith.constant 0 : index
        %get3A_394 = tpu.vector_load %arg16[%get3A_391, %get3A_392, %get3A_393] {strides = array<i32>} : memref<8x128x16xf32, #tpu.memory_space<vmem>>, vector<1x1x16xf32>,
        %get3A_395 = vector.shape_cast %get3A_394 : vector<1x1x16xf32> to vector<16xf32>
        %swap3A_396 = arith.index_cast %add3A_389 : i32 to index
        %swap3A_397 = arith.constant 96 : index
        %swap3A_398 = tpu.vector_load %arg18[%swap3A_396, %swap3A_397] {strides = array<i32>} : memref<128x144xf32, #tpu.memory_space<vmem>>, vector<1x16xf32>,
        %swap3A_399 = vector.shape_cast %swap3A_398 : vector<1x16xf32> to vector<16xf32>
        %swap3A_400 = vector.shape_cast %get3A_395 : vector<16xf32> to vector<1x16xf32>
        tpu.vector_store %arg18[%swap3A_396, %swap3A_397], %swap3A_400 {strides = array<i32>} : memref<128x144xf32, #tpu.memory_space<vmem>>, vector<1x16xf32>,
        %add3A_401 = arith.constant 6 : i32
        %add3A_402 = arith.addi %add3A_324, %add3A_401 : i32
        %get3A_403 = arith.constant 6 : i32
        %get3A_404 = arith.index_cast %get3A_403 : i32 to index
        %get3A_405 = arith.index_cast %add3A_402 : i32 to index
        %get3A_406 = arith.constant 0 : index
        %get3A_407 = tpu.vector_load %arg16[%get3A_404, %get3A_405, %get3A_406] {strides = array<i32>} : memref<8x128x16xf32, #tpu.memory_space<vmem>>, vector<1x1x16xf32>,
        %get3A_408 = vector.shape_cast %get3A_407 : vector<1x1x16xf32> to vector<16xf32>
        %swap3A_409 = arith.index_cast %add3A_402 : i32 to index
        %swap3A_410 = arith.constant 96 : index
        %swap3A_411 = tpu.vector_load %arg18[%swap3A_409, %swap3A_410] {strides = array<i32>} : memref<128x144xf32, #tpu.memory_space<vmem>>, vector<1x16xf32>,
        %swap3A_412 = vector.shape_cast %swap3A_411 : vector<1x16xf32> to vector<16xf32>
        %swap3A_413 = vector.shape_cast %get3A_408 : vector<16xf32> to vector<1x16xf32>
        tpu.vector_store %arg18[%swap3A_409, %swap3A_410], %swap3A_413 {strides = array<i32>} : memref<128x144xf32, #tpu.memory_space<vmem>>, vector<1x16xf32>,
        %add3A_414 = arith.constant 7 : i32
        %add3A_415 = arith.addi %add3A_324, %add3A_414 : i32
        %get3A_416 = arith.constant 6 : i32
        %get3A_417 = arith.index_cast %get3A_416 : i32 to index
        %get3A_418 = arith.index_cast %add3A_415 : i32 to index
        %get3A_419 = arith.constant 0 : index
        %get3A_420 = tpu.vector_load %arg16[%get3A_417, %get3A_418, %get3A_419] {strides = array<i32>} : memref<8x128x16xf32, #tpu.memory_space<vmem>>, vector<1x1x16xf32>,
        %get3A_421 = vector.shape_cast %get3A_420 : vector<1x1x16xf32> to vector<16xf32>
        %swap3A_422 = arith.index_cast %add3A_415 : i32 to index
        %swap3A_423 = arith.constant 96 : index
        %swap3A_424 = tpu.vector_load %arg18[%swap3A_422, %swap3A_423] {strides = array<i32>} : memref<128x144xf32, #tpu.memory_space<vmem>>, vector<1x16xf32>,
        %swap3A_425 = vector.shape_cast %swap3A_424 : vector<1x16xf32> to vector<16xf32>
        %swap3A_426 = vector.shape_cast %get3A_421 : vector<16xf32> to vector<1x16xf32>
        tpu.vector_store %arg18[%swap3A_422, %swap3A_423], %swap3A_426 {strides = array<i32>} : memref<128x144xf32, #tpu.memory_space<vmem>>, vector<1x16xf32>,
        %add3A_427 = arith.constant 8 : i32
        %add3A_428 = arith.addi %add3A_324, %add3A_427 : i32
        %get3A_429 = arith.constant 6 : i32
        %get3A_430 = arith.index_cast %get3A_429 : i32 to index
        %get3A_431 = arith.index_cast %add3A_428 : i32 to index
        %get3A_432 = arith.constant 0 : index
        %get3A_433 = tpu.vector_load %arg16[%get3A_430, %get3A_431, %get3A_432] {strides = array<i32>} : memref<8x128x16xf32, #tpu.memory_space<vmem>>, vector<1x1x16xf32>,
        %get3A_434 = vector.shape_cast %get3A_433 : vector<1x1x16xf32> to vector<16xf32>
        %swap3A_435 = arith.index_cast %add3A_428 : i32 to index
        %swap3A_436 = arith.constant 96 : index
        %swap3A_437 = tpu.vector_load %arg18[%swap3A_435, %swap3A_436] {strides = array<i32>} : memref<128x144xf32, #tpu.memory_space<vmem>>, vector<1x16xf32>,
        %swap3A_438 = vector.shape_cast %swap3A_437 : vector<1x16xf32> to vector<16xf32>
        %swap3A_439 = vector.shape_cast %get3A_434 : vector<16xf32> to vector<1x16xf32>
        tpu.vector_store %arg18[%swap3A_435, %swap3A_436], %swap3A_439 {strides = array<i32>} : memref<128x144xf32, #tpu.memory_space<vmem>>, vector<1x16xf32>,
        %add3A_440 = arith.constant 9 : i32
        %add3A_441 = arith.addi %add3A_324, %add3A_440 : i32
        %get3A_442 = arith.constant 6 : i32
        %get3A_443 = arith.index_cast %get3A_442 : i32 to index
        %get3A_444 = arith.index_cast %add3A_441 : i32 to index
        %get3A_445 = arith.constant 0 : index
        %get3A_446 = tpu.vector_load %arg16[%get3A_443, %get3A_444, %get3A_445] {strides = array<i32>} : memref<8x128x16xf32, #tpu.memory_space<vmem>>, vector<1x1x16xf32>,
        %get3A_447 = vector.shape_cast %get3A_446 : vector<1x1x16xf32> to vector<16xf32>
        %swap3A_448 = arith.index_cast %add3A_441 : i32 to index
        %swap3A_449 = arith.constant 96 : index
        %swap3A_450 = tpu.vector_load %arg18[%swap3A_448, %swap3A_449] {strides = array<i32>} : memref<128x144xf32, #tpu.memory_space<vmem>>, vector<1x16xf32>,
        %swap3A_451 = vector.shape_cast %swap3A_450 : vector<1x16xf32> to vector<16xf32>
        %swap3A_452 = vector.shape_cast %get3A_447 : vector<16xf32> to vector<1x16xf32>
        tpu.vector_store %arg18[%swap3A_448, %swap3A_449], %swap3A_452 {strides = array<i32>} : memref<128x144xf32, #tpu.memory_space<vmem>>, vector<1x16xf32>,
        %add3A_453 = arith.constant 10 : i32
        %add3A_454 = arith.addi %add3A_324, %add3A_453 : i32
        %get3A_455 = arith.constant 6 : i32
        %get3A_456 = arith.index_cast %get3A_455 : i32 to index
        %get3A_457 = arith.index_cast %add3A_454 : i32 to index
        %get3A_458 = arith.constant 0 : index
        %get3A_459 = tpu.vector_load %arg16[%get3A_456, %get3A_457, %get3A_458] {strides = array<i32>} : memref<8x128x16xf32, #tpu.memory_space<vmem>>, vector<1x1x16xf32>,
        %get3A_460 = vector.shape_cast %get3A_459 : vector<1x1x16xf32> to vector<16xf32>
        %swap3A_461 = arith.index_cast %add3A_454 : i32 to index
        %swap3A_462 = arith.constant 96 : index
        %swap3A_463 = tpu.vector_load %arg18[%swap3A_461, %swap3A_462] {strides = array<i32>} : memref<128x144xf32, #tpu.memory_space<vmem>>, vector<1x16xf32>,
        %swap3A_464 = vector.shape_cast %swap3A_463 : vector<1x16xf32> to vector<16xf32>
        %swap3A_465 = vector.shape_cast %get3A_460 : vector<16xf32> to vector<1x16xf32>
        tpu.vector_store %arg18[%swap3A_461, %swap3A_462], %swap3A_465 {strides = array<i32>} : memref<128x144xf32, #tpu.memory_space<vmem>>, vector<1x16xf32>,
        %add3A_466 = arith.constant 11 : i32
        %add3A_467 = arith.addi %add3A_324, %add3A_466 : i32
        %get3A_468 = arith.constant 6 : i32
        %get3A_469 = arith.index_cast %get3A_468 : i32 to index
        %get3A_470 = arith.index_cast %add3A_467 : i32 to index
        %get3A_471 = arith.constant 0 : index
        %get3A_472 = tpu.vector_load %arg16[%get3A_469, %get3A_470, %get3A_471] {strides = array<i32>} : memref<8x128x16xf32, #tpu.memory_space<vmem>>, vector<1x1x16xf32>,
        %get3A_473 = vector.shape_cast %get3A_472 : vector<1x1x16xf32> to vector<16xf32>
        %swap3A_474 = arith.index_cast %add3A_467 : i32 to index
        %swap3A_475 = arith.constant 96 : index
        %swap3A_476 = tpu.vector_load %arg18[%swap3A_474, %swap3A_475] {strides = array<i32>} : memref<128x144xf32, #tpu.memory_space<vmem>>, vector<1x16xf32>,
        %swap3A_477 = vector.shape_cast %swap3A_476 : vector<1x16xf32> to vector<16xf32>
        %swap3A_478 = vector.shape_cast %get3A_473 : vector<16xf32> to vector<1x16xf32>
        tpu.vector_store %arg18[%swap3A_474, %swap3A_475], %swap3A_478 {strides = array<i32>} : memref<128x144xf32, #tpu.memory_space<vmem>>, vector<1x16xf32>,
        %add3A_479 = arith.constant 12 : i32
        %add3A_480 = arith.addi %add3A_324, %add3A_479 : i32
        %get3A_481 = arith.constant 6 : i32
        %get3A_482 = arith.index_cast %get3A_481 : i32 to index
        %get3A_483 = arith.index_cast %add3A_480 : i32 to index
        %get3A_484 = arith.constant 0 : index
        %get3A_485 = tpu.vector_load %arg16[%get3A_482, %get3A_483, %get3A_484] {strides = array<i32>} : memref<8x128x16xf32, #tpu.memory_space<vmem>>, vector<1x1x16xf32>,
        %get3A_486 = vector.shape_cast %get3A_485 : vector<1x1x16xf32> to vector<16xf32>
        %swap3A_487 = arith.index_cast %add3A_480 : i32 to index
        %swap3A_488 = arith.constant 96 : index
        %swap3A_489 = tpu.vector_load %arg18[%swap3A_487, %swap3A_488] {strides = array<i32>} : memref<128x144xf32, #tpu.memory_space<vmem>>, vector<1x16xf32>,
        %swap3A_490 = vector.shape_cast %swap3A_489 : vector<1x16xf32> to vector<16xf32>
        %swap3A_491 = vector.shape_cast %get3A_486 : vector<16xf32> to vector<1x16xf32>
        tpu.vector_store %arg18[%swap3A_487, %swap3A_488], %swap3A_491 {strides = array<i32>} : memref<128x144xf32, #tpu.memory_space<vmem>>, vector<1x16xf32>,
        %add3A_492 = arith.constant 13 : i32
        %add3A_493 = arith.addi %add3A_324, %add3A_492 : i32
        %get3A_494 = arith.constant 6 : i32
        %get3A_495 = arith.index_cast %get3A_494 : i32 to index
        %get3A_496 = arith.index_cast %add3A_493 : i32 to index
        %get3A_497 = arith.constant 0 : index
        %get3A_498 = tpu.vector_load %arg16[%get3A_495, %get3A_496, %get3A_497] {strides = array<i32>} : memref<8x128x16xf32, #tpu.memory_space<vmem>>, vector<1x1x16xf32>,
        %get3A_499 = vector.shape_cast %get3A_498 : vector<1x1x16xf32> to vector<16xf32>
        %swap3A_500 = arith.index_cast %add3A_493 : i32 to index
        %swap3A_501 = arith.constant 96 : index
        %swap3A_502 = tpu.vector_load %arg18[%swap3A_500, %swap3A_501] {strides = array<i32>} : memref<128x144xf32, #tpu.memory_space<vmem>>, vector<1x16xf32>,
        %swap3A_503 = vector.shape_cast %swap3A_502 : vector<1x16xf32> to vector<16xf32>
        %swap3A_504 = vector.shape_cast %get3A_499 : vector<16xf32> to vector<1x16xf32>
        tpu.vector_store %arg18[%swap3A_500, %swap3A_501], %swap3A_504 {strides = array<i32>} : memref<128x144xf32, #tpu.memory_space<vmem>>, vector<1x16xf32>,
        %add3A_505 = arith.constant 14 : i32
        %add3A_506 = arith.addi %add3A_324, %add3A_505 : i32
        %get3A_507 = arith.constant 6 : i32
        %get3A_508 = arith.index_cast %get3A_507 : i32 to index
        %get3A_509 = arith.index_cast %add3A_506 : i32 to index
        %get3A_510 = arith.constant 0 : index
        %get3A_511 = tpu.vector_load %arg16[%get3A_508, %get3A_509, %get3A_510] {strides = array<i32>} : memref<8x128x16xf32, #tpu.memory_space<vmem>>, vector<1x1x16xf32>,
        %get3A_512 = vector.shape_cast %get3A_511 : vector<1x1x16xf32> to vector<16xf32>
        %swap3A_513 = arith.index_cast %add3A_506 : i32 to index
        %swap3A_514 = arith.constant 96 : index
        %swap3A_515 = tpu.vector_load %arg18[%swap3A_513, %swap3A_514] {strides = array<i32>} : memref<128x144xf32, #tpu.memory_space<vmem>>, vector<1x16xf32>,
        %swap3A_516 = vector.shape_cast %swap3A_515 : vector<1x16xf32> to vector<16xf32>
        %swap3A_517 = vector.shape_cast %get3A_512 : vector<16xf32> to vector<1x16xf32>
        tpu.vector_store %arg18[%swap3A_513, %swap3A_514], %swap3A_517 {strides = array<i32>} : memref<128x144xf32, #tpu.memory_space<vmem>>, vector<1x16xf32>,
        %add3A_518 = arith.constant 15 : i32
        %add3A_519 = arith.addi %add3A_324, %add3A_518 : i32
        %get3A_520 = arith.constant 6 : i32
        %get3A_521 = arith.index_cast %get3A_520 : i32 to index
        %get3A_522 = arith.index_cast %add3A_519 : i32 to index
        %get3A_523 = arith.constant 0 : index
        %get3A_524 = tpu.vector_load %arg16[%get3A_521, %get3A_522, %get3A_523] {strides = array<i32>} : memref<8x128x16xf32, #tpu.memory_space<vmem>>, vector<1x1x16xf32>,
        %get3A_525 = vector.shape_cast %get3A_524 : vector<1x1x16xf32> to vector<16xf32>
        %swap3A_526 = arith.index_cast %add3A_519 : i32 to index
        %swap3A_527 = arith.constant 96 : index
        %swap3A_528 = tpu.vector_load %arg18[%swap3A_526, %swap3A_527] {strides = array<i32>} : memref<128x144xf32, #tpu.memory_space<vmem>>, vector<1x16xf32>,
        %swap3A_529 = vector.shape_cast %swap3A_528 : vector<1x16xf32> to vector<16xf32>
        %swap3A_530 = vector.shape_cast %get3A_525 : vector<16xf32> to vector<1x16xf32>
        tpu.vector_store %arg18[%swap3A_526, %swap3A_527], %swap3A_530 {strides = array<i32>} : memref<128x144xf32, #tpu.memory_space<vmem>>, vector<1x16xf32>,
      }
      %scan3A_314 = arith.constant 8 : i32
      %scan3A_315 = arith.constant 0 : i32
      %scan3A_316 = arith.constant 8 : i32
      %scan3A_317 = arith.addi %scan3A_315, %scan3A_316 : i32
      %scan3A_318 = arith.constant 1 : i32
      scf.for %scan3A_320 = %scan3A_315 to %scan3A_317 step %scan3A_318  : i32 {
        %mul3A_321 = arith.constant 16 : i32
        %mul3A_322 = arith.muli %scan3A_320, %mul3A_321 : i32
        %add3A_323 = arith.constant 0 : i32
        %add3A_324 = arith.addi %add3A_323, %mul3A_322 : i32
        %add3A_325 = arith.constant 0 : i32
        %add3A_326 = arith.addi %add3A_324, %add3A_325 : i32
        %get3A = arith.constant 7 : i32
        %get3A_327 = arith.index_cast %get3A : i32 to index
        %get3A_328 = arith.index_cast %add3A_326 : i32 to index
        %get3A_329 = arith.constant 0 : index
        %get3A_330 = tpu.vector_load %arg16[%get3A_327, %get3A_328, %get3A_329] {strides = array<i32>} : memref<8x128x16xf32, #tpu.memory_space<vmem>>, vector<1x1x16xf32>,
        %get3A_331 = vector.shape_cast %get3A_330 : vector<1x1x16xf32> to vector<16xf32>
        %swap3A = arith.index_cast %add3A_326 : i32 to index
        %swap3A_332 = arith.constant 112 : index
        %swap3A_333 = tpu.vector_load %arg18[%swap3A, %swap3A_332] {strides = array<i32>} : memref<128x144xf32, #tpu.memory_space<vmem>>, vector<1x16xf32>,
        %swap3A_334 = vector.shape_cast %swap3A_333 : vector<1x16xf32> to vector<16xf32>
        %swap3A_335 = vector.shape_cast %get3A_331 : vector<16xf32> to vector<1x16xf32>
        tpu.vector_store %arg18[%swap3A, %swap3A_332], %swap3A_335 {strides = array<i32>} : memref<128x144xf32, #tpu.memory_space<vmem>>, vector<1x16xf32>,
        %add3A_336 = arith.constant 1 : i32
        %add3A_337 = arith.addi %add3A_324, %add3A_336 : i32
        %get3A_338 = arith.constant 7 : i32
        %get3A_339 = arith.index_cast %get3A_338 : i32 to index
        %get3A_340 = arith.index_cast %add3A_337 : i32 to index
        %get3A_341 = arith.constant 0 : index
        %get3A_342 = tpu.vector_load %arg16[%get3A_339, %get3A_340, %get3A_341] {strides = array<i32>} : memref<8x128x16xf32, #tpu.memory_space<vmem>>, vector<1x1x16xf32>,
        %get3A_343 = vector.shape_cast %get3A_342 : vector<1x1x16xf32> to vector<16xf32>
        %swap3A_344 = arith.index_cast %add3A_337 : i32 to index
        %swap3A_345 = arith.constant 112 : index
        %swap3A_346 = tpu.vector_load %arg18[%swap3A_344, %swap3A_345] {strides = array<i32>} : memref<128x144xf32, #tpu.memory_space<vmem>>, vector<1x16xf32>,
        %swap3A_347 = vector.shape_cast %swap3A_346 : vector<1x16xf32> to vector<16xf32>
        %swap3A_348 = vector.shape_cast %get3A_343 : vector<16xf32> to vector<1x16xf32>
        tpu.vector_store %arg18[%swap3A_344, %swap3A_345], %swap3A_348 {strides = array<i32>} : memref<128x144xf32, #tpu.memory_space<vmem>>, vector<1x16xf32>,
        %add3A_349 = arith.constant 2 : i32
        %add3A_350 = arith.addi %add3A_324, %add3A_349 : i32
        %get3A_351 = arith.constant 7 : i32
        %get3A_352 = arith.index_cast %get3A_351 : i32 to index
        %get3A_353 = arith.index_cast %add3A_350 : i32 to index
        %get3A_354 = arith.constant 0 : index
        %get3A_355 = tpu.vector_load %arg16[%get3A_352, %get3A_353, %get3A_354] {strides = array<i32>} : memref<8x128x16xf32, #tpu.memory_space<vmem>>, vector<1x1x16xf32>,
        %get3A_356 = vector.shape_cast %get3A_355 : vector<1x1x16xf32> to vector<16xf32>
        %swap3A_357 = arith.index_cast %add3A_350 : i32 to index
        %swap3A_358 = arith.constant 112 : index
        %swap3A_359 = tpu.vector_load %arg18[%swap3A_357, %swap3A_358] {strides = array<i32>} : memref<128x144xf32, #tpu.memory_space<vmem>>, vector<1x16xf32>,
        %swap3A_360 = vector.shape_cast %swap3A_359 : vector<1x16xf32> to vector<16xf32>
        %swap3A_361 = vector.shape_cast %get3A_356 : vector<16xf32> to vector<1x16xf32>
        tpu.vector_store %arg18[%swap3A_357, %swap3A_358], %swap3A_361 {strides = array<i32>} : memref<128x144xf32, #tpu.memory_space<vmem>>, vector<1x16xf32>,
        %add3A_362 = arith.constant 3 : i32
        %add3A_363 = arith.addi %add3A_324, %add3A_362 : i32
        %get3A_364 = arith.constant 7 : i32
        %get3A_365 = arith.index_cast %get3A_364 : i32 to index
        %get3A_366 = arith.index_cast %add3A_363 : i32 to index
        %get3A_367 = arith.constant 0 : index
        %get3A_368 = tpu.vector_load %arg16[%get3A_365, %get3A_366, %get3A_367] {strides = array<i32>} : memref<8x128x16xf32, #tpu.memory_space<vmem>>, vector<1x1x16xf32>,
        %get3A_369 = vector.shape_cast %get3A_368 : vector<1x1x16xf32> to vector<16xf32>
        %swap3A_370 = arith.index_cast %add3A_363 : i32 to index
        %swap3A_371 = arith.constant 112 : index
        %swap3A_372 = tpu.vector_load %arg18[%swap3A_370, %swap3A_371] {strides = array<i32>} : memref<128x144xf32, #tpu.memory_space<vmem>>, vector<1x16xf32>,
        %swap3A_373 = vector.shape_cast %swap3A_372 : vector<1x16xf32> to vector<16xf32>
        %swap3A_374 = vector.shape_cast %get3A_369 : vector<16xf32> to vector<1x16xf32>
        tpu.vector_store %arg18[%swap3A_370, %swap3A_371], %swap3A_374 {strides = array<i32>} : memref<128x144xf32, #tpu.memory_space<vmem>>, vector<1x16xf32>,
        %add3A_375 = arith.constant 4 : i32
        %add3A_376 = arith.addi %add3A_324, %add3A_375 : i32
        %get3A_377 = arith.constant 7 : i32
        %get3A_378 = arith.index_cast %get3A_377 : i32 to index
        %get3A_379 = arith.index_cast %add3A_376 : i32 to index
        %get3A_380 = arith.constant 0 : index
        %get3A_381 = tpu.vector_load %arg16[%get3A_378, %get3A_379, %get3A_380] {strides = array<i32>} : memref<8x128x16xf32, #tpu.memory_space<vmem>>, vector<1x1x16xf32>,
        %get3A_382 = vector.shape_cast %get3A_381 : vector<1x1x16xf32> to vector<16xf32>
        %swap3A_383 = arith.index_cast %add3A_376 : i32 to index
        %swap3A_384 = arith.constant 112 : index
        %swap3A_385 = tpu.vector_load %arg18[%swap3A_383, %swap3A_384] {strides = array<i32>} : memref<128x144xf32, #tpu.memory_space<vmem>>, vector<1x16xf32>,
        %swap3A_386 = vector.shape_cast %swap3A_385 : vector<1x16xf32> to vector<16xf32>
        %swap3A_387 = vector.shape_cast %get3A_382 : vector<16xf32> to vector<1x16xf32>
        tpu.vector_store %arg18[%swap3A_383, %swap3A_384], %swap3A_387 {strides = array<i32>} : memref<128x144xf32, #tpu.memory_space<vmem>>, vector<1x16xf32>,
        %add3A_388 = arith.constant 5 : i32
        %add3A_389 = arith.addi %add3A_324, %add3A_388 : i32
        %get3A_390 = arith.constant 7 : i32
        %get3A_391 = arith.index_cast %get3A_390 : i32 to index
        %get3A_392 = arith.index_cast %add3A_389 : i32 to index
        %get3A_393 = arith.constant 0 : index
        %get3A_394 = tpu.vector_load %arg16[%get3A_391, %get3A_392, %get3A_393] {strides = array<i32>} : memref<8x128x16xf32, #tpu.memory_space<vmem>>, vector<1x1x16xf32>,
        %get3A_395 = vector.shape_cast %get3A_394 : vector<1x1x16xf32> to vector<16xf32>
        %swap3A_396 = arith.index_cast %add3A_389 : i32 to index
        %swap3A_397 = arith.constant 112 : index
        %swap3A_398 = tpu.vector_load %arg18[%swap3A_396, %swap3A_397] {strides = array<i32>} : memref<128x144xf32, #tpu.memory_space<vmem>>, vector<1x16xf32>,
        %swap3A_399 = vector.shape_cast %swap3A_398 : vector<1x16xf32> to vector<16xf32>
        %swap3A_400 = vector.shape_cast %get3A_395 : vector<16xf32> to vector<1x16xf32>
        tpu.vector_store %arg18[%swap3A_396, %swap3A_397], %swap3A_400 {strides = array<i32>} : memref<128x144xf32, #tpu.memory_space<vmem>>, vector<1x16xf32>,
        %add3A_401 = arith.constant 6 : i32
        %add3A_402 = arith.addi %add3A_324, %add3A_401 : i32
        %get3A_403 = arith.constant 7 : i32
        %get3A_404 = arith.index_cast %get3A_403 : i32 to index
        %get3A_405 = arith.index_cast %add3A_402 : i32 to index
        %get3A_406 = arith.constant 0 : index
        %get3A_407 = tpu.vector_load %arg16[%get3A_404, %get3A_405, %get3A_406] {strides = array<i32>} : memref<8x128x16xf32, #tpu.memory_space<vmem>>, vector<1x1x16xf32>,
        %get3A_408 = vector.shape_cast %get3A_407 : vector<1x1x16xf32> to vector<16xf32>
        %swap3A_409 = arith.index_cast %add3A_402 : i32 to index
        %swap3A_410 = arith.constant 112 : index
        %swap3A_411 = tpu.vector_load %arg18[%swap3A_409, %swap3A_410] {strides = array<i32>} : memref<128x144xf32, #tpu.memory_space<vmem>>, vector<1x16xf32>,
        %swap3A_412 = vector.shape_cast %swap3A_411 : vector<1x16xf32> to vector<16xf32>
        %swap3A_413 = vector.shape_cast %get3A_408 : vector<16xf32> to vector<1x16xf32>
        tpu.vector_store %arg18[%swap3A_409, %swap3A_410], %swap3A_413 {strides = array<i32>} : memref<128x144xf32, #tpu.memory_space<vmem>>, vector<1x16xf32>,
        %add3A_414 = arith.constant 7 : i32
        %add3A_415 = arith.addi %add3A_324, %add3A_414 : i32
        %get3A_416 = arith.constant 7 : i32
        %get3A_417 = arith.index_cast %get3A_416 : i32 to index
        %get3A_418 = arith.index_cast %add3A_415 : i32 to index
        %get3A_419 = arith.constant 0 : index
        %get3A_420 = tpu.vector_load %arg16[%get3A_417, %get3A_418, %get3A_419] {strides = array<i32>} : memref<8x128x16xf32, #tpu.memory_space<vmem>>, vector<1x1x16xf32>,
        %get3A_421 = vector.shape_cast %get3A_420 : vector<1x1x16xf32> to vector<16xf32>
        %swap3A_422 = arith.index_cast %add3A_415 : i32 to index
        %swap3A_423 = arith.constant 112 : index
        %swap3A_424 = tpu.vector_load %arg18[%swap3A_422, %swap3A_423] {strides = array<i32>} : memref<128x144xf32, #tpu.memory_space<vmem>>, vector<1x16xf32>,
        %swap3A_425 = vector.shape_cast %swap3A_424 : vector<1x16xf32> to vector<16xf32>
        %swap3A_426 = vector.shape_cast %get3A_421 : vector<16xf32> to vector<1x16xf32>
        tpu.vector_store %arg18[%swap3A_422, %swap3A_423], %swap3A_426 {strides = array<i32>} : memref<128x144xf32, #tpu.memory_space<vmem>>, vector<1x16xf32>,
        %add3A_427 = arith.constant 8 : i32
        %add3A_428 = arith.addi %add3A_324, %add3A_427 : i32
        %get3A_429 = arith.constant 7 : i32
        %get3A_430 = arith.index_cast %get3A_429 : i32 to index
        %get3A_431 = arith.index_cast %add3A_428 : i32 to index
        %get3A_432 = arith.constant 0 : index
        %get3A_433 = tpu.vector_load %arg16[%get3A_430, %get3A_431, %get3A_432] {strides = array<i32>} : memref<8x128x16xf32, #tpu.memory_space<vmem>>, vector<1x1x16xf32>,
        %get3A_434 = vector.shape_cast %get3A_433 : vector<1x1x16xf32> to vector<16xf32>
        %swap3A_435 = arith.index_cast %add3A_428 : i32 to index
        %swap3A_436 = arith.constant 112 : index
        %swap3A_437 = tpu.vector_load %arg18[%swap3A_435, %swap3A_436] {strides = array<i32>} : memref<128x144xf32, #tpu.memory_space<vmem>>, vector<1x16xf32>,
        %swap3A_438 = vector.shape_cast %swap3A_437 : vector<1x16xf32> to vector<16xf32>
        %swap3A_439 = vector.shape_cast %get3A_434 : vector<16xf32> to vector<1x16xf32>
        tpu.vector_store %arg18[%swap3A_435, %swap3A_436], %swap3A_439 {strides = array<i32>} : memref<128x144xf32, #tpu.memory_space<vmem>>, vector<1x16xf32>,
        %add3A_440 = arith.constant 9 : i32
        %add3A_441 = arith.addi %add3A_324, %add3A_440 : i32
        %get3A_442 = arith.constant 7 : i32
        %get3A_443 = arith.index_cast %get3A_442 : i32 to index
        %get3A_444 = arith.index_cast %add3A_441 : i32 to index
        %get3A_445 = arith.constant 0 : index
        %get3A_446 = tpu.vector_load %arg16[%get3A_443, %get3A_444, %get3A_445] {strides = array<i32>} : memref<8x128x16xf32, #tpu.memory_space<vmem>>, vector<1x1x16xf32>,
        %get3A_447 = vector.shape_cast %get3A_446 : vector<1x1x16xf32> to vector<16xf32>
        %swap3A_448 = arith.index_cast %add3A_441 : i32 to index
        %swap3A_449 = arith.constant 112 : index
        %swap3A_450 = tpu.vector_load %arg18[%swap3A_448, %swap3A_449] {strides = array<i32>} : memref<128x144xf32, #tpu.memory_space<vmem>>, vector<1x16xf32>,
        %swap3A_451 = vector.shape_cast %swap3A_450 : vector<1x16xf32> to vector<16xf32>
        %swap3A_452 = vector.shape_cast %get3A_447 : vector<16xf32> to vector<1x16xf32>
        tpu.vector_store %arg18[%swap3A_448, %swap3A_449], %swap3A_452 {strides = array<i32>} : memref<128x144xf32, #tpu.memory_space<vmem>>, vector<1x16xf32>,
        %add3A_453 = arith.constant 10 : i32
        %add3A_454 = arith.addi %add3A_324, %add3A_453 : i32
        %get3A_455 = arith.constant 7 : i32
        %get3A_456 = arith.index_cast %get3A_455 : i32 to index
        %get3A_457 = arith.index_cast %add3A_454 : i32 to index
        %get3A_458 = arith.constant 0 : index
        %get3A_459 = tpu.vector_load %arg16[%get3A_456, %get3A_457, %get3A_458] {strides = array<i32>} : memref<8x128x16xf32, #tpu.memory_space<vmem>>, vector<1x1x16xf32>,
        %get3A_460 = vector.shape_cast %get3A_459 : vector<1x1x16xf32> to vector<16xf32>
        %swap3A_461 = arith.index_cast %add3A_454 : i32 to index
        %swap3A_462 = arith.constant 112 : index
        %swap3A_463 = tpu.vector_load %arg18[%swap3A_461, %swap3A_462] {strides = array<i32>} : memref<128x144xf32, #tpu.memory_space<vmem>>, vector<1x16xf32>,
        %swap3A_464 = vector.shape_cast %swap3A_463 : vector<1x16xf32> to vector<16xf32>
        %swap3A_465 = vector.shape_cast %get3A_460 : vector<16xf32> to vector<1x16xf32>
        tpu.vector_store %arg18[%swap3A_461, %swap3A_462], %swap3A_465 {strides = array<i32>} : memref<128x144xf32, #tpu.memory_space<vmem>>, vector<1x16xf32>,
        %add3A_466 = arith.constant 11 : i32
        %add3A_467 = arith.addi %add3A_324, %add3A_466 : i32
        %get3A_468 = arith.constant 7 : i32
        %get3A_469 = arith.index_cast %get3A_468 : i32 to index
        %get3A_470 = arith.index_cast %add3A_467 : i32 to index
        %get3A_471 = arith.constant 0 : index
        %get3A_472 = tpu.vector_load %arg16[%get3A_469, %get3A_470, %get3A_471] {strides = array<i32>} : memref<8x128x16xf32, #tpu.memory_space<vmem>>, vector<1x1x16xf32>,
        %get3A_473 = vector.shape_cast %get3A_472 : vector<1x1x16xf32> to vector<16xf32>
        %swap3A_474 = arith.index_cast %add3A_467 : i32 to index
        %swap3A_475 = arith.constant 112 : index
        %swap3A_476 = tpu.vector_load %arg18[%swap3A_474, %swap3A_475] {strides = array<i32>} : memref<128x144xf32, #tpu.memory_space<vmem>>, vector<1x16xf32>,
        %swap3A_477 = vector.shape_cast %swap3A_476 : vector<1x16xf32> to vector<16xf32>
        %swap3A_478 = vector.shape_cast %get3A_473 : vector<16xf32> to vector<1x16xf32>
        tpu.vector_store %arg18[%swap3A_474, %swap3A_475], %swap3A_478 {strides = array<i32>} : memref<128x144xf32, #tpu.memory_space<vmem>>, vector<1x16xf32>,
        %add3A_479 = arith.constant 12 : i32
        %add3A_480 = arith.addi %add3A_324, %add3A_479 : i32
        %get3A_481 = arith.constant 7 : i32
        %get3A_482 = arith.index_cast %get3A_481 : i32 to index
        %get3A_483 = arith.index_cast %add3A_480 : i32 to index
        %get3A_484 = arith.constant 0 : index
        %get3A_485 = tpu.vector_load %arg16[%get3A_482, %get3A_483, %get3A_484] {strides = array<i32>} : memref<8x128x16xf32, #tpu.memory_space<vmem>>, vector<1x1x16xf32>,
        %get3A_486 = vector.shape_cast %get3A_485 : vector<1x1x16xf32> to vector<16xf32>
        %swap3A_487 = arith.index_cast %add3A_480 : i32 to index
        %swap3A_488 = arith.constant 112 : index
        %swap3A_489 = tpu.vector_load %arg18[%swap3A_487, %swap3A_488] {strides = array<i32>} : memref<128x144xf32, #tpu.memory_space<vmem>>, vector<1x16xf32>,
        %swap3A_490 = vector.shape_cast %swap3A_489 : vector<1x16xf32> to vector<16xf32>
        %swap3A_491 = vector.shape_cast %get3A_486 : vector<16xf32> to vector<1x16xf32>
        tpu.vector_store %arg18[%swap3A_487, %swap3A_488], %swap3A_491 {strides = array<i32>} : memref<128x144xf32, #tpu.memory_space<vmem>>, vector<1x16xf32>,
        %add3A_492 = arith.constant 13 : i32
        %add3A_493 = arith.addi %add3A_324, %add3A_492 : i32
        %get3A_494 = arith.constant 7 : i32
        %get3A_495 = arith.index_cast %get3A_494 : i32 to index
        %get3A_496 = arith.index_cast %add3A_493 : i32 to index
        %get3A_497 = arith.constant 0 : index
        %get3A_498 = tpu.vector_load %arg16[%get3A_495, %get3A_496, %get3A_497] {strides = array<i32>} : memref<8x128x16xf32, #tpu.memory_space<vmem>>, vector<1x1x16xf32>,
        %get3A_499 = vector.shape_cast %get3A_498 : vector<1x1x16xf32> to vector<16xf32>
        %swap3A_500 = arith.index_cast %add3A_493 : i32 to index
        %swap3A_501 = arith.constant 112 : index
        %swap3A_502 = tpu.vector_load %arg18[%swap3A_500, %swap3A_501] {strides = array<i32>} : memref<128x144xf32, #tpu.memory_space<vmem>>, vector<1x16xf32>,
        %swap3A_503 = vector.shape_cast %swap3A_502 : vector<1x16xf32> to vector<16xf32>
        %swap3A_504 = vector.shape_cast %get3A_499 : vector<16xf32> to vector<1x16xf32>
        tpu.vector_store %arg18[%swap3A_500, %swap3A_501], %swap3A_504 {strides = array<i32>} : memref<128x144xf32, #tpu.memory_space<vmem>>, vector<1x16xf32>,
        %add3A_505 = arith.constant 14 : i32
        %add3A_506 = arith.addi %add3A_324, %add3A_505 : i32
        %get3A_507 = arith.constant 7 : i32
        %get3A_508 = arith.index_cast %get3A_507 : i32 to index
        %get3A_509 = arith.index_cast %add3A_506 : i32 to index
        %get3A_510 = arith.constant 0 : index
        %get3A_511 = tpu.vector_load %arg16[%get3A_508, %get3A_509, %get3A_510] {strides = array<i32>} : memref<8x128x16xf32, #tpu.memory_space<vmem>>, vector<1x1x16xf32>,
        %get3A_512 = vector.shape_cast %get3A_511 : vector<1x1x16xf32> to vector<16xf32>
        %swap3A_513 = arith.index_cast %add3A_506 : i32 to index
        %swap3A_514 = arith.constant 112 : index
        %swap3A_515 = tpu.vector_load %arg18[%swap3A_513, %swap3A_514] {strides = array<i32>} : memref<128x144xf32, #tpu.memory_space<vmem>>, vector<1x16xf32>,
        %swap3A_516 = vector.shape_cast %swap3A_515 : vector<1x16xf32> to vector<16xf32>
        %swap3A_517 = vector.shape_cast %get3A_512 : vector<16xf32> to vector<1x16xf32>
        tpu.vector_store %arg18[%swap3A_513, %swap3A_514], %swap3A_517 {strides = array<i32>} : memref<128x144xf32, #tpu.memory_space<vmem>>, vector<1x16xf32>,
        %add3A_518 = arith.constant 15 : i32
        %add3A_519 = arith.addi %add3A_324, %add3A_518 : i32
        %get3A_520 = arith.constant 7 : i32
        %get3A_521 = arith.index_cast %get3A_520 : i32 to index
        %get3A_522 = arith.index_cast %add3A_519 : i32 to index
        %get3A_523 = arith.constant 0 : index
        %get3A_524 = tpu.vector_load %arg16[%get3A_521, %get3A_522, %get3A_523] {strides = array<i32>} : memref<8x128x16xf32, #tpu.memory_space<vmem>>, vector<1x1x16xf32>,
        %get3A_525 = vector.shape_cast %get3A_524 : vector<1x1x16xf32> to vector<16xf32>
        %swap3A_526 = arith.index_cast %add3A_519 : i32 to index
        %swap3A_527 = arith.constant 112 : index
        %swap3A_528 = tpu.vector_load %arg18[%swap3A_526, %swap3A_527] {strides = array<i32>} : memref<128x144xf32, #tpu.memory_space<vmem>>, vector<1x16xf32>,
        %swap3A_529 = vector.shape_cast %swap3A_528 : vector<1x16xf32> to vector<16xf32>
        %swap3A_530 = vector.shape_cast %get3A_525 : vector<16xf32> to vector<1x16xf32>
        tpu.vector_store %arg18[%swap3A_526, %swap3A_527], %swap3A_530 {strides = array<i32>} : memref<128x144xf32, #tpu.memory_space<vmem>>, vector<1x16xf32>,
      }
      %scan3A_319 = arith.constant 8 : i32
      "tpu.region"() ({
        %run_scoped3A = tpu.sem_alloc : memref<!tpu.dma_semaphore, #tpu.memory_space<semaphore_mem>>
        %dma_start3A_320 = arith.constant 0 : i32
        %dma_start3A_321 = tpu.memref_slice %arg13[%add3A_14, %dma_start3A_320] : memref<16384x144xf32, #tpu.memory_space<hbm>> -> memref<128x144xf32, #tpu.memory_space<hbm>>
        %dma_start3A_322 = arith.constant 0 : i32
        %dma_start3A_323 = tpu.memref_slice %arg13[%add3A_14, %dma_start3A_322] : memref<16384x144xf32, #tpu.memory_space<hbm>> -> memref<128x144xf32, #tpu.memory_space<hbm>>
        tpu.enqueue_dma source(%arg18 : memref<128x144xf32, #tpu.memory_space<vmem>>) target(%dma_start3A_323 : memref<128x144xf32, #tpu.memory_space<hbm>>) target_semaphore(%run_scoped3A : memref<!tpu.dma_semaphore, #tpu.memory_space<semaphore_mem>>)
        %dma_wait3A_324 = arith.constant 0 : i32
        %dma_wait3A_325 = tpu.memref_slice %arg13[%add3A_14, %dma_wait3A_324] : memref<16384x144xf32, #tpu.memory_space<hbm>> -> memref<128x144xf32, #tpu.memory_space<hbm>>
        %dma_wait3A_326 = arith.constant 0 : i32
        %dma_wait3A_327 = tpu.memref_slice %arg13[%add3A_14, %dma_wait3A_326] : memref<16384x144xf32, #tpu.memory_space<hbm>> -> memref<128x144xf32, #tpu.memory_space<hbm>>
        tpu.wait_dma2 semaphore(%run_scoped3A : memref<!tpu.dma_semaphore, #tpu.memory_space<semaphore_mem>>) src(%arg18 : memref<128x144xf32, #tpu.memory_space<vmem>>) dst(%dma_wait3A_327 : memref<128x144xf32, #tpu.memory_space<hbm>>)
        tpu.yield
      }) : () -> ()
    }
    %scan3A_4 = arith.constant 4 : i32
    return
  }
}

module attributes {stable_mosaic.version = 14 : i64} {
  func.func @_mlp_body(%arg0: i32, %arg1: memref<2048x144xf32, #tpu.memory_space<vmem>>, %arg2: memref<2048x4xf32, #tpu.memory_space<vmem>>, %arg3: memref<4x1xf32, #tpu.memory_space<vmem>>, %arg4: memref<144x256xf32, #tpu.memory_space<vmem>>, %arg5: memref<256xf32, #tpu.memory_space<vmem>>, %arg6: memref<256x128xf32, #tpu.memory_space<vmem>>, %arg7: memref<128xf32, #tpu.memory_space<vmem>>, %arg8: memref<128x1xf32, #tpu.memory_space<vmem>>, %arg9: memref<1xf32, #tpu.memory_space<vmem>>, %arg10: memref<2048xf32, #tpu.memory_space<vmem>>) attributes {dimension_semantics = [#tpu.dimension_semantics<arbitrary>], iteration_bounds = array<i64: 8>, scalar_prefetch = 0 : i64, scratch_operands = 0 : i64, tpu.core_type = #tpu.core_type<tc>, window_params = [{transform_indices = @transform_0, window_bounds = array<i64: 2048, 144>}, {transform_indices = @transform_1, window_bounds = array<i64: 2048, 4>}, {pipeline_mode = #tpu.pipeline_mode<synchronous>, transform_indices = @transform_2, window_bounds = array<i64: 4, 1>}, {pipeline_mode = #tpu.pipeline_mode<synchronous>, transform_indices = @transform_3, window_bounds = array<i64: 144, 256>}, {pipeline_mode = #tpu.pipeline_mode<synchronous>, transform_indices = @transform_4, window_bounds = array<i64: 256>}, {pipeline_mode = #tpu.pipeline_mode<synchronous>, transform_indices = @transform_5, window_bounds = array<i64: 256, 128>}, {pipeline_mode = #tpu.pipeline_mode<synchronous>, transform_indices = @transform_6, window_bounds = array<i64: 128>}, {pipeline_mode = #tpu.pipeline_mode<synchronous>, transform_indices = @transform_7, window_bounds = array<i64: 128, 1>}, {pipeline_mode = #tpu.pipeline_mode<synchronous>, transform_indices = @transform_8, window_bounds = array<i64: 1>}, {transform_indices = @transform_9, window_bounds = array<i64: 2048>}]} {
    %get3A = arith.constant 0 : index
    %get3A_0 = arith.constant 0 : index
    %get3A_1 = vector.load %arg1[%get3A, %get3A_0] : memref<2048x144xf32, #tpu.memory_space<vmem>>, vector<2048x144xf32>
    %get3A_2 = arith.constant 0 : index
    %get3A_3 = arith.constant 0 : index
    %get3A_4 = vector.load %arg4[%get3A_2, %get3A_3] : memref<144x256xf32, #tpu.memory_space<vmem>>, vector<144x256xf32>
    %dot_general3A = arith.constant dense<0.000000e+00> : vector<2048x256xf32>
    %dot_general3A_5 = tpu.matmul %get3A_1, %get3A_4, %dot_general3A {dimension_numbers = #tpu.dot_dimension_numbers<[1], [0], [0], [1], [0, 0, 1, 1], [], []>, transpose_lhs_hint = false} : vector<2048x144xf32>, vector<144x256xf32>, vector<2048x256xf32> -> vector<2048x256xf32>
    %get3A_6 = arith.constant 0 : index
    %get3A_7 = vector.load %arg5[%get3A_6] : memref<256xf32, #tpu.memory_space<vmem>>, vector<256xf32>
    %broadcast_in_dim3A = vector.shape_cast %get3A_7 : vector<256xf32> to vector<1x256xf32>
    %add3A = vector.broadcast %broadcast_in_dim3A : vector<1x256xf32> to vector<2048x256xf32>
    %add3A_8 = arith.addf %dot_general3A_5, %add3A : vector<2048x256xf32>
    %max3A = arith.constant 0.000000e+00 : f32
    %max3A_9 = vector.broadcast %max3A : f32 to vector<2048x256xf32>
    %max3A_10 = arith.maximumf %add3A_8, %max3A_9 : vector<2048x256xf32>
    %get3A_11 = arith.constant 0 : index
    %get3A_12 = arith.constant 0 : index
    %get3A_13 = vector.load %arg6[%get3A_11, %get3A_12] : memref<256x128xf32, #tpu.memory_space<vmem>>, vector<256x128xf32>
    %dot_general3A_14 = arith.constant dense<0.000000e+00> : vector<2048x128xf32>
    %dot_general3A_15 = tpu.matmul %max3A_10, %get3A_13, %dot_general3A_14 {dimension_numbers = #tpu.dot_dimension_numbers<[1], [0], [0], [1], [0, 0, 1, 1], [], []>, transpose_lhs_hint = false} : vector<2048x256xf32>, vector<256x128xf32>, vector<2048x128xf32> -> vector<2048x128xf32>
    %get3A_16 = arith.constant 0 : index
    %get3A_17 = vector.load %arg7[%get3A_16] : memref<128xf32, #tpu.memory_space<vmem>>, vector<128xf32>
    %broadcast_in_dim3A_18 = vector.shape_cast %get3A_17 : vector<128xf32> to vector<1x128xf32>
    %add3A_19 = vector.broadcast %broadcast_in_dim3A_18 : vector<1x128xf32> to vector<2048x128xf32>
    %add3A_20 = arith.addf %dot_general3A_15, %add3A_19 : vector<2048x128xf32>
    %max3A_21 = arith.constant 0.000000e+00 : f32
    %max3A_22 = vector.broadcast %max3A_21 : f32 to vector<2048x128xf32>
    %max3A_23 = arith.maximumf %add3A_20, %max3A_22 : vector<2048x128xf32>
    %get3A_24 = arith.constant 0 : index
    %get3A_25 = arith.constant 0 : index
    %get3A_26 = vector.load %arg8[%get3A_24, %get3A_25] : memref<128x1xf32, #tpu.memory_space<vmem>>, vector<128x1xf32>
    %dot_general3A_27 = arith.constant dense<0.000000e+00> : vector<2048x1xf32>
    %dot_general3A_28 = tpu.matmul %max3A_23, %get3A_26, %dot_general3A_27 {dimension_numbers = #tpu.dot_dimension_numbers<[1], [0], [0], [1], [0, 0, 1, 1], [], []>, transpose_lhs_hint = false} : vector<2048x128xf32>, vector<128x1xf32>, vector<2048x1xf32> -> vector<2048x1xf32>
    %get3A_29 = arith.constant 0 : index
    %get3A_30 = arith.constant 0 : index
    %get3A_31 = vector.load %arg2[%get3A_29, %get3A_30] : memref<2048x4xf32, #tpu.memory_space<vmem>>, vector<2048x4xf32>
    %get3A_32 = arith.constant 0 : index
    %get3A_33 = arith.constant 0 : index
    %get3A_34 = vector.load %arg3[%get3A_32, %get3A_33] : memref<4x1xf32, #tpu.memory_space<vmem>>, vector<4x1xf32>
    %dot_general3A_35 = arith.constant dense<0.000000e+00> : vector<2048x1xf32>
    %dot_general3A_36 = tpu.matmul %get3A_31, %get3A_34, %dot_general3A_35 {dimension_numbers = #tpu.dot_dimension_numbers<[1], [0], [0], [1], [0, 0, 1, 1], [], []>, transpose_lhs_hint = false} : vector<2048x4xf32>, vector<4x1xf32>, vector<2048x1xf32> -> vector<2048x1xf32>
    %squeeze3A = vector.shape_cast %dot_general3A_28 : vector<2048x1xf32> to vector<2048xf32>
    %squeeze3A_37 = vector.shape_cast %dot_general3A_36 : vector<2048x1xf32> to vector<2048xf32>
    %add3A_38 = arith.addf %squeeze3A, %squeeze3A_37 : vector<2048xf32>
    %get3A_39 = arith.constant 0 : index
    %get3A_40 = vector.load %arg9[%get3A_39] : memref<1xf32, #tpu.memory_space<vmem>>, vector<1xf32>
    %get3A_41 = vector.extract %get3A_40[0] : f32 from vector<1xf32>
    %add3A_42 = vector.broadcast %get3A_41 : f32 to vector<2048xf32>
    %add3A_43 = arith.addf %add3A_38, %add3A_42 : vector<2048xf32>
    %logistic3A = arith.negf %add3A_43 : vector<2048xf32>
    %logistic3A_44 = math.exp %logistic3A : vector<2048xf32>
    %logistic3A_45 = arith.constant 1.000000e+00 : f32
    %logistic3A_46 = vector.broadcast %logistic3A_45 : f32 to vector<2048xf32>
    %logistic3A_47 = arith.addf %logistic3A_46, %logistic3A_44 : vector<2048xf32>
    %logistic3A_48 = arith.divf %logistic3A_46, %logistic3A_47 : vector<2048xf32>
    %swap3A = arith.constant 0 : index
    %swap3A_49 = vector.load %arg10[%swap3A] : memref<2048xf32, #tpu.memory_space<vmem>>, vector<2048xf32>
    tpu.vector_store %arg10[%swap3A], %logistic3A_48 {strides = array<i32>} : memref<2048xf32, #tpu.memory_space<vmem>>, vector<2048xf32>,
    return
  }
  func.func @transform_0(%arg0: i32) -> (i32, i32) {
    %c0_i32 = arith.constant 0 : i32
    %c0_i32_0 = arith.constant 0 : i32
    return %arg0, %c0_i32 : i32, i32
  }
  func.func @transform_1(%arg0: i32) -> (i32, i32) {
    %c0_i32 = arith.constant 0 : i32
    %c0_i32_0 = arith.constant 0 : i32
    return %arg0, %c0_i32 : i32, i32
  }
  func.func @transform_2(%arg0: i32) -> (i32, i32) {
    %c0_i32 = arith.constant 0 : i32
    %c0_i32_0 = arith.constant 0 : i32
    %c0_i32_1 = arith.constant 0 : i32
    return %c0_i32, %c0_i32_0 : i32, i32
  }
  func.func @transform_3(%arg0: i32) -> (i32, i32) {
    %c0_i32 = arith.constant 0 : i32
    %c0_i32_0 = arith.constant 0 : i32
    %c0_i32_1 = arith.constant 0 : i32
    return %c0_i32, %c0_i32_0 : i32, i32
  }
  func.func @transform_4(%arg0: i32) -> i32 {
    %c0_i32 = arith.constant 0 : i32
    %c0_i32_0 = arith.constant 0 : i32
    return %c0_i32 : i32
  }
  func.func @transform_5(%arg0: i32) -> (i32, i32) {
    %c0_i32 = arith.constant 0 : i32
    %c0_i32_0 = arith.constant 0 : i32
    %c0_i32_1 = arith.constant 0 : i32
    return %c0_i32, %c0_i32_0 : i32, i32
  }
  func.func @transform_6(%arg0: i32) -> i32 {
    %c0_i32 = arith.constant 0 : i32
    %c0_i32_0 = arith.constant 0 : i32
    return %c0_i32 : i32
  }
  func.func @transform_7(%arg0: i32) -> (i32, i32) {
    %c0_i32 = arith.constant 0 : i32
    %c0_i32_0 = arith.constant 0 : i32
    %c0_i32_1 = arith.constant 0 : i32
    return %c0_i32, %c0_i32_0 : i32, i32
  }
  func.func @transform_8(%arg0: i32) -> i32 {
    %c0_i32 = arith.constant 0 : i32
    %c0_i32_0 = arith.constant 0 : i32
    return %c0_i32 : i32
  }
  func.func @transform_9(%arg0: i32) -> i32 {
    %c0_i32 = arith.constant 0 : i32
    return %arg0 : i32
  }
}

</mosaic_0001>

<sc_bundles>
// kernel: kernel.4.cloned.1.call-start
scs
__scs_entry_jumppad:
0x0: {  	(pc) =	sbr.rel $0x88, $3  }
0x1: {  	(tag) =	ssettag $0x0;
	lr =	simm.s32 $0x1  }
0x2: {  	[smem:$0x3F81] =	sst lr;
	_ =	strace $0xD0000000  }
0x3: {  	_ = 	snop  }
0x4: {  	_ = 	snop  }
0x5: {  	_ = 	snop  }
0x6: {  	_ = 	snop  }
0x7: {  	_ = 	snop  }
__scs_overlays_trampoline_lowered:
0x8: {  	[smem:$0x3F90] =	sst s0  }
0x9: {  	[smem:$0x3F91] =	sst s1  }
0xa: {  	[smem:$0x3F92] =	sst s2  }
0xb: {  	[smem:$0x3F93] =	sst s3  }
0xc: {  	[smem:$0x3F94] =	sst s4  }
0xd: {  	[smem:$0x3F95] =	sst s5  }
0xe: {  	[smem:$0x3F96] =	sst s6  }
0xf: {  	[smem:$0x3F97] =	sst s7  }
0x10: {  	[smem:$0x3F98] =	sst s8  }
0x11: {  	[smem:$0x3F99] =	sst s9;
	s0 =	simm.s32 @!p0 $0x0  }
0x12: {  	s1 =	sld [smem:$0x3F7F];
	s0 =	simm.s32 @p0 $0x1  }
0x13: {  	[smem:$0x3F9A] =	sst s0;
	s0 =	simm.s32 @!p1 $0x0  }
0x14: {  	s2 =	sld [smem:$0x3F7E];
	s0 =	simm.s32 @p1 $0x1  }
0x15: {  	[smem:$0x3F9B] =	sst s0;
	s0 =	simm.s32 @!p2 $0x0  }
0x16: {  	s3 =	sld [smem:$0x3FDB];
	s0 =	simm.s32 @p2 $0x1  }
0x17: {  	s4 =	simm.s32 $0x1BF5;
	[smem:$0x3F9D] =	sst s0  }
0x18: {  	s0 =	sld [smem:$0x3F80];
	_ =	swait.ge [sflag:s4], $0x0  }
0x19: {  	s7 =	sld [smem:$0x3F81]  }
0x1a: {  	s8 =	sadd.s32 $0xFFFFE003, lr  }
0x1b: {  	s9 =	sadd.s32 $0xFFFFFEF7, lr;
	s5 =	simm.s32 $0xFFFFFFFF;
	p2 =	slt.u32 s8, $0xFFFFF086  }
0x1c: {  	p1 =	slt.u32 s9, $0xF7A;
	s5 =	simm.s32 @!p2 $0x0  }
0x1d: {  	s5 =	simm.s32 @p1 $0x1;
	p0 =	seq.s32 s7, s2  }
0x1e: {  	s7 =	smul.u32 @!p0 $0xF7A, s2;
	p2 =	seq.s32 @!p0 s5, $0x0  }
0x1f: {  	s9 =	smul.u32 $0xF7A, s1;
	s8 =	simm.s32 @!p0 $0x1BF5;
	p2 =	por !p2, p0  }
0x20: {  	[sflag:s8] =	ssyncset.s32 @!p0 $0xFFFFF086;
	s6 =	sadd.s32 @!p0 s3, s7;
	s7 =	simm.s32 @!p0 $0x108  }
0x21: {  	s3 =	sadd.s32 s3, s9;
	s6 =	sadd.s32 @!p0 $0x88, s6;
	s7 =	simm.s32 @p2 $0x1082  }
0x22: {  	[simem:s7], [sflag:s8] =	dma.local @!p0 [hbm:s6], $0xF7A  }
0x23: {  	s9 =	sor.u32 $0xD0000000, s2;
	s6 =	simm.s32 $0x108;
	_ =	swait.ge @!p0 [sflag:s8], $0x0  }
0x24: {  	s3 =	sadd.s32 $0x88, s3;
	s6 =	simm.s32 @!p1 $0x1082;
	[sflag:s4] =	ssyncset.s32 $0xFFFFF086  }
0x25: {  	[simem:s6], [sflag:s4] =	dma.local [hbm:s3], $0xF7A  }
0x26: {  	[smem:$0x3F81] =	sst s1;
	(tag) =	ssettag s2;
	_ =	strace s9  }
0x27: {  	s1 =	sld [smem:$0x3F91]  }
0x28: {  	s2 =	sld [smem:$0x3F92]  }
0x29: {  	s4 =	sld [smem:$0x3F94]  }
0x2a: {  	p0 =	seq.s32 s5, $0x0;
	s5 =	sld [smem:$0x3F95]  }
0x2b: {  	s6 =	sld [smem:$0x3F96]  }
0x2c: {  	s7 =	sld [smem:$0x3F97]  }
0x2d: {  	s3 =	simm.s32 $0x108;
	s8 =	sld [smem:$0x3F98]  }
0x2e: {  	s3 =	simm.s32 @!p0 $0x1082;
	s9 =	sld [smem:$0x3F99]  }
0x2f: {  	lr =	sadd.s32 s0, s3;
	s0 =	sld [smem:$0x3F90]  }
0x30: {  	s3 =	sld [smem:$0x3F93]  }
0x31: {  	[smem:$0x3F9C] =	sst s10  }
0x32: {  	s10 =	sld [smem:$0x3F9A];
	_ =	sdelay $0x3  }
0x33: {  	p0 =	seq.s32 s10, $0x1;
	s10 =	sld [smem:$0x3F9C];
	_ =	sdelay $0x3  }
0x34: {  	[smem:$0x3F9C] =	sst s10  }
0x35: {  	s10 =	sld [smem:$0x3F9B];
	_ =	sdelay $0x3  }
0x36: {  	p1 =	seq.s32 s10, $0x1;
	s10 =	sld [smem:$0x3F9C];
	_ =	sdelay $0x3  }
0x37: {  	[smem:$0x3F9C] =	sst s10  }
0x38: {  	s10 =	sld [smem:$0x3F9D]  }
0x39: {  	_ = 	snop;
	(pc) =	sbr.ind lr, $3  }
0x3a: {  	_ = 	snop  }
0x3b: {  	_ = 	snop  }
0x3c: {  	p2 =	seq.s32 s10, $0x1;
	s10 =	sld [smem:$0x3F9C]  }
0x3d: {  	_ =	shalt  }
0x3e: {  	_ =	shalt  }
0x3f: {  	_ =	shalt  }
0x40: {  	_ =	shalt  }
0x41: {  	_ =	shalt  }
0x42: {  	_ =	shalt  }
0x43: {  	_ =	shalt  }
0x44: {  	_ =	shalt  }
0x45: {  	_ =	shalt  }
0x46: {  	_ =	shalt  }
0x47: {  	_ =	shalt  }
0x48: {  	_ =	shalt  }
0x49: {  	_ =	shalt  }
0x4a: {  	_ =	shalt  }
0x4b: {  	_ =	shalt  }
0x4c: {  	_ =	shalt  }
0x4d: {  	_ =	shalt  }
0x4e: {  	_ =	shalt  }
0x4f: {  	_ =	shalt  }
0x50: {  	_ =	shalt  }
0x51: {  	_ =	shalt  }
0x52: {  	_ =	shalt  }
0x53: {  	_ =	shalt  }
0x54: {  	_ =	shalt  }
0x55: {  	_ =	shalt  }
0x56: {  	_ =	shalt  }
0x57: {  	_ =	shalt  }
0x58: {  	_ =	shalt  }
0x59: {  	_ =	shalt  }
0x5a: {  	_ =	shalt  }
0x5b: {  	_ =	shalt  }
0x5c: {  	_ =	shalt  }
0x5d: {  	_ =	shalt  }
0x5e: {  	_ =	shalt  }
0x5f: {  	_ =	shalt  }
0x60: {  	_ =	shalt  }
0x61: {  	_ =	shalt  }
0x62: {  	_ =	shalt  }
0x63: {  	_ =	shalt  }
0x64: {  	_ =	shalt  }
0x65: {  	_ =	shalt  }
0x66: {  	_ =	shalt  }
0x67: {  	_ =	shalt  }
0x68: {  	_ =	shalt  }
0x69: {  	_ =	shalt  }
0x6a: {  	_ =	shalt  }
0x6b: {  	_ =	shalt  }
0x6c: {  	_ =	shalt  }
0x6d: {  	_ =	shalt  }
0x6e: {  	_ =	shalt  }
0x6f: {  	_ =	shalt  }
0x70: {  	_ =	shalt  }
0x71: {  	_ =	shalt  }
0x72: {  	_ =	shalt  }
0x73: {  	_ =	shalt  }
0x74: {  	_ =	shalt  }
0x75: {  	_ =	shalt  }
0x76: {  	_ =	shalt  }
0x77: {  	_ =	shalt  }
0x78: {  	_ =	shalt  }
0x79: {  	_ =	shalt  }
0x7a: {  	_ =	shalt  }
0x7b: {  	_ =	shalt  }
0x7c: {  	_ =	shalt  }
0x7d: {  	_ =	shalt  }
0x7e: {  	_ =	shalt  }
0x7f: {  	_ =	shalt  }
0x80: {  	_ =	shalt  }
0x81: {  	_ =	shalt  }
0x82: {  	_ =	shalt  }
0x83: {  	_ =	shalt  }
0x84: {  	_ =	shalt  }
0x85: {  	_ =	shalt  }
0x86: {  	_ =	shalt  }
0x87: {  	_ =	shalt  }
.Lfunc_end0:
.L_simem_size_0:
called_computation_lowered:
.L_overlay_start_0:
0x88: {  	s2 =	sld [smem:$0x3FD9]  }
0x89: {  	s3 =	sld [smem:$0x3FFE];
	_ =	sdelay $0x1  }
0x8a: {  	s1 =	srdreg.scid  }
0x8b: {  	s0 =	sand.u32 $0x1, s1  }
0x8c: {  	s16 =	sshll.u32 s0, $0xA;
	s2 =	sadd.s32 s3, s2  }
0x8d: {  	s2 =	sadd.s32 s2, s16  }
0x8e: {  	[smem:$0x3FA8] =	sst s2  }
0x8f: {  	_ = 	snop  }
0x90: {  	(tm) =	ssettm $0x1  }
0x91: {  	s17 =	sld [smem:$0x3FFB];
	_ =	sdelay $0x3  }
0x92: {  	_ =	strace s17  }
0x93: {  	s2 =	sld [smem:$0x3FFC];
	_ =	sdelay $0x3  }
0x94: {  	_ =	strace s2  }
0x95: {  	s2 =	sld [smem:$0x3FFD];
	_ =	sdelay $0x3  }
0x96: {  	_ =	strace s2  }
0x97: {  	_ =	strace $0x8FFFFFFF  }
0x98: {  	s18 =	sld [smem:$0x3FDB];
	_ =	sdelay $0x1  }
0x99: {  	s19 =	simm.s32 $_scs_section_size  }
0x9a: {  	s4 =	simm.s32 $_size__tile_overlayer_lowered;
	s5 =	simm.s32 $_tile_overlayer_lowered  }
0x9b: {  	s22 =	simm.s32 $0x1BFF;
	s21 =	sshll.u32 s5, $0x1;
	s2 =	sadd.s32 s19, s18  }
0x9c: {  	s6 =	simm.s32 $0x0;
	s20 =	sshll.u32 s4, $0x1;
	s4 =	sadd.s32 s21, s2  }
0x9d: {  	[timem:s6], [sflag:s22] =	dma.local [hbm:s4], s20  }
0x9e: {  	_ =	swait.ge [sflag:s22], s20  }
0x9f: {  	s3 =	ssub.s32 $0x0, s20;
	[sflag:s22] =	ssyncset.done $0x0  }
0xa0: {  	[sflag:s22] =	ssyncadd.s32 s3;
	_ =	sdelay $0x1  }
0xa1: {  	s23 =	simm.s32 $0x1B8B  }
0xa2: {  	_ =	swait.ge [sflag:s23], $0x1  }
0xa3: {  	[sflag:s23] =	ssyncset.done $0x0  }
0xa4: {  	s25 =	simm.s32 $0x1B8E;
	s24 =	sld [smem:$0x3FFE];
	[sflag:s23] =	ssyncadd.s32 $0xFFFFFFFF  }
0xa5: {  	s26 =	simm.s32 $execute0_lowered;
	[smem:$0x3FD2] =	sst s25  }
0xa6: {  	s4 =	sshll.u32 s26, $0x1;
	_ =	strace $0x80000046;
	[dreg:$0x1] =	wrdreg $0xFFFFFFFF  }
0xa7: {  	s28 =	simm.s32 $_size_execute0_lowered;
	s2 =	sadd.s32 s2, s4;
	[dreg:$0x0] =	wrdreg $0x0  }
0xa8: {  	s4 =	sshll.u32 s28, $0x1;
	[dreg:$0x2] =	wrdreg s2  }
0xa9: {  	[dreg:$0x3] =	wrdreg s4  }
0xaa: {  	[dreg:$0x4] =	wrdreg $0xC0  }
0xab: {  	_ =	task [dreg:s6], $0x5FFFF  }
0xac: {  	[dreg:$0x1] =	wrdreg $0xFFFFFFFF  }
0xad: {  	[dreg:$0x0] =	wrdreg $0x60  }
0xae: {  	[dreg:$0x2] =	wrdreg s24  }
0xaf: {  	[dreg:$0x3] =	wrdreg $0x9  }
0xb0: {  	_ =	task.clear_ibuf [dreg:s6], $0x4FFFF;
	_ =	strace $0x90000046  }
0xb1: {  	s29 =	simm.s32 $0x9;
	_ =	strace $0x80000048  }
0xb2: {  	_ =	swait.ge [sflag:s29], $0x1  }
0xb3: {  	[sflag:s29] =	ssyncadd.s32 $0xFFFFFFFF  }
0xb4: {  	_ =	strace $0x90000048  }
0xb5: {  	_ =	sfence  }
0xb6: {  	s30 =	sld [smem:$0x0];
	_ =	sdelay $0x2  }
0xb7: {  	s31 =	sshll.u32 s1, $0xD;
	s1 =	sshrl.u32 s1, $0x2  }
0xb8: {  	s3 =	sand.u32 $0x4000, s31;
	s1 =	sadd.s32 s1, s30  }
0xb9: {  	s0 =	sor.u32 s3, s0;
	s1 =	sshll.u32 s1, $0x11  }
0xba: {  	s0 =	sor.u32 s1, s0  }
0xbb: {  	s0 =	sadd.s32 $0x8F2B, s0  }
0xbc: {  	[sflag:s0] =	ssyncadd.remote.s32 $0x1  }
0xbd: {  	_ =	sfence.sel $0xFFFF  }
0xbe: {  	[dreg:$0x0] =	wrdreg $0xFFFFFFFF;
	(pc) =	sbr.abs _section_cstart, $3  }
0xbf: {  	[dreg:$0x1] =	wrdreg $0xFFFFFFFF  }
0xc0: {  	_ =	task.clear_ibuf [dreg:s6], $0x2FFFF;
	_ =	strace $0x9FFFFFFF  }
0xc1: {  	(tm) =	ssettm $0x7FFFFFFF  }
tec
execute0_lowered:
.L_overlay_start_1:
0x0: {  	(tag) =	ssettag $0x1  }
0x1: {  	s0 =	rddreg [dreg:$0x0];
	s20 =	simm.s32 $0x0  }
0x2: {  	[smem:$0x7FF] =	sst s20;
	s1 =	sadd.s32 $0x1DC00, s0  }
0x3: {  	s19 =	sadd.s32 $0x4C00, s0;
	_ =	strace $0x80000047;
	[dreg:$0x2] =	wrdreg s1  }
0x4: {  	s21 =	sadd.s32 $0x1317C00, s0;
	[dreg:$0x3] =	wrdreg s19  }
0x5: {  	s22 =	sadd.s32 $0x112F600, s0;
	[dreg:$0x4] =	wrdreg s21  }
0x6: {  	s28 =	srdreg.scid;
	s23 =	sadd.s32 $0x27FC00, s0;
	[dreg:$0x5] =	wrdreg s22  }
0x7: {  	s4 =	stileid.u32;
	s24 =	sadd.s32 $0x24EE00, s0;
	[dreg:$0x6] =	wrdreg s23  }
0x8: {  	s25 =	sadd.s32 $0x21E000, s0;
	s26 =	sadd.s32 $0x1ED200, s0;
	[dreg:$0x7] =	wrdreg s24  }
0x9: {  	s2 =	sadd.s32 $0x1BC400, s0;
	s29 =	sadd.s32 $0x18B600, s0;
	[dreg:$0x8] =	wrdreg s25  }
0xa: {  	s5 =	sadd.s32 $0xF47000, s0;
	s4 =	sshll.u32 s4, $0xA;
	[dreg:$0x9] =	wrdreg s26  }
0xb: {  	s0 =	sadd.s32 $0x21C00, s0;
	[dreg:$0xa] =	wrdreg s2;
	s1 =	sand.u32 $0x1, s28  }
.Ltmp0:
0xc: {  	[dreg:$0xb] =	wrdreg s29;
	s30 =	ssub.s32 $0x2, s1;
	(pc) =	sbr.rel .LBB2_1-.Ltmp0, $4  }
0xd: {  	[dreg:$0xc] =	wrdreg s0;
	s1 =	sshll.u32 s1, $0x9;
	s3 =	sshrl.u32 s30, $0x1  }
0xe: {  	[dreg:$0x12] =	wrdreg s5;
	s1 =	sor.u32 s1, s4;
	s31 =	ssub.s32 s30, s3  }
0xf: {  	[dreg:$0xd] =	wrdreg s1;
	s0 =	smax.u32 s31, $0x1  }
0x10: {  	s1 =	simm.s32 $0x0;
	[dreg:$0xe] =	wrdreg s0;
	s0 =	simm.s32 $0x80  }
.LBB2_6:
0x11: {  	s1 =	rddreg [dreg:$0xf]  }
0x12: {  	s15 =	rddreg [dreg:$0xe];
	s1 =	sadd.s32 $0x1, s1  }
0x13: {  	p0 =	sne.s32 s1, s15  }
.Ltmp1:
0x14: {  	_ = 	snop;
	(pc) =	sbr.rel @!p0 .LBB2_7-.Ltmp1, $1  }
0x15: {  	_ =	sdelay $0x3  }
.LBB2_1:
.Ltmp2:
0x16: {  	(pc) =	sbr.rel .LBB2_2-.Ltmp2, $2  }
0x17: {  	_ =	sdelay $0x2  }
0x18: {  	[dreg:$0xf] =	wrdreg s1;
	s1 =	simm.s32 $0x0  }
.LBB2_5:
0x19: {  	s15 =	simm.s32 $0x3  }
0x1a: {  	_ =	swait.ge [sflag:s15], $0x800  }
0x1b: {  	[sflag:s15] =	ssyncset.done $0x0  }
0x1c: {  	[sflag:s15] =	ssyncadd.s32 $0xFFFFF800  }
0x1d: {  	v0 =	vld [tilespmem:$0x6500];
	_ =	sdelay $0x3  }
0x1e: {  	s0 =	simm.s32 $0x6D80  }
0x1f: {  	[tilespmem:s0+$0x0] =	vst.add.f32.msk $0xffff, v0  }
0x20: {  	v0 =	vld [tilespmem:$0x6510];
	_ =	sdelay $0x4  }
0x21: {  	[tilespmem:s20+$0x0] =	vst.add.f32.msk $0xffff, v0  }
0x22: {  	v0 =	vld [tilespmem:$0x6520];
	_ =	sdelay $0x4  }
0x23: {  	[tilespmem:s22+$0x0] =	vst.add.f32.msk $0xffff, v0  }
0x24: {  	v0 =	vld [tilespmem:$0x6530];
	_ =	sdelay $0x4  }
0x25: {  	[tilespmem:s24+$0x0] =	vst.add.f32.msk $0xffff, v0  }
0x26: {  	v0 =	vld [tilespmem:$0x6540];
	_ =	sdelay $0x4  }
0x27: {  	[tilespmem:s29+$0x0] =	vst.add.f32.msk $0xffff, v0  }
0x28: {  	v0 =	vld [tilespmem:$0x6550];
	_ =	sdelay $0x4  }
0x29: {  	[tilespmem:s30+$0x0] =	vst.add.f32.msk $0xffff, v0  }
0x2a: {  	v0 =	vld [tilespmem:$0x6560];
	_ =	sdelay $0x3  }
0x2b: {  	s0 =	simm.s32 $0x70E0  }
0x2c: {  	[tilespmem:s0+$0x0] =	vst.add.f32.msk $0xffff, v0  }
0x2d: {  	v0 =	vld [tilespmem:$0x6570];
	_ =	sdelay $0x4  }
0x2e: {  	[tilespmem:s10+$0x0] =	vst.add.f32.msk $0xffff, v0  }
0x2f: {  	v0 =	vld [tilespmem:$0x6580];
	_ =	sdelay $0x4  }
0x30: {  	[tilespmem:s16+$0x0] =	vst.add.f32.msk $0xffff, v0  }
0x31: {  	v0 =	vld [tilespmem:$0x6590];
	_ =	sdelay $0x4  }
0x32: {  	[tilespmem:s21+$0x0] =	vst.add.f32.msk $0xffff, v0  }
0x33: {  	v0 =	vld [tilespmem:$0x65A0];
	_ =	sdelay $0x4  }
0x34: {  	[tilespmem:s23+$0x0] =	vst.add.f32.msk $0xffff, v0  }
0x35: {  	v0 =	vld [tilespmem:$0x65B0];
	_ =	sdelay $0x4  }
0x36: {  	[tilespmem:s26+$0x0] =	vst.add.f32.msk $0xffff, v0  }
0x37: {  	v0 =	vld [tilespmem:$0x65C0];
	_ =	sdelay $0x4  }
0x38: {  	[tilespmem:s2+$0x0] =	vst.add.f32.msk $0xffff, v0  }
0x39: {  	v0 =	vld [tilespmem:$0x65D0];
	_ =	sdelay $0x4  }
0x3a: {  	[tilespmem:s3+$0x0] =	vst.add.f32.msk $0xffff, v0  }
0x3b: {  	v0 =	vld [tilespmem:$0x65E0];
	_ =	sdelay $0x4  }
0x3c: {  	[tilespmem:s4+$0x0] =	vst.add.f32.msk $0xffff, v0  }
0x3d: {  	v0 =	vld [tilespmem:$0x65F0];
	_ =	sdelay $0x4  }
0x3e: {  	[tilespmem:s5+$0x0] =	vst.add.f32.msk $0xffff, v0  }
0x3f: {  	v0 =	vld [tilespmem:$0x6600];
	_ =	sdelay $0x4  }
0x40: {  	[tilespmem:s6+$0x0] =	vst.add.f32.msk $0xffff, v0  }
0x41: {  	v0 =	vld [tilespmem:$0x6610];
	_ =	sdelay $0x4  }
0x42: {  	[tilespmem:s7+$0x0] =	vst.add.f32.msk $0xffff, v0  }
0x43: {  	v0 =	vld [tilespmem:$0x6620];
	_ =	sdelay $0x4  }
0x44: {  	[tilespmem:s8+$0x0] =	vst.add.f32.msk $0xffff, v0  }
0x45: {  	v0 =	vld [tilespmem:$0x6630];
	_ =	sdelay $0x4  }
0x46: {  	[tilespmem:s9+$0x0] =	vst.add.f32.msk $0xffff, v0  }
0x47: {  	v0 =	vld [tilespmem:$0x6640];
	_ =	sdelay $0x4  }
0x48: {  	[tilespmem:s11+$0x0] =	vst.add.f32.msk $0xffff, v0  }
0x49: {  	v0 =	vld [tilespmem:$0x6650];
	_ =	sdelay $0x4  }
0x4a: {  	[tilespmem:s12+$0x0] =	vst.add.f32.msk $0xffff, v0  }
0x4b: {  	v0 =	vld [tilespmem:$0x6660];
	_ =	sdelay $0x4  }
0x4c: {  	[tilespmem:s14+$0x0] =	vst.add.f32.msk $0xffff, v0  }
0x4d: {  	v0 =	vld [tilespmem:$0x6670];
	_ =	sdelay $0x4  }
0x4e: {  	[tilespmem:s17+$0x0] =	vst.add.f32.msk $0xffff, v0  }
0x4f: {  	v0 =	vld [tilespmem:$0x6680];
	_ =	sdelay $0x4  }
0x50: {  	[tilespmem:s28+$0x0] =	vst.add.f32.msk $0xffff, v0  }
0x51: {  	v0 =	vld [tilespmem:$0x6690];
	_ =	sdelay $0x4  }
0x52: {  	[tilespmem:s13+$0x0] =	vst.add.f32.msk $0xffff, v0  }
0x53: {  	v0 =	vld [tilespmem:$0x66A0];
	_ =	sdelay $0x4  }
0x54: {  	[tilespmem:s19+$0x0] =	vst.add.f32.msk $0xffff, v0  }
0x55: {  	v0 =	vld [tilespmem:$0x66B0];
	_ =	sdelay $0x4  }
0x56: {  	[tilespmem:s25+$0x0] =	vst.add.f32.msk $0xffff, v0  }
0x57: {  	v0 =	vld [tilespmem:$0x66C0];
	_ =	sdelay $0x4  }
0x58: {  	[tilespmem:s31+$0x0] =	vst.add.f32.msk $0xffff, v0  }
0x59: {  	v0 =	vld [tilespmem:$0x66D0];
	_ =	sdelay $0x3  }
0x5a: {  	s14 =	simm.s32 $0x7DD0  }
0x5b: {  	[tilespmem:s14+$0x0] =	vst.add.f32.msk $0xffff, v0  }
0x5c: {  	v0 =	vld [tilespmem:$0x66E0];
	_ =	sdelay $0x3  }
0x5d: {  	s15 =	simm.s32 $0x7E60  }
0x5e: {  	[tilespmem:s15+$0x0] =	vst.add.f32.msk $0xffff, v0  }
0x5f: {  	v0 =	vld [tilespmem:$0x66F0];
	_ =	sdelay $0x3  }
0x60: {  	s16 =	simm.s32 $0x7EF0  }
0x61: {  	[tilespmem:s16+$0x0] =	vst.add.f32.msk $0xffff, v0  }
0x62: {  	v0 =	vld [tilespmem:$0x6700];
	_ =	sdelay $0x3  }
0x63: {  	s17 =	simm.s32 $0x7F80  }
0x64: {  	[tilespmem:s17+$0x0] =	vst.add.f32.msk $0xffff, v0  }
0x65: {  	v0 =	vld [tilespmem:$0x6710];
	_ =	sdelay $0x3  }
0x66: {  	s18 =	simm.s32 $0x8010  }
0x67: {  	[tilespmem:s18+$0x0] =	vst.add.f32.msk $0xffff, v0  }
0x68: {  	v0 =	vld [tilespmem:$0x6720];
	_ =	sdelay $0x3  }
0x69: {  	s19 =	simm.s32 $0x80A0  }
0x6a: {  	[tilespmem:s19+$0x0] =	vst.add.f32.msk $0xffff, v0  }
0x6b: {  	v0 =	vld [tilespmem:$0x6730];
	_ =	sdelay $0x3  }
0x6c: {  	s20 =	simm.s32 $0x8130  }
0x6d: {  	[tilespmem:s20+$0x0] =	vst.add.f32.msk $0xffff, v0  }
0x6e: {  	v0 =	vld [tilespmem:$0x6740];
	_ =	sdelay $0x3  }
0x6f: {  	s21 =	simm.s32 $0x81C0  }
0x70: {  	[tilespmem:s21+$0x0] =	vst.add.f32.msk $0xffff, v0  }
0x71: {  	v0 =	vld [tilespmem:$0x6750];
	_ =	sdelay $0x3  }
0x72: {  	s22 =	simm.s32 $0x8250  }
0x73: {  	[tilespmem:s22+$0x0] =	vst.add.f32.msk $0xffff, v0  }
0x74: {  	v0 =	vld [tilespmem:$0x6760];
	_ =	sdelay $0x3  }
0x75: {  	s23 =	simm.s32 $0x82E0  }
0x76: {  	[tilespmem:s23+$0x0] =	vst.add.f32.msk $0xffff, v0  }
0x77: {  	v0 =	vld [tilespmem:$0x6770];
	_ =	sdelay $0x3  }
0x78: {  	s24 =	simm.s32 $0x8370  }
0x79: {  	[tilespmem:s24+$0x0] =	vst.add.f32.msk $0xffff, v0  }
0x7a: {  	v0 =	vld [tilespmem:$0x6780];
	_ =	sdelay $0x3  }
0x7b: {  	s25 =	simm.s32 $0x8400  }
0x7c: {  	[tilespmem:s25+$0x0] =	vst.add.f32.msk $0xffff, v0  }
0x7d: {  	v0 =	vld [tilespmem:$0x6790];
	_ =	sdelay $0x3  }
0x7e: {  	s26 =	simm.s32 $0x8490  }
0x7f: {  	[tilespmem:s26+$0x0] =	vst.add.f32.msk $0xffff, v0  }
0x80: {  	v0 =	vld [tilespmem:$0x67A0];
	_ =	sdelay $0x3  }
0x81: {  	s28 =	simm.s32 $0x8520  }
0x82: {  	[tilespmem:s28+$0x0] =	vst.add.f32.msk $0xffff, v0  }
0x83: {  	v0 =	vld [tilespmem:$0x67B0];
	_ =	sdelay $0x3  }
0x84: {  	s29 =	simm.s32 $0x85B0  }
0x85: {  	[tilespmem:s29+$0x0] =	vst.add.f32.msk $0xffff, v0  }
0x86: {  	v0 =	vld [tilespmem:$0x67C0];
	_ =	sdelay $0x3  }
0x87: {  	s30 =	simm.s32 $0x8640  }
0x88: {  	[tilespmem:s30+$0x0] =	vst.add.f32.msk $0xffff, v0  }
0x89: {  	v0 =	vld [tilespmem:$0x67D0];
	_ =	sdelay $0x3  }
0x8a: {  	s31 =	simm.s32 $0x86D0  }
0x8b: {  	[tilespmem:s31+$0x0] =	vst.add.f32.msk $0xffff, v0  }
0x8c: {  	v0 =	vld [tilespmem:$0x67E0];
	_ =	sdelay $0x3  }
0x8d: {  	s2 =	simm.s32 $0x8760  }
0x8e: {  	[tilespmem:s2+$0x0] =	vst.add.f32.msk $0xffff, v0  }
0x8f: {  	v0 =	vld [tilespmem:$0x67F0];
	_ =	sdelay $0x3  }
0x90: {  	s3 =	simm.s32 $0x87F0  }
0x91: {  	[tilespmem:s3+$0x0] =	vst.add.f32.msk $0xffff, v0  }
0x92: {  	v0 =	vld [tilespmem:$0x6800];
	_ =	sdelay $0x3  }
0x93: {  	s4 =	simm.s32 $0x8880  }
0x94: {  	[tilespmem:s4+$0x0] =	vst.add.f32.msk $0xffff, v0  }
0x95: {  	v0 =	vld [tilespmem:$0x6810];
	_ =	sdelay $0x3  }
0x96: {  	s5 =	simm.s32 $0x8910  }
0x97: {  	[tilespmem:s5+$0x0] =	vst.add.f32.msk $0xffff, v0  }
0x98: {  	v0 =	vld [tilespmem:$0x6820];
	_ =	sdelay $0x3  }
0x99: {  	s6 =	simm.s32 $0x89A0  }
0x9a: {  	[tilespmem:s6+$0x0] =	vst.add.f32.msk $0xffff, v0  }
0x9b: {  	v0 =	vld [tilespmem:$0x6830];
	_ =	sdelay $0x3  }
0x9c: {  	s7 =	simm.s32 $0x8A30  }
0x9d: {  	[tilespmem:s7+$0x0] =	vst.add.f32.msk $0xffff, v0  }
0x9e: {  	v0 =	vld [tilespmem:$0x6840];
	_ =	sdelay $0x3  }
0x9f: {  	s8 =	simm.s32 $0x8AC0  }
0xa0: {  	[tilespmem:s8+$0x0] =	vst.add.f32.msk $0xffff, v0  }
0xa1: {  	v0 =	vld [tilespmem:$0x6850];
	_ =	sdelay $0x3  }
0xa2: {  	s9 =	simm.s32 $0x8B50  }
0xa3: {  	[tilespmem:s9+$0x0] =	vst.add.f32.msk $0xffff, v0  }
0xa4: {  	v0 =	vld [tilespmem:$0x6860];
	_ =	sdelay $0x3  }
0xa5: {  	s10 =	simm.s32 $0x8BE0  }
0xa6: {  	[tilespmem:s10+$0x0] =	vst.add.f32.msk $0xffff, v0  }
0xa7: {  	v0 =	vld [tilespmem:$0x6870];
	_ =	sdelay $0x3  }
0xa8: {  	s11 =	simm.s32 $0x8C70  }
0xa9: {  	[tilespmem:s11+$0x0] =	vst.add.f32.msk $0xffff, v0  }
0xaa: {  	v0 =	vld [tilespmem:$0x6880];
	_ =	sdelay $0x3  }
0xab: {  	s12 =	simm.s32 $0x8D00  }
0xac: {  	[tilespmem:s12+$0x0] =	vst.add.f32.msk $0xffff, v0  }
0xad: {  	v0 =	vld [tilespmem:$0x6890];
	_ =	sdelay $0x3  }
0xae: {  	s13 =	simm.s32 $0x8D90  }
0xaf: {  	[tilespmem:s13+$0x0] =	vst.add.f32.msk $0xffff, v0  }
0xb0: {  	v0 =	vld [tilespmem:$0x68A0];
	_ =	sdelay $0x3  }
0xb1: {  	s14 =	simm.s32 $0x8E20  }
0xb2: {  	[tilespmem:s14+$0x0] =	vst.add.f32.msk $0xffff, v0  }
0xb3: {  	v0 =	vld [tilespmem:$0x68B0];
	_ =	sdelay $0x3  }
0xb4: {  	s15 =	simm.s32 $0x8EB0  }
0xb5: {  	[tilespmem:s15+$0x0] =	vst.add.f32.msk $0xffff, v0  }
0xb6: {  	v0 =	vld [tilespmem:$0x68C0];
	_ =	sdelay $0x3  }
0xb7: {  	s16 =	simm.s32 $0x8F40  }
0xb8: {  	[tilespmem:s16+$0x0] =	vst.add.f32.msk $0xffff, v0  }
0xb9: {  	v0 =	vld [tilespmem:$0x68D0];
	_ =	sdelay $0x3  }
0xba: {  	s17 =	simm.s32 $0x8FD0  }
0xbb: {  	[tilespmem:s17+$0x0] =	vst.add.f32.msk $0xffff, v0  }
0xbc: {  	v0 =	vld [tilespmem:$0x68E0];
	_ =	sdelay $0x3  }
0xbd: {  	s18 =	simm.s32 $0x9060  }
0xbe: {  	[tilespmem:s18+$0x0] =	vst.add.f32.msk $0xffff, v0  }
0xbf: {  	v0 =	vld [tilespmem:$0x68F0];
	_ =	sdelay $0x3  }
0xc0: {  	s19 =	simm.s32 $0x90F0  }
0xc1: {  	[tilespmem:s19+$0x0] =	vst.add.f32.msk $0xffff, v0  }
0xc2: {  	v0 =	vld [tilespmem:$0x6900];
	_ =	sdelay $0x3  }
0xc3: {  	s20 =	simm.s32 $0x9180  }
0xc4: {  	[tilespmem:s20+$0x0] =	vst.add.f32.msk $0xffff, v0  }
0xc5: {  	v0 =	vld [tilespmem:$0x6910];
	_ =	sdelay $0x3  }
0xc6: {  	s21 =	simm.s32 $0x9210  }
0xc7: {  	[tilespmem:s21+$0x0] =	vst.add.f32.msk $0xffff, v0  }
0xc8: {  	v0 =	vld [tilespmem:$0x6920];
	_ =	sdelay $0x3  }
0xc9: {  	s22 =	simm.s32 $0x92A0  }
0xca: {  	[tilespmem:s22+$0x0] =	vst.add.f32.msk $0xffff, v0  }
0xcb: {  	v0 =	vld [tilespmem:$0x6930];
	_ =	sdelay $0x3  }
0xcc: {  	s23 =	simm.s32 $0x9330  }
0xcd: {  	[tilespmem:s23+$0x0] =	vst.add.f32.msk $0xffff, v0  }
0xce: {  	v0 =	vld [tilespmem:$0x6940];
	_ =	sdelay $0x3  }
0xcf: {  	s24 =	simm.s32 $0x93C0  }
0xd0: {  	[tilespmem:s24+$0x0] =	vst.add.f32.msk $0xffff, v0  }
0xd1: {  	v0 =	vld [tilespmem:$0x6950];
	_ =	sdelay $0x3  }
0xd2: {  	s25 =	simm.s32 $0x9450  }
0xd3: {  	[tilespmem:s25+$0x0] =	vst.add.f32.msk $0xffff, v0  }
0xd4: {  	v0 =	vld [tilespmem:$0x6960];
	_ =	sdelay $0x3  }
0xd5: {  	s26 =	simm.s32 $0x94E0  }
0xd6: {  	[tilespmem:s26+$0x0] =	vst.add.f32.msk $0xffff, v0  }
0xd7: {  	v0 =	vld [tilespmem:$0x6970];
	_ =	sdelay $0x3  }
0xd8: {  	s28 =	simm.s32 $0x9570  }
0xd9: {  	[tilespmem:s28+$0x0] =	vst.add.f32.msk $0xffff, v0  }
0xda: {  	v0 =	vld [tilespmem:$0x6980];
	_ =	sdelay $0x3  }
0xdb: {  	s29 =	simm.s32 $0x9600  }
0xdc: {  	[tilespmem:s29+$0x0] =	vst.add.f32.msk $0xffff, v0  }
0xdd: {  	v0 =	vld [tilespmem:$0x6990];
	_ =	sdelay $0x3  }
0xde: {  	s30 =	simm.s32 $0x9690  }
0xdf: {  	[tilespmem:s30+$0x0] =	vst.add.f32.msk $0xffff, v0  }
0xe0: {  	v0 =	vld [tilespmem:$0x69A0];
	_ =	sdelay $0x3  }
0xe1: {  	s31 =	simm.s32 $0x9720  }
0xe2: {  	[tilespmem:s31+$0x0] =	vst.add.f32.msk $0xffff, v0  }
0xe3: {  	v0 =	vld [tilespmem:$0x69B0];
	_ =	sdelay $0x3  }
0xe4: {  	s2 =	simm.s32 $0x97B0  }
0xe5: {  	[tilespmem:s2+$0x0] =	vst.add.f32.msk $0xffff, v0  }
0xe6: {  	v0 =	vld [tilespmem:$0x69C0];
	_ =	sdelay $0x3  }
0xe7: {  	s3 =	simm.s32 $0x9840  }
0xe8: {  	[tilespmem:s3+$0x0] =	vst.add.f32.msk $0xffff, v0  }
0xe9: {  	v0 =	vld [tilespmem:$0x69D0];
	_ =	sdelay $0x3  }
0xea: {  	s4 =	simm.s32 $0x98D0  }
0xeb: {  	[tilespmem:s4+$0x0] =	vst.add.f32.msk $0xffff, v0  }
0xec: {  	v0 =	vld [tilespmem:$0x69E0];
	_ =	sdelay $0x3  }
0xed: {  	s5 =	simm.s32 $0x9960  }
0xee: {  	[tilespmem:s5+$0x0] =	vst.add.f32.msk $0xffff, v0  }
0xef: {  	v0 =	vld [tilespmem:$0x69F0];
	_ =	sdelay $0x3  }
0xf0: {  	s6 =	simm.s32 $0x99F0  }
0xf1: {  	[tilespmem:s6+$0x0] =	vst.add.f32.msk $0xffff, v0  }
0xf2: {  	v0 =	vld [tilespmem:$0x6A00];
	_ =	sdelay $0x3  }
0xf3: {  	s7 =	simm.s32 $0x9A80  }
0xf4: {  	[tilespmem:s7+$0x0] =	vst.add.f32.msk $0xffff, v0  }
0xf5: {  	v0 =	vld [tilespmem:$0x6A10];
	_ =	sdelay $0x3  }
0xf6: {  	s8 =	simm.s32 $0x9B10  }
0xf7: {  	[tilespmem:s8+$0x0] =	vst.add.f32.msk $0xffff, v0  }
0xf8: {  	v0 =	vld [tilespmem:$0x6A20];
	_ =	sdelay $0x3  }
0xf9: {  	s9 =	simm.s32 $0x9BA0  }
0xfa: {  	[tilespmem:s9+$0x0] =	vst.add.f32.msk $0xffff, v0  }
0xfb: {  	v0 =	vld [tilespmem:$0x6A30];
	_ =	sdelay $0x3  }
0xfc: {  	s10 =	simm.s32 $0x9C30  }
0xfd: {  	[tilespmem:s10+$0x0] =	vst.add.f32.msk $0xffff, v0  }
0xfe: {  	v0 =	vld [tilespmem:$0x6A40];
	_ =	sdelay $0x3  }
0xff: {  	s11 =	simm.s32 $0x9CC0  }
0x100: {  	[tilespmem:s11+$0x0] =	vst.add.f32.msk $0xffff, v0  }
0x101: {  	v0 =	vld [tilespmem:$0x6A50];
	_ =	sdelay $0x3  }
0x102: {  	s12 =	simm.s32 $0x9D50  }
0x103: {  	[tilespmem:s12+$0x0] =	vst.add.f32.msk $0xffff, v0  }
0x104: {  	v0 =	vld [tilespmem:$0x6A60];
	_ =	sdelay $0x3  }
0x105: {  	s13 =	simm.s32 $0x9DE0  }
0x106: {  	[tilespmem:s13+$0x0] =	vst.add.f32.msk $0xffff, v0  }
0x107: {  	v0 =	vld [tilespmem:$0x6A70];
	_ =	sdelay $0x3  }
0x108: {  	s14 =	simm.s32 $0x9E70  }
0x109: {  	[tilespmem:s14+$0x0] =	vst.add.f32.msk $0xffff, v0  }
0x10a: {  	v0 =	vld [tilespmem:$0x6A80];
	_ =	sdelay $0x3  }
0x10b: {  	s15 =	simm.s32 $0x9F00  }
0x10c: {  	[tilespmem:s15+$0x0] =	vst.add.f32.msk $0xffff, v0  }
0x10d: {  	v0 =	vld [tilespmem:$0x6A90];
	_ =	sdelay $0x3  }
0x10e: {  	s16 =	simm.s32 $0x9F90  }
0x10f: {  	[tilespmem:s16+$0x0] =	vst.add.f32.msk $0xffff, v0  }
0x110: {  	v0 =	vld [tilespmem:$0x6AA0];
	_ =	sdelay $0x3  }
0x111: {  	s17 =	simm.s32 $0xA020  }
0x112: {  	[tilespmem:s17+$0x0] =	vst.add.f32.msk $0xffff, v0  }
0x113: {  	v0 =	vld [tilespmem:$0x6AB0];
	_ =	sdelay $0x3  }
0x114: {  	s18 =	simm.s32 $0xA0B0  }
0x115: {  	[tilespmem:s18+$0x0] =	vst.add.f32.msk $0xffff, v0  }
0x116: {  	v0 =	vld [tilespmem:$0x6AC0];
	_ =	sdelay $0x3  }
0x117: {  	s19 =	simm.s32 $0xA140  }
0x118: {  	[tilespmem:s19+$0x0] =	vst.add.f32.msk $0xffff, v0  }
0x119: {  	v0 =	vld [tilespmem:$0x6AD0];
	_ =	sdelay $0x3  }
0x11a: {  	s20 =	simm.s32 $0xA1D0  }
0x11b: {  	[tilespmem:s20+$0x0] =	vst.add.f32.msk $0xffff, v0  }
0x11c: {  	v0 =	vld [tilespmem:$0x6AE0];
	_ =	sdelay $0x3  }
0x11d: {  	s21 =	simm.s32 $0xA260  }
0x11e: {  	[tilespmem:s21+$0x0] =	vst.add.f32.msk $0xffff, v0  }
0x11f: {  	v0 =	vld [tilespmem:$0x6AF0];
	_ =	sdelay $0x3  }
0x120: {  	s22 =	simm.s32 $0xA2F0  }
0x121: {  	[tilespmem:s22+$0x0] =	vst.add.f32.msk $0xffff, v0  }
0x122: {  	v0 =	vld [tilespmem:$0x6B00];
	_ =	sdelay $0x3  }
0x123: {  	s23 =	simm.s32 $0xA380  }
0x124: {  	[tilespmem:s23+$0x0] =	vst.add.f32.msk $0xffff, v0  }
0x125: {  	v0 =	vld [tilespmem:$0x6B10];
	_ =	sdelay $0x3  }
0x126: {  	s24 =	simm.s32 $0xA410  }
0x127: {  	[tilespmem:s24+$0x0] =	vst.add.f32.msk $0xffff, v0  }
0x128: {  	v0 =	vld [tilespmem:$0x6B20];
	_ =	sdelay $0x3  }
0x129: {  	s25 =	simm.s32 $0xA4A0  }
0x12a: {  	[tilespmem:s25+$0x0] =	vst.add.f32.msk $0xffff, v0  }
0x12b: {  	v0 =	vld [tilespmem:$0x6B30];
	_ =	sdelay $0x3  }
0x12c: {  	s26 =	simm.s32 $0xA530  }
0x12d: {  	[tilespmem:s26+$0x0] =	vst.add.f32.msk $0xffff, v0  }
0x12e: {  	v0 =	vld [tilespmem:$0x6B40];
	_ =	sdelay $0x3  }
0x12f: {  	s28 =	simm.s32 $0xA5C0  }
0x130: {  	[tilespmem:s28+$0x0] =	vst.add.f32.msk $0xffff, v0  }
0x131: {  	v0 =	vld [tilespmem:$0x6B50];
	_ =	sdelay $0x3  }
0x132: {  	s29 =	simm.s32 $0xA650  }
0x133: {  	[tilespmem:s29+$0x0] =	vst.add.f32.msk $0xffff, v0  }
0x134: {  	v0 =	vld [tilespmem:$0x6B60];
	_ =	sdelay $0x3  }
0x135: {  	s30 =	simm.s32 $0xA6E0  }
0x136: {  	[tilespmem:s30+$0x0] =	vst.add.f32.msk $0xffff, v0  }
0x137: {  	v0 =	vld [tilespmem:$0x6B70];
	_ =	sdelay $0x3  }
0x138: {  	s31 =	simm.s32 $0xA770  }
0x139: {  	[tilespmem:s31+$0x0] =	vst.add.f32.msk $0xffff, v0  }
0x13a: {  	v0 =	vld [tilespmem:$0x6B80];
	_ =	sdelay $0x3  }
0x13b: {  	s2 =	simm.s32 $0xA800  }
0x13c: {  	[tilespmem:s2+$0x0] =	vst.add.f32.msk $0xffff, v0  }
0x13d: {  	v0 =	vld [tilespmem:$0x6B90];
	_ =	sdelay $0x3  }
0x13e: {  	s3 =	simm.s32 $0xA890  }
0x13f: {  	[tilespmem:s3+$0x0] =	vst.add.f32.msk $0xffff, v0  }
0x140: {  	v0 =	vld [tilespmem:$0x6BA0];
	_ =	sdelay $0x3  }
0x141: {  	s4 =	simm.s32 $0xA920  }
0x142: {  	[tilespmem:s4+$0x0] =	vst.add.f32.msk $0xffff, v0  }
0x143: {  	v0 =	vld [tilespmem:$0x6BB0];
	_ =	sdelay $0x3  }
0x144: {  	s5 =	simm.s32 $0xA9B0  }
0x145: {  	[tilespmem:s5+$0x0] =	vst.add.f32.msk $0xffff, v0  }
0x146: {  	v0 =	vld [tilespmem:$0x6BC0];
	_ =	sdelay $0x3  }
0x147: {  	s6 =	simm.s32 $0xAA40  }
0x148: {  	[tilespmem:s6+$0x0] =	vst.add.f32.msk $0xffff, v0  }
0x149: {  	v0 =	vld [tilespmem:$0x6BD0];
	_ =	sdelay $0x3  }
0x14a: {  	s7 =	simm.s32 $0xAAD0  }
0x14b: {  	[tilespmem:s7+$0x0] =	vst.add.f32.msk $0xffff, v0  }
0x14c: {  	v0 =	vld [tilespmem:$0x6BE0];
	_ =	sdelay $0x3  }
0x14d: {  	s8 =	simm.s32 $0xAB60  }
0x14e: {  	[tilespmem:s8+$0x0] =	vst.add.f32.msk $0xffff, v0  }
0x14f: {  	v0 =	vld [tilespmem:$0x6BF0];
	_ =	sdelay $0x3  }
0x150: {  	s9 =	simm.s32 $0xABF0  }
0x151: {  	[tilespmem:s9+$0x0] =	vst.add.f32.msk $0xffff, v0  }
0x152: {  	v0 =	vld [tilespmem:$0x6C00];
	_ =	sdelay $0x3  }
0x153: {  	s10 =	simm.s32 $0xAC80  }
0x154: {  	[tilespmem:s10+$0x0] =	vst.add.f32.msk $0xffff, v0  }
0x155: {  	v0 =	vld [tilespmem:$0x6C10];
	_ =	sdelay $0x3  }
0x156: {  	s11 =	simm.s32 $0xAD10  }
0x157: {  	[tilespmem:s11+$0x0] =	vst.add.f32.msk $0xffff, v0  }
0x158: {  	v0 =	vld [tilespmem:$0x6C20];
	_ =	sdelay $0x3  }
0x159: {  	s12 =	simm.s32 $0xADA0  }
0x15a: {  	[tilespmem:s12+$0x0] =	vst.add.f32.msk $0xffff, v0  }
0x15b: {  	v0 =	vld [tilespmem:$0x6C30];
	_ =	sdelay $0x3  }
0x15c: {  	s13 =	simm.s32 $0xAE30  }
0x15d: {  	[tilespmem:s13+$0x0] =	vst.add.f32.msk $0xffff, v0  }
0x15e: {  	v0 =	vld [tilespmem:$0x6C40];
	_ =	sdelay $0x3  }
0x15f: {  	s14 =	simm.s32 $0xAEC0  }
0x160: {  	[tilespmem:s14+$0x0] =	vst.add.f32.msk $0xffff, v0  }
0x161: {  	v0 =	vld [tilespmem:$0x6C50];
	_ =	sdelay $0x3  }
0x162: {  	s15 =	simm.s32 $0xAF50  }
0x163: {  	[tilespmem:s15+$0x0] =	vst.add.f32.msk $0xffff, v0  }
0x164: {  	v0 =	vld [tilespmem:$0x6C60];
	_ =	sdelay $0x3  }
0x165: {  	s16 =	simm.s32 $0xAFE0  }
0x166: {  	[tilespmem:s16+$0x0] =	vst.add.f32.msk $0xffff, v0  }
0x167: {  	v0 =	vld [tilespmem:$0x6C70];
	_ =	sdelay $0x3  }
0x168: {  	s17 =	simm.s32 $0xB070  }
0x169: {  	[tilespmem:s17+$0x0] =	vst.add.f32.msk $0xffff, v0  }
0x16a: {  	v0 =	vld [tilespmem:$0x6C80];
	_ =	sdelay $0x3  }
0x16b: {  	s18 =	simm.s32 $0xB100  }
0x16c: {  	[tilespmem:s18+$0x0] =	vst.add.f32.msk $0xffff, v0  }
0x16d: {  	v0 =	vld [tilespmem:$0x6C90];
	_ =	sdelay $0x3  }
0x16e: {  	s19 =	simm.s32 $0xB190  }
0x16f: {  	[tilespmem:s19+$0x0] =	vst.add.f32.msk $0xffff, v0  }
0x170: {  	v0 =	vld [tilespmem:$0x6CA0];
	_ =	sdelay $0x3  }
0x171: {  	s20 =	simm.s32 $0xB220  }
0x172: {  	[tilespmem:s20+$0x0] =	vst.add.f32.msk $0xffff, v0  }
0x173: {  	v0 =	vld [tilespmem:$0x6CB0];
	_ =	sdelay $0x3  }
0x174: {  	s21 =	simm.s32 $0xB2B0  }
0x175: {  	[tilespmem:s21+$0x0] =	vst.add.f32.msk $0xffff, v0  }
0x176: {  	v0 =	vld [tilespmem:$0x6CC0];
	_ =	sdelay $0x3  }
0x177: {  	s22 =	simm.s32 $0xB340  }
0x178: {  	[tilespmem:s22+$0x0] =	vst.add.f32.msk $0xffff, v0  }
0x179: {  	v0 =	vld [tilespmem:$0x6CD0];
	_ =	sdelay $0x3  }
0x17a: {  	s23 =	simm.s32 $0xB3D0  }
0x17b: {  	[tilespmem:s23+$0x0] =	vst.add.f32.msk $0xffff, v0  }
0x17c: {  	v0 =	vld [tilespmem:$0x6CE0];
	_ =	sdelay $0x3  }
0x17d: {  	s24 =	simm.s32 $0xB460  }
0x17e: {  	[tilespmem:s24+$0x0] =	vst.add.f32.msk $0xffff, v0  }
0x17f: {  	v0 =	vld [tilespmem:$0x6CF0];
	_ =	sdelay $0x4  }
0x180: {  	s25 =	simm.s32 $0x1;
	[tilespmem:s1+$0x0] =	vst.add.f32.msk $0xffff, v0  }
0x181: {  	_ =	swait.ge [sflag:s25], $0x800  }
0x182: {  	[sflag:s25] =	ssyncset.done $0x0  }
0x183: {  	[sflag:s25] =	ssyncadd.s32 $0xFFFFF800  }
0x184: {  	_ =	swait.ge [sflag:s25], $0x800  }
0x185: {  	[sflag:s25] =	ssyncset.done $0x0  }
0x186: {  	[sflag:s25] =	ssyncadd.s32 $0xFFFFF800  }
0x187: {  	_ =	swait.ge [sflag:s25], $0x800  }
0x188: {  	[sflag:s25] =	ssyncset.done $0x0  }
0x189: {  	[sflag:s25] =	ssyncadd.s32 $0xFFFFF800  }
0x18a: {  	_ =	swait.ge [sflag:s25], $0x800  }
0x18b: {  	[sflag:s25] =	ssyncset.done $0x0  }
0x18c: {  	[sflag:s25] =	ssyncadd.s32 $0xFFFFF800  }
0x18d: {  	_ =	swait.ge [sflag:s25], $0x800  }
0x18e: {  	[sflag:s25] =	ssyncset.done $0x0  }
0x18f: {  	[sflag:s25] =	ssyncadd.s32 $0xFFFFF800  }
0x190: {  	_ =	swait.ge [sflag:s25], $0x800  }
0x191: {  	[sflag:s25] =	ssyncset.done $0x0  }
0x192: {  	[sflag:s25] =	ssyncadd.s32 $0xFFFFF800  }
0x193: {  	_ =	swait.ge [sflag:s25], $0x800  }
0x194: {  	[sflag:s25] =	ssyncset.done $0x0  }
0x195: {  	[sflag:s25] =	ssyncadd.s32 $0xFFFFF800  }
0x196: {  	_ =	swait.ge [sflag:s25], $0x800  }
0x197: {  	[sflag:s25] =	ssyncset.done $0x0  }
0x198: {  	[sflag:s25] =	ssyncadd.s32 $0xFFFFF800  }
0x199: {  	v56 =	vld [tilespmem:$0x1D00]  }
0x19a: {  	v1 =	vld [tilespmem:$0x1D10]  }
0x19b: {  	v2 =	vld [tilespmem:$0x1D20]  }
0x19c: {  	v3 =	vld [tilespmem:$0x1D30]  }
0x19d: {  	v4 =	vld [tilespmem:$0x1D40]  }
0x19e: {  	v57 =	vld [tilespmem:$0x1D50];
	[tilespmem:$0x6D00] =	vst v56  }
0x19f: {  	v58 =	vld [tilespmem:$0x1D60];
	[tilespmem:$0x6D90] =	vst v1  }
0x1a0: {  	v59 =	vld [tilespmem:$0x1D70];
	[tilespmem:$0x6E20] =	vst v2  }
0x1a1: {  	v60 =	vld [tilespmem:$0x1D80];
	[tilespmem:$0x6EB0] =	vst v3  }
0x1a2: {  	v61 =	vld [tilespmem:$0x1D90];
	[tilespmem:$0x6F40] =	vst v4  }
0x1a3: {  	v62 =	vld [tilespmem:$0x1DA0];
	[tilespmem:$0x6FD0] =	vst v57  }
0x1a4: {  	v63 =	vld [tilespmem:$0x1DB0];
	[tilespmem:$0x7060] =	vst v58  }
0x1a5: {  	v8 =	vld [tilespmem:$0x1DC0];
	[tilespmem:$0x70F0] =	vst v59  }
0x1a6: {  	v9 =	vld [tilespmem:$0x1DD0];
	[tilespmem:$0x7180] =	vst v60  }
0x1a7: {  	v10 =	vld [tilespmem:$0x1DE0];
	[tilespmem:$0x7210] =	vst v61  }
0x1a8: {  	v11 =	vld [tilespmem:$0x1DF0];
	[tilespmem:$0x72A0] =	vst v62  }
0x1a9: {  	v12 =	vld [tilespmem:$0x1E00];
	[tilespmem:$0x7330] =	vst v63  }
0x1aa: {  	v13 =	vld [tilespmem:$0x1E10];
	[tilespmem:$0x73C0] =	vst v8  }
0x1ab: {  	v14 =	vld [tilespmem:$0x1E20];
	[tilespmem:$0x7450] =	vst v9  }
0x1ac: {  	v15 =	vld [tilespmem:$0x1E30];
	[tilespmem:$0x74E0] =	vst v10  }
0x1ad: {  	v16 =	vld [tilespmem:$0x1E40];
	[tilespmem:$0x7570] =	vst v11  }
0x1ae: {  	v17 =	vld [tilespmem:$0x1E50];
	[tilespmem:$0x7600] =	vst v12  }
0x1af: {  	v18 =	vld [tilespmem:$0x1E60];
	[tilespmem:$0x7690] =	vst v13  }
0x1b0: {  	v19 =	vld [tilespmem:$0x1E70];
	[tilespmem:$0x7720] =	vst v14  }
0x1b1: {  	v20 =	vld [tilespmem:$0x1E80];
	[tilespmem:$0x77B0] =	vst v15  }
0x1b2: {  	v21 =	vld [tilespmem:$0x1E90];
	[tilespmem:$0x7840] =	vst v16  }
0x1b3: {  	[tilespmem:$0x78D0] =	vst v17  }
0x1b4: {  	[tilespmem:$0x7960] =	vst v18  }
0x1b5: {  	v22 =	vld [tilespmem:$0x1EA0];
	[tilespmem:$0x79F0] =	vst v19  }
0x1b6: {  	v23 =	vld [tilespmem:$0x1EB0];
	[tilespmem:$0x7A80] =	vst v20  }
0x1b7: {  	v24 =	vld [tilespmem:$0x1EC0];
	[tilespmem:$0x7B10] =	vst v21  }
0x1b8: {  	v3 =	vld [tilespmem:$0x1ED0]  }
0x1b9: {  	v25 =	vld [tilespmem:$0x1EE0]  }
0x1ba: {  	[tilespmem:$0x7BA0] =	vst v22;
	v26 =	vld [tilespmem:$0x1EF0]  }
0x1bb: {  	[tilespmem:$0x7C30] =	vst v23;
	v27 =	vld [tilespmem:$0x1F00]  }
0x1bc: {  	[tilespmem:$0x7CC0] =	vst v24;
	v28 =	vld [tilespmem:$0x1F10]  }
0x1bd: {  	v29 =	vld [tilespmem:$0x1F20];
	[tilespmem:$0x7D50] =	vst v3  }
0x1be: {  	v30 =	vld [tilespmem:$0x1F30];
	[tilespmem:$0x7DE0] =	vst v25  }
0x1bf: {  	v31 =	vld [tilespmem:$0x1F40];
	[tilespmem:$0x7E70] =	vst v26  }
0x1c0: {  	v32 =	vld [tilespmem:$0x1F50];
	[tilespmem:$0x7F00] =	vst v27  }
0x1c1: {  	v33 =	vld [tilespmem:$0x1F60];
	[tilespmem:$0x7F90] =	vst v28  }
0x1c2: {  	v34 =	vld [tilespmem:$0x1F70];
	[tilespmem:$0x8020] =	vst v29  }
0x1c3: {  	v35 =	vld [tilespmem:$0x1F80];
	[tilespmem:$0x80B0] =	vst v30  }
0x1c4: {  	v36 =	vld [tilespmem:$0x1F90];
	[tilespmem:$0x8140] =	vst v31  }
0x1c5: {  	v37 =	vld [tilespmem:$0x1FA0];
	[tilespmem:$0x81D0] =	vst v32  }
0x1c6: {  	v38 =	vld [tilespmem:$0x1FB0];
	[tilespmem:$0x8260] =	vst v33  }
0x1c7: {  	v39 =	vld [tilespmem:$0x1FC0];
	[tilespmem:$0x82F0] =	vst v34  }
0x1c8: {  	v40 =	vld [tilespmem:$0x1FD0];
	[tilespmem:$0x8380] =	vst v35  }
0x1c9: {  	v41 =	vld [tilespmem:$0x1FE0];
	[tilespmem:$0x8410] =	vst v36  }
0x1ca: {  	v42 =	vld [tilespmem:$0x1FF0];
	[tilespmem:$0x84A0] =	vst v37  }
0x1cb: {  	v43 =	vld [tilespmem:$0x2000];
	[tilespmem:$0x8530] =	vst v38  }
0x1cc: {  	v44 =	vld [tilespmem:$0x2010];
	[tilespmem:$0x85C0] =	vst v39  }
0x1cd: {  	v45 =	vld [tilespmem:$0x2020];
	[tilespmem:$0x8650] =	vst v40  }
0x1ce: {  	v46 =	vld [tilespmem:$0x2030];
	[tilespmem:$0x86E0] =	vst v41  }
0x1cf: {  	v47 =	vld [tilespmem:$0x2040];
	[tilespmem:$0x8770] =	vst v42  }
0x1d0: {  	v48 =	vld [tilespmem:$0x2050];
	[tilespmem:$0x8800] =	vst v43  }
0x1d1: {  	v49 =	vld [tilespmem:$0x2060];
	[tilespmem:$0x8890] =	vst v44  }
0x1d2: {  	v50 =	vld [tilespmem:$0x2070];
	[tilespmem:$0x8920] =	vst v45  }
0x1d3: {  	v51 =	vld [tilespmem:$0x2080];
	[tilespmem:$0x89B0] =	vst v46  }
0x1d4: {  	v52 =	vld [tilespmem:$0x2090];
	[tilespmem:$0x8A40] =	vst v47  }
0x1d5: {  	v53 =	vld [tilespmem:$0x20A0];
	[tilespmem:$0x8AD0] =	vst v48  }
0x1d6: {  	v54 =	vld [tilespmem:$0x20B0];
	[tilespmem:$0x8B60] =	vst v49  }
0x1d7: {  	v55 =	vld [tilespmem:$0x20C0];
	[tilespmem:$0x8BF0] =	vst v50  }
0x1d8: {  	v56 =	vld [tilespmem:$0x20D0];
	[tilespmem:$0x8C80] =	vst v51  }
0x1d9: {  	v57 =	vld [tilespmem:$0x20E0];
	[tilespmem:$0x8D10] =	vst v52  }
0x1da: {  	v58 =	vld [tilespmem:$0x20F0];
	[tilespmem:$0x8DA0] =	vst v53  }
0x1db: {  	v59 =	vld [tilespmem:$0x2100];
	[tilespmem:$0x8E30] =	vst v54  }
0x1dc: {  	v60 =	vld [tilespmem:$0x2110];
	[tilespmem:$0x8EC0] =	vst v55  }
0x1dd: {  	v61 =	vld [tilespmem:$0x2120];
	[tilespmem:$0x8F50] =	vst v56  }
0x1de: {  	v62 =	vld [tilespmem:$0x2130];
	[tilespmem:$0x8FE0] =	vst v57  }
0x1df: {  	v63 =	vld [tilespmem:$0x2140];
	[tilespmem:$0x9070] =	vst v58  }
0x1e0: {  	v8 =	vld [tilespmem:$0x2150];
	[tilespmem:$0x9100] =	vst v59  }
0x1e1: {  	v9 =	vld [tilespmem:$0x2160];
	[tilespmem:$0x9190] =	vst v60  }
0x1e2: {  	v10 =	vld [tilespmem:$0x2170];
	[tilespmem:$0x9220] =	vst v61  }
0x1e3: {  	v11 =	vld [tilespmem:$0x2180];
	[tilespmem:$0x92B0] =	vst v62  }
0x1e4: {  	v12 =	vld [tilespmem:$0x2190];
	[tilespmem:$0x9340] =	vst v63  }
0x1e5: {  	v13 =	vld [tilespmem:$0x21A0];
	[tilespmem:$0x93D0] =	vst v8  }
0x1e6: {  	v14 =	vld [tilespmem:$0x21B0];
	[tilespmem:$0x9460] =	vst v9  }
0x1e7: {  	v15 =	vld [tilespmem:$0x21C0];
	[tilespmem:$0x94F0] =	vst v10  }
0x1e8: {  	v16 =	vld [tilespmem:$0x21D0];
	[tilespmem:$0x9580] =	vst v11  }
0x1e9: {  	v17 =	vld [tilespmem:$0x21E0];
	[tilespmem:$0x9610] =	vst v12  }
0x1ea: {  	v18 =	vld [tilespmem:$0x21F0];
	[tilespmem:$0x96A0] =	vst v13  }
0x1eb: {  	v19 =	vld [tilespmem:$0x2200];
	[tilespmem:$0x9730] =	vst v14  }
0x1ec: {  	v20 =	vld [tilespmem:$0x2210];
	[tilespmem:$0x97C0] =	vst v15  }
0x1ed: {  	v21 =	vld [tilespmem:$0x2220];
	[tilespmem:$0x9850] =	vst v16  }
0x1ee: {  	v22 =	vld [tilespmem:$0x2230];
	[tilespmem:$0x98E0] =	vst v17  }
0x1ef: {  	v23 =	vld [tilespmem:$0x2240];
	[tilespmem:$0x9970] =	vst v18  }
0x1f0: {  	v24 =	vld [tilespmem:$0x2250];
	[tilespmem:$0x9A00] =	vst v19  }
0x1f1: {  	[tilespmem:$0x9A90] =	vst v20;
	v25 =	vld [tilespmem:$0x2260]  }
0x1f2: {  	[tilespmem:$0x9B20] =	vst v21;
	v26 =	vld [tilespmem:$0x2270]  }
0x1f3: {  	[tilespmem:$0x9BB0] =	vst v22;
	v27 =	vld [tilespmem:$0x2280]  }
0x1f4: {  	[tilespmem:$0x9C40] =	vst v23;
	v28 =	vld [tilespmem:$0x2290]  }
0x1f5: {  	[tilespmem:$0x9CD0] =	vst v24;
	v29 =	vld [tilespmem:$0x22A0]  }
0x1f6: {  	v30 =	vld [tilespmem:$0x22B0];
	[tilespmem:$0x9D60] =	vst v25  }
0x1f7: {  	v31 =	vld [tilespmem:$0x22C0];
	[tilespmem:$0x9DF0] =	vst v26  }
0x1f8: {  	v32 =	vld [tilespmem:$0x22D0];
	[tilespmem:$0x9E80] =	vst v27  }
0x1f9: {  	v33 =	vld [tilespmem:$0x22E0];
	[tilespmem:$0x9F10] =	vst v28  }
0x1fa: {  	v34 =	vld [tilespmem:$0x22F0];
	[tilespmem:$0x9FA0] =	vst v29  }
0x1fb: {  	v35 =	vld [tilespmem:$0x2300];
	[tilespmem:$0xA030] =	vst v30  }
0x1fc: {  	v36 =	vld [tilespmem:$0x2310];
	[tilespmem:$0xA0C0] =	vst v31  }
0x1fd: {  	v37 =	vld [tilespmem:$0x2320];
	[tilespmem:$0xA150] =	vst v32  }
0x1fe: {  	v38 =	vld [tilespmem:$0x2330];
	[tilespmem:$0xA1E0] =	vst v33  }
0x1ff: {  	v39 =	vld [tilespmem:$0x2340];
	[tilespmem:$0xA270] =	vst v34  }
0x200: {  	v40 =	vld [tilespmem:$0x2350];
	[tilespmem:$0xA300] =	vst v35  }
0x201: {  	v41 =	vld [tilespmem:$0x2360];
	[tilespmem:$0xA390] =	vst v36  }
0x202: {  	v42 =	vld [tilespmem:$0x2370];
	[tilespmem:$0xA420] =	vst v37  }
0x203: {  	v43 =	vld [tilespmem:$0x2380];
	[tilespmem:$0xA4B0] =	vst v38  }
0x204: {  	v44 =	vld [tilespmem:$0x2390];
	[tilespmem:$0xA540] =	vst v39  }
0x205: {  	v45 =	vld [tilespmem:$0x23A0];
	[tilespmem:$0xA5D0] =	vst v40  }
0x206: {  	v46 =	vld [tilespmem:$0x23B0];
	[tilespmem:$0xA660] =	vst v41  }
0x207: {  	v47 =	vld [tilespmem:$0x23C0];
	[tilespmem:$0xA6F0] =	vst v42  }
0x208: {  	v48 =	vld [tilespmem:$0x23D0];
	[tilespmem:$0xA780] =	vst v43  }
0x209: {  	v49 =	vld [tilespmem:$0x23E0];
	[tilespmem:$0xA810] =	vst v44  }
0x20a: {  	v50 =	vld [tilespmem:$0x23F0];
	[tilespmem:$0xA8A0] =	vst v45  }
0x20b: {  	v51 =	vld [tilespmem:$0x2400];
	[tilespmem:$0xA930] =	vst v46  }
0x20c: {  	v52 =	vld [tilespmem:$0x2410];
	[tilespmem:$0xA9C0] =	vst v47  }
0x20d: {  	v53 =	vld [tilespmem:$0x2420];
	[tilespmem:$0xAA50] =	vst v48  }
0x20e: {  	v54 =	vld [tilespmem:$0x2430];
	[tilespmem:$0xAAE0] =	vst v49  }
0x20f: {  	v55 =	vld [tilespmem:$0x2440];
	[tilespmem:$0xAB70] =	vst v50  }
0x210: {  	v56 =	vld [tilespmem:$0x2450];
	[tilespmem:$0xAC00] =	vst v51  }
0x211: {  	v57 =	vld [tilespmem:$0x2460];
	[tilespmem:$0xAC90] =	vst v52  }
0x212: {  	v58 =	vld [tilespmem:$0x2470];
	[tilespmem:$0xAD20] =	vst v53  }
0x213: {  	v59 =	vld [tilespmem:$0x2480];
	[tilespmem:$0xADB0] =	vst v54  }
0x214: {  	v60 =	vld [tilespmem:$0x2490];
	[tilespmem:$0xAE40] =	vst v55  }
0x215: {  	v61 =	vld [tilespmem:$0x24A0];
	[tilespmem:$0xAED0] =	vst v56  }
0x216: {  	v62 =	vld [tilespmem:$0x24B0];
	[tilespmem:$0xAF60] =	vst v57  }
0x217: {  	v63 =	vld [tilespmem:$0x24C0];
	[tilespmem:$0xAFF0] =	vst v58  }
0x218: {  	v8 =	vld [tilespmem:$0x24D0];
	[tilespmem:$0xB080] =	vst v59  }
0x219: {  	v9 =	vld [tilespmem:$0x24E0];
	[tilespmem:$0xB110] =	vst v60  }
0x21a: {  	v10 =	vld [tilespmem:$0x24F0];
	[tilespmem:$0xB1A0] =	vst v61  }
0x21b: {  	v11 =	vld [tilespmem:$0x2500];
	[tilespmem:$0xB230] =	vst v62  }
0x21c: {  	v12 =	vld [tilespmem:$0x2510];
	[tilespmem:$0xB2C0] =	vst v63  }
0x21d: {  	v13 =	vld [tilespmem:$0x2520];
	[tilespmem:$0xB350] =	vst v8  }
0x21e: {  	v14 =	vld [tilespmem:$0x2530];
	[tilespmem:$0xB3E0] =	vst v9  }
0x21f: {  	v15 =	vld [tilespmem:$0x2540];
	[tilespmem:$0xB470] =	vst v10  }
0x220: {  	v16 =	vld [tilespmem:$0x2550];
	[tilespmem:$0x6D10] =	vst v11  }
0x221: {  	v17 =	vld [tilespmem:$0x2560];
	[tilespmem:$0x6DA0] =	vst v12  }
0x222: {  	v18 =	vld [tilespmem:$0x2570];
	[tilespmem:$0x6E30] =	vst v13  }
0x223: {  	v19 =	vld [tilespmem:$0x2580];
	[tilespmem:$0x6EC0] =	vst v14  }
0x224: {  	v20 =	vld [tilespmem:$0x2590];
	[tilespmem:$0x6F50] =	vst v15  }
0x225: {  	v21 =	vld [tilespmem:$0x25A0];
	[tilespmem:$0x6FE0] =	vst v16  }
0x226: {  	v22 =	vld [tilespmem:$0x25B0];
	[tilespmem:$0x7070] =	vst v17  }
0x227: {  	v23 =	vld [tilespmem:$0x25C0];
	[tilespmem:$0x7100] =	vst v18  }
0x228: {  	v24 =	vld [tilespmem:$0x25D0];
	[tilespmem:$0x7190] =	vst v19  }
0x229: {  	[tilespmem:$0x7220] =	vst v20;
	v25 =	vld [tilespmem:$0x25E0]  }
0x22a: {  	[tilespmem:$0x72B0] =	vst v21;
	v26 =	vld [tilespmem:$0x25F0]  }
0x22b: {  	[tilespmem:$0x7340] =	vst v22;
	v27 =	vld [tilespmem:$0x2600]  }
0x22c: {  	[tilespmem:$0x73D0] =	vst v23;
	v28 =	vld [tilespmem:$0x2610]  }
0x22d: {  	[tilespmem:$0x7460] =	vst v24;
	v29 =	vld [tilespmem:$0x2620]  }
0x22e: {  	v30 =	vld [tilespmem:$0x2630];
	[tilespmem:$0x74F0] =	vst v25  }
0x22f: {  	v31 =	vld [tilespmem:$0x2640];
	[tilespmem:$0x7580] =	vst v26  }
0x230: {  	v32 =	vld [tilespmem:$0x2650];
	[tilespmem:$0x7610] =	vst v27  }
0x231: {  	v33 =	vld [tilespmem:$0x2660];
	[tilespmem:$0x76A0] =	vst v28  }
0x232: {  	v34 =	vld [tilespmem:$0x2670];
	[tilespmem:$0x7730] =	vst v29  }
0x233: {  	v35 =	vld [tilespmem:$0x2680];
	[tilespmem:$0x77C0] =	vst v30  }
0x234: {  	v36 =	vld [tilespmem:$0x2690];
	[tilespmem:$0x7850] =	vst v31  }
0x235: {  	v37 =	vld [tilespmem:$0x26A0];
	[tilespmem:$0x78E0] =	vst v32  }
0x236: {  	v38 =	vld [tilespmem:$0x26B0];
	[tilespmem:$0x7970] =	vst v33  }
0x237: {  	v39 =	vld [tilespmem:$0x26C0];
	[tilespmem:$0x7A00] =	vst v34  }
0x238: {  	v40 =	vld [tilespmem:$0x26D0];
	[tilespmem:$0x7A90] =	vst v35  }
0x239: {  	v41 =	vld [tilespmem:$0x26E0];
	[tilespmem:$0x7B20] =	vst v36  }
0x23a: {  	v42 =	vld [tilespmem:$0x26F0];
	[tilespmem:$0x7BB0] =	vst v37  }
0x23b: {  	v43 =	vld [tilespmem:$0x2700];
	[tilespmem:$0x7C40] =	vst v38  }
0x23c: {  	v44 =	vld [tilespmem:$0x2710];
	[tilespmem:$0x7CD0] =	vst v39  }
0x23d: {  	v45 =	vld [tilespmem:$0x2720];
	[tilespmem:$0x7D60] =	vst v40  }
0x23e: {  	v46 =	vld [tilespmem:$0x2730];
	[tilespmem:$0x7DF0] =	vst v41  }
0x23f: {  	v47 =	vld [tilespmem:$0x2740];
	[tilespmem:$0x7E80] =	vst v42  }
0x240: {  	v48 =	vld [tilespmem:$0x2750];
	[tilespmem:$0x7F10] =	vst v43  }
0x241: {  	v49 =	vld [tilespmem:$0x2760];
	[tilespmem:$0x7FA0] =	vst v44  }
0x242: {  	v50 =	vld [tilespmem:$0x2770];
	[tilespmem:$0x8030] =	vst v45  }
0x243: {  	v51 =	vld [tilespmem:$0x2780];
	[tilespmem:$0x80C0] =	vst v46  }
0x244: {  	v52 =	vld [tilespmem:$0x2790];
	[tilespmem:$0x8150] =	vst v47  }
0x245: {  	v53 =	vld [tilespmem:$0x27A0];
	[tilespmem:$0x81E0] =	vst v48  }
0x246: {  	v54 =	vld [tilespmem:$0x27B0];
	[tilespmem:$0x8270] =	vst v49  }
0x247: {  	v55 =	vld [tilespmem:$0x27C0];
	[tilespmem:$0x8300] =	vst v50  }
0x248: {  	v56 =	vld [tilespmem:$0x27D0];
	[tilespmem:$0x8390] =	vst v51  }
0x249: {  	v57 =	vld [tilespmem:$0x27E0];
	[tilespmem:$0x8420] =	vst v52  }
0x24a: {  	v58 =	vld [tilespmem:$0x27F0];
	[tilespmem:$0x84B0] =	vst v53  }
0x24b: {  	v59 =	vld [tilespmem:$0x2800];
	[tilespmem:$0x8540] =	vst v54  }
0x24c: {  	v60 =	vld [tilespmem:$0x2810];
	[tilespmem:$0x85D0] =	vst v55  }
0x24d: {  	v61 =	vld [tilespmem:$0x2820];
	[tilespmem:$0x8660] =	vst v56  }
0x24e: {  	v62 =	vld [tilespmem:$0x2830];
	[tilespmem:$0x86F0] =	vst v57  }
0x24f: {  	v63 =	vld [tilespmem:$0x2840];
	[tilespmem:$0x8780] =	vst v58  }
0x250: {  	v8 =	vld [tilespmem:$0x2850];
	[tilespmem:$0x8810] =	vst v59  }
0x251: {  	v9 =	vld [tilespmem:$0x2860];
	[tilespmem:$0x88A0] =	vst v60  }
0x252: {  	v10 =	vld [tilespmem:$0x2870];
	[tilespmem:$0x8930] =	vst v61  }
0x253: {  	v11 =	vld [tilespmem:$0x2880];
	[tilespmem:$0x89C0] =	vst v62  }
0x254: {  	v12 =	vld [tilespmem:$0x2890];
	[tilespmem:$0x8A50] =	vst v63  }
0x255: {  	v13 =	vld [tilespmem:$0x28A0];
	[tilespmem:$0x8AE0] =	vst v8  }
0x256: {  	v14 =	vld [tilespmem:$0x28B0];
	[tilespmem:$0x8B70] =	vst v9  }
0x257: {  	v15 =	vld [tilespmem:$0x28C0];
	[tilespmem:$0x8C00] =	vst v10  }
0x258: {  	v16 =	vld [tilespmem:$0x28D0];
	[tilespmem:$0x8C90] =	vst v11  }
0x259: {  	v17 =	vld [tilespmem:$0x28E0];
	[tilespmem:$0x8D20] =	vst v12  }
0x25a: {  	v18 =	vld [tilespmem:$0x28F0];
	[tilespmem:$0x8DB0] =	vst v13  }
0x25b: {  	v19 =	vld [tilespmem:$0x2900];
	[tilespmem:$0x8E40] =	vst v14  }
0x25c: {  	v20 =	vld [tilespmem:$0x2910];
	[tilespmem:$0x8ED0] =	vst v15  }
0x25d: {  	v21 =	vld [tilespmem:$0x2920];
	[tilespmem:$0x8F60] =	vst v16  }
0x25e: {  	v22 =	vld [tilespmem:$0x2930];
	[tilespmem:$0x8FF0] =	vst v17  }
0x25f: {  	v23 =	vld [tilespmem:$0x2940];
	[tilespmem:$0x9080] =	vst v18  }
0x260: {  	v24 =	vld [tilespmem:$0x2950];
	[tilespmem:$0x9110] =	vst v19  }
0x261: {  	[tilespmem:$0x91A0] =	vst v20;
	v25 =	vld [tilespmem:$0x2960]  }
0x262: {  	[tilespmem:$0x9230] =	vst v21;
	v26 =	vld [tilespmem:$0x2970]  }
0x263: {  	[tilespmem:$0x92C0] =	vst v22;
	v27 =	vld [tilespmem:$0x2980]  }
0x264: {  	[tilespmem:$0x9350] =	vst v23;
	v28 =	vld [tilespmem:$0x2990]  }
0x265: {  	[tilespmem:$0x93E0] =	vst v24;
	v29 =	vld [tilespmem:$0x29A0]  }
0x266: {  	v30 =	vld [tilespmem:$0x29B0];
	[tilespmem:$0x9470] =	vst v25  }
0x267: {  	v31 =	vld [tilespmem:$0x29C0];
	[tilespmem:$0x9500] =	vst v26  }
0x268: {  	v32 =	vld [tilespmem:$0x29D0];
	[tilespmem:$0x9590] =	vst v27  }
0x269: {  	v33 =	vld [tilespmem:$0x29E0];
	[tilespmem:$0x9620] =	vst v28  }
0x26a: {  	v34 =	vld [tilespmem:$0x29F0];
	[tilespmem:$0x96B0] =	vst v29  }
0x26b: {  	v35 =	vld [tilespmem:$0x2A00];
	[tilespmem:$0x9740] =	vst v30  }
0x26c: {  	v36 =	vld [tilespmem:$0x2A10];
	[tilespmem:$0x97D0] =	vst v31  }
0x26d: {  	v37 =	vld [tilespmem:$0x2A20];
	[tilespmem:$0x9860] =	vst v32  }
0x26e: {  	v38 =	vld [tilespmem:$0x2A30];
	[tilespmem:$0x98F0] =	vst v33  }
0x26f: {  	v39 =	vld [tilespmem:$0x2A40];
	[tilespmem:$0x9980] =	vst v34  }
0x270: {  	v40 =	vld [tilespmem:$0x2A50];
	[tilespmem:$0x9A10] =	vst v35  }
0x271: {  	v41 =	vld [tilespmem:$0x2A60];
	[tilespmem:$0x9AA0] =	vst v36  }
0x272: {  	v42 =	vld [tilespmem:$0x2A70];
	[tilespmem:$0x9B30] =	vst v37  }
0x273: {  	v43 =	vld [tilespmem:$0x2A80];
	[tilespmem:$0x9BC0] =	vst v38  }
0x274: {  	v44 =	vld [tilespmem:$0x2A90];
	[tilespmem:$0x9C50] =	vst v39  }
0x275: {  	v45 =	vld [tilespmem:$0x2AA0];
	[tilespmem:$0x9CE0] =	vst v40  }
0x276: {  	v46 =	vld [tilespmem:$0x2AB0];
	[tilespmem:$0x9D70] =	vst v41  }
0x277: {  	v47 =	vld [tilespmem:$0x2AC0];
	[tilespmem:$0x9E00] =	vst v42  }
0x278: {  	v48 =	vld [tilespmem:$0x2AD0];
	[tilespmem:$0x9E90] =	vst v43  }
0x279: {  	v49 =	vld [tilespmem:$0x2AE0];
	[tilespmem:$0x9F20] =	vst v44  }
0x27a: {  	v50 =	vld [tilespmem:$0x2AF0];
	[tilespmem:$0x9FB0] =	vst v45  }
0x27b: {  	v51 =	vld [tilespmem:$0x2B00];
	[tilespmem:$0xA040] =	vst v46  }
0x27c: {  	v52 =	vld [tilespmem:$0x2B10];
	[tilespmem:$0xA0D0] =	vst v47  }
0x27d: {  	v53 =	vld [tilespmem:$0x2B20];
	[tilespmem:$0xA160] =	vst v48  }
0x27e: {  	v54 =	vld [tilespmem:$0x2B30];
	[tilespmem:$0xA1F0] =	vst v49  }
0x27f: {  	v55 =	vld [tilespmem:$0x2B40];
	[tilespmem:$0xA280] =	vst v50  }
0x280: {  	v56 =	vld [tilespmem:$0x2B50];
	[tilespmem:$0xA310] =	vst v51  }
0x281: {  	v57 =	vld [tilespmem:$0x2B60];
	[tilespmem:$0xA3A0] =	vst v52  }
0x282: {  	v58 =	vld [tilespmem:$0x2B70];
	[tilespmem:$0xA430] =	vst v53  }
0x283: {  	v59 =	vld [tilespmem:$0x2B80];
	[tilespmem:$0xA4C0] =	vst v54  }
0x284: {  	v60 =	vld [tilespmem:$0x2B90];
	[tilespmem:$0xA550] =	vst v55  }
0x285: {  	v61 =	vld [tilespmem:$0x2BA0];
	[tilespmem:$0xA5E0] =	vst v56  }
0x286: {  	v62 =	vld [tilespmem:$0x2BB0];
	[tilespmem:$0xA670] =	vst v57  }
0x287: {  	v63 =	vld [tilespmem:$0x2BC0];
	[tilespmem:$0xA700] =	vst v58  }
0x288: {  	v8 =	vld [tilespmem:$0x2BD0];
	[tilespmem:$0xA790] =	vst v59  }
0x289: {  	v9 =	vld [tilespmem:$0x2BE0];
	[tilespmem:$0xA820] =	vst v60  }
0x28a: {  	v10 =	vld [tilespmem:$0x2BF0];
	[tilespmem:$0xA8B0] =	vst v61  }
0x28b: {  	v11 =	vld [tilespmem:$0x2C00];
	[tilespmem:$0xA940] =	vst v62  }
0x28c: {  	v12 =	vld [tilespmem:$0x2C10];
	[tilespmem:$0xA9D0] =	vst v63  }
0x28d: {  	v13 =	vld [tilespmem:$0x2C20];
	[tilespmem:$0xAA60] =	vst v8  }
0x28e: {  	v14 =	vld [tilespmem:$0x2C30];
	[tilespmem:$0xAAF0] =	vst v9  }
0x28f: {  	v15 =	vld [tilespmem:$0x2C40];
	[tilespmem:$0xAB80] =	vst v10  }
0x290: {  	v16 =	vld [tilespmem:$0x2C50];
	[tilespmem:$0xAC10] =	vst v11  }
0x291: {  	v17 =	vld [tilespmem:$0x2C60];
	[tilespmem:$0xACA0] =	vst v12  }
0x292: {  	v18 =	vld [tilespmem:$0x2C70];
	[tilespmem:$0xAD30] =	vst v13  }
0x293: {  	v19 =	vld [tilespmem:$0x2C80];
	[tilespmem:$0xADC0] =	vst v14  }
0x294: {  	v20 =	vld [tilespmem:$0x2C90];
	[tilespmem:$0xAE50] =	vst v15  }
0x295: {  	v21 =	vld [tilespmem:$0x2CA0];
	[tilespmem:$0xAEE0] =	vst v16  }
0x296: {  	v22 =	vld [tilespmem:$0x2CB0];
	[tilespmem:$0xAF70] =	vst v17  }
0x297: {  	v23 =	vld [tilespmem:$0x2CC0];
	[tilespmem:$0xB000] =	vst v18  }
0x298: {  	v24 =	vld [tilespmem:$0x2CD0];
	[tilespmem:$0xB090] =	vst v19  }
0x299: {  	[tilespmem:$0xB120] =	vst v20;
	v25 =	vld [tilespmem:$0x2CE0]  }
0x29a: {  	[tilespmem:$0xB1B0] =	vst v21;
	v26 =	vld [tilespmem:$0x2CF0]  }
0x29b: {  	[tilespmem:$0xB240] =	vst v22;
	v27 =	vld [tilespmem:$0x2D00]  }
0x29c: {  	[tilespmem:$0xB2D0] =	vst v23;
	v28 =	vld [tilespmem:$0x2D10]  }
0x29d: {  	[tilespmem:$0xB360] =	vst v24;
	v29 =	vld [tilespmem:$0x2D20]  }
0x29e: {  	v30 =	vld [tilespmem:$0x2D30];
	[tilespmem:$0xB3F0] =	vst v25  }
0x29f: {  	v31 =	vld [tilespmem:$0x2D40];
	[tilespmem:$0xB480] =	vst v26  }
0x2a0: {  	v32 =	vld [tilespmem:$0x2D50];
	[tilespmem:$0x6D20] =	vst v27  }
0x2a1: {  	v33 =	vld [tilespmem:$0x2D60];
	[tilespmem:$0x6DB0] =	vst v28  }
0x2a2: {  	v34 =	vld [tilespmem:$0x2D70];
	[tilespmem:$0x6E40] =	vst v29  }
0x2a3: {  	v35 =	vld [tilespmem:$0x2D80];
	[tilespmem:$0x6ED0] =	vst v30  }
0x2a4: {  	v36 =	vld [tilespmem:$0x2D90];
	[tilespmem:$0x6F60] =	vst v31  }
0x2a5: {  	v37 =	vld [tilespmem:$0x2DA0];
	[tilespmem:$0x6FF0] =	vst v32  }
0x2a6: {  	v38 =	vld [tilespmem:$0x2DB0];
	[tilespmem:$0x7080] =	vst v33  }
0x2a7: {  	v39 =	vld [tilespmem:$0x2DC0];
	[tilespmem:$0x7110] =	vst v34  }
0x2a8: {  	v40 =	vld [tilespmem:$0x2DD0];
	[tilespmem:$0x71A0] =	vst v35  }
0x2a9: {  	v41 =	vld [tilespmem:$0x2DE0];
	[tilespmem:$0x7230] =	vst v36  }
0x2aa: {  	v42 =	vld [tilespmem:$0x2DF0];
	[tilespmem:$0x72C0] =	vst v37  }
0x2ab: {  	v43 =	vld [tilespmem:$0x2E00];
	[tilespmem:$0x7350] =	vst v38  }
0x2ac: {  	v44 =	vld [tilespmem:$0x2E10];
	[tilespmem:$0x73E0] =	vst v39  }
0x2ad: {  	v45 =	vld [tilespmem:$0x2E20];
	[tilespmem:$0x7470] =	vst v40  }
0x2ae: {  	v46 =	vld [tilespmem:$0x2E30];
	[tilespmem:$0x7500] =	vst v41  }
0x2af: {  	[tilespmem:$0x7590] =	vst v42  }
0x2b0: {  	[tilespmem:$0x7620] =	vst v43  }
0x2b1: {  	v47 =	vld [tilespmem:$0x2E40];
	[tilespmem:$0x76B0] =	vst v44  }
0x2b2: {  	v48 =	vld [tilespmem:$0x2E50];
	[tilespmem:$0x7740] =	vst v45  }
0x2b3: {  	v49 =	vld [tilespmem:$0x2E60];
	[tilespmem:$0x77D0] =	vst v46  }
0x2b4: {  	v3 =	vld [tilespmem:$0x2E70]  }
0x2b5: {  	v50 =	vld [tilespmem:$0x2E80]  }
0x2b6: {  	[tilespmem:$0x7860] =	vst v47;
	v51 =	vld [tilespmem:$0x2E90]  }
0x2b7: {  	[tilespmem:$0x78F0] =	vst v48;
	v52 =	vld [tilespmem:$0x2EA0]  }
0x2b8: {  	[tilespmem:$0x7980] =	vst v49;
	v53 =	vld [tilespmem:$0x2EB0]  }
0x2b9: {  	v54 =	vld [tilespmem:$0x2EC0];
	[tilespmem:$0x7A10] =	vst v3  }
0x2ba: {  	v55 =	vld [tilespmem:$0x2ED0];
	[tilespmem:$0x7AA0] =	vst v50  }
0x2bb: {  	v56 =	vld [tilespmem:$0x2EE0];
	[tilespmem:$0x7B30] =	vst v51  }
0x2bc: {  	v57 =	vld [tilespmem:$0x2EF0];
	[tilespmem:$0x7BC0] =	vst v52  }
0x2bd: {  	v58 =	vld [tilespmem:$0x2F00];
	[tilespmem:$0x7C50] =	vst v53  }
0x2be: {  	v59 =	vld [tilespmem:$0x2F10];
	[tilespmem:$0x7CE0] =	vst v54  }
0x2bf: {  	v60 =	vld [tilespmem:$0x2F20];
	[tilespmem:$0x7D70] =	vst v55  }
0x2c0: {  	v61 =	vld [tilespmem:$0x2F30];
	[tilespmem:$0x7E00] =	vst v56  }
0x2c1: {  	v62 =	vld [tilespmem:$0x2F40];
	[tilespmem:$0x7E90] =	vst v57  }
0x2c2: {  	v63 =	vld [tilespmem:$0x2F50];
	[tilespmem:$0x7F20] =	vst v58  }
0x2c3: {  	v8 =	vld [tilespmem:$0x2F60];
	[tilespmem:$0x7FB0] =	vst v59  }
0x2c4: {  	v9 =	vld [tilespmem:$0x2F70];
	[tilespmem:$0x8040] =	vst v60  }
0x2c5: {  	v10 =	vld [tilespmem:$0x2F80];
	[tilespmem:$0x80D0] =	vst v61  }
0x2c6: {  	v11 =	vld [tilespmem:$0x2F90];
	[tilespmem:$0x8160] =	vst v62  }
0x2c7: {  	v12 =	vld [tilespmem:$0x2FA0];
	[tilespmem:$0x81F0] =	vst v63  }
0x2c8: {  	v13 =	vld [tilespmem:$0x2FB0];
	[tilespmem:$0x8280] =	vst v8  }
0x2c9: {  	v14 =	vld [tilespmem:$0x2FC0];
	[tilespmem:$0x8310] =	vst v9  }
0x2ca: {  	v15 =	vld [tilespmem:$0x2FD0];
	[tilespmem:$0x83A0] =	vst v10  }
0x2cb: {  	v16 =	vld [tilespmem:$0x2FE0];
	[tilespmem:$0x8430] =	vst v11  }
0x2cc: {  	v17 =	vld [tilespmem:$0x2FF0];
	[tilespmem:$0x84C0] =	vst v12  }
0x2cd: {  	v18 =	vld [tilespmem:$0x3000];
	[tilespmem:$0x8550] =	vst v13  }
0x2ce: {  	v19 =	vld [tilespmem:$0x3010];
	[tilespmem:$0x85E0] =	vst v14  }
0x2cf: {  	v20 =	vld [tilespmem:$0x3020];
	[tilespmem:$0x8670] =	vst v15  }
0x2d0: {  	v21 =	vld [tilespmem:$0x3030];
	[tilespmem:$0x8700] =	vst v16  }
0x2d1: {  	v22 =	vld [tilespmem:$0x3040];
	[tilespmem:$0x8790] =	vst v17  }
0x2d2: {  	v23 =	vld [tilespmem:$0x3050];
	[tilespmem:$0x8820] =	vst v18  }
0x2d3: {  	v24 =	vld [tilespmem:$0x3060];
	[tilespmem:$0x88B0] =	vst v19  }
0x2d4: {  	v25 =	vld [tilespmem:$0x3070];
	[tilespmem:$0x8940] =	vst v20  }
0x2d5: {  	v26 =	vld [tilespmem:$0x3080];
	[tilespmem:$0x89D0] =	vst v21  }
0x2d6: {  	v27 =	vld [tilespmem:$0x3090];
	[tilespmem:$0x8A60] =	vst v22  }
0x2d7: {  	v28 =	vld [tilespmem:$0x30A0];
	[tilespmem:$0x8AF0] =	vst v23  }
0x2d8: {  	v29 =	vld [tilespmem:$0x30B0];
	[tilespmem:$0x8B80] =	vst v24  }
0x2d9: {  	v30 =	vld [tilespmem:$0x30C0];
	[tilespmem:$0x8C10] =	vst v25  }
0x2da: {  	v31 =	vld [tilespmem:$0x30D0];
	[tilespmem:$0x8CA0] =	vst v26  }
0x2db: {  	v32 =	vld [tilespmem:$0x30E0];
	[tilespmem:$0x8D30] =	vst v27  }
0x2dc: {  	v33 =	vld [tilespmem:$0x30F0];
	[tilespmem:$0x8DC0] =	vst v28  }
0x2dd: {  	v34 =	vld [tilespmem:$0x3100];
	[tilespmem:$0x8E50] =	vst v29  }
0x2de: {  	v35 =	vld [tilespmem:$0x3110];
	[tilespmem:$0x8EE0] =	vst v30  }
0x2df: {  	v36 =	vld [tilespmem:$0x3120];
	[tilespmem:$0x8F70] =	vst v31  }
0x2e0: {  	v37 =	vld [tilespmem:$0x3130];
	[tilespmem:$0x9000] =	vst v32  }
0x2e1: {  	v38 =	vld [tilespmem:$0x3140];
	[tilespmem:$0x9090] =	vst v33  }
0x2e2: {  	v39 =	vld [tilespmem:$0x3150];
	[tilespmem:$0x9120] =	vst v34  }
0x2e3: {  	v40 =	vld [tilespmem:$0x3160];
	[tilespmem:$0x91B0] =	vst v35  }
0x2e4: {  	v41 =	vld [tilespmem:$0x3170];
	[tilespmem:$0x9240] =	vst v36  }
0x2e5: {  	v42 =	vld [tilespmem:$0x3180];
	[tilespmem:$0x92D0] =	vst v37  }
0x2e6: {  	v43 =	vld [tilespmem:$0x3190];
	[tilespmem:$0x9360] =	vst v38  }
0x2e7: {  	v44 =	vld [tilespmem:$0x31A0];
	[tilespmem:$0x93F0] =	vst v39  }
0x2e8: {  	v45 =	vld [tilespmem:$0x31B0];
	[tilespmem:$0x9480] =	vst v40  }
0x2e9: {  	v46 =	vld [tilespmem:$0x31C0];
	[tilespmem:$0x9510] =	vst v41  }
0x2ea: {  	v47 =	vld [tilespmem:$0x31D0];
	[tilespmem:$0x95A0] =	vst v42  }
0x2eb: {  	v48 =	vld [tilespmem:$0x31E0];
	[tilespmem:$0x9630] =	vst v43  }
0x2ec: {  	v49 =	vld [tilespmem:$0x31F0];
	[tilespmem:$0x96C0] =	vst v44  }
0x2ed: {  	[tilespmem:$0x9750] =	vst v45;
	v50 =	vld [tilespmem:$0x3200]  }
0x2ee: {  	[tilespmem:$0x97E0] =	vst v46;
	v51 =	vld [tilespmem:$0x3210]  }
0x2ef: {  	[tilespmem:$0x9870] =	vst v47;
	v52 =	vld [tilespmem:$0x3220]  }
0x2f0: {  	[tilespmem:$0x9900] =	vst v48;
	v53 =	vld [tilespmem:$0x3230]  }
0x2f1: {  	[tilespmem:$0x9990] =	vst v49;
	v54 =	vld [tilespmem:$0x3240]  }
0x2f2: {  	v55 =	vld [tilespmem:$0x3250];
	[tilespmem:$0x9A20] =	vst v50  }
0x2f3: {  	v56 =	vld [tilespmem:$0x3260];
	[tilespmem:$0x9AB0] =	vst v51  }
0x2f4: {  	v57 =	vld [tilespmem:$0x3270];
	[tilespmem:$0x9B40] =	vst v52  }
0x2f5: {  	v58 =	vld [tilespmem:$0x3280];
	[tilespmem:$0x9BD0] =	vst v53  }
0x2f6: {  	v59 =	vld [tilespmem:$0x3290];
	[tilespmem:$0x9C60] =	vst v54  }
0x2f7: {  	v60 =	vld [tilespmem:$0x32A0];
	[tilespmem:$0x9CF0] =	vst v55  }
0x2f8: {  	v61 =	vld [tilespmem:$0x32B0];
	[tilespmem:$0x9D80] =	vst v56  }
0x2f9: {  	v62 =	vld [tilespmem:$0x32C0];
	[tilespmem:$0x9E10] =	vst v57  }
0x2fa: {  	v63 =	vld [tilespmem:$0x32D0];
	[tilespmem:$0x9EA0] =	vst v58  }
0x2fb: {  	v8 =	vld [tilespmem:$0x32E0];
	[tilespmem:$0x9F30] =	vst v59  }
0x2fc: {  	v9 =	vld [tilespmem:$0x32F0];
	[tilespmem:$0x9FC0] =	vst v60  }
0x2fd: {  	v10 =	vld [tilespmem:$0x3300];
	[tilespmem:$0xA050] =	vst v61  }
0x2fe: {  	v11 =	vld [tilespmem:$0x3310];
	[tilespmem:$0xA0E0] =	vst v62  }
0x2ff: {  	v12 =	vld [tilespmem:$0x3320];
	[tilespmem:$0xA170] =	vst v63  }
0x300: {  	v13 =	vld [tilespmem:$0x3330];
	[tilespmem:$0xA200] =	vst v8  }
0x301: {  	v14 =	vld [tilespmem:$0x3340];
	[tilespmem:$0xA290] =	vst v9  }
0x302: {  	v15 =	vld [tilespmem:$0x3350];
	[tilespmem:$0xA320] =	vst v10  }
0x303: {  	v16 =	vld [tilespmem:$0x3360];
	[tilespmem:$0xA3B0] =	vst v11  }
0x304: {  	v17 =	vld [tilespmem:$0x3370];
	[tilespmem:$0xA440] =	vst v12  }
0x305: {  	v18 =	vld [tilespmem:$0x3380];
	[tilespmem:$0xA4D0] =	vst v13  }
0x306: {  	v19 =	vld [tilespmem:$0x3390];
	[tilespmem:$0xA560] =	vst v14  }
0x307: {  	v20 =	vld [tilespmem:$0x33A0];
	[tilespmem:$0xA5F0] =	vst v15  }
0x308: {  	v21 =	vld [tilespmem:$0x33B0];
	[tilespmem:$0xA680] =	vst v16  }
0x309: {  	v22 =	vld [tilespmem:$0x33C0];
	[tilespmem:$0xA710] =	vst v17  }
0x30a: {  	v23 =	vld [tilespmem:$0x33D0];
	[tilespmem:$0xA7A0] =	vst v18  }
0x30b: {  	v24 =	vld [tilespmem:$0x33E0];
	[tilespmem:$0xA830] =	vst v19  }
0x30c: {  	v25 =	vld [tilespmem:$0x33F0];
	[tilespmem:$0xA8C0] =	vst v20  }
0x30d: {  	v26 =	vld [tilespmem:$0x3400];
	[tilespmem:$0xA950] =	vst v21  }
0x30e: {  	v27 =	vld [tilespmem:$0x3410];
	[tilespmem:$0xA9E0] =	vst v22  }
0x30f: {  	v28 =	vld [tilespmem:$0x3420];
	[tilespmem:$0xAA70] =	vst v23  }
0x310: {  	v29 =	vld [tilespmem:$0x3430];
	[tilespmem:$0xAB00] =	vst v24  }
0x311: {  	v30 =	vld [tilespmem:$0x3440];
	[tilespmem:$0xAB90] =	vst v25  }
0x312: {  	v31 =	vld [tilespmem:$0x3450];
	[tilespmem:$0xAC20] =	vst v26  }
0x313: {  	v32 =	vld [tilespmem:$0x3460];
	[tilespmem:$0xACB0] =	vst v27  }
0x314: {  	v33 =	vld [tilespmem:$0x3470];
	[tilespmem:$0xAD40] =	vst v28  }
0x315: {  	v34 =	vld [tilespmem:$0x3480];
	[tilespmem:$0xADD0] =	vst v29  }
0x316: {  	v35 =	vld [tilespmem:$0x3490];
	[tilespmem:$0xAE60] =	vst v30  }
0x317: {  	v36 =	vld [tilespmem:$0x34A0];
	[tilespmem:$0xAEF0] =	vst v31  }
0x318: {  	v37 =	vld [tilespmem:$0x34B0];
	[tilespmem:$0xAF80] =	vst v32  }
0x319: {  	v38 =	vld [tilespmem:$0x34C0];
	[tilespmem:$0xB010] =	vst v33  }
0x31a: {  	v39 =	vld [tilespmem:$0x34D0];
	[tilespmem:$0xB0A0] =	vst v34  }
0x31b: {  	v40 =	vld [tilespmem:$0x34E0];
	[tilespmem:$0xB130] =	vst v35  }
0x31c: {  	v41 =	vld [tilespmem:$0x34F0];
	[tilespmem:$0xB1C0] =	vst v36  }
0x31d: {  	v42 =	vld [tilespmem:$0x3500];
	[tilespmem:$0xB250] =	vst v37  }
0x31e: {  	v43 =	vld [tilespmem:$0x3510];
	[tilespmem:$0xB2E0] =	vst v38  }
0x31f: {  	v44 =	vld [tilespmem:$0x3520];
	[tilespmem:$0xB370] =	vst v39  }
0x320: {  	v45 =	vld [tilespmem:$0x3530];
	[tilespmem:$0xB400] =	vst v40  }
0x321: {  	v46 =	vld [tilespmem:$0x3540];
	[tilespmem:$0xB490] =	vst v41  }
0x322: {  	v47 =	vld [tilespmem:$0x3550];
	[tilespmem:$0x6D30] =	vst v42  }
0x323: {  	v48 =	vld [tilespmem:$0x3560];
	[tilespmem:$0x6DC0] =	vst v43  }
0x324: {  	v49 =	vld [tilespmem:$0x3570];
	[tilespmem:$0x6E50] =	vst v44  }
0x325: {  	[tilespmem:$0x6EE0] =	vst v45;
	v50 =	vld [tilespmem:$0x3580]  }
0x326: {  	[tilespmem:$0x6F70] =	vst v46;
	v51 =	vld [tilespmem:$0x3590]  }
0x327: {  	[tilespmem:$0x7000] =	vst v47;
	v52 =	vld [tilespmem:$0x35A0]  }
0x328: {  	[tilespmem:$0x7090] =	vst v48;
	v53 =	vld [tilespmem:$0x35B0]  }
0x329: {  	[tilespmem:$0x7120] =	vst v49;
	v54 =	vld [tilespmem:$0x35C0]  }
0x32a: {  	v55 =	vld [tilespmem:$0x35D0];
	[tilespmem:$0x71B0] =	vst v50  }
0x32b: {  	v56 =	vld [tilespmem:$0x35E0];
	[tilespmem:$0x7240] =	vst v51  }
0x32c: {  	v57 =	vld [tilespmem:$0x35F0];
	[tilespmem:$0x72D0] =	vst v52  }
0x32d: {  	v58 =	vld [tilespmem:$0x3600];
	[tilespmem:$0x7360] =	vst v53  }
0x32e: {  	v59 =	vld [tilespmem:$0x3610];
	[tilespmem:$0x73F0] =	vst v54  }
0x32f: {  	v60 =	vld [tilespmem:$0x3620];
	[tilespmem:$0x7480] =	vst v55  }
0x330: {  	v61 =	vld [tilespmem:$0x3630];
	[tilespmem:$0x7510] =	vst v56  }
0x331: {  	v62 =	vld [tilespmem:$0x3640];
	[tilespmem:$0x75A0] =	vst v57  }
0x332: {  	v63 =	vld [tilespmem:$0x3650];
	[tilespmem:$0x7630] =	vst v58  }
0x333: {  	v8 =	vld [tilespmem:$0x3660];
	[tilespmem:$0x76C0] =	vst v59  }
0x334: {  	v9 =	vld [tilespmem:$0x3670];
	[tilespmem:$0x7750] =	vst v60  }
0x335: {  	v10 =	vld [tilespmem:$0x3680];
	[tilespmem:$0x77E0] =	vst v61  }
0x336: {  	v11 =	vld [tilespmem:$0x3690];
	[tilespmem:$0x7870] =	vst v62  }
0x337: {  	v12 =	vld [tilespmem:$0x36A0];
	[tilespmem:$0x7900] =	vst v63  }
0x338: {  	v13 =	vld [tilespmem:$0x36B0];
	[tilespmem:$0x7990] =	vst v8  }
0x339: {  	v14 =	vld [tilespmem:$0x36C0];
	[tilespmem:$0x7A20] =	vst v9  }
0x33a: {  	v15 =	vld [tilespmem:$0x36D0];
	[tilespmem:$0x7AB0] =	vst v10  }
0x33b: {  	v16 =	vld [tilespmem:$0x36E0];
	[tilespmem:$0x7B40] =	vst v11  }
0x33c: {  	v17 =	vld [tilespmem:$0x36F0];
	[tilespmem:$0x7BD0] =	vst v12  }
0x33d: {  	v18 =	vld [tilespmem:$0x3700];
	[tilespmem:$0x7C60] =	vst v13  }
0x33e: {  	v19 =	vld [tilespmem:$0x3710];
	[tilespmem:$0x7CF0] =	vst v14  }
0x33f: {  	v20 =	vld [tilespmem:$0x3720];
	[tilespmem:$0x7D80] =	vst v15  }
0x340: {  	v21 =	vld [tilespmem:$0x3730];
	[tilespmem:$0x7E10] =	vst v16  }
0x341: {  	v22 =	vld [tilespmem:$0x3740];
	[tilespmem:$0x7EA0] =	vst v17  }
0x342: {  	v23 =	vld [tilespmem:$0x3750];
	[tilespmem:$0x7F30] =	vst v18  }
0x343: {  	v24 =	vld [tilespmem:$0x3760];
	[tilespmem:$0x7FC0] =	vst v19  }
0x344: {  	v25 =	vld [tilespmem:$0x3770];
	[tilespmem:$0x8050] =	vst v20  }
0x345: {  	v26 =	vld [tilespmem:$0x3780];
	[tilespmem:$0x80E0] =	vst v21  }
0x346: {  	v27 =	vld [tilespmem:$0x3790];
	[tilespmem:$0x8170] =	vst v22  }
0x347: {  	v28 =	vld [tilespmem:$0x37A0];
	[tilespmem:$0x8200] =	vst v23  }
0x348: {  	v29 =	vld [tilespmem:$0x37B0];
	[tilespmem:$0x8290] =	vst v24  }
0x349: {  	v30 =	vld [tilespmem:$0x37C0];
	[tilespmem:$0x8320] =	vst v25  }
0x34a: {  	v31 =	vld [tilespmem:$0x37D0];
	[tilespmem:$0x83B0] =	vst v26  }
0x34b: {  	v32 =	vld [tilespmem:$0x37E0];
	[tilespmem:$0x8440] =	vst v27  }
0x34c: {  	v33 =	vld [tilespmem:$0x37F0];
	[tilespmem:$0x84D0] =	vst v28  }
0x34d: {  	v34 =	vld [tilespmem:$0x3800];
	[tilespmem:$0x8560] =	vst v29  }
0x34e: {  	v35 =	vld [tilespmem:$0x3810];
	[tilespmem:$0x85F0] =	vst v30  }
0x34f: {  	v36 =	vld [tilespmem:$0x3820];
	[tilespmem:$0x8680] =	vst v31  }
0x350: {  	v37 =	vld [tilespmem:$0x3830];
	[tilespmem:$0x8710] =	vst v32  }
0x351: {  	v38 =	vld [tilespmem:$0x3840];
	[tilespmem:$0x87A0] =	vst v33  }
0x352: {  	v39 =	vld [tilespmem:$0x3850];
	[tilespmem:$0x8830] =	vst v34  }
0x353: {  	v40 =	vld [tilespmem:$0x3860];
	[tilespmem:$0x88C0] =	vst v35  }
0x354: {  	v41 =	vld [tilespmem:$0x3870];
	[tilespmem:$0x8950] =	vst v36  }
0x355: {  	v42 =	vld [tilespmem:$0x3880];
	[tilespmem:$0x89E0] =	vst v37  }
0x356: {  	v43 =	vld [tilespmem:$0x3890];
	[tilespmem:$0x8A70] =	vst v38  }
0x357: {  	v44 =	vld [tilespmem:$0x38A0];
	[tilespmem:$0x8B00] =	vst v39  }
0x358: {  	v45 =	vld [tilespmem:$0x38B0];
	[tilespmem:$0x8B90] =	vst v40  }
0x359: {  	v46 =	vld [tilespmem:$0x38C0];
	[tilespmem:$0x8C20] =	vst v41  }
0x35a: {  	v47 =	vld [tilespmem:$0x38D0];
	[tilespmem:$0x8CB0] =	vst v42  }
0x35b: {  	v48 =	vld [tilespmem:$0x38E0];
	[tilespmem:$0x8D40] =	vst v43  }
0x35c: {  	v49 =	vld [tilespmem:$0x38F0];
	[tilespmem:$0x8DD0] =	vst v44  }
0x35d: {  	[tilespmem:$0x8E60] =	vst v45;
	v50 =	vld [tilespmem:$0x3900]  }
0x35e: {  	[tilespmem:$0x8EF0] =	vst v46;
	v51 =	vld [tilespmem:$0x3910]  }
0x35f: {  	[tilespmem:$0x8F80] =	vst v47;
	v52 =	vld [tilespmem:$0x3920]  }
0x360: {  	[tilespmem:$0x9010] =	vst v48;
	v53 =	vld [tilespmem:$0x3930]  }
0x361: {  	[tilespmem:$0x90A0] =	vst v49;
	v54 =	vld [tilespmem:$0x3940]  }
0x362: {  	v55 =	vld [tilespmem:$0x3950];
	[tilespmem:$0x9130] =	vst v50  }
0x363: {  	v56 =	vld [tilespmem:$0x3960];
	[tilespmem:$0x91C0] =	vst v51  }
0x364: {  	v57 =	vld [tilespmem:$0x3970];
	[tilespmem:$0x9250] =	vst v52  }
0x365: {  	v58 =	vld [tilespmem:$0x3980];
	[tilespmem:$0x92E0] =	vst v53  }
0x366: {  	v59 =	vld [tilespmem:$0x3990];
	[tilespmem:$0x9370] =	vst v54  }
0x367: {  	v60 =	vld [tilespmem:$0x39A0];
	[tilespmem:$0x9400] =	vst v55  }
0x368: {  	v61 =	vld [tilespmem:$0x39B0];
	[tilespmem:$0x9490] =	vst v56  }
0x369: {  	v62 =	vld [tilespmem:$0x39C0];
	[tilespmem:$0x9520] =	vst v57  }
0x36a: {  	v63 =	vld [tilespmem:$0x39D0];
	[tilespmem:$0x95B0] =	vst v58  }
0x36b: {  	v8 =	vld [tilespmem:$0x39E0];
	[tilespmem:$0x9640] =	vst v59  }
0x36c: {  	v9 =	vld [tilespmem:$0x39F0];
	[tilespmem:$0x96D0] =	vst v60  }
0x36d: {  	v10 =	vld [tilespmem:$0x3A00];
	[tilespmem:$0x9760] =	vst v61  }
0x36e: {  	v11 =	vld [tilespmem:$0x3A10];
	[tilespmem:$0x97F0] =	vst v62  }
0x36f: {  	v12 =	vld [tilespmem:$0x3A20];
	[tilespmem:$0x9880] =	vst v63  }
0x370: {  	v13 =	vld [tilespmem:$0x3A30];
	[tilespmem:$0x9910] =	vst v8  }
0x371: {  	v14 =	vld [tilespmem:$0x3A40];
	[tilespmem:$0x99A0] =	vst v9  }
0x372: {  	v15 =	vld [tilespmem:$0x3A50];
	[tilespmem:$0x9A30] =	vst v10  }
0x373: {  	v16 =	vld [tilespmem:$0x3A60];
	[tilespmem:$0x9AC0] =	vst v11  }
0x374: {  	v17 =	vld [tilespmem:$0x3A70];
	[tilespmem:$0x9B50] =	vst v12  }
0x375: {  	v18 =	vld [tilespmem:$0x3A80];
	[tilespmem:$0x9BE0] =	vst v13  }
0x376: {  	v19 =	vld [tilespmem:$0x3A90];
	[tilespmem:$0x9C70] =	vst v14  }
0x377: {  	v20 =	vld [tilespmem:$0x3AA0];
	[tilespmem:$0x9D00] =	vst v15  }
0x378: {  	v21 =	vld [tilespmem:$0x3AB0];
	[tilespmem:$0x9D90] =	vst v16  }
0x379: {  	v22 =	vld [tilespmem:$0x3AC0];
	[tilespmem:$0x9E20] =	vst v17  }
0x37a: {  	v23 =	vld [tilespmem:$0x3AD0];
	[tilespmem:$0x9EB0] =	vst v18  }
0x37b: {  	v24 =	vld [tilespmem:$0x3AE0];
	[tilespmem:$0x9F40] =	vst v19  }
0x37c: {  	v25 =	vld [tilespmem:$0x3AF0];
	[tilespmem:$0x9FD0] =	vst v20  }
0x37d: {  	v26 =	vld [tilespmem:$0x3B00];
	[tilespmem:$0xA060] =	vst v21  }
0x37e: {  	v27 =	vld [tilespmem:$0x3B10];
	[tilespmem:$0xA0F0] =	vst v22  }
0x37f: {  	v28 =	vld [tilespmem:$0x3B20];
	[tilespmem:$0xA180] =	vst v23  }
0x380: {  	v29 =	vld [tilespmem:$0x3B30];
	[tilespmem:$0xA210] =	vst v24  }
0x381: {  	v30 =	vld [tilespmem:$0x3B40];
	[tilespmem:$0xA2A0] =	vst v25  }
0x382: {  	v31 =	vld [tilespmem:$0x3B50];
	[tilespmem:$0xA330] =	vst v26  }
0x383: {  	v32 =	vld [tilespmem:$0x3B60];
	[tilespmem:$0xA3C0] =	vst v27  }
0x384: {  	v33 =	vld [tilespmem:$0x3B70];
	[tilespmem:$0xA450] =	vst v28  }
0x385: {  	v34 =	vld [tilespmem:$0x3B80];
	[tilespmem:$0xA4E0] =	vst v29  }
0x386: {  	v35 =	vld [tilespmem:$0x3B90];
	[tilespmem:$0xA570] =	vst v30  }
0x387: {  	v36 =	vld [tilespmem:$0x3BA0];
	[tilespmem:$0xA600] =	vst v31  }
0x388: {  	v37 =	vld [tilespmem:$0x3BB0];
	[tilespmem:$0xA690] =	vst v32  }
0x389: {  	v38 =	vld [tilespmem:$0x3BC0];
	[tilespmem:$0xA720] =	vst v33  }
0x38a: {  	v39 =	vld [tilespmem:$0x3BD0];
	[tilespmem:$0xA7B0] =	vst v34  }
0x38b: {  	v40 =	vld [tilespmem:$0x3BE0];
	[tilespmem:$0xA840] =	vst v35  }
0x38c: {  	v41 =	vld [tilespmem:$0x3BF0];
	[tilespmem:$0xA8D0] =	vst v36  }
0x38d: {  	v42 =	vld [tilespmem:$0x3C00];
	[tilespmem:$0xA960] =	vst v37  }
0x38e: {  	v43 =	vld [tilespmem:$0x3C10];
	[tilespmem:$0xA9F0] =	vst v38  }
0x38f: {  	v44 =	vld [tilespmem:$0x3C20];
	[tilespmem:$0xAA80] =	vst v39  }
0x390: {  	v45 =	vld [tilespmem:$0x3C30];
	[tilespmem:$0xAB10] =	vst v40  }
0x391: {  	v46 =	vld [tilespmem:$0x3C40];
	[tilespmem:$0xABA0] =	vst v41  }
0x392: {  	v47 =	vld [tilespmem:$0x3C50];
	[tilespmem:$0xAC30] =	vst v42  }
0x393: {  	v48 =	vld [tilespmem:$0x3C60];
	[tilespmem:$0xACC0] =	vst v43  }
0x394: {  	v49 =	vld [tilespmem:$0x3C70];
	[tilespmem:$0xAD50] =	vst v44  }
0x395: {  	[tilespmem:$0xADE0] =	vst v45;
	v50 =	vld [tilespmem:$0x3C80]  }
0x396: {  	[tilespmem:$0xAE70] =	vst v46;
	v51 =	vld [tilespmem:$0x3C90]  }
0x397: {  	[tilespmem:$0xAF00] =	vst v47;
	v52 =	vld [tilespmem:$0x3CA0]  }
0x398: {  	[tilespmem:$0xAF90] =	vst v48;
	v53 =	vld [tilespmem:$0x3CB0]  }
0x399: {  	[tilespmem:$0xB020] =	vst v49;
	v54 =	vld [tilespmem:$0x3CC0]  }
0x39a: {  	v55 =	vld [tilespmem:$0x3CD0];
	[tilespmem:$0xB0B0] =	vst v50  }
0x39b: {  	v56 =	vld [tilespmem:$0x3CE0];
	[tilespmem:$0xB140] =	vst v51  }
0x39c: {  	v57 =	vld [tilespmem:$0x3CF0];
	[tilespmem:$0xB1D0] =	vst v52  }
0x39d: {  	v58 =	vld [tilespmem:$0x3D00];
	[tilespmem:$0xB260] =	vst v53  }
0x39e: {  	v59 =	vld [tilespmem:$0x3D10];
	[tilespmem:$0xB2F0] =	vst v54  }
0x39f: {  	v60 =	vld [tilespmem:$0x3D20];
	[tilespmem:$0xB380] =	vst v55  }
0x3a0: {  	v61 =	vld [tilespmem:$0x3D30];
	[tilespmem:$0xB410] =	vst v56  }
0x3a1: {  	v62 =	vld [tilespmem:$0x3D40];
	[tilespmem:$0xB4A0] =	vst v57  }
0x3a2: {  	v63 =	vld [tilespmem:$0x3D50];
	[tilespmem:$0x6D40] =	vst v58  }
0x3a3: {  	v8 =	vld [tilespmem:$0x3D60];
	[tilespmem:$0x6DD0] =	vst v59  }
0x3a4: {  	v9 =	vld [tilespmem:$0x3D70];
	[tilespmem:$0x6E60] =	vst v60  }
0x3a5: {  	v10 =	vld [tilespmem:$0x3D80];
	[tilespmem:$0x6EF0] =	vst v61  }
0x3a6: {  	v11 =	vld [tilespmem:$0x3D90];
	[tilespmem:$0x6F80] =	vst v62  }
0x3a7: {  	v12 =	vld [tilespmem:$0x3DA0];
	[tilespmem:$0x7010] =	vst v63  }
0x3a8: {  	v13 =	vld [tilespmem:$0x3DB0];
	[tilespmem:$0x70A0] =	vst v8  }
0x3a9: {  	v14 =	vld [tilespmem:$0x3DC0];
	[tilespmem:$0x7130] =	vst v9  }
0x3aa: {  	v15 =	vld [tilespmem:$0x3DD0];
	[tilespmem:$0x71C0] =	vst v10  }
0x3ab: {  	[tilespmem:$0x7250] =	vst v11  }
0x3ac: {  	[tilespmem:$0x72E0] =	vst v12  }
0x3ad: {  	v16 =	vld [tilespmem:$0x3DE0];
	[tilespmem:$0x7370] =	vst v13  }
0x3ae: {  	v17 =	vld [tilespmem:$0x3DF0];
	[tilespmem:$0x7400] =	vst v14  }
0x3af: {  	v18 =	vld [tilespmem:$0x3E00];
	[tilespmem:$0x7490] =	vst v15  }
0x3b0: {  	v3 =	vld [tilespmem:$0x3E10]  }
0x3b1: {  	v19 =	vld [tilespmem:$0x3E20]  }
0x3b2: {  	[tilespmem:$0x7520] =	vst v16;
	v20 =	vld [tilespmem:$0x3E30]  }
0x3b3: {  	[tilespmem:$0x75B0] =	vst v17;
	v21 =	vld [tilespmem:$0x3E40]  }
0x3b4: {  	[tilespmem:$0x7640] =	vst v18;
	v22 =	vld [tilespmem:$0x3E50]  }
0x3b5: {  	v23 =	vld [tilespmem:$0x3E60];
	[tilespmem:$0x76D0] =	vst v3  }
0x3b6: {  	v24 =	vld [tilespmem:$0x3E70];
	[tilespmem:$0x7760] =	vst v19  }
0x3b7: {  	v25 =	vld [tilespmem:$0x3E80];
	[tilespmem:$0x77F0] =	vst v20  }
0x3b8: {  	v26 =	vld [tilespmem:$0x3E90];
	[tilespmem:$0x7880] =	vst v21  }
0x3b9: {  	v27 =	vld [tilespmem:$0x3EA0];
	[tilespmem:$0x7910] =	vst v22  }
0x3ba: {  	v28 =	vld [tilespmem:$0x3EB0];
	[tilespmem:$0x79A0] =	vst v23  }
0x3bb: {  	v29 =	vld [tilespmem:$0x3EC0];
	[tilespmem:$0x7A30] =	vst v24  }
0x3bc: {  	v30 =	vld [tilespmem:$0x3ED0];
	[tilespmem:$0x7AC0] =	vst v25  }
0x3bd: {  	v31 =	vld [tilespmem:$0x3EE0];
	[tilespmem:$0x7B50] =	vst v26  }
0x3be: {  	v32 =	vld [tilespmem:$0x3EF0];
	[tilespmem:$0x7BE0] =	vst v27  }
0x3bf: {  	v33 =	vld [tilespmem:$0x3F00];
	[tilespmem:$0x7C70] =	vst v28  }
0x3c0: {  	v34 =	vld [tilespmem:$0x3F10];
	[tilespmem:$0x7D00] =	vst v29  }
0x3c1: {  	v35 =	vld [tilespmem:$0x3F20];
	[tilespmem:$0x7D90] =	vst v30  }
0x3c2: {  	v36 =	vld [tilespmem:$0x3F30];
	[tilespmem:$0x7E20] =	vst v31  }
0x3c3: {  	v37 =	vld [tilespmem:$0x3F40];
	[tilespmem:$0x7EB0] =	vst v32  }
0x3c4: {  	v38 =	vld [tilespmem:$0x3F50];
	[tilespmem:$0x7F40] =	vst v33  }
0x3c5: {  	v39 =	vld [tilespmem:$0x3F60];
	[tilespmem:$0x7FD0] =	vst v34  }
0x3c6: {  	v40 =	vld [tilespmem:$0x3F70];
	[tilespmem:$0x8060] =	vst v35  }
0x3c7: {  	v41 =	vld [tilespmem:$0x3F80];
	[tilespmem:$0x80F0] =	vst v36  }
0x3c8: {  	v42 =	vld [tilespmem:$0x3F90];
	[tilespmem:$0x8180] =	vst v37  }
0x3c9: {  	v43 =	vld [tilespmem:$0x3FA0];
	[tilespmem:$0x8210] =	vst v38  }
0x3ca: {  	v44 =	vld [tilespmem:$0x3FB0];
	[tilespmem:$0x82A0] =	vst v39  }
0x3cb: {  	v45 =	vld [tilespmem:$0x3FC0];
	[tilespmem:$0x8330] =	vst v40  }
0x3cc: {  	v46 =	vld [tilespmem:$0x3FD0];
	[tilespmem:$0x83C0] =	vst v41  }
0x3cd: {  	v47 =	vld [tilespmem:$0x3FE0];
	[tilespmem:$0x8450] =	vst v42  }
0x3ce: {  	v48 =	vld [tilespmem:$0x3FF0];
	[tilespmem:$0x84E0] =	vst v43  }
0x3cf: {  	v49 =	vld [tilespmem:$0x4000];
	[tilespmem:$0x8570] =	vst v44  }
0x3d0: {  	v50 =	vld [tilespmem:$0x4010];
	[tilespmem:$0x8600] =	vst v45  }
0x3d1: {  	v51 =	vld [tilespmem:$0x4020];
	[tilespmem:$0x8690] =	vst v46  }
0x3d2: {  	v52 =	vld [tilespmem:$0x4030];
	[tilespmem:$0x8720] =	vst v47  }
0x3d3: {  	v53 =	vld [tilespmem:$0x4040];
	[tilespmem:$0x87B0] =	vst v48  }
0x3d4: {  	v54 =	vld [tilespmem:$0x4050];
	[tilespmem:$0x8840] =	vst v49  }
0x3d5: {  	v55 =	vld [tilespmem:$0x4060];
	[tilespmem:$0x88D0] =	vst v50  }
0x3d6: {  	v56 =	vld [tilespmem:$0x4070];
	[tilespmem:$0x8960] =	vst v51  }
0x3d7: {  	v57 =	vld [tilespmem:$0x4080];
	[tilespmem:$0x89F0] =	vst v52  }
0x3d8: {  	v58 =	vld [tilespmem:$0x4090];
	[tilespmem:$0x8A80] =	vst v53  }
0x3d9: {  	v59 =	vld [tilespmem:$0x40A0];
	[tilespmem:$0x8B10] =	vst v54  }
0x3da: {  	v60 =	vld [tilespmem:$0x40B0];
	[tilespmem:$0x8BA0] =	vst v55  }
0x3db: {  	v61 =	vld [tilespmem:$0x40C0];
	[tilespmem:$0x8C30] =	vst v56  }
0x3dc: {  	v62 =	vld [tilespmem:$0x40D0];
	[tilespmem:$0x8CC0] =	vst v57  }
0x3dd: {  	v63 =	vld [tilespmem:$0x40E0];
	[tilespmem:$0x8D50] =	vst v58  }
0x3de: {  	v8 =	vld [tilespmem:$0x40F0];
	[tilespmem:$0x8DE0] =	vst v59  }
0x3df: {  	v9 =	vld [tilespmem:$0x4100];
	[tilespmem:$0x8E70] =	vst v60  }
0x3e0: {  	v10 =	vld [tilespmem:$0x4110];
	[tilespmem:$0x8F00] =	vst v61  }
0x3e1: {  	v11 =	vld [tilespmem:$0x4120];
	[tilespmem:$0x8F90] =	vst v62  }
0x3e2: {  	v12 =	vld [tilespmem:$0x4130];
	[tilespmem:$0x9020] =	vst v63  }
0x3e3: {  	v13 =	vld [tilespmem:$0x4140];
	[tilespmem:$0x90B0] =	vst v8  }
0x3e4: {  	v14 =	vld [tilespmem:$0x4150];
	[tilespmem:$0x9140] =	vst v9  }
0x3e5: {  	v15 =	vld [tilespmem:$0x4160];
	[tilespmem:$0x91D0] =	vst v10  }
0x3e6: {  	v16 =	vld [tilespmem:$0x4170];
	[tilespmem:$0x9260] =	vst v11  }
0x3e7: {  	v17 =	vld [tilespmem:$0x4180];
	[tilespmem:$0x92F0] =	vst v12  }
0x3e8: {  	v18 =	vld [tilespmem:$0x4190];
	[tilespmem:$0x9380] =	vst v13  }
0x3e9: {  	[tilespmem:$0x9410] =	vst v14;
	v19 =	vld [tilespmem:$0x41A0]  }
0x3ea: {  	[tilespmem:$0x94A0] =	vst v15;
	v20 =	vld [tilespmem:$0x41B0]  }
0x3eb: {  	[tilespmem:$0x9530] =	vst v16;
	v21 =	vld [tilespmem:$0x41C0]  }
0x3ec: {  	[tilespmem:$0x95C0] =	vst v17;
	v22 =	vld [tilespmem:$0x41D0]  }
0x3ed: {  	[tilespmem:$0x9650] =	vst v18;
	v23 =	vld [tilespmem:$0x41E0]  }
0x3ee: {  	v24 =	vld [tilespmem:$0x41F0];
	[tilespmem:$0x96E0] =	vst v19  }
0x3ef: {  	v25 =	vld [tilespmem:$0x4200];
	[tilespmem:$0x9770] =	vst v20  }
0x3f0: {  	v26 =	vld [tilespmem:$0x4210];
	[tilespmem:$0x9800] =	vst v21  }
0x3f1: {  	v27 =	vld [tilespmem:$0x4220];
	[tilespmem:$0x9890] =	vst v22  }
0x3f2: {  	v28 =	vld [tilespmem:$0x4230];
	[tilespmem:$0x9920] =	vst v23  }
0x3f3: {  	v29 =	vld [tilespmem:$0x4240];
	[tilespmem:$0x99B0] =	vst v24  }
0x3f4: {  	v30 =	vld [tilespmem:$0x4250];
	[tilespmem:$0x9A40] =	vst v25  }
0x3f5: {  	v31 =	vld [tilespmem:$0x4260];
	[tilespmem:$0x9AD0] =	vst v26  }
0x3f6: {  	v32 =	vld [tilespmem:$0x4270];
	[tilespmem:$0x9B60] =	vst v27  }
0x3f7: {  	v33 =	vld [tilespmem:$0x4280];
	[tilespmem:$0x9BF0] =	vst v28  }
0x3f8: {  	v34 =	vld [tilespmem:$0x4290];
	[tilespmem:$0x9C80] =	vst v29  }
0x3f9: {  	v35 =	vld [tilespmem:$0x42A0];
	[tilespmem:$0x9D10] =	vst v30  }
0x3fa: {  	v36 =	vld [tilespmem:$0x42B0];
	[tilespmem:$0x9DA0] =	vst v31  }
0x3fb: {  	v37 =	vld [tilespmem:$0x42C0];
	[tilespmem:$0x9E30] =	vst v32  }
0x3fc: {  	v38 =	vld [tilespmem:$0x42D0];
	[tilespmem:$0x9EC0] =	vst v33  }
0x3fd: {  	v39 =	vld [tilespmem:$0x42E0];
	[tilespmem:$0x9F50] =	vst v34  }
0x3fe: {  	v40 =	vld [tilespmem:$0x42F0];
	[tilespmem:$0x9FE0] =	vst v35  }
0x3ff: {  	v41 =	vld [tilespmem:$0x4300];
	[tilespmem:$0xA070] =	vst v36  }
0x400: {  	v42 =	vld [tilespmem:$0x4310];
	[tilespmem:$0xA100] =	vst v37  }
0x401: {  	v43 =	vld [tilespmem:$0x4320];
	[tilespmem:$0xA190] =	vst v38  }
0x402: {  	v44 =	vld [tilespmem:$0x4330];
	[tilespmem:$0xA220] =	vst v39  }
0x403: {  	v45 =	vld [tilespmem:$0x4340];
	[tilespmem:$0xA2B0] =	vst v40  }
0x404: {  	v46 =	vld [tilespmem:$0x4350];
	[tilespmem:$0xA340] =	vst v41  }
0x405: {  	v47 =	vld [tilespmem:$0x4360];
	[tilespmem:$0xA3D0] =	vst v42  }
0x406: {  	v48 =	vld [tilespmem:$0x4370];
	[tilespmem:$0xA460] =	vst v43  }
0x407: {  	v49 =	vld [tilespmem:$0x4380];
	[tilespmem:$0xA4F0] =	vst v44  }
0x408: {  	v50 =	vld [tilespmem:$0x4390];
	[tilespmem:$0xA580] =	vst v45  }
0x409: {  	v51 =	vld [tilespmem:$0x43A0];
	[tilespmem:$0xA610] =	vst v46  }
0x40a: {  	v52 =	vld [tilespmem:$0x43B0];
	[tilespmem:$0xA6A0] =	vst v47  }
0x40b: {  	v53 =	vld [tilespmem:$0x43C0];
	[tilespmem:$0xA730] =	vst v48  }
0x40c: {  	v54 =	vld [tilespmem:$0x43D0];
	[tilespmem:$0xA7C0] =	vst v49  }
0x40d: {  	v55 =	vld [tilespmem:$0x43E0];
	[tilespmem:$0xA850] =	vst v50  }
0x40e: {  	v56 =	vld [tilespmem:$0x43F0];
	[tilespmem:$0xA8E0] =	vst v51  }
0x40f: {  	v57 =	vld [tilespmem:$0x4400];
	[tilespmem:$0xA970] =	vst v52  }
0x410: {  	v58 =	vld [tilespmem:$0x4410];
	[tilespmem:$0xAA00] =	vst v53  }
0x411: {  	v59 =	vld [tilespmem:$0x4420];
	[tilespmem:$0xAA90] =	vst v54  }
0x412: {  	v60 =	vld [tilespmem:$0x4430];
	[tilespmem:$0xAB20] =	vst v55  }
0x413: {  	v61 =	vld [tilespmem:$0x4440];
	[tilespmem:$0xABB0] =	vst v56  }
0x414: {  	v62 =	vld [tilespmem:$0x4450];
	[tilespmem:$0xAC40] =	vst v57  }
0x415: {  	v63 =	vld [tilespmem:$0x4460];
	[tilespmem:$0xACD0] =	vst v58  }
0x416: {  	v8 =	vld [tilespmem:$0x4470];
	[tilespmem:$0xAD60] =	vst v59  }
0x417: {  	v9 =	vld [tilespmem:$0x4480];
	[tilespmem:$0xADF0] =	vst v60  }
0x418: {  	v10 =	vld [tilespmem:$0x4490];
	[tilespmem:$0xAE80] =	vst v61  }
0x419: {  	v11 =	vld [tilespmem:$0x44A0];
	[tilespmem:$0xAF10] =	vst v62  }
0x41a: {  	v12 =	vld [tilespmem:$0x44B0];
	[tilespmem:$0xAFA0] =	vst v63  }
0x41b: {  	v13 =	vld [tilespmem:$0x44C0];
	[tilespmem:$0xB030] =	vst v8  }
0x41c: {  	v14 =	vld [tilespmem:$0x44D0];
	[tilespmem:$0xB0C0] =	vst v9  }
0x41d: {  	v15 =	vld [tilespmem:$0x44E0];
	[tilespmem:$0xB150] =	vst v10  }
0x41e: {  	v16 =	vld [tilespmem:$0x44F0];
	[tilespmem:$0xB1E0] =	vst v11  }
0x41f: {  	v17 =	vld [tilespmem:$0x4500];
	[tilespmem:$0xB270] =	vst v12  }
0x420: {  	v18 =	vld [tilespmem:$0x4510];
	[tilespmem:$0xB300] =	vst v13  }
0x421: {  	[tilespmem:$0xB390] =	vst v14;
	v19 =	vld [tilespmem:$0x4520]  }
0x422: {  	[tilespmem:$0xB420] =	vst v15;
	v20 =	vld [tilespmem:$0x4530]  }
0x423: {  	[tilespmem:$0xB4B0] =	vst v16;
	v21 =	vld [tilespmem:$0x4540]  }
0x424: {  	[tilespmem:$0x6D50] =	vst v17;
	v22 =	vld [tilespmem:$0x4550]  }
0x425: {  	[tilespmem:$0x6DE0] =	vst v18;
	v23 =	vld [tilespmem:$0x4560]  }
0x426: {  	v24 =	vld [tilespmem:$0x4570];
	[tilespmem:$0x6E70] =	vst v19  }
0x427: {  	v25 =	vld [tilespmem:$0x4580];
	[tilespmem:$0x6F00] =	vst v20  }
0x428: {  	v26 =	vld [tilespmem:$0x4590];
	[tilespmem:$0x6F90] =	vst v21  }
0x429: {  	v27 =	vld [tilespmem:$0x45A0];
	[tilespmem:$0x7020] =	vst v22  }
0x42a: {  	v28 =	vld [tilespmem:$0x45B0];
	[tilespmem:$0x70B0] =	vst v23  }
0x42b: {  	v29 =	vld [tilespmem:$0x45C0];
	[tilespmem:$0x7140] =	vst v24  }
0x42c: {  	v30 =	vld [tilespmem:$0x45D0];
	[tilespmem:$0x71D0] =	vst v25  }
0x42d: {  	v31 =	vld [tilespmem:$0x45E0];
	[tilespmem:$0x7260] =	vst v26  }
0x42e: {  	v32 =	vld [tilespmem:$0x45F0];
	[tilespmem:$0x72F0] =	vst v27  }
0x42f: {  	v33 =	vld [tilespmem:$0x4600];
	[tilespmem:$0x7380] =	vst v28  }
0x430: {  	v34 =	vld [tilespmem:$0x4610];
	[tilespmem:$0x7410] =	vst v29  }
0x431: {  	v35 =	vld [tilespmem:$0x4620];
	[tilespmem:$0x74A0] =	vst v30  }
0x432: {  	v36 =	vld [tilespmem:$0x4630];
	[tilespmem:$0x7530] =	vst v31  }
0x433: {  	v37 =	vld [tilespmem:$0x4640];
	[tilespmem:$0x75C0] =	vst v32  }
0x434: {  	v38 =	vld [tilespmem:$0x4650];
	[tilespmem:$0x7650] =	vst v33  }
0x435: {  	v39 =	vld [tilespmem:$0x4660];
	[tilespmem:$0x76E0] =	vst v34  }
0x436: {  	v40 =	vld [tilespmem:$0x4670];
	[tilespmem:$0x7770] =	vst v35  }
0x437: {  	v41 =	vld [tilespmem:$0x4680];
	[tilespmem:$0x7800] =	vst v36  }
0x438: {  	v42 =	vld [tilespmem:$0x4690];
	[tilespmem:$0x7890] =	vst v37  }
0x439: {  	v43 =	vld [tilespmem:$0x46A0];
	[tilespmem:$0x7920] =	vst v38  }
0x43a: {  	v44 =	vld [tilespmem:$0x46B0];
	[tilespmem:$0x79B0] =	vst v39  }
0x43b: {  	v45 =	vld [tilespmem:$0x46C0];
	[tilespmem:$0x7A40] =	vst v40  }
0x43c: {  	v46 =	vld [tilespmem:$0x46D0];
	[tilespmem:$0x7AD0] =	vst v41  }
0x43d: {  	v47 =	vld [tilespmem:$0x46E0];
	[tilespmem:$0x7B60] =	vst v42  }
0x43e: {  	v48 =	vld [tilespmem:$0x46F0];
	[tilespmem:$0x7BF0] =	vst v43  }
0x43f: {  	v49 =	vld [tilespmem:$0x4700];
	[tilespmem:$0x7C80] =	vst v44  }
0x440: {  	v50 =	vld [tilespmem:$0x4710];
	[tilespmem:$0x7D10] =	vst v45  }
0x441: {  	v51 =	vld [tilespmem:$0x4720];
	[tilespmem:$0x7DA0] =	vst v46  }
0x442: {  	v52 =	vld [tilespmem:$0x4730];
	[tilespmem:$0x7E30] =	vst v47  }
0x443: {  	v53 =	vld [tilespmem:$0x4740];
	[tilespmem:$0x7EC0] =	vst v48  }
0x444: {  	v54 =	vld [tilespmem:$0x4750];
	[tilespmem:$0x7F50] =	vst v49  }
0x445: {  	v55 =	vld [tilespmem:$0x4760];
	[tilespmem:$0x7FE0] =	vst v50  }
0x446: {  	v56 =	vld [tilespmem:$0x4770];
	[tilespmem:$0x8070] =	vst v51  }
0x447: {  	v57 =	vld [tilespmem:$0x4780];
	[tilespmem:$0x8100] =	vst v52  }
0x448: {  	v58 =	vld [tilespmem:$0x4790];
	[tilespmem:$0x8190] =	vst v53  }
0x449: {  	v59 =	vld [tilespmem:$0x47A0];
	[tilespmem:$0x8220] =	vst v54  }
0x44a: {  	v60 =	vld [tilespmem:$0x47B0];
	[tilespmem:$0x82B0] =	vst v55  }
0x44b: {  	v61 =	vld [tilespmem:$0x47C0];
	[tilespmem:$0x8340] =	vst v56  }
0x44c: {  	v62 =	vld [tilespmem:$0x47D0];
	[tilespmem:$0x83D0] =	vst v57  }
0x44d: {  	v63 =	vld [tilespmem:$0x47E0];
	[tilespmem:$0x8460] =	vst v58  }
0x44e: {  	v8 =	vld [tilespmem:$0x47F0];
	[tilespmem:$0x84F0] =	vst v59  }
0x44f: {  	v9 =	vld [tilespmem:$0x4800];
	[tilespmem:$0x8580] =	vst v60  }
0x450: {  	v10 =	vld [tilespmem:$0x4810];
	[tilespmem:$0x8610] =	vst v61  }
0x451: {  	v11 =	vld [tilespmem:$0x4820];
	[tilespmem:$0x86A0] =	vst v62  }
0x452: {  	v12 =	vld [tilespmem:$0x4830];
	[tilespmem:$0x8730] =	vst v63  }
0x453: {  	v13 =	vld [tilespmem:$0x4840];
	[tilespmem:$0x87C0] =	vst v8  }
0x454: {  	v14 =	vld [tilespmem:$0x4850];
	[tilespmem:$0x8850] =	vst v9  }
0x455: {  	v15 =	vld [tilespmem:$0x4860];
	[tilespmem:$0x88E0] =	vst v10  }
0x456: {  	v16 =	vld [tilespmem:$0x4870];
	[tilespmem:$0x8970] =	vst v11  }
0x457: {  	v17 =	vld [tilespmem:$0x4880];
	[tilespmem:$0x8A00] =	vst v12  }
0x458: {  	v18 =	vld [tilespmem:$0x4890];
	[tilespmem:$0x8A90] =	vst v13  }
0x459: {  	[tilespmem:$0x8B20] =	vst v14;
	v19 =	vld [tilespmem:$0x48A0]  }
0x45a: {  	[tilespmem:$0x8BB0] =	vst v15;
	v20 =	vld [tilespmem:$0x48B0]  }
0x45b: {  	[tilespmem:$0x8C40] =	vst v16;
	v21 =	vld [tilespmem:$0x48C0]  }
0x45c: {  	[tilespmem:$0x8CD0] =	vst v17;
	v22 =	vld [tilespmem:$0x48D0]  }
0x45d: {  	[tilespmem:$0x8D60] =	vst v18;
	v23 =	vld [tilespmem:$0x48E0]  }
0x45e: {  	v24 =	vld [tilespmem:$0x48F0];
	[tilespmem:$0x8DF0] =	vst v19  }
0x45f: {  	v25 =	vld [tilespmem:$0x4900];
	[tilespmem:$0x8E80] =	vst v20  }
0x460: {  	v26 =	vld [tilespmem:$0x4910];
	[tilespmem:$0x8F10] =	vst v21  }
0x461: {  	v27 =	vld [tilespmem:$0x4920];
	[tilespmem:$0x8FA0] =	vst v22  }
0x462: {  	v28 =	vld [tilespmem:$0x4930];
	[tilespmem:$0x9030] =	vst v23  }
0x463: {  	v29 =	vld [tilespmem:$0x4940];
	[tilespmem:$0x90C0] =	vst v24  }
0x464: {  	v30 =	vld [tilespmem:$0x4950];
	[tilespmem:$0x9150] =	vst v25  }
0x465: {  	v31 =	vld [tilespmem:$0x4960];
	[tilespmem:$0x91E0] =	vst v26  }
0x466: {  	v32 =	vld [tilespmem:$0x4970];
	[tilespmem:$0x9270] =	vst v27  }
0x467: {  	v33 =	vld [tilespmem:$0x4980];
	[tilespmem:$0x9300] =	vst v28  }
0x468: {  	v34 =	vld [tilespmem:$0x4990];
	[tilespmem:$0x9390] =	vst v29  }
0x469: {  	v35 =	vld [tilespmem:$0x49A0];
	[tilespmem:$0x9420] =	vst v30  }
0x46a: {  	v36 =	vld [tilespmem:$0x49B0];
	[tilespmem:$0x94B0] =	vst v31  }
0x46b: {  	v37 =	vld [tilespmem:$0x49C0];
	[tilespmem:$0x9540] =	vst v32  }
0x46c: {  	v38 =	vld [tilespmem:$0x49D0];
	[tilespmem:$0x95D0] =	vst v33  }
0x46d: {  	v39 =	vld [tilespmem:$0x49E0];
	[tilespmem:$0x9660] =	vst v34  }
0x46e: {  	v40 =	vld [tilespmem:$0x49F0];
	[tilespmem:$0x96F0] =	vst v35  }
0x46f: {  	v41 =	vld [tilespmem:$0x4A00];
	[tilespmem:$0x9780] =	vst v36  }
0x470: {  	v42 =	vld [tilespmem:$0x4A10];
	[tilespmem:$0x9810] =	vst v37  }
0x471: {  	v43 =	vld [tilespmem:$0x4A20];
	[tilespmem:$0x98A0] =	vst v38  }
0x472: {  	v44 =	vld [tilespmem:$0x4A30];
	[tilespmem:$0x9930] =	vst v39  }
0x473: {  	v45 =	vld [tilespmem:$0x4A40];
	[tilespmem:$0x99C0] =	vst v40  }
0x474: {  	v46 =	vld [tilespmem:$0x4A50];
	[tilespmem:$0x9A50] =	vst v41  }
0x475: {  	v47 =	vld [tilespmem:$0x4A60];
	[tilespmem:$0x9AE0] =	vst v42  }
0x476: {  	v48 =	vld [tilespmem:$0x4A70];
	[tilespmem:$0x9B70] =	vst v43  }
0x477: {  	v49 =	vld [tilespmem:$0x4A80];
	[tilespmem:$0x9C00] =	vst v44  }
0x478: {  	v50 =	vld [tilespmem:$0x4A90];
	[tilespmem:$0x9C90] =	vst v45  }
0x479: {  	v51 =	vld [tilespmem:$0x4AA0];
	[tilespmem:$0x9D20] =	vst v46  }
0x47a: {  	v52 =	vld [tilespmem:$0x4AB0];
	[tilespmem:$0x9DB0] =	vst v47  }
0x47b: {  	v53 =	vld [tilespmem:$0x4AC0];
	[tilespmem:$0x9E40] =	vst v48  }
0x47c: {  	v54 =	vld [tilespmem:$0x4AD0];
	[tilespmem:$0x9ED0] =	vst v49  }
0x47d: {  	v55 =	vld [tilespmem:$0x4AE0];
	[tilespmem:$0x9F60] =	vst v50  }
0x47e: {  	v56 =	vld [tilespmem:$0x4AF0];
	[tilespmem:$0x9FF0] =	vst v51  }
0x47f: {  	v57 =	vld [tilespmem:$0x4B00];
	[tilespmem:$0xA080] =	vst v52  }
0x480: {  	v58 =	vld [tilespmem:$0x4B10];
	[tilespmem:$0xA110] =	vst v53  }
0x481: {  	v59 =	vld [tilespmem:$0x4B20];
	[tilespmem:$0xA1A0] =	vst v54  }
0x482: {  	v60 =	vld [tilespmem:$0x4B30];
	[tilespmem:$0xA230] =	vst v55  }
0x483: {  	v61 =	vld [tilespmem:$0x4B40];
	[tilespmem:$0xA2C0] =	vst v56  }
0x484: {  	v62 =	vld [tilespmem:$0x4B50];
	[tilespmem:$0xA350] =	vst v57  }
0x485: {  	v63 =	vld [tilespmem:$0x4B60];
	[tilespmem:$0xA3E0] =	vst v58  }
0x486: {  	v8 =	vld [tilespmem:$0x4B70];
	[tilespmem:$0xA470] =	vst v59  }
0x487: {  	v9 =	vld [tilespmem:$0x4B80];
	[tilespmem:$0xA500] =	vst v60  }
0x488: {  	v10 =	vld [tilespmem:$0x4B90];
	[tilespmem:$0xA590] =	vst v61  }
0x489: {  	v11 =	vld [tilespmem:$0x4BA0];
	[tilespmem:$0xA620] =	vst v62  }
0x48a: {  	v12 =	vld [tilespmem:$0x4BB0];
	[tilespmem:$0xA6B0] =	vst v63  }
0x48b: {  	v13 =	vld [tilespmem:$0x4BC0];
	[tilespmem:$0xA740] =	vst v8  }
0x48c: {  	v14 =	vld [tilespmem:$0x4BD0];
	[tilespmem:$0xA7D0] =	vst v9  }
0x48d: {  	v15 =	vld [tilespmem:$0x4BE0];
	[tilespmem:$0xA860] =	vst v10  }
0x48e: {  	v16 =	vld [tilespmem:$0x4BF0];
	[tilespmem:$0xA8F0] =	vst v11  }
0x48f: {  	v17 =	vld [tilespmem:$0x4C00];
	[tilespmem:$0xA980] =	vst v12  }
0x490: {  	v18 =	vld [tilespmem:$0x4C10];
	[tilespmem:$0xAA10] =	vst v13  }
0x491: {  	[tilespmem:$0xAAA0] =	vst v14;
	v19 =	vld [tilespmem:$0x4C20]  }
0x492: {  	[tilespmem:$0xAB30] =	vst v15;
	v20 =	vld [tilespmem:$0x4C30]  }
0x493: {  	[tilespmem:$0xABC0] =	vst v16;
	v21 =	vld [tilespmem:$0x4C40]  }
0x494: {  	[tilespmem:$0xAC50] =	vst v17;
	v22 =	vld [tilespmem:$0x4C50]  }
0x495: {  	[tilespmem:$0xACE0] =	vst v18;
	v23 =	vld [tilespmem:$0x4C60]  }
0x496: {  	v24 =	vld [tilespmem:$0x4C70];
	[tilespmem:$0xAD70] =	vst v19  }
0x497: {  	v25 =	vld [tilespmem:$0x4C80];
	[tilespmem:$0xAE00] =	vst v20  }
0x498: {  	v26 =	vld [tilespmem:$0x4C90];
	[tilespmem:$0xAE90] =	vst v21  }
0x499: {  	v27 =	vld [tilespmem:$0x4CA0];
	[tilespmem:$0xAF20] =	vst v22  }
0x49a: {  	v28 =	vld [tilespmem:$0x4CB0];
	[tilespmem:$0xAFB0] =	vst v23  }
0x49b: {  	v29 =	vld [tilespmem:$0x4CC0];
	[tilespmem:$0xB040] =	vst v24  }
0x49c: {  	v30 =	vld [tilespmem:$0x4CD0];
	[tilespmem:$0xB0D0] =	vst v25  }
0x49d: {  	v31 =	vld [tilespmem:$0x4CE0];
	[tilespmem:$0xB160] =	vst v26  }
0x49e: {  	v32 =	vld [tilespmem:$0x4CF0];
	[tilespmem:$0xB1F0] =	vst v27  }
0x49f: {  	v33 =	vld [tilespmem:$0x4D00];
	[tilespmem:$0xB280] =	vst v28  }
0x4a0: {  	v34 =	vld [tilespmem:$0x4D10];
	[tilespmem:$0xB310] =	vst v29  }
0x4a1: {  	v35 =	vld [tilespmem:$0x4D20];
	[tilespmem:$0xB3A0] =	vst v30  }
0x4a2: {  	v36 =	vld [tilespmem:$0x4D30];
	[tilespmem:$0xB430] =	vst v31  }
0x4a3: {  	v37 =	vld [tilespmem:$0x4D40];
	[tilespmem:$0xB4C0] =	vst v32  }
0x4a4: {  	v38 =	vld [tilespmem:$0x4D50];
	[tilespmem:$0x6D60] =	vst v33  }
0x4a5: {  	v39 =	vld [tilespmem:$0x4D60];
	[tilespmem:$0x6DF0] =	vst v34  }
0x4a6: {  	v40 =	vld [tilespmem:$0x4D70];
	[tilespmem:$0x6E80] =	vst v35  }
0x4a7: {  	[tilespmem:$0x6F10] =	vst v36  }
0x4a8: {  	[tilespmem:$0x6FA0] =	vst v37  }
0x4a9: {  	v41 =	vld [tilespmem:$0x4D80];
	[tilespmem:$0x7030] =	vst v38  }
0x4aa: {  	v42 =	vld [tilespmem:$0x4D90];
	[tilespmem:$0x70C0] =	vst v39  }
0x4ab: {  	v43 =	vld [tilespmem:$0x4DA0];
	[tilespmem:$0x7150] =	vst v40  }
0x4ac: {  	v3 =	vld [tilespmem:$0x4DB0]  }
0x4ad: {  	v44 =	vld [tilespmem:$0x4DC0]  }
0x4ae: {  	[tilespmem:$0x71E0] =	vst v41;
	v45 =	vld [tilespmem:$0x4DD0]  }
0x4af: {  	[tilespmem:$0x7270] =	vst v42;
	v46 =	vld [tilespmem:$0x4DE0]  }
0x4b0: {  	[tilespmem:$0x7300] =	vst v43;
	v47 =	vld [tilespmem:$0x4DF0]  }
0x4b1: {  	v48 =	vld [tilespmem:$0x4E00];
	[tilespmem:$0x7390] =	vst v3  }
0x4b2: {  	v49 =	vld [tilespmem:$0x4E10];
	[tilespmem:$0x7420] =	vst v44  }
0x4b3: {  	v50 =	vld [tilespmem:$0x4E20];
	[tilespmem:$0x74B0] =	vst v45  }
0x4b4: {  	v51 =	vld [tilespmem:$0x4E30];
	[tilespmem:$0x7540] =	vst v46  }
0x4b5: {  	v52 =	vld [tilespmem:$0x4E40];
	[tilespmem:$0x75D0] =	vst v47  }
0x4b6: {  	v53 =	vld [tilespmem:$0x4E50];
	[tilespmem:$0x7660] =	vst v48  }
0x4b7: {  	v54 =	vld [tilespmem:$0x4E60];
	[tilespmem:$0x76F0] =	vst v49  }
0x4b8: {  	v55 =	vld [tilespmem:$0x4E70];
	[tilespmem:$0x7780] =	vst v50  }
0x4b9: {  	v56 =	vld [tilespmem:$0x4E80];
	[tilespmem:$0x7810] =	vst v51  }
0x4ba: {  	v57 =	vld [tilespmem:$0x4E90];
	[tilespmem:$0x78A0] =	vst v52  }
0x4bb: {  	v58 =	vld [tilespmem:$0x4EA0];
	[tilespmem:$0x7930] =	vst v53  }
0x4bc: {  	v59 =	vld [tilespmem:$0x4EB0];
	[tilespmem:$0x79C0] =	vst v54  }
0x4bd: {  	v60 =	vld [tilespmem:$0x4EC0];
	[tilespmem:$0x7A50] =	vst v55  }
0x4be: {  	v61 =	vld [tilespmem:$0x4ED0];
	[tilespmem:$0x7AE0] =	vst v56  }
0x4bf: {  	v62 =	vld [tilespmem:$0x4EE0];
	[tilespmem:$0x7B70] =	vst v57  }
0x4c0: {  	v63 =	vld [tilespmem:$0x4EF0];
	[tilespmem:$0x7C00] =	vst v58  }
0x4c1: {  	v8 =	vld [tilespmem:$0x4F00];
	[tilespmem:$0x7C90] =	vst v59  }
0x4c2: {  	v9 =	vld [tilespmem:$0x4F10];
	[tilespmem:$0x7D20] =	vst v60  }
0x4c3: {  	v10 =	vld [tilespmem:$0x4F20];
	[tilespmem:$0x7DB0] =	vst v61  }
0x4c4: {  	v11 =	vld [tilespmem:$0x4F30];
	[tilespmem:$0x7E40] =	vst v62  }
0x4c5: {  	v12 =	vld [tilespmem:$0x4F40];
	[tilespmem:$0x7ED0] =	vst v63  }
0x4c6: {  	v13 =	vld [tilespmem:$0x4F50];
	[tilespmem:$0x7F60] =	vst v8  }
0x4c7: {  	v14 =	vld [tilespmem:$0x4F60];
	[tilespmem:$0x7FF0] =	vst v9  }
0x4c8: {  	v15 =	vld [tilespmem:$0x4F70];
	[tilespmem:$0x8080] =	vst v10  }
0x4c9: {  	v16 =	vld [tilespmem:$0x4F80];
	[tilespmem:$0x8110] =	vst v11  }
0x4ca: {  	v17 =	vld [tilespmem:$0x4F90];
	[tilespmem:$0x81A0] =	vst v12  }
0x4cb: {  	v18 =	vld [tilespmem:$0x4FA0];
	[tilespmem:$0x8230] =	vst v13  }
0x4cc: {  	v19 =	vld [tilespmem:$0x4FB0];
	[tilespmem:$0x82C0] =	vst v14  }
0x4cd: {  	v20 =	vld [tilespmem:$0x4FC0];
	[tilespmem:$0x8350] =	vst v15  }
0x4ce: {  	v21 =	vld [tilespmem:$0x4FD0];
	[tilespmem:$0x83E0] =	vst v16  }
0x4cf: {  	v22 =	vld [tilespmem:$0x4FE0];
	[tilespmem:$0x8470] =	vst v17  }
0x4d0: {  	v23 =	vld [tilespmem:$0x4FF0];
	[tilespmem:$0x8500] =	vst v18  }
0x4d1: {  	v24 =	vld [tilespmem:$0x5000];
	[tilespmem:$0x8590] =	vst v19  }
0x4d2: {  	v25 =	vld [tilespmem:$0x5010];
	[tilespmem:$0x8620] =	vst v20  }
0x4d3: {  	v26 =	vld [tilespmem:$0x5020];
	[tilespmem:$0x86B0] =	vst v21  }
0x4d4: {  	v27 =	vld [tilespmem:$0x5030];
	[tilespmem:$0x8740] =	vst v22  }
0x4d5: {  	v28 =	vld [tilespmem:$0x5040];
	[tilespmem:$0x87D0] =	vst v23  }
0x4d6: {  	v29 =	vld [tilespmem:$0x5050];
	[tilespmem:$0x8860] =	vst v24  }
0x4d7: {  	v30 =	vld [tilespmem:$0x5060];
	[tilespmem:$0x88F0] =	vst v25  }
0x4d8: {  	v31 =	vld [tilespmem:$0x5070];
	[tilespmem:$0x8980] =	vst v26  }
0x4d9: {  	v32 =	vld [tilespmem:$0x5080];
	[tilespmem:$0x8A10] =	vst v27  }
0x4da: {  	v33 =	vld [tilespmem:$0x5090];
	[tilespmem:$0x8AA0] =	vst v28  }
0x4db: {  	v34 =	vld [tilespmem:$0x50A0];
	[tilespmem:$0x8B30] =	vst v29  }
0x4dc: {  	v35 =	vld [tilespmem:$0x50B0];
	[tilespmem:$0x8BC0] =	vst v30  }
0x4dd: {  	v36 =	vld [tilespmem:$0x50C0];
	[tilespmem:$0x8C50] =	vst v31  }
0x4de: {  	v37 =	vld [tilespmem:$0x50D0];
	[tilespmem:$0x8CE0] =	vst v32  }
0x4df: {  	v38 =	vld [tilespmem:$0x50E0];
	[tilespmem:$0x8D70] =	vst v33  }
0x4e0: {  	v39 =	vld [tilespmem:$0x50F0];
	[tilespmem:$0x8E00] =	vst v34  }
0x4e1: {  	v40 =	vld [tilespmem:$0x5100];
	[tilespmem:$0x8E90] =	vst v35  }
0x4e2: {  	v41 =	vld [tilespmem:$0x5110];
	[tilespmem:$0x8F20] =	vst v36  }
0x4e3: {  	v42 =	vld [tilespmem:$0x5120];
	[tilespmem:$0x8FB0] =	vst v37  }
0x4e4: {  	v43 =	vld [tilespmem:$0x5130];
	[tilespmem:$0x9040] =	vst v38  }
0x4e5: {  	[tilespmem:$0x90D0] =	vst v39;
	v44 =	vld [tilespmem:$0x5140]  }
0x4e6: {  	[tilespmem:$0x9160] =	vst v40;
	v45 =	vld [tilespmem:$0x5150]  }
0x4e7: {  	[tilespmem:$0x91F0] =	vst v41;
	v46 =	vld [tilespmem:$0x5160]  }
0x4e8: {  	[tilespmem:$0x9280] =	vst v42;
	v47 =	vld [tilespmem:$0x5170]  }
0x4e9: {  	[tilespmem:$0x9310] =	vst v43;
	v48 =	vld [tilespmem:$0x5180]  }
0x4ea: {  	v49 =	vld [tilespmem:$0x5190];
	[tilespmem:$0x93A0] =	vst v44  }
0x4eb: {  	v50 =	vld [tilespmem:$0x51A0];
	[tilespmem:$0x9430] =	vst v45  }
0x4ec: {  	v51 =	vld [tilespmem:$0x51B0];
	[tilespmem:$0x94C0] =	vst v46  }
0x4ed: {  	v52 =	vld [tilespmem:$0x51C0];
	[tilespmem:$0x9550] =	vst v47  }
0x4ee: {  	v53 =	vld [tilespmem:$0x51D0];
	[tilespmem:$0x95E0] =	vst v48  }
0x4ef: {  	v54 =	vld [tilespmem:$0x51E0];
	[tilespmem:$0x9670] =	vst v49  }
0x4f0: {  	v55 =	vld [tilespmem:$0x51F0];
	[tilespmem:$0x9700] =	vst v50  }
0x4f1: {  	v56 =	vld [tilespmem:$0x5200];
	[tilespmem:$0x9790] =	vst v51  }
0x4f2: {  	v57 =	vld [tilespmem:$0x5210];
	[tilespmem:$0x9820] =	vst v52  }
0x4f3: {  	v58 =	vld [tilespmem:$0x5220];
	[tilespmem:$0x98B0] =	vst v53  }
0x4f4: {  	v59 =	vld [tilespmem:$0x5230];
	[tilespmem:$0x9940] =	vst v54  }
0x4f5: {  	v60 =	vld [tilespmem:$0x5240];
	[tilespmem:$0x99D0] =	vst v55  }
0x4f6: {  	v61 =	vld [tilespmem:$0x5250];
	[tilespmem:$0x9A60] =	vst v56  }
0x4f7: {  	v62 =	vld [tilespmem:$0x5260];
	[tilespmem:$0x9AF0] =	vst v57  }
0x4f8: {  	v63 =	vld [tilespmem:$0x5270];
	[tilespmem:$0x9B80] =	vst v58  }
0x4f9: {  	v8 =	vld [tilespmem:$0x5280];
	[tilespmem:$0x9C10] =	vst v59  }
0x4fa: {  	v9 =	vld [tilespmem:$0x5290];
	[tilespmem:$0x9CA0] =	vst v60  }
0x4fb: {  	v10 =	vld [tilespmem:$0x52A0];
	[tilespmem:$0x9D30] =	vst v61  }
0x4fc: {  	v11 =	vld [tilespmem:$0x52B0];
	[tilespmem:$0x9DC0] =	vst v62  }
0x4fd: {  	v12 =	vld [tilespmem:$0x52C0];
	[tilespmem:$0x9E50] =	vst v63  }
0x4fe: {  	v13 =	vld [tilespmem:$0x52D0];
	[tilespmem:$0x9EE0] =	vst v8  }
0x4ff: {  	v14 =	vld [tilespmem:$0x52E0];
	[tilespmem:$0x9F70] =	vst v9  }
0x500: {  	v15 =	vld [tilespmem:$0x52F0];
	[tilespmem:$0xA000] =	vst v10  }
0x501: {  	v16 =	vld [tilespmem:$0x5300];
	[tilespmem:$0xA090] =	vst v11  }
0x502: {  	v17 =	vld [tilespmem:$0x5310];
	[tilespmem:$0xA120] =	vst v12  }
0x503: {  	v18 =	vld [tilespmem:$0x5320];
	[tilespmem:$0xA1B0] =	vst v13  }
0x504: {  	v19 =	vld [tilespmem:$0x5330];
	[tilespmem:$0xA240] =	vst v14  }
0x505: {  	v20 =	vld [tilespmem:$0x5340];
	[tilespmem:$0xA2D0] =	vst v15  }
0x506: {  	v21 =	vld [tilespmem:$0x5350];
	[tilespmem:$0xA360] =	vst v16  }
0x507: {  	v22 =	vld [tilespmem:$0x5360];
	[tilespmem:$0xA3F0] =	vst v17  }
0x508: {  	v23 =	vld [tilespmem:$0x5370];
	[tilespmem:$0xA480] =	vst v18  }
0x509: {  	v24 =	vld [tilespmem:$0x5380];
	[tilespmem:$0xA510] =	vst v19  }
0x50a: {  	v25 =	vld [tilespmem:$0x5390];
	[tilespmem:$0xA5A0] =	vst v20  }
0x50b: {  	v26 =	vld [tilespmem:$0x53A0];
	[tilespmem:$0xA630] =	vst v21  }
0x50c: {  	v27 =	vld [tilespmem:$0x53B0];
	[tilespmem:$0xA6C0] =	vst v22  }
0x50d: {  	v28 =	vld [tilespmem:$0x53C0];
	[tilespmem:$0xA750] =	vst v23  }
0x50e: {  	v29 =	vld [tilespmem:$0x53D0];
	[tilespmem:$0xA7E0] =	vst v24  }
0x50f: {  	v30 =	vld [tilespmem:$0x53E0];
	[tilespmem:$0xA870] =	vst v25  }
0x510: {  	v31 =	vld [tilespmem:$0x53F0];
	[tilespmem:$0xA900] =	vst v26  }
0x511: {  	v32 =	vld [tilespmem:$0x5400];
	[tilespmem:$0xA990] =	vst v27  }
0x512: {  	v33 =	vld [tilespmem:$0x5410];
	[tilespmem:$0xAA20] =	vst v28  }
0x513: {  	v34 =	vld [tilespmem:$0x5420];
	[tilespmem:$0xAAB0] =	vst v29  }
0x514: {  	v35 =	vld [tilespmem:$0x5430];
	[tilespmem:$0xAB40] =	vst v30  }
0x515: {  	v36 =	vld [tilespmem:$0x5440];
	[tilespmem:$0xABD0] =	vst v31  }
0x516: {  	v37 =	vld [tilespmem:$0x5450];
	[tilespmem:$0xAC60] =	vst v32  }
0x517: {  	v38 =	vld [tilespmem:$0x5460];
	[tilespmem:$0xACF0] =	vst v33  }
0x518: {  	v39 =	vld [tilespmem:$0x5470];
	[tilespmem:$0xAD80] =	vst v34  }
0x519: {  	v40 =	vld [tilespmem:$0x5480];
	[tilespmem:$0xAE10] =	vst v35  }
0x51a: {  	v41 =	vld [tilespmem:$0x5490];
	[tilespmem:$0xAEA0] =	vst v36  }
0x51b: {  	v42 =	vld [tilespmem:$0x54A0];
	[tilespmem:$0xAF30] =	vst v37  }
0x51c: {  	v43 =	vld [tilespmem:$0x54B0];
	[tilespmem:$0xAFC0] =	vst v38  }
0x51d: {  	[tilespmem:$0xB050] =	vst v39;
	v44 =	vld [tilespmem:$0x54C0]  }
0x51e: {  	[tilespmem:$0xB0E0] =	vst v40;
	v45 =	vld [tilespmem:$0x54D0]  }
0x51f: {  	[tilespmem:$0xB170] =	vst v41;
	v46 =	vld [tilespmem:$0x54E0]  }
0x520: {  	[tilespmem:$0xB200] =	vst v42;
	v47 =	vld [tilespmem:$0x54F0]  }
0x521: {  	[tilespmem:$0xB290] =	vst v43;
	v48 =	vld [tilespmem:$0x5500]  }
0x522: {  	v49 =	vld [tilespmem:$0x5510];
	[tilespmem:$0xB320] =	vst v44  }
0x523: {  	v50 =	vld [tilespmem:$0x5520];
	[tilespmem:$0xB3B0] =	vst v45  }
0x524: {  	v51 =	vld [tilespmem:$0x5530];
	[tilespmem:$0xB440] =	vst v46  }
0x525: {  	v52 =	vld [tilespmem:$0x5540];
	[tilespmem:$0xB4D0] =	vst v47  }
0x526: {  	v53 =	vld [tilespmem:$0x5550];
	[tilespmem:$0x6D70] =	vst v48  }
0x527: {  	v54 =	vld [tilespmem:$0x5560];
	[tilespmem:$0x6E00] =	vst v49  }
0x528: {  	v55 =	vld [tilespmem:$0x5570];
	[tilespmem:$0x6E90] =	vst v50  }
0x529: {  	v56 =	vld [tilespmem:$0x5580];
	[tilespmem:$0x6F20] =	vst v51  }
0x52a: {  	v57 =	vld [tilespmem:$0x5590];
	[tilespmem:$0x6FB0] =	vst v52  }
0x52b: {  	v58 =	vld [tilespmem:$0x55A0];
	[tilespmem:$0x7040] =	vst v53  }
0x52c: {  	v59 =	vld [tilespmem:$0x55B0];
	[tilespmem:$0x70D0] =	vst v54  }
0x52d: {  	v60 =	vld [tilespmem:$0x55C0];
	[tilespmem:$0x7160] =	vst v55  }
0x52e: {  	v61 =	vld [tilespmem:$0x55D0];
	[tilespmem:$0x71F0] =	vst v56  }
0x52f: {  	v62 =	vld [tilespmem:$0x55E0];
	[tilespmem:$0x7280] =	vst v57  }
0x530: {  	v63 =	vld [tilespmem:$0x55F0];
	[tilespmem:$0x7310] =	vst v58  }
0x531: {  	v8 =	vld [tilespmem:$0x5600];
	[tilespmem:$0x73A0] =	vst v59  }
0x532: {  	v9 =	vld [tilespmem:$0x5610];
	[tilespmem:$0x7430] =	vst v60  }
0x533: {  	v10 =	vld [tilespmem:$0x5620];
	[tilespmem:$0x74C0] =	vst v61  }
0x534: {  	v11 =	vld [tilespmem:$0x5630];
	[tilespmem:$0x7550] =	vst v62  }
0x535: {  	v12 =	vld [tilespmem:$0x5640];
	[tilespmem:$0x75E0] =	vst v63  }
0x536: {  	v13 =	vld [tilespmem:$0x5650];
	[tilespmem:$0x7670] =	vst v8  }
0x537: {  	v14 =	vld [tilespmem:$0x5660];
	[tilespmem:$0x7700] =	vst v9  }
0x538: {  	v15 =	vld [tilespmem:$0x5670];
	[tilespmem:$0x7790] =	vst v10  }
0x539: {  	v16 =	vld [tilespmem:$0x5680];
	[tilespmem:$0x7820] =	vst v11  }
0x53a: {  	v17 =	vld [tilespmem:$0x5690];
	[tilespmem:$0x78B0] =	vst v12  }
0x53b: {  	v18 =	vld [tilespmem:$0x56A0];
	[tilespmem:$0x7940] =	vst v13  }
0x53c: {  	v19 =	vld [tilespmem:$0x56B0];
	[tilespmem:$0x79D0] =	vst v14  }
0x53d: {  	v20 =	vld [tilespmem:$0x56C0];
	[tilespmem:$0x7A60] =	vst v15  }
0x53e: {  	v21 =	vld [tilespmem:$0x56D0];
	[tilespmem:$0x7AF0] =	vst v16  }
0x53f: {  	v22 =	vld [tilespmem:$0x56E0];
	[tilespmem:$0x7B80] =	vst v17  }
0x540: {  	v23 =	vld [tilespmem:$0x56F0];
	[tilespmem:$0x7C10] =	vst v18  }
0x541: {  	v24 =	vld [tilespmem:$0x5700];
	[tilespmem:$0x7CA0] =	vst v19  }
0x542: {  	v25 =	vld [tilespmem:$0x5710];
	[tilespmem:$0x7D30] =	vst v20  }
0x543: {  	v26 =	vld [tilespmem:$0x5720];
	[tilespmem:$0x7DC0] =	vst v21  }
0x544: {  	v27 =	vld [tilespmem:$0x5730];
	[tilespmem:$0x7E50] =	vst v22  }
0x545: {  	v28 =	vld [tilespmem:$0x5740];
	[tilespmem:$0x7EE0] =	vst v23  }
0x546: {  	v29 =	vld [tilespmem:$0x5750];
	[tilespmem:$0x7F70] =	vst v24  }
0x547: {  	v30 =	vld [tilespmem:$0x5760];
	[tilespmem:$0x8000] =	vst v25  }
0x548: {  	v31 =	vld [tilespmem:$0x5770];
	[tilespmem:$0x8090] =	vst v26  }
0x549: {  	v32 =	vld [tilespmem:$0x5780];
	[tilespmem:$0x8120] =	vst v27  }
0x54a: {  	v33 =	vld [tilespmem:$0x5790];
	[tilespmem:$0x81B0] =	vst v28  }
0x54b: {  	v34 =	vld [tilespmem:$0x57A0];
	[tilespmem:$0x8240] =	vst v29  }
0x54c: {  	v35 =	vld [tilespmem:$0x57B0];
	[tilespmem:$0x82D0] =	vst v30  }
0x54d: {  	v36 =	vld [tilespmem:$0x57C0];
	[tilespmem:$0x8360] =	vst v31  }
0x54e: {  	v37 =	vld [tilespmem:$0x57D0];
	[tilespmem:$0x83F0] =	vst v32  }
0x54f: {  	v38 =	vld [tilespmem:$0x57E0];
	[tilespmem:$0x8480] =	vst v33  }
0x550: {  	v39 =	vld [tilespmem:$0x57F0];
	[tilespmem:$0x8510] =	vst v34  }
0x551: {  	v40 =	vld [tilespmem:$0x5800];
	[tilespmem:$0x85A0] =	vst v35  }
0x552: {  	v41 =	vld [tilespmem:$0x5810];
	[tilespmem:$0x8630] =	vst v36  }
0x553: {  	v42 =	vld [tilespmem:$0x5820];
	[tilespmem:$0x86C0] =	vst v37  }
0x554: {  	v43 =	vld [tilespmem:$0x5830];
	[tilespmem:$0x8750] =	vst v38  }
0x555: {  	[tilespmem:$0x87E0] =	vst v39;
	v44 =	vld [tilespmem:$0x5840]  }
0x556: {  	[tilespmem:$0x8870] =	vst v40;
	v45 =	vld [tilespmem:$0x5850]  }
0x557: {  	[tilespmem:$0x8900] =	vst v41;
	v46 =	vld [tilespmem:$0x5860]  }
0x558: {  	[tilespmem:$0x8990] =	vst v42;
	v47 =	vld [tilespmem:$0x5870]  }
0x559: {  	[tilespmem:$0x8A20] =	vst v43;
	v48 =	vld [tilespmem:$0x5880]  }
0x55a: {  	v49 =	vld [tilespmem:$0x5890];
	[tilespmem:$0x8AB0] =	vst v44  }
0x55b: {  	v50 =	vld [tilespmem:$0x58A0];
	[tilespmem:$0x8B40] =	vst v45  }
0x55c: {  	v51 =	vld [tilespmem:$0x58B0];
	[tilespmem:$0x8BD0] =	vst v46  }
0x55d: {  	v52 =	vld [tilespmem:$0x58C0];
	[tilespmem:$0x8C60] =	vst v47  }
0x55e: {  	v53 =	vld [tilespmem:$0x58D0];
	[tilespmem:$0x8CF0] =	vst v48  }
0x55f: {  	v54 =	vld [tilespmem:$0x58E0];
	[tilespmem:$0x8D80] =	vst v49  }
0x560: {  	v55 =	vld [tilespmem:$0x58F0];
	[tilespmem:$0x8E10] =	vst v50  }
0x561: {  	v56 =	vld [tilespmem:$0x5900];
	[tilespmem:$0x8EA0] =	vst v51  }
0x562: {  	v57 =	vld [tilespmem:$0x5910];
	[tilespmem:$0x8F30] =	vst v52  }
0x563: {  	v58 =	vld [tilespmem:$0x5920];
	[tilespmem:$0x8FC0] =	vst v53  }
0x564: {  	v59 =	vld [tilespmem:$0x5930];
	[tilespmem:$0x9050] =	vst v54  }
0x565: {  	v60 =	vld [tilespmem:$0x5940];
	[tilespmem:$0x90E0] =	vst v55  }
0x566: {  	v61 =	vld [tilespmem:$0x5950];
	[tilespmem:$0x9170] =	vst v56  }
0x567: {  	v62 =	vld [tilespmem:$0x5960];
	[tilespmem:$0x9200] =	vst v57  }
0x568: {  	v63 =	vld [tilespmem:$0x5970];
	[tilespmem:$0x9290] =	vst v58  }
0x569: {  	v8 =	vld [tilespmem:$0x5980];
	[tilespmem:$0x9320] =	vst v59  }
0x56a: {  	v9 =	vld [tilespmem:$0x5990];
	[tilespmem:$0x93B0] =	vst v60  }
0x56b: {  	v10 =	vld [tilespmem:$0x59A0];
	[tilespmem:$0x9440] =	vst v61  }
0x56c: {  	v11 =	vld [tilespmem:$0x59B0];
	[tilespmem:$0x94D0] =	vst v62  }
0x56d: {  	v12 =	vld [tilespmem:$0x59C0];
	[tilespmem:$0x9560] =	vst v63  }
0x56e: {  	v13 =	vld [tilespmem:$0x59D0];
	[tilespmem:$0x95F0] =	vst v8  }
0x56f: {  	v14 =	vld [tilespmem:$0x59E0];
	[tilespmem:$0x9680] =	vst v9  }
0x570: {  	v15 =	vld [tilespmem:$0x59F0];
	[tilespmem:$0x9710] =	vst v10  }
0x571: {  	v16 =	vld [tilespmem:$0x5A00];
	[tilespmem:$0x97A0] =	vst v11  }
0x572: {  	v17 =	vld [tilespmem:$0x5A10];
	[tilespmem:$0x9830] =	vst v12  }
0x573: {  	v18 =	vld [tilespmem:$0x5A20];
	[tilespmem:$0x98C0] =	vst v13  }
0x574: {  	v19 =	vld [tilespmem:$0x5A30];
	[tilespmem:$0x9950] =	vst v14  }
0x575: {  	v20 =	vld [tilespmem:$0x5A40];
	[tilespmem:$0x99E0] =	vst v15  }
0x576: {  	v21 =	vld [tilespmem:$0x5A50];
	[tilespmem:$0x9A70] =	vst v16  }
0x577: {  	v22 =	vld [tilespmem:$0x5A60];
	[tilespmem:$0x9B00] =	vst v17  }
0x578: {  	v23 =	vld [tilespmem:$0x5A70];
	[tilespmem:$0x9B90] =	vst v18  }
0x579: {  	v24 =	vld [tilespmem:$0x5A80];
	[tilespmem:$0x9C20] =	vst v19  }
0x57a: {  	v25 =	vld [tilespmem:$0x5A90];
	[tilespmem:$0x9CB0] =	vst v20  }
0x57b: {  	v26 =	vld [tilespmem:$0x5AA0];
	[tilespmem:$0x9D40] =	vst v21  }
0x57c: {  	v27 =	vld [tilespmem:$0x5AB0];
	[tilespmem:$0x9DD0] =	vst v22  }
0x57d: {  	v28 =	vld [tilespmem:$0x5AC0];
	[tilespmem:$0x9E60] =	vst v23  }
0x57e: {  	v29 =	vld [tilespmem:$0x5AD0];
	[tilespmem:$0x9EF0] =	vst v24  }
0x57f: {  	v30 =	vld [tilespmem:$0x5AE0];
	[tilespmem:$0x9F80] =	vst v25  }
0x580: {  	v31 =	vld [tilespmem:$0x5AF0];
	[tilespmem:$0xA010] =	vst v26  }
0x581: {  	v32 =	vld [tilespmem:$0x5B00];
	[tilespmem:$0xA0A0] =	vst v27  }
0x582: {  	v33 =	vld [tilespmem:$0x5B10];
	[tilespmem:$0xA130] =	vst v28  }
0x583: {  	v34 =	vld [tilespmem:$0x5B20];
	[tilespmem:$0xA1C0] =	vst v29  }
0x584: {  	v35 =	vld [tilespmem:$0x5B30];
	[tilespmem:$0xA250] =	vst v30  }
0x585: {  	v36 =	vld [tilespmem:$0x5B40];
	[tilespmem:$0xA2E0] =	vst v31  }
0x586: {  	v37 =	vld [tilespmem:$0x5B50];
	[tilespmem:$0xA370] =	vst v32  }
0x587: {  	v38 =	vld [tilespmem:$0x5B60];
	[tilespmem:$0xA400] =	vst v33  }
0x588: {  	v39 =	vld [tilespmem:$0x5B70];
	[tilespmem:$0xA490] =	vst v34  }
0x589: {  	v40 =	vld [tilespmem:$0x5B80];
	[tilespmem:$0xA520] =	vst v35  }
0x58a: {  	v41 =	vld [tilespmem:$0x5B90];
	[tilespmem:$0xA5B0] =	vst v36  }
0x58b: {  	v42 =	vld [tilespmem:$0x5BA0];
	[tilespmem:$0xA640] =	vst v37  }
0x58c: {  	v43 =	vld [tilespmem:$0x5BB0];
	[tilespmem:$0xA6D0] =	vst v38  }
0x58d: {  	[tilespmem:$0xA760] =	vst v39;
	v44 =	vld [tilespmem:$0x5BC0]  }
0x58e: {  	[tilespmem:$0xA7F0] =	vst v40;
	v45 =	vld [tilespmem:$0x5BD0]  }
0x58f: {  	[tilespmem:$0xA880] =	vst v41;
	v46 =	vld [tilespmem:$0x5BE0]  }
0x590: {  	[tilespmem:$0xA910] =	vst v42;
	v47 =	vld [tilespmem:$0x5BF0]  }
0x591: {  	[tilespmem:$0xA9A0] =	vst v43;
	v48 =	vld [tilespmem:$0x5C00]  }
0x592: {  	v49 =	vld [tilespmem:$0x5C10];
	[tilespmem:$0xAA30] =	vst v44  }
0x593: {  	v50 =	vld [tilespmem:$0x5C20];
	[tilespmem:$0xAAC0] =	vst v45  }
0x594: {  	v51 =	vld [tilespmem:$0x5C30];
	[tilespmem:$0xAB50] =	vst v46  }
0x595: {  	v52 =	vld [tilespmem:$0x5C40];
	[tilespmem:$0xABE0] =	vst v47  }
0x596: {  	v53 =	vld [tilespmem:$0x5C50];
	[tilespmem:$0xAC70] =	vst v48  }
0x597: {  	v54 =	vld [tilespmem:$0x5C60];
	[tilespmem:$0xAD00] =	vst v49  }
0x598: {  	v55 =	vld [tilespmem:$0x5C70];
	[tilespmem:$0xAD90] =	vst v50  }
0x599: {  	v56 =	vld [tilespmem:$0x5C80];
	[tilespmem:$0xAE20] =	vst v51  }
0x59a: {  	v57 =	vld [tilespmem:$0x5C90];
	[tilespmem:$0xAEB0] =	vst v52  }
0x59b: {  	v58 =	vld [tilespmem:$0x5CA0];
	[tilespmem:$0xAF40] =	vst v53  }
0x59c: {  	v59 =	vld [tilespmem:$0x5CB0];
	[tilespmem:$0xAFD0] =	vst v54  }
0x59d: {  	v60 =	vld [tilespmem:$0x5CC0];
	[tilespmem:$0xB060] =	vst v55  }
0x59e: {  	v61 =	vld [tilespmem:$0x5CD0];
	[tilespmem:$0xB0F0] =	vst v56  }
0x59f: {  	v62 =	vld [tilespmem:$0x5CE0];
	[tilespmem:$0xB180] =	vst v57  }
0x5a0: {  	v63 =	vld [tilespmem:$0x5CF0];
	[tilespmem:$0xB210] =	vst v58  }
0x5a1: {  	[tilespmem:$0xB2A0] =	vst v59  }
0x5a2: {  	s26 =	rddreg [dreg:$0x11];
	[tilespmem:$0xB330] =	vst v60  }
0x5a3: {  	s28 =	smul.u32 $0x12, s26;
	[tilespmem:$0xB3C0] =	vst v61  }
0x5a4: {  	s29 =	simm.s32 $0x6D00;
	s18 =	rddreg [dreg:$0xc];
	[tilespmem:$0xB450] =	vst v62  }
0x5a5: {  	s30 =	simm.s32 $0x4;
	s20 =	simm.s32 $0x0;
	s15 =	sadd.s32 s18, s28;
	[tilespmem:$0xB4E0] =	vst v63  }
0x5a6: {  	[hbm4b:s15+s20] =	stream.linear.scatter [tilespmem:s29], [sflag:$0x4], $0x4800, $0x38;
	[tilespmem:$0xB500] =	vst v63  }
0x5a7: {  	_ =	swait.ge [sflag:s30], $0x4800  }
0x5a8: {  	s31 =	rddreg [dreg:$0x10]  }
0x5a9: {  	s1 =	sadd.s32 $0x1, s31  }
0x5aa: {  	p0 =	sne.s32 s1, $0x4  }
.Ltmp3:
0x5ab: {  	_ = 	snop;
	(pc) =	sbr.rel @!p0 .LBB2_6-.Ltmp3, $3  }
0x5ac: {  	_ =	sdelay $0x1  }
0x5ad: {  	[sflag:s30] =	ssyncset.done $0x0  }
0x5ae: {  	s0 =	simm.s32 $0x80;
	s5 =	rddreg [dreg:$0x12];
	[sflag:s30] =	ssyncadd.s32 $0xFFFFB800  }
.LBB2_2:
0x5af: {  	s15 =	sshll.u32 s1, $0x7;
	s18 =	rddreg [dreg:$0xd]  }
0x5b0: {  	[dreg:$0x10] =	wrdreg s1;
	s1 =	sadd.s32 s18, s15  }
0x5b1: {  	s25 =	rddreg [dreg:$0x2];
	s19 =	simm.s32 $0x4;
	s15 =	sshrl.u32 s1, $0x3  }
0x5b2: {  	s26 =	simm.s32 $0x4000;
	[dreg:$0x11] =	wrdreg s1;
	s18 =	sadd.s32 s25, s15  }
0x5b3: {  	[tilespmem:s20], [sflag:$0x4] =	stream.strided.gather [hbm4b:s18+s0], $0x400, s26, s0, $0x38;
	[tilespmem:$0xB500] =	vst v63  }
0x5b4: {  	_ =	swait.ge [sflag:s19], $0x400  }
0x5b5: {  	s29 =	simm.s32 $0x400;
	[sflag:s19] =	ssyncset.done $0x0;
	s28 =	rddreg [dreg:$0x3]  }
0x5b6: {  	s30 =	simm.s32 $0x4;
	[sflag:s19] =	ssyncadd.s32 $0xFFFFFC00;
	s15 =	sadd.s32 s28, s15  }
0x5b7: {  	[tilespmem:s29], [sflag:$0x4] =	stream.strided.gather [hbm4b:s15+s0], $0x1900, s26, s0, $0x38;
	[tilespmem:$0xB500] =	vst v63  }
0x5b8: {  	_ =	swait.ge [sflag:s30], $0x1900  }
0x5b9: {  	[sflag:s30] =	ssyncset.done $0x0  }
0x5ba: {  	s1 =	simm.s32 $0x1D00;
	s31 =	rddreg [dreg:$0x4];
	[sflag:s30] =	ssyncadd.s32 $0xFFFFE700  }
0x5bb: {  	[tilespmem:s1], [sflag:$0x1] =	stream.indirect.gather [hbm4b:s31+s0], $0x10, s20, s0, $0xb8;
	[tilespmem:$0xB500] =	vst v63  }
0x5bc: {  	s3 =	simm.s32 $0x2500;
	s2 =	rddreg [dreg:$0x5]  }
0x5bd: {  	[tilespmem:s3], [sflag:$0x1] =	stream.indirect.gather [hbm4b:s2+s0], $0x10, s0, s0, $0xb8;
	[tilespmem:$0xB500] =	vst v63  }
0x5be: {  	s6 =	simm.s32 $0x100;
	s7 =	simm.s32 $0x2D00;
	s4 =	rddreg [dreg:$0x6]  }
0x5bf: {  	[tilespmem:s7], [sflag:$0x1] =	stream.indirect.gather [hbm4b:s4+s0], $0x10, s6, s0, $0xb8;
	[tilespmem:$0xB500] =	vst v63  }
0x5c0: {  	s9 =	simm.s32 $0x180;
	s10 =	simm.s32 $0x3500;
	s8 =	rddreg [dreg:$0x7]  }
0x5c1: {  	[tilespmem:s10], [sflag:$0x1] =	stream.indirect.gather [hbm4b:s8+s0], $0x10, s9, s0, $0xb8;
	[tilespmem:$0xB500] =	vst v63  }
0x5c2: {  	s12 =	simm.s32 $0x200;
	s13 =	simm.s32 $0x3D00;
	s11 =	rddreg [dreg:$0x8]  }
0x5c3: {  	[tilespmem:s13], [sflag:$0x1] =	stream.indirect.gather [hbm4b:s11+s0], $0x10, s12, s0, $0xb8;
	[tilespmem:$0xB500] =	vst v63  }
0x5c4: {  	s16 =	simm.s32 $0x280;
	s17 =	simm.s32 $0x4500;
	s14 =	rddreg [dreg:$0x9]  }
0x5c5: {  	[tilespmem:s17], [sflag:$0x1] =	stream.indirect.gather [hbm4b:s14+s0], $0x10, s16, s0, $0xb8;
	[tilespmem:$0xB500] =	vst v63  }
0x5c6: {  	s22 =	simm.s32 $0x300;
	s23 =	simm.s32 $0x4D00;
	s21 =	rddreg [dreg:$0xa]  }
0x5c7: {  	[tilespmem:s23], [sflag:$0x1] =	stream.indirect.gather [hbm4b:s21+s0], $0x10, s22, s0, $0xb8;
	[tilespmem:$0xB500] =	vst v63  }
0x5c8: {  	s25 =	simm.s32 $0x380;
	s26 =	simm.s32 $0x5500;
	s24 =	rddreg [dreg:$0xb]  }
0x5c9: {  	[tilespmem:s26], [sflag:$0x1] =	stream.indirect.gather [hbm4b:s24+s0], $0x10, s25, s0, $0xb8;
	[tilespmem:$0xB500] =	vst v63  }
0x5ca: {  	s2 =	simm.s32 $0x5D00  }
0x5cb: {  	[tilespmem:s2], [sflag:$0x2] =	stream.indirect.gather [hbm4b:s5+s0], $0x10, s29, s0, $0xb8;
	[tilespmem:$0xB500] =	vst v63  }
0x5cc: {  	s28 =	simm.s32 $0x480;
	s30 =	simm.s32 $0x2;
	s29 =	simm.s32 $0x6500  }
0x5cd: {  	[tilespmem:s29], [sflag:$0x3] =	stream.indirect.gather [hbm4b:s5+s0], $0x10, s28, s0, $0xb8;
	[tilespmem:$0xB500] =	vst v63  }
0x5ce: {  	_ =	swait.ge [sflag:s30], $0x800  }
0x5cf: {  	[sflag:s30] =	ssyncset.done $0x0  }
0x5d0: {  	[sflag:s30] =	ssyncadd.s32 $0xFFFFF800  }
0x5d1: {  	v0 =	vld [tilespmem:$0x5D00]  }
0x5d2: {  	v1 =	vld [tilespmem:$0x5D10]  }
0x5d3: {  	v2 =	vld [tilespmem:$0x5D20]  }
0x5d4: {  	v3 =	vld [tilespmem:$0x5D30]  }
0x5d5: {  	v4 =	vld [tilespmem:$0x5D40]  }
0x5d6: {  	v53 =	vld [tilespmem:$0x5D50];
	[tilespmem:$0x6D80] =	vst v0  }
0x5d7: {  	v54 =	vld [tilespmem:$0x5D60];
	[tilespmem:$0x6E10] =	vst v1  }
0x5d8: {  	v55 =	vld [tilespmem:$0x5D70];
	[tilespmem:$0x6EA0] =	vst v2  }
0x5d9: {  	v56 =	vld [tilespmem:$0x5D80];
	[tilespmem:$0x6F30] =	vst v3  }
0x5da: {  	v57 =	vld [tilespmem:$0x5D90];
	[tilespmem:$0x6FC0] =	vst v4  }
0x5db: {  	v58 =	vld [tilespmem:$0x5DA0];
	[tilespmem:$0x7050] =	vst v53  }
0x5dc: {  	v59 =	vld [tilespmem:$0x5DB0];
	[tilespmem:$0x70E0] =	vst v54  }
0x5dd: {  	v60 =	vld [tilespmem:$0x5DC0];
	[tilespmem:$0x7170] =	vst v55  }
0x5de: {  	v61 =	vld [tilespmem:$0x5DD0];
	[tilespmem:$0x7200] =	vst v56  }
0x5df: {  	v62 =	vld [tilespmem:$0x5DE0];
	[tilespmem:$0x7290] =	vst v57  }
0x5e0: {  	v63 =	vld [tilespmem:$0x5DF0];
	[tilespmem:$0x7320] =	vst v58  }
0x5e1: {  	v8 =	vld [tilespmem:$0x5E00];
	[tilespmem:$0x73B0] =	vst v59  }
0x5e2: {  	v9 =	vld [tilespmem:$0x5E10];
	[tilespmem:$0x7440] =	vst v60  }
0x5e3: {  	v10 =	vld [tilespmem:$0x5E20];
	[tilespmem:$0x74D0] =	vst v61  }
0x5e4: {  	v11 =	vld [tilespmem:$0x5E30];
	[tilespmem:$0x7560] =	vst v62  }
0x5e5: {  	v12 =	vld [tilespmem:$0x5E40];
	[tilespmem:$0x75F0] =	vst v63  }
0x5e6: {  	v13 =	vld [tilespmem:$0x5E50];
	[tilespmem:$0x7680] =	vst v8  }
0x5e7: {  	v14 =	vld [tilespmem:$0x5E60];
	[tilespmem:$0x7710] =	vst v9  }
0x5e8: {  	v15 =	vld [tilespmem:$0x5E70];
	[tilespmem:$0x77A0] =	vst v10  }
0x5e9: {  	v16 =	vld [tilespmem:$0x5E80];
	[tilespmem:$0x7830] =	vst v11  }
0x5ea: {  	v17 =	vld [tilespmem:$0x5E90];
	[tilespmem:$0x78C0] =	vst v12  }
0x5eb: {  	v18 =	vld [tilespmem:$0x5EA0];
	[tilespmem:$0x7950] =	vst v13  }
0x5ec: {  	v19 =	vld [tilespmem:$0x5EB0];
	[tilespmem:$0x79E0] =	vst v14  }
0x5ed: {  	v20 =	vld [tilespmem:$0x5EC0];
	[tilespmem:$0x7A70] =	vst v15  }
0x5ee: {  	v21 =	vld [tilespmem:$0x5ED0];
	[tilespmem:$0x7B00] =	vst v16  }
0x5ef: {  	v22 =	vld [tilespmem:$0x5EE0];
	[tilespmem:$0x7B90] =	vst v17  }
0x5f0: {  	v23 =	vld [tilespmem:$0x5EF0];
	[tilespmem:$0x7C20] =	vst v18  }
0x5f1: {  	v24 =	vld [tilespmem:$0x5F00];
	[tilespmem:$0x7CB0] =	vst v19  }
0x5f2: {  	v25 =	vld [tilespmem:$0x5F10];
	[tilespmem:$0x7D40] =	vst v20  }
0x5f3: {  	v26 =	vld [tilespmem:$0x5F20];
	[tilespmem:$0x7DD0] =	vst v21  }
0x5f4: {  	v27 =	vld [tilespmem:$0x5F30];
	[tilespmem:$0x7E60] =	vst v22  }
0x5f5: {  	v28 =	vld [tilespmem:$0x5F40];
	[tilespmem:$0x7EF0] =	vst v23  }
0x5f6: {  	v29 =	vld [tilespmem:$0x5F50];
	[tilespmem:$0x7F80] =	vst v24  }
0x5f7: {  	v30 =	vld [tilespmem:$0x5F60];
	[tilespmem:$0x8010] =	vst v25  }
0x5f8: {  	v31 =	vld [tilespmem:$0x5F70];
	[tilespmem:$0x80A0] =	vst v26  }
0x5f9: {  	v32 =	vld [tilespmem:$0x5F80];
	[tilespmem:$0x8130] =	vst v27  }
0x5fa: {  	v33 =	vld [tilespmem:$0x5F90];
	[tilespmem:$0x81C0] =	vst v28  }
0x5fb: {  	v34 =	vld [tilespmem:$0x5FA0];
	[tilespmem:$0x8250] =	vst v29  }
0x5fc: {  	v35 =	vld [tilespmem:$0x5FB0];
	[tilespmem:$0x82E0] =	vst v30  }
0x5fd: {  	v36 =	vld [tilespmem:$0x5FC0];
	[tilespmem:$0x8370] =	vst v31  }
0x5fe: {  	v37 =	vld [tilespmem:$0x5FD0];
	[tilespmem:$0x8400] =	vst v32  }
0x5ff: {  	v38 =	vld [tilespmem:$0x5FE0];
	[tilespmem:$0x8490] =	vst v33  }
0x600: {  	v39 =	vld [tilespmem:$0x5FF0];
	[tilespmem:$0x8520] =	vst v34  }
0x601: {  	v40 =	vld [tilespmem:$0x6000];
	[tilespmem:$0x85B0] =	vst v35  }
0x602: {  	v41 =	vld [tilespmem:$0x6010];
	[tilespmem:$0x8640] =	vst v36  }
0x603: {  	v42 =	vld [tilespmem:$0x6020];
	[tilespmem:$0x86D0] =	vst v37  }
0x604: {  	v43 =	vld [tilespmem:$0x6030];
	[tilespmem:$0x8760] =	vst v38  }
0x605: {  	v44 =	vld [tilespmem:$0x6040];
	[tilespmem:$0x87F0] =	vst v39  }
0x606: {  	v45 =	vld [tilespmem:$0x6050];
	[tilespmem:$0x8880] =	vst v40  }
0x607: {  	v46 =	vld [tilespmem:$0x6060];
	[tilespmem:$0x8910] =	vst v41  }
0x608: {  	v47 =	vld [tilespmem:$0x6070];
	[tilespmem:$0x89A0] =	vst v42  }
0x609: {  	v48 =	vld [tilespmem:$0x6080];
	[tilespmem:$0x8A30] =	vst v43  }
0x60a: {  	v49 =	vld [tilespmem:$0x6090];
	[tilespmem:$0x8AC0] =	vst v44  }
0x60b: {  	v50 =	vld [tilespmem:$0x60A0];
	[tilespmem:$0x8B50] =	vst v45  }
0x60c: {  	v51 =	vld [tilespmem:$0x60B0];
	[tilespmem:$0x8BE0] =	vst v46  }
0x60d: {  	v52 =	vld [tilespmem:$0x60C0];
	[tilespmem:$0x8C70] =	vst v47  }
0x60e: {  	[tilespmem:$0x8D00] =	vst v48;
	v53 =	vld [tilespmem:$0x60D0]  }
0x60f: {  	[tilespmem:$0x8D90] =	vst v49;
	v54 =	vld [tilespmem:$0x60E0]  }
0x610: {  	[tilespmem:$0x8E20] =	vst v50;
	v55 =	vld [tilespmem:$0x60F0]  }
0x611: {  	[tilespmem:$0x8EB0] =	vst v51;
	v56 =	vld [tilespmem:$0x6100]  }
0x612: {  	[tilespmem:$0x8F40] =	vst v52;
	v57 =	vld [tilespmem:$0x6110]  }
0x613: {  	v58 =	vld [tilespmem:$0x6120];
	[tilespmem:$0x8FD0] =	vst v53  }
0x614: {  	v59 =	vld [tilespmem:$0x6130];
	[tilespmem:$0x9060] =	vst v54  }
0x615: {  	v60 =	vld [tilespmem:$0x6140];
	[tilespmem:$0x90F0] =	vst v55  }
0x616: {  	v61 =	vld [tilespmem:$0x6150];
	[tilespmem:$0x9180] =	vst v56  }
0x617: {  	v62 =	vld [tilespmem:$0x6160];
	[tilespmem:$0x9210] =	vst v57  }
0x618: {  	v63 =	vld [tilespmem:$0x6170];
	[tilespmem:$0x92A0] =	vst v58  }
0x619: {  	v8 =	vld [tilespmem:$0x6180];
	[tilespmem:$0x9330] =	vst v59  }
0x61a: {  	v9 =	vld [tilespmem:$0x6190];
	[tilespmem:$0x93C0] =	vst v60  }
0x61b: {  	v10 =	vld [tilespmem:$0x61A0];
	[tilespmem:$0x9450] =	vst v61  }
0x61c: {  	v11 =	vld [tilespmem:$0x61B0];
	[tilespmem:$0x94E0] =	vst v62  }
0x61d: {  	v12 =	vld [tilespmem:$0x61C0];
	[tilespmem:$0x9570] =	vst v63  }
0x61e: {  	v13 =	vld [tilespmem:$0x61D0];
	[tilespmem:$0x9600] =	vst v8  }
0x61f: {  	v14 =	vld [tilespmem:$0x61E0];
	[tilespmem:$0x9690] =	vst v9  }
0x620: {  	v15 =	vld [tilespmem:$0x61F0];
	[tilespmem:$0x9720] =	vst v10  }
0x621: {  	v16 =	vld [tilespmem:$0x6200];
	[tilespmem:$0x97B0] =	vst v11  }
0x622: {  	v17 =	vld [tilespmem:$0x6210];
	[tilespmem:$0x9840] =	vst v12  }
0x623: {  	v18 =	vld [tilespmem:$0x6220];
	[tilespmem:$0x98D0] =	vst v13  }
0x624: {  	v19 =	vld [tilespmem:$0x6230];
	[tilespmem:$0x9960] =	vst v14  }
0x625: {  	v20 =	vld [tilespmem:$0x6240];
	[tilespmem:$0x99F0] =	vst v15  }
0x626: {  	v21 =	vld [tilespmem:$0x6250];
	[tilespmem:$0x9A80] =	vst v16  }
0x627: {  	v22 =	vld [tilespmem:$0x6260];
	[tilespmem:$0x9B10] =	vst v17  }
0x628: {  	v23 =	vld [tilespmem:$0x6270];
	[tilespmem:$0x9BA0] =	vst v18  }
0x629: {  	v24 =	vld [tilespmem:$0x6280];
	[tilespmem:$0x9C30] =	vst v19  }
0x62a: {  	v25 =	vld [tilespmem:$0x6290];
	[tilespmem:$0x9CC0] =	vst v20  }
0x62b: {  	v26 =	vld [tilespmem:$0x62A0];
	[tilespmem:$0x9D50] =	vst v21  }
0x62c: {  	v27 =	vld [tilespmem:$0x62B0];
	[tilespmem:$0x9DE0] =	vst v22  }
0x62d: {  	v28 =	vld [tilespmem:$0x62C0];
	[tilespmem:$0x9E70] =	vst v23  }
0x62e: {  	v29 =	vld [tilespmem:$0x62D0];
	[tilespmem:$0x9F00] =	vst v24  }
0x62f: {  	v30 =	vld [tilespmem:$0x62E0];
	[tilespmem:$0x9F90] =	vst v25  }
0x630: {  	v31 =	vld [tilespmem:$0x62F0];
	[tilespmem:$0xA020] =	vst v26  }
0x631: {  	v32 =	vld [tilespmem:$0x6300];
	[tilespmem:$0xA0B0] =	vst v27  }
0x632: {  	v33 =	vld [tilespmem:$0x6310];
	[tilespmem:$0xA140] =	vst v28  }
0x633: {  	v34 =	vld [tilespmem:$0x6320];
	[tilespmem:$0xA1D0] =	vst v29  }
0x634: {  	v35 =	vld [tilespmem:$0x6330];
	[tilespmem:$0xA260] =	vst v30  }
0x635: {  	v36 =	vld [tilespmem:$0x6340];
	[tilespmem:$0xA2F0] =	vst v31  }
0x636: {  	v37 =	vld [tilespmem:$0x6350];
	[tilespmem:$0xA380] =	vst v32  }
0x637: {  	v38 =	vld [tilespmem:$0x6360];
	[tilespmem:$0xA410] =	vst v33  }
0x638: {  	v39 =	vld [tilespmem:$0x6370];
	[tilespmem:$0xA4A0] =	vst v34  }
0x639: {  	v40 =	vld [tilespmem:$0x6380];
	[tilespmem:$0xA530] =	vst v35  }
0x63a: {  	v41 =	vld [tilespmem:$0x6390];
	[tilespmem:$0xA5C0] =	vst v36  }
0x63b: {  	v42 =	vld [tilespmem:$0x63A0];
	[tilespmem:$0xA650] =	vst v37  }
0x63c: {  	v43 =	vld [tilespmem:$0x63B0];
	[tilespmem:$0xA6E0] =	vst v38  }
0x63d: {  	v44 =	vld [tilespmem:$0x63C0];
	[tilespmem:$0xA770] =	vst v39  }
0x63e: {  	v45 =	vld [tilespmem:$0x63D0];
	[tilespmem:$0xA800] =	vst v40  }
0x63f: {  	v46 =	vld [tilespmem:$0x63E0];
	[tilespmem:$0xA890] =	vst v41  }
0x640: {  	v47 =	vld [tilespmem:$0x63F0];
	[tilespmem:$0xA920] =	vst v42  }
0x641: {  	v48 =	vld [tilespmem:$0x6400];
	[tilespmem:$0xA9B0] =	vst v43  }
0x642: {  	v49 =	vld [tilespmem:$0x6410];
	[tilespmem:$0xAA40] =	vst v44  }
0x643: {  	v50 =	vld [tilespmem:$0x6420];
	[tilespmem:$0xAAD0] =	vst v45  }
0x644: {  	v51 =	vld [tilespmem:$0x6430];
	[tilespmem:$0xAB60] =	vst v46  }
0x645: {  	v52 =	vld [tilespmem:$0x6440];
	[tilespmem:$0xABF0] =	vst v47  }
0x646: {  	[tilespmem:$0xAC80] =	vst v48;
	v53 =	vld [tilespmem:$0x6450]  }
0x647: {  	[tilespmem:$0xAD10] =	vst v49;
	v54 =	vld [tilespmem:$0x6460]  }
0x648: {  	[tilespmem:$0xADA0] =	vst v50;
	v55 =	vld [tilespmem:$0x6470]  }
0x649: {  	[tilespmem:$0xAE30] =	vst v51;
	v56 =	vld [tilespmem:$0x6480]  }
0x64a: {  	[tilespmem:$0xAEC0] =	vst v52;
	v57 =	vld [tilespmem:$0x6490]  }
0x64b: {  	v58 =	vld [tilespmem:$0x64A0];
	[tilespmem:$0xAF50] =	vst v53  }
0x64c: {  	v59 =	vld [tilespmem:$0x64B0];
	[tilespmem:$0xAFE0] =	vst v54  }
0x64d: {  	v60 =	vld [tilespmem:$0x64C0];
	[tilespmem:$0xB070] =	vst v55  }
0x64e: {  	v61 =	vld [tilespmem:$0x64D0];
	[tilespmem:$0xB100] =	vst v56  }
0x64f: {  	v62 =	vld [tilespmem:$0x64E0];
	[tilespmem:$0xB190] =	vst v57  }
0x650: {  	v63 =	vld [tilespmem:$0x64F0];
	[tilespmem:$0xB220] =	vst v58  }
0x651: {  	[tilespmem:$0xB2B0] =	vst v59  }
0x652: {  	[tilespmem:$0xB340] =	vst v60  }
0x653: {  	[tilespmem:$0xB3D0] =	vst v61  }
0x654: {  	[tilespmem:$0xB460] =	vst v62  }
0x655: {  	s15 =	simm.s32 $0xFFFFA400;
	s31 =	simm.s32 $0x500;
	[tilespmem:$0xB4F0] =	vst v63  }
0x656: {  	[tilespmem:s2], [sflag:$0x2] =	stream.indirect.gather [hbm4b:s5+s0], $0x10, s31, s0, $0xb8;
	[tilespmem:$0xB500] =	vst v63  }
.LBB2_3:
0x657: {  	s0 =	simm.s32 $0x3  }
0x658: {  	_ =	swait.ge [sflag:s0], $0x800  }
0x659: {  	[sflag:s0] =	ssyncset.done $0x0  }
0x65a: {  	[sflag:s0] =	ssyncadd.s32 $0xFFFFF800  }
0x65b: {  	v0 =	vld [tilespmem:$0x6500];
	_ =	sdelay $0x3  }
0x65c: {  	s22 =	simm.s32 $0x6D80  }
0x65d: {  	[tilespmem:s22+$0x0] =	vst.add.f32.msk $0xffff, v0  }
0x65e: {  	v0 =	vld [tilespmem:$0x6510];
	_ =	sdelay $0x3  }
0x65f: {  	s24 =	simm.s32 $0x6E10  }
0x660: {  	[tilespmem:s24+$0x0] =	vst.add.f32.msk $0xffff, v0  }
0x661: {  	v0 =	vld [tilespmem:$0x6520];
	_ =	sdelay $0x3  }
0x662: {  	s29 =	simm.s32 $0x6EA0  }
0x663: {  	[tilespmem:s29+$0x0] =	vst.add.f32.msk $0xffff, v0  }
0x664: {  	v0 =	vld [tilespmem:$0x6530];
	_ =	sdelay $0x3  }
0x665: {  	s30 =	simm.s32 $0x6F30  }
0x666: {  	[tilespmem:s30+$0x0] =	vst.add.f32.msk $0xffff, v0  }
0x667: {  	v0 =	vld [tilespmem:$0x6540];
	_ =	sdelay $0x3  }
0x668: {  	s31 =	simm.s32 $0x6FC0  }
0x669: {  	[tilespmem:s31+$0x0] =	vst.add.f32.msk $0xffff, v0  }
0x66a: {  	v0 =	vld [tilespmem:$0x6550];
	_ =	sdelay $0x3  }
0x66b: {  	s18 =	simm.s32 $0x7050  }
0x66c: {  	[tilespmem:s18+$0x0] =	vst.add.f32.msk $0xffff, v0  }
0x66d: {  	v0 =	vld [tilespmem:$0x6560];
	_ =	sdelay $0x3  }
0x66e: {  	s10 =	simm.s32 $0x70E0  }
0x66f: {  	[tilespmem:s10+$0x0] =	vst.add.f32.msk $0xffff, v0  }
0x670: {  	v0 =	vld [tilespmem:$0x6570];
	_ =	sdelay $0x3  }
0x671: {  	s16 =	simm.s32 $0x7170  }
0x672: {  	[tilespmem:s16+$0x0] =	vst.add.f32.msk $0xffff, v0  }
0x673: {  	v0 =	vld [tilespmem:$0x6580];
	_ =	sdelay $0x3  }
0x674: {  	s21 =	simm.s32 $0x7200  }
0x675: {  	[tilespmem:s21+$0x0] =	vst.add.f32.msk $0xffff, v0  }
0x676: {  	v0 =	vld [tilespmem:$0x6590];
	_ =	sdelay $0x3  }
0x677: {  	s23 =	simm.s32 $0x7290  }
0x678: {  	[tilespmem:s23+$0x0] =	vst.add.f32.msk $0xffff, v0  }
0x679: {  	v0 =	vld [tilespmem:$0x65A0];
	_ =	sdelay $0x3  }
0x67a: {  	s26 =	simm.s32 $0x7320  }
0x67b: {  	[tilespmem:s26+$0x0] =	vst.add.f32.msk $0xffff, v0  }
0x67c: {  	v0 =	vld [tilespmem:$0x65B0];
	_ =	sdelay $0x3  }
0x67d: {  	s19 =	simm.s32 $0x73B0  }
0x67e: {  	[tilespmem:s19+$0x0] =	vst.add.f32.msk $0xffff, v0  }
0x67f: {  	v0 =	vld [tilespmem:$0x65C0];
	_ =	sdelay $0x3  }
0x680: {  	s3 =	simm.s32 $0x7440  }
0x681: {  	[tilespmem:s3+$0x0] =	vst.add.f32.msk $0xffff, v0  }
0x682: {  	v0 =	vld [tilespmem:$0x65D0];
	_ =	sdelay $0x3  }
0x683: {  	s4 =	simm.s32 $0x74D0  }
0x684: {  	[tilespmem:s4+$0x0] =	vst.add.f32.msk $0xffff, v0  }
0x685: {  	v0 =	vld [tilespmem:$0x65E0];
	_ =	sdelay $0x3  }
0x686: {  	s5 =	simm.s32 $0x7560  }
0x687: {  	[tilespmem:s5+$0x0] =	vst.add.f32.msk $0xffff, v0  }
0x688: {  	v0 =	vld [tilespmem:$0x65F0];
	_ =	sdelay $0x3  }
0x689: {  	s6 =	simm.s32 $0x75F0  }
0x68a: {  	[tilespmem:s6+$0x0] =	vst.add.f32.msk $0xffff, v0  }
0x68b: {  	v0 =	vld [tilespmem:$0x6600];
	_ =	sdelay $0x3  }
0x68c: {  	s7 =	simm.s32 $0x7680  }
0x68d: {  	[tilespmem:s7+$0x0] =	vst.add.f32.msk $0xffff, v0  }
0x68e: {  	v0 =	vld [tilespmem:$0x6610];
	_ =	sdelay $0x3  }
0x68f: {  	s8 =	simm.s32 $0x7710  }
0x690: {  	[tilespmem:s8+$0x0] =	vst.add.f32.msk $0xffff, v0  }
0x691: {  	v0 =	vld [tilespmem:$0x6620];
	_ =	sdelay $0x3  }
0x692: {  	s9 =	simm.s32 $0x77A0  }
0x693: {  	[tilespmem:s9+$0x0] =	vst.add.f32.msk $0xffff, v0  }
0x694: {  	v0 =	vld [tilespmem:$0x6630];
	_ =	sdelay $0x3  }
0x695: {  	s11 =	simm.s32 $0x7830  }
0x696: {  	[tilespmem:s11+$0x0] =	vst.add.f32.msk $0xffff, v0  }
0x697: {  	v0 =	vld [tilespmem:$0x6640];
	_ =	sdelay $0x3  }
0x698: {  	s12 =	simm.s32 $0x78C0  }
0x699: {  	[tilespmem:s12+$0x0] =	vst.add.f32.msk $0xffff, v0  }
0x69a: {  	v0 =	vld [tilespmem:$0x6650];
	_ =	sdelay $0x3  }
0x69b: {  	s14 =	simm.s32 $0x7950  }
0x69c: {  	[tilespmem:s14+$0x0] =	vst.add.f32.msk $0xffff, v0  }
0x69d: {  	v0 =	vld [tilespmem:$0x6660];
	_ =	sdelay $0x3  }
0x69e: {  	s17 =	simm.s32 $0x79E0  }
0x69f: {  	[tilespmem:s17+$0x0] =	vst.add.f32.msk $0xffff, v0  }
0x6a0: {  	v0 =	vld [tilespmem:$0x6670];
	_ =	sdelay $0x3  }
0x6a1: {  	s28 =	simm.s32 $0x7A70  }
0x6a2: {  	[tilespmem:s28+$0x0] =	vst.add.f32.msk $0xffff, v0  }
0x6a3: {  	v0 =	vld [tilespmem:$0x6680];
	_ =	sdelay $0x3  }
0x6a4: {  	s13 =	simm.s32 $0x7B00  }
0x6a5: {  	[tilespmem:s13+$0x0] =	vst.add.f32.msk $0xffff, v0  }
0x6a6: {  	v0 =	vld [tilespmem:$0x6690];
	_ =	sdelay $0x3  }
0x6a7: {  	s19 =	simm.s32 $0x7B90  }
0x6a8: {  	[tilespmem:s19+$0x0] =	vst.add.f32.msk $0xffff, v0  }
0x6a9: {  	v0 =	vld [tilespmem:$0x66A0];
	_ =	sdelay $0x3  }
0x6aa: {  	s25 =	simm.s32 $0x7C20  }
0x6ab: {  	[tilespmem:s25+$0x0] =	vst.add.f32.msk $0xffff, v0  }
0x6ac: {  	v0 =	vld [tilespmem:$0x66B0];
	_ =	sdelay $0x3  }
0x6ad: {  	s20 =	simm.s32 $0x7CB0  }
0x6ae: {  	[tilespmem:s20+$0x0] =	vst.add.f32.msk $0xffff, v0  }
0x6af: {  	v0 =	vld [tilespmem:$0x66C0];
	_ =	sdelay $0x3  }
0x6b0: {  	s1 =	simm.s32 $0x7D40  }
0x6b1: {  	[tilespmem:s1+$0x0] =	vst.add.f32.msk $0xffff, v0  }
0x6b2: {  	v0 =	vld [tilespmem:$0x66D0];
	_ =	sdelay $0x3  }
0x6b3: {  	s2 =	simm.s32 $0x7DD0  }
0x6b4: {  	[tilespmem:s2+$0x0] =	vst.add.f32.msk $0xffff, v0  }
0x6b5: {  	v0 =	vld [tilespmem:$0x66E0];
	_ =	sdelay $0x3  }
0x6b6: {  	s18 =	simm.s32 $0x7E60  }
0x6b7: {  	[tilespmem:s18+$0x0] =	vst.add.f32.msk $0xffff, v0  }
0x6b8: {  	v0 =	vld [tilespmem:$0x66F0];
	_ =	sdelay $0x3  }
0x6b9: {  	s20 =	simm.s32 $0x7EF0  }
0x6ba: {  	[tilespmem:s20+$0x0] =	vst.add.f32.msk $0xffff, v0  }
0x6bb: {  	v0 =	vld [tilespmem:$0x6700];
	_ =	sdelay $0x3  }
0x6bc: {  	s1 =	simm.s32 $0x7F80  }
0x6bd: {  	[tilespmem:s1+$0x0] =	vst.add.f32.msk $0xffff, v0  }
0x6be: {  	v0 =	vld [tilespmem:$0x6710];
	_ =	sdelay $0x3  }
0x6bf: {  	s2 =	simm.s32 $0x8010  }
0x6c0: {  	[tilespmem:s2+$0x0] =	vst.add.f32.msk $0xffff, v0  }
0x6c1: {  	v0 =	vld [tilespmem:$0x6720];
	_ =	sdelay $0x3  }
0x6c2: {  	s18 =	simm.s32 $0x80A0  }
0x6c3: {  	[tilespmem:s18+$0x0] =	vst.add.f32.msk $0xffff, v0  }
0x6c4: {  	v0 =	vld [tilespmem:$0x6730];
	_ =	sdelay $0x3  }
0x6c5: {  	s20 =	simm.s32 $0x8130  }
0x6c6: {  	[tilespmem:s20+$0x0] =	vst.add.f32.msk $0xffff, v0  }
0x6c7: {  	v0 =	vld [tilespmem:$0x6740];
	_ =	sdelay $0x3  }
0x6c8: {  	s1 =	simm.s32 $0x81C0  }
0x6c9: {  	[tilespmem:s1+$0x0] =	vst.add.f32.msk $0xffff, v0  }
0x6ca: {  	v0 =	vld [tilespmem:$0x6750];
	_ =	sdelay $0x3  }
0x6cb: {  	s2 =	simm.s32 $0x8250  }
0x6cc: {  	[tilespmem:s2+$0x0] =	vst.add.f32.msk $0xffff, v0  }
0x6cd: {  	v0 =	vld [tilespmem:$0x6760];
	_ =	sdelay $0x3  }
0x6ce: {  	s18 =	simm.s32 $0x82E0  }
0x6cf: {  	[tilespmem:s18+$0x0] =	vst.add.f32.msk $0xffff, v0  }
0x6d0: {  	v0 =	vld [tilespmem:$0x6770];
	_ =	sdelay $0x3  }
0x6d1: {  	s20 =	simm.s32 $0x8370  }
0x6d2: {  	[tilespmem:s20+$0x0] =	vst.add.f32.msk $0xffff, v0  }
0x6d3: {  	v0 =	vld [tilespmem:$0x6780];
	_ =	sdelay $0x3  }
0x6d4: {  	s1 =	simm.s32 $0x8400  }
0x6d5: {  	[tilespmem:s1+$0x0] =	vst.add.f32.msk $0xffff, v0  }
0x6d6: {  	v0 =	vld [tilespmem:$0x6790];
	_ =	sdelay $0x3  }
0x6d7: {  	s2 =	simm.s32 $0x8490  }
0x6d8: {  	[tilespmem:s2+$0x0] =	vst.add.f32.msk $0xffff, v0  }
0x6d9: {  	v0 =	vld [tilespmem:$0x67A0];
	_ =	sdelay $0x3  }
0x6da: {  	s18 =	simm.s32 $0x8520  }
0x6db: {  	[tilespmem:s18+$0x0] =	vst.add.f32.msk $0xffff, v0  }
0x6dc: {  	v0 =	vld [tilespmem:$0x67B0];
	_ =	sdelay $0x3  }
0x6dd: {  	s20 =	simm.s32 $0x85B0  }
0x6de: {  	[tilespmem:s20+$0x0] =	vst.add.f32.msk $0xffff, v0  }
0x6df: {  	v0 =	vld [tilespmem:$0x67C0];
	_ =	sdelay $0x3  }
0x6e0: {  	s1 =	simm.s32 $0x8640  }
0x6e1: {  	[tilespmem:s1+$0x0] =	vst.add.f32.msk $0xffff, v0  }
0x6e2: {  	v0 =	vld [tilespmem:$0x67D0];
	_ =	sdelay $0x3  }
0x6e3: {  	s2 =	simm.s32 $0x86D0  }
0x6e4: {  	[tilespmem:s2+$0x0] =	vst.add.f32.msk $0xffff, v0  }
0x6e5: {  	v0 =	vld [tilespmem:$0x67E0];
	_ =	sdelay $0x3  }
0x6e6: {  	s18 =	simm.s32 $0x8760  }
0x6e7: {  	[tilespmem:s18+$0x0] =	vst.add.f32.msk $0xffff, v0  }
0x6e8: {  	v0 =	vld [tilespmem:$0x67F0];
	_ =	sdelay $0x3  }
0x6e9: {  	s20 =	simm.s32 $0x87F0  }
0x6ea: {  	[tilespmem:s20+$0x0] =	vst.add.f32.msk $0xffff, v0  }
0x6eb: {  	v0 =	vld [tilespmem:$0x6800];
	_ =	sdelay $0x3  }
0x6ec: {  	s1 =	simm.s32 $0x8880  }
0x6ed: {  	[tilespmem:s1+$0x0] =	vst.add.f32.msk $0xffff, v0  }
0x6ee: {  	v0 =	vld [tilespmem:$0x6810];
	_ =	sdelay $0x3  }
0x6ef: {  	s2 =	simm.s32 $0x8910  }
0x6f0: {  	[tilespmem:s2+$0x0] =	vst.add.f32.msk $0xffff, v0  }
0x6f1: {  	v0 =	vld [tilespmem:$0x6820];
	_ =	sdelay $0x3  }
0x6f2: {  	s18 =	simm.s32 $0x89A0  }
0x6f3: {  	[tilespmem:s18+$0x0] =	vst.add.f32.msk $0xffff, v0  }
0x6f4: {  	v0 =	vld [tilespmem:$0x6830];
	_ =	sdelay $0x3  }
0x6f5: {  	s20 =	simm.s32 $0x8A30  }
0x6f6: {  	[tilespmem:s20+$0x0] =	vst.add.f32.msk $0xffff, v0  }
0x6f7: {  	v0 =	vld [tilespmem:$0x6840];
	_ =	sdelay $0x3  }
0x6f8: {  	s1 =	simm.s32 $0x8AC0  }
0x6f9: {  	[tilespmem:s1+$0x0] =	vst.add.f32.msk $0xffff, v0  }
0x6fa: {  	v0 =	vld [tilespmem:$0x6850];
	_ =	sdelay $0x3  }
0x6fb: {  	s2 =	simm.s32 $0x8B50  }
0x6fc: {  	[tilespmem:s2+$0x0] =	vst.add.f32.msk $0xffff, v0  }
0x6fd: {  	v0 =	vld [tilespmem:$0x6860];
	_ =	sdelay $0x3  }
0x6fe: {  	s18 =	simm.s32 $0x8BE0  }
0x6ff: {  	[tilespmem:s18+$0x0] =	vst.add.f32.msk $0xffff, v0  }
0x700: {  	v0 =	vld [tilespmem:$0x6870];
	_ =	sdelay $0x3  }
0x701: {  	s20 =	simm.s32 $0x8C70  }
0x702: {  	[tilespmem:s20+$0x0] =	vst.add.f32.msk $0xffff, v0  }
0x703: {  	v0 =	vld [tilespmem:$0x6880];
	_ =	sdelay $0x3  }
0x704: {  	s1 =	simm.s32 $0x8D00  }
0x705: {  	[tilespmem:s1+$0x0] =	vst.add.f32.msk $0xffff, v0  }
0x706: {  	v0 =	vld [tilespmem:$0x6890];
	_ =	sdelay $0x3  }
0x707: {  	s2 =	simm.s32 $0x8D90  }
0x708: {  	[tilespmem:s2+$0x0] =	vst.add.f32.msk $0xffff, v0  }
0x709: {  	v0 =	vld [tilespmem:$0x68A0];
	_ =	sdelay $0x3  }
0x70a: {  	s18 =	simm.s32 $0x8E20  }
0x70b: {  	[tilespmem:s18+$0x0] =	vst.add.f32.msk $0xffff, v0  }
0x70c: {  	v0 =	vld [tilespmem:$0x68B0];
	_ =	sdelay $0x3  }
0x70d: {  	s20 =	simm.s32 $0x8EB0  }
0x70e: {  	[tilespmem:s20+$0x0] =	vst.add.f32.msk $0xffff, v0  }
0x70f: {  	v0 =	vld [tilespmem:$0x68C0];
	_ =	sdelay $0x3  }
0x710: {  	s1 =	simm.s32 $0x8F40  }
0x711: {  	[tilespmem:s1+$0x0] =	vst.add.f32.msk $0xffff, v0  }
0x712: {  	v0 =	vld [tilespmem:$0x68D0];
	_ =	sdelay $0x3  }
0x713: {  	s2 =	simm.s32 $0x8FD0  }
0x714: {  	[tilespmem:s2+$0x0] =	vst.add.f32.msk $0xffff, v0  }
0x715: {  	v0 =	vld [tilespmem:$0x68E0];
	_ =	sdelay $0x3  }
0x716: {  	s18 =	simm.s32 $0x9060  }
0x717: {  	[tilespmem:s18+$0x0] =	vst.add.f32.msk $0xffff, v0  }
0x718: {  	v0 =	vld [tilespmem:$0x68F0];
	_ =	sdelay $0x3  }
0x719: {  	s20 =	simm.s32 $0x90F0  }
0x71a: {  	[tilespmem:s20+$0x0] =	vst.add.f32.msk $0xffff, v0  }
0x71b: {  	v0 =	vld [tilespmem:$0x6900];
	_ =	sdelay $0x3  }
0x71c: {  	s1 =	simm.s32 $0x9180  }
0x71d: {  	[tilespmem:s1+$0x0] =	vst.add.f32.msk $0xffff, v0  }
0x71e: {  	v0 =	vld [tilespmem:$0x6910];
	_ =	sdelay $0x3  }
0x71f: {  	s2 =	simm.s32 $0x9210  }
0x720: {  	[tilespmem:s2+$0x0] =	vst.add.f32.msk $0xffff, v0  }
0x721: {  	v0 =	vld [tilespmem:$0x6920];
	_ =	sdelay $0x3  }
0x722: {  	s18 =	simm.s32 $0x92A0  }
0x723: {  	[tilespmem:s18+$0x0] =	vst.add.f32.msk $0xffff, v0  }
0x724: {  	v0 =	vld [tilespmem:$0x6930];
	_ =	sdelay $0x3  }
0x725: {  	s20 =	simm.s32 $0x9330  }
0x726: {  	[tilespmem:s20+$0x0] =	vst.add.f32.msk $0xffff, v0  }
0x727: {  	v0 =	vld [tilespmem:$0x6940];
	_ =	sdelay $0x3  }
0x728: {  	s1 =	simm.s32 $0x93C0  }
0x729: {  	[tilespmem:s1+$0x0] =	vst.add.f32.msk $0xffff, v0  }
0x72a: {  	v0 =	vld [tilespmem:$0x6950];
	_ =	sdelay $0x3  }
0x72b: {  	s2 =	simm.s32 $0x9450  }
0x72c: {  	[tilespmem:s2+$0x0] =	vst.add.f32.msk $0xffff, v0  }
0x72d: {  	v0 =	vld [tilespmem:$0x6960];
	_ =	sdelay $0x3  }
0x72e: {  	s18 =	simm.s32 $0x94E0  }
0x72f: {  	[tilespmem:s18+$0x0] =	vst.add.f32.msk $0xffff, v0  }
0x730: {  	v0 =	vld [tilespmem:$0x6970];
	_ =	sdelay $0x3  }
0x731: {  	s20 =	simm.s32 $0x9570  }
0x732: {  	[tilespmem:s20+$0x0] =	vst.add.f32.msk $0xffff, v0  }
0x733: {  	v0 =	vld [tilespmem:$0x6980];
	_ =	sdelay $0x3  }
0x734: {  	s1 =	simm.s32 $0x9600  }
0x735: {  	[tilespmem:s1+$0x0] =	vst.add.f32.msk $0xffff, v0  }
0x736: {  	v0 =	vld [tilespmem:$0x6990];
	_ =	sdelay $0x3  }
0x737: {  	s2 =	simm.s32 $0x9690  }
0x738: {  	[tilespmem:s2+$0x0] =	vst.add.f32.msk $0xffff, v0  }
0x739: {  	v0 =	vld [tilespmem:$0x69A0];
	_ =	sdelay $0x3  }
0x73a: {  	s18 =	simm.s32 $0x9720  }
0x73b: {  	[tilespmem:s18+$0x0] =	vst.add.f32.msk $0xffff, v0  }
0x73c: {  	v0 =	vld [tilespmem:$0x69B0];
	_ =	sdelay $0x3  }
0x73d: {  	s20 =	simm.s32 $0x97B0  }
0x73e: {  	[tilespmem:s20+$0x0] =	vst.add.f32.msk $0xffff, v0  }
0x73f: {  	v0 =	vld [tilespmem:$0x69C0];
	_ =	sdelay $0x3  }
0x740: {  	s1 =	simm.s32 $0x9840  }
0x741: {  	[tilespmem:s1+$0x0] =	vst.add.f32.msk $0xffff, v0  }
0x742: {  	v0 =	vld [tilespmem:$0x69D0];
	_ =	sdelay $0x3  }
0x743: {  	s2 =	simm.s32 $0x98D0  }
0x744: {  	[tilespmem:s2+$0x0] =	vst.add.f32.msk $0xffff, v0  }
0x745: {  	v0 =	vld [tilespmem:$0x69E0];
	_ =	sdelay $0x3  }
0x746: {  	s18 =	simm.s32 $0x9960  }
0x747: {  	[tilespmem:s18+$0x0] =	vst.add.f32.msk $0xffff, v0  }
0x748: {  	v0 =	vld [tilespmem:$0x69F0];
	_ =	sdelay $0x3  }
0x749: {  	s20 =	simm.s32 $0x99F0  }
0x74a: {  	[tilespmem:s20+$0x0] =	vst.add.f32.msk $0xffff, v0  }
0x74b: {  	v0 =	vld [tilespmem:$0x6A00];
	_ =	sdelay $0x3  }
0x74c: {  	s1 =	simm.s32 $0x9A80  }
0x74d: {  	[tilespmem:s1+$0x0] =	vst.add.f32.msk $0xffff, v0  }
0x74e: {  	v0 =	vld [tilespmem:$0x6A10];
	_ =	sdelay $0x3  }
0x74f: {  	s2 =	simm.s32 $0x9B10  }
0x750: {  	[tilespmem:s2+$0x0] =	vst.add.f32.msk $0xffff, v0  }
0x751: {  	v0 =	vld [tilespmem:$0x6A20];
	_ =	sdelay $0x3  }
0x752: {  	s18 =	simm.s32 $0x9BA0  }
0x753: {  	[tilespmem:s18+$0x0] =	vst.add.f32.msk $0xffff, v0  }
0x754: {  	v0 =	vld [tilespmem:$0x6A30];
	_ =	sdelay $0x3  }
0x755: {  	s20 =	simm.s32 $0x9C30  }
0x756: {  	[tilespmem:s20+$0x0] =	vst.add.f32.msk $0xffff, v0  }
0x757: {  	v0 =	vld [tilespmem:$0x6A40];
	_ =	sdelay $0x3  }
0x758: {  	s1 =	simm.s32 $0x9CC0  }
0x759: {  	[tilespmem:s1+$0x0] =	vst.add.f32.msk $0xffff, v0  }
0x75a: {  	v0 =	vld [tilespmem:$0x6A50];
	_ =	sdelay $0x3  }
0x75b: {  	s2 =	simm.s32 $0x9D50  }
0x75c: {  	[tilespmem:s2+$0x0] =	vst.add.f32.msk $0xffff, v0  }
0x75d: {  	v0 =	vld [tilespmem:$0x6A60];
	_ =	sdelay $0x3  }
0x75e: {  	s18 =	simm.s32 $0x9DE0  }
0x75f: {  	[tilespmem:s18+$0x0] =	vst.add.f32.msk $0xffff, v0  }
0x760: {  	v0 =	vld [tilespmem:$0x6A70];
	_ =	sdelay $0x3  }
0x761: {  	s20 =	simm.s32 $0x9E70  }
0x762: {  	[tilespmem:s20+$0x0] =	vst.add.f32.msk $0xffff, v0  }
0x763: {  	v0 =	vld [tilespmem:$0x6A80];
	_ =	sdelay $0x3  }
0x764: {  	s1 =	simm.s32 $0x9F00  }
0x765: {  	[tilespmem:s1+$0x0] =	vst.add.f32.msk $0xffff, v0  }
0x766: {  	v0 =	vld [tilespmem:$0x6A90];
	_ =	sdelay $0x3  }
0x767: {  	s2 =	simm.s32 $0x9F90  }
0x768: {  	[tilespmem:s2+$0x0] =	vst.add.f32.msk $0xffff, v0  }
0x769: {  	v0 =	vld [tilespmem:$0x6AA0];
	_ =	sdelay $0x3  }
0x76a: {  	s18 =	simm.s32 $0xA020  }
0x76b: {  	[tilespmem:s18+$0x0] =	vst.add.f32.msk $0xffff, v0  }
0x76c: {  	v0 =	vld [tilespmem:$0x6AB0];
	_ =	sdelay $0x3  }
0x76d: {  	s20 =	simm.s32 $0xA0B0  }
0x76e: {  	[tilespmem:s20+$0x0] =	vst.add.f32.msk $0xffff, v0  }
0x76f: {  	v0 =	vld [tilespmem:$0x6AC0];
	_ =	sdelay $0x3  }
0x770: {  	s1 =	simm.s32 $0xA140  }
0x771: {  	[tilespmem:s1+$0x0] =	vst.add.f32.msk $0xffff, v0  }
0x772: {  	v0 =	vld [tilespmem:$0x6AD0];
	_ =	sdelay $0x3  }
0x773: {  	s2 =	simm.s32 $0xA1D0  }
0x774: {  	[tilespmem:s2+$0x0] =	vst.add.f32.msk $0xffff, v0  }
0x775: {  	v0 =	vld [tilespmem:$0x6AE0];
	_ =	sdelay $0x3  }
0x776: {  	s18 =	simm.s32 $0xA260  }
0x777: {  	[tilespmem:s18+$0x0] =	vst.add.f32.msk $0xffff, v0  }
0x778: {  	v0 =	vld [tilespmem:$0x6AF0];
	_ =	sdelay $0x3  }
0x779: {  	s20 =	simm.s32 $0xA2F0  }
0x77a: {  	[tilespmem:s20+$0x0] =	vst.add.f32.msk $0xffff, v0  }
0x77b: {  	v0 =	vld [tilespmem:$0x6B00];
	_ =	sdelay $0x3  }
0x77c: {  	s1 =	simm.s32 $0xA380  }
0x77d: {  	[tilespmem:s1+$0x0] =	vst.add.f32.msk $0xffff, v0  }
0x77e: {  	v0 =	vld [tilespmem:$0x6B10];
	_ =	sdelay $0x3  }
0x77f: {  	s2 =	simm.s32 $0xA410  }
0x780: {  	[tilespmem:s2+$0x0] =	vst.add.f32.msk $0xffff, v0  }
0x781: {  	v0 =	vld [tilespmem:$0x6B20];
	_ =	sdelay $0x3  }
0x782: {  	s18 =	simm.s32 $0xA4A0  }
0x783: {  	[tilespmem:s18+$0x0] =	vst.add.f32.msk $0xffff, v0  }
0x784: {  	v0 =	vld [tilespmem:$0x6B30];
	_ =	sdelay $0x3  }
0x785: {  	s20 =	simm.s32 $0xA530  }
0x786: {  	[tilespmem:s20+$0x0] =	vst.add.f32.msk $0xffff, v0  }
0x787: {  	v0 =	vld [tilespmem:$0x6B40];
	_ =	sdelay $0x3  }
0x788: {  	s1 =	simm.s32 $0xA5C0  }
0x789: {  	[tilespmem:s1+$0x0] =	vst.add.f32.msk $0xffff, v0  }
0x78a: {  	v0 =	vld [tilespmem:$0x6B50];
	_ =	sdelay $0x3  }
0x78b: {  	s2 =	simm.s32 $0xA650  }
0x78c: {  	[tilespmem:s2+$0x0] =	vst.add.f32.msk $0xffff, v0  }
0x78d: {  	v0 =	vld [tilespmem:$0x6B60];
	_ =	sdelay $0x3  }
0x78e: {  	s18 =	simm.s32 $0xA6E0  }
0x78f: {  	[tilespmem:s18+$0x0] =	vst.add.f32.msk $0xffff, v0  }
0x790: {  	v0 =	vld [tilespmem:$0x6B70];
	_ =	sdelay $0x3  }
0x791: {  	s20 =	simm.s32 $0xA770  }
0x792: {  	[tilespmem:s20+$0x0] =	vst.add.f32.msk $0xffff, v0  }
0x793: {  	v0 =	vld [tilespmem:$0x6B80];
	_ =	sdelay $0x3  }
0x794: {  	s1 =	simm.s32 $0xA800  }
0x795: {  	[tilespmem:s1+$0x0] =	vst.add.f32.msk $0xffff, v0  }
0x796: {  	v0 =	vld [tilespmem:$0x6B90];
	_ =	sdelay $0x3  }
0x797: {  	s2 =	simm.s32 $0xA890  }
0x798: {  	[tilespmem:s2+$0x0] =	vst.add.f32.msk $0xffff, v0  }
0x799: {  	v0 =	vld [tilespmem:$0x6BA0];
	_ =	sdelay $0x3  }
0x79a: {  	s18 =	simm.s32 $0xA920  }
0x79b: {  	[tilespmem:s18+$0x0] =	vst.add.f32.msk $0xffff, v0  }
0x79c: {  	v0 =	vld [tilespmem:$0x6BB0];
	_ =	sdelay $0x3  }
0x79d: {  	s20 =	simm.s32 $0xA9B0  }
0x79e: {  	[tilespmem:s20+$0x0] =	vst.add.f32.msk $0xffff, v0  }
0x79f: {  	v0 =	vld [tilespmem:$0x6BC0];
	_ =	sdelay $0x3  }
0x7a0: {  	s1 =	simm.s32 $0xAA40  }
0x7a1: {  	[tilespmem:s1+$0x0] =	vst.add.f32.msk $0xffff, v0  }
0x7a2: {  	v0 =	vld [tilespmem:$0x6BD0];
	_ =	sdelay $0x3  }
0x7a3: {  	s2 =	simm.s32 $0xAAD0  }
0x7a4: {  	[tilespmem:s2+$0x0] =	vst.add.f32.msk $0xffff, v0  }
0x7a5: {  	v0 =	vld [tilespmem:$0x6BE0];
	_ =	sdelay $0x3  }
0x7a6: {  	s18 =	simm.s32 $0xAB60  }
0x7a7: {  	[tilespmem:s18+$0x0] =	vst.add.f32.msk $0xffff, v0  }
0x7a8: {  	v0 =	vld [tilespmem:$0x6BF0];
	_ =	sdelay $0x3  }
0x7a9: {  	s20 =	simm.s32 $0xABF0  }
0x7aa: {  	[tilespmem:s20+$0x0] =	vst.add.f32.msk $0xffff, v0  }
0x7ab: {  	v0 =	vld [tilespmem:$0x6C00];
	_ =	sdelay $0x3  }
0x7ac: {  	s1 =	simm.s32 $0xAC80  }
0x7ad: {  	[tilespmem:s1+$0x0] =	vst.add.f32.msk $0xffff, v0  }
0x7ae: {  	v0 =	vld [tilespmem:$0x6C10];
	_ =	sdelay $0x3  }
0x7af: {  	s2 =	simm.s32 $0xAD10  }
0x7b0: {  	[tilespmem:s2+$0x0] =	vst.add.f32.msk $0xffff, v0  }
0x7b1: {  	v0 =	vld [tilespmem:$0x6C20];
	_ =	sdelay $0x3  }
0x7b2: {  	s18 =	simm.s32 $0xADA0  }
0x7b3: {  	[tilespmem:s18+$0x0] =	vst.add.f32.msk $0xffff, v0  }
0x7b4: {  	v0 =	vld [tilespmem:$0x6C30];
	_ =	sdelay $0x3  }
0x7b5: {  	s20 =	simm.s32 $0xAE30  }
0x7b6: {  	[tilespmem:s20+$0x0] =	vst.add.f32.msk $0xffff, v0  }
0x7b7: {  	v0 =	vld [tilespmem:$0x6C40];
	_ =	sdelay $0x3  }
0x7b8: {  	s1 =	simm.s32 $0xAEC0  }
0x7b9: {  	[tilespmem:s1+$0x0] =	vst.add.f32.msk $0xffff, v0  }
0x7ba: {  	v0 =	vld [tilespmem:$0x6C50];
	_ =	sdelay $0x3  }
0x7bb: {  	s2 =	simm.s32 $0xAF50  }
0x7bc: {  	[tilespmem:s2+$0x0] =	vst.add.f32.msk $0xffff, v0  }
0x7bd: {  	v0 =	vld [tilespmem:$0x6C60];
	_ =	sdelay $0x3  }
0x7be: {  	s18 =	simm.s32 $0xAFE0  }
0x7bf: {  	[tilespmem:s18+$0x0] =	vst.add.f32.msk $0xffff, v0  }
0x7c0: {  	v0 =	vld [tilespmem:$0x6C70];
	_ =	sdelay $0x3  }
0x7c1: {  	s20 =	simm.s32 $0xB070  }
0x7c2: {  	[tilespmem:s20+$0x0] =	vst.add.f32.msk $0xffff, v0  }
0x7c3: {  	v0 =	vld [tilespmem:$0x6C80];
	_ =	sdelay $0x3  }
0x7c4: {  	s1 =	simm.s32 $0xB100  }
0x7c5: {  	[tilespmem:s1+$0x0] =	vst.add.f32.msk $0xffff, v0  }
0x7c6: {  	v0 =	vld [tilespmem:$0x6C90];
	_ =	sdelay $0x3  }
0x7c7: {  	s2 =	simm.s32 $0xB190  }
0x7c8: {  	[tilespmem:s2+$0x0] =	vst.add.f32.msk $0xffff, v0  }
0x7c9: {  	v0 =	vld [tilespmem:$0x6CA0];
	_ =	sdelay $0x3  }
0x7ca: {  	s18 =	simm.s32 $0xB220  }
0x7cb: {  	[tilespmem:s18+$0x0] =	vst.add.f32.msk $0xffff, v0  }
0x7cc: {  	v0 =	vld [tilespmem:$0x6CB0];
	_ =	sdelay $0x3  }
0x7cd: {  	s20 =	simm.s32 $0xB2B0  }
0x7ce: {  	[tilespmem:s20+$0x0] =	vst.add.f32.msk $0xffff, v0  }
0x7cf: {  	v0 =	vld [tilespmem:$0x6CC0];
	_ =	sdelay $0x3  }
0x7d0: {  	s1 =	simm.s32 $0xB340  }
0x7d1: {  	[tilespmem:s1+$0x0] =	vst.add.f32.msk $0xffff, v0  }
0x7d2: {  	v0 =	vld [tilespmem:$0x6CD0];
	_ =	sdelay $0x3  }
0x7d3: {  	s2 =	simm.s32 $0xB3D0  }
0x7d4: {  	[tilespmem:s2+$0x0] =	vst.add.f32.msk $0xffff, v0  }
0x7d5: {  	v0 =	vld [tilespmem:$0x6CE0];
	_ =	sdelay $0x3  }
0x7d6: {  	s18 =	simm.s32 $0xB460  }
0x7d7: {  	[tilespmem:s18+$0x0] =	vst.add.f32.msk $0xffff, v0  }
0x7d8: {  	v0 =	vld [tilespmem:$0x6CF0];
	_ =	sdelay $0x3  }
0x7d9: {  	s0 =	rddreg [dreg:$0x12];
	s20 =	simm.s32 $0xB4F0;
	s18 =	sshra.s32 s15, $0x2  }
0x7da: {  	s1 =	simm.s32 $0x6500;
	s2 =	simm.s32 $0x80;
	[tilespmem:s20+$0x0] =	vst.add.f32.msk $0xffff, v0;
	s20 =	sadd.s32 $0x1C80, s18  }
0x7db: {  	[tilespmem:s1], [sflag:$0x3] =	stream.indirect.gather [hbm4b:s0+s2], $0x10, s20, s2, $0xb8;
	[tilespmem:$0xB500] =	vst v63  }
0x7dc: {  	s0 =	simm.s32 $0x2  }
0x7dd: {  	_ =	swait.ge [sflag:s0], $0x800  }
0x7de: {  	[sflag:s0] =	ssyncset.done $0x0  }
0x7df: {  	[sflag:s0] =	ssyncadd.s32 $0xFFFFF800  }
0x7e0: {  	v63 =	vld [tilespmem:$0x5D00];
	_ =	sdelay $0x4  }
0x7e1: {  	[tilespmem:s22+$0x0] =	vst.add.f32.msk $0xffff, v63  }
0x7e2: {  	v0 =	vld [tilespmem:$0x5D10];
	_ =	sdelay $0x4  }
0x7e3: {  	[tilespmem:s24+$0x0] =	vst.add.f32.msk $0xffff, v0  }
0x7e4: {  	v0 =	vld [tilespmem:$0x5D20];
	_ =	sdelay $0x4  }
0x7e5: {  	[tilespmem:s29+$0x0] =	vst.add.f32.msk $0xffff, v0  }
0x7e6: {  	v0 =	vld [tilespmem:$0x5D30];
	_ =	sdelay $0x4  }
0x7e7: {  	[tilespmem:s30+$0x0] =	vst.add.f32.msk $0xffff, v0  }
0x7e8: {  	v0 =	vld [tilespmem:$0x5D40];
	_ =	sdelay $0x4  }
0x7e9: {  	[tilespmem:s31+$0x0] =	vst.add.f32.msk $0xffff, v0  }
0x7ea: {  	v0 =	vld [tilespmem:$0x5D50];
	_ =	sdelay $0x3  }
0x7eb: {  	s1 =	simm.s32 $0x7050  }
0x7ec: {  	[tilespmem:s1+$0x0] =	vst.add.f32.msk $0xffff, v0  }
0x7ed: {  	v0 =	vld [tilespmem:$0x5D60];
	_ =	sdelay $0x4  }
0x7ee: {  	[tilespmem:s10+$0x0] =	vst.add.f32.msk $0xffff, v0  }
0x7ef: {  	v0 =	vld [tilespmem:$0x5D70];
	_ =	sdelay $0x4  }
0x7f0: {  	[tilespmem:s16+$0x0] =	vst.add.f32.msk $0xffff, v0  }
0x7f1: {  	v0 =	vld [tilespmem:$0x5D80];
	_ =	sdelay $0x4  }
0x7f2: {  	[tilespmem:s21+$0x0] =	vst.add.f32.msk $0xffff, v0  }
0x7f3: {  	v0 =	vld [tilespmem:$0x5D90];
	_ =	sdelay $0x4  }
0x7f4: {  	[tilespmem:s23+$0x0] =	vst.add.f32.msk $0xffff, v0  }
0x7f5: {  	v0 =	vld [tilespmem:$0x5DA0];
	_ =	sdelay $0x4  }
0x7f6: {  	[tilespmem:s26+$0x0] =	vst.add.f32.msk $0xffff, v0  }
0x7f7: {  	v0 =	vld [tilespmem:$0x5DB0];
	_ =	sdelay $0x3  }
0x7f8: {  	s2 =	simm.s32 $0x73B0  }
0x7f9: {  	[tilespmem:s2+$0x0] =	vst.add.f32.msk $0xffff, v0  }
0x7fa: {  	v0 =	vld [tilespmem:$0x5DC0];
	_ =	sdelay $0x4  }
0x7fb: {  	[tilespmem:s3+$0x0] =	vst.add.f32.msk $0xffff, v0  }
0x7fc: {  	v0 =	vld [tilespmem:$0x5DD0];
	_ =	sdelay $0x4  }
0x7fd: {  	[tilespmem:s4+$0x0] =	vst.add.f32.msk $0xffff, v0  }
0x7fe: {  	v0 =	vld [tilespmem:$0x5DE0];
	_ =	sdelay $0x4  }
0x7ff: {  	[tilespmem:s5+$0x0] =	vst.add.f32.msk $0xffff, v0  }
0x800: {  	v0 =	vld [tilespmem:$0x5DF0];
	_ =	sdelay $0x4  }
0x801: {  	[tilespmem:s6+$0x0] =	vst.add.f32.msk $0xffff, v0  }
0x802: {  	v0 =	vld [tilespmem:$0x5E00];
	_ =	sdelay $0x4  }
0x803: {  	[tilespmem:s7+$0x0] =	vst.add.f32.msk $0xffff, v0  }
0x804: {  	v0 =	vld [tilespmem:$0x5E10];
	_ =	sdelay $0x4  }
0x805: {  	[tilespmem:s8+$0x0] =	vst.add.f32.msk $0xffff, v0  }
0x806: {  	v0 =	vld [tilespmem:$0x5E20];
	_ =	sdelay $0x4  }
0x807: {  	[tilespmem:s9+$0x0] =	vst.add.f32.msk $0xffff, v0  }
0x808: {  	v0 =	vld [tilespmem:$0x5E30];
	_ =	sdelay $0x4  }
0x809: {  	[tilespmem:s11+$0x0] =	vst.add.f32.msk $0xffff, v0  }
0x80a: {  	v0 =	vld [tilespmem:$0x5E40];
	_ =	sdelay $0x4  }
0x80b: {  	[tilespmem:s12+$0x0] =	vst.add.f32.msk $0xffff, v0  }
0x80c: {  	v0 =	vld [tilespmem:$0x5E50];
	_ =	sdelay $0x4  }
0x80d: {  	[tilespmem:s14+$0x0] =	vst.add.f32.msk $0xffff, v0  }
0x80e: {  	v0 =	vld [tilespmem:$0x5E60];
	_ =	sdelay $0x4  }
0x80f: {  	[tilespmem:s17+$0x0] =	vst.add.f32.msk $0xffff, v0  }
0x810: {  	v0 =	vld [tilespmem:$0x5E70];
	_ =	sdelay $0x4  }
0x811: {  	[tilespmem:s28+$0x0] =	vst.add.f32.msk $0xffff, v0  }
0x812: {  	v0 =	vld [tilespmem:$0x5E80];
	_ =	sdelay $0x4  }
0x813: {  	[tilespmem:s13+$0x0] =	vst.add.f32.msk $0xffff, v0  }
0x814: {  	v0 =	vld [tilespmem:$0x5E90];
	_ =	sdelay $0x4  }
0x815: {  	[tilespmem:s19+$0x0] =	vst.add.f32.msk $0xffff, v0  }
0x816: {  	v0 =	vld [tilespmem:$0x5EA0];
	_ =	sdelay $0x4  }
0x817: {  	[tilespmem:s25+$0x0] =	vst.add.f32.msk $0xffff, v0  }
0x818: {  	v0 =	vld [tilespmem:$0x5EB0];
	_ =	sdelay $0x3  }
0x819: {  	s0 =	simm.s32 $0x7CB0  }
0x81a: {  	[tilespmem:s0+$0x0] =	vst.add.f32.msk $0xffff, v0  }
0x81b: {  	v0 =	vld [tilespmem:$0x5EC0];
	_ =	sdelay $0x3  }
0x81c: {  	s0 =	simm.s32 $0x7D40  }
0x81d: {  	[tilespmem:s0+$0x0] =	vst.add.f32.msk $0xffff, v0  }
0x81e: {  	v0 =	vld [tilespmem:$0x5ED0];
	_ =	sdelay $0x3  }
0x81f: {  	s0 =	simm.s32 $0x7DD0  }
0x820: {  	[tilespmem:s0+$0x0] =	vst.add.f32.msk $0xffff, v0  }
0x821: {  	v0 =	vld [tilespmem:$0x5EE0];
	_ =	sdelay $0x3  }
0x822: {  	s0 =	simm.s32 $0x7E60  }
0x823: {  	[tilespmem:s0+$0x0] =	vst.add.f32.msk $0xffff, v0  }
0x824: {  	v0 =	vld [tilespmem:$0x5EF0];
	_ =	sdelay $0x3  }
0x825: {  	s0 =	simm.s32 $0x7EF0  }
0x826: {  	[tilespmem:s0+$0x0] =	vst.add.f32.msk $0xffff, v0  }
0x827: {  	v0 =	vld [tilespmem:$0x5F00];
	_ =	sdelay $0x3  }
0x828: {  	s0 =	simm.s32 $0x7F80  }
0x829: {  	[tilespmem:s0+$0x0] =	vst.add.f32.msk $0xffff, v0  }
0x82a: {  	v0 =	vld [tilespmem:$0x5F10];
	_ =	sdelay $0x3  }
0x82b: {  	s0 =	simm.s32 $0x8010  }
0x82c: {  	[tilespmem:s0+$0x0] =	vst.add.f32.msk $0xffff, v0  }
0x82d: {  	v0 =	vld [tilespmem:$0x5F20];
	_ =	sdelay $0x3  }
0x82e: {  	s0 =	simm.s32 $0x80A0  }
0x82f: {  	[tilespmem:s0+$0x0] =	vst.add.f32.msk $0xffff, v0  }
0x830: {  	v0 =	vld [tilespmem:$0x5F30];
	_ =	sdelay $0x3  }
0x831: {  	s0 =	simm.s32 $0x8130  }
0x832: {  	[tilespmem:s0+$0x0] =	vst.add.f32.msk $0xffff, v0  }
0x833: {  	v0 =	vld [tilespmem:$0x5F40];
	_ =	sdelay $0x3  }
0x834: {  	s0 =	simm.s32 $0x81C0  }
0x835: {  	[tilespmem:s0+$0x0] =	vst.add.f32.msk $0xffff, v0  }
0x836: {  	v0 =	vld [tilespmem:$0x5F50];
	_ =	sdelay $0x3  }
0x837: {  	s0 =	simm.s32 $0x8250  }
0x838: {  	[tilespmem:s0+$0x0] =	vst.add.f32.msk $0xffff, v0  }
0x839: {  	v0 =	vld [tilespmem:$0x5F60];
	_ =	sdelay $0x3  }
0x83a: {  	s0 =	simm.s32 $0x82E0  }
0x83b: {  	[tilespmem:s0+$0x0] =	vst.add.f32.msk $0xffff, v0  }
0x83c: {  	v0 =	vld [tilespmem:$0x5F70];
	_ =	sdelay $0x3  }
0x83d: {  	s0 =	simm.s32 $0x8370  }
0x83e: {  	[tilespmem:s0+$0x0] =	vst.add.f32.msk $0xffff, v0  }
0x83f: {  	v0 =	vld [tilespmem:$0x5F80];
	_ =	sdelay $0x3  }
0x840: {  	s0 =	simm.s32 $0x8400  }
0x841: {  	[tilespmem:s0+$0x0] =	vst.add.f32.msk $0xffff, v0  }
0x842: {  	v0 =	vld [tilespmem:$0x5F90];
	_ =	sdelay $0x3  }
0x843: {  	s0 =	simm.s32 $0x8490  }
0x844: {  	[tilespmem:s0+$0x0] =	vst.add.f32.msk $0xffff, v0  }
0x845: {  	v0 =	vld [tilespmem:$0x5FA0];
	_ =	sdelay $0x3  }
0x846: {  	s0 =	simm.s32 $0x8520  }
0x847: {  	[tilespmem:s0+$0x0] =	vst.add.f32.msk $0xffff, v0  }
0x848: {  	v0 =	vld [tilespmem:$0x5FB0];
	_ =	sdelay $0x3  }
0x849: {  	s0 =	simm.s32 $0x85B0  }
0x84a: {  	[tilespmem:s0+$0x0] =	vst.add.f32.msk $0xffff, v0  }
0x84b: {  	v0 =	vld [tilespmem:$0x5FC0];
	_ =	sdelay $0x3  }
0x84c: {  	s0 =	simm.s32 $0x8640  }
0x84d: {  	[tilespmem:s0+$0x0] =	vst.add.f32.msk $0xffff, v0  }
0x84e: {  	v0 =	vld [tilespmem:$0x5FD0];
	_ =	sdelay $0x3  }
0x84f: {  	s0 =	simm.s32 $0x86D0  }
0x850: {  	[tilespmem:s0+$0x0] =	vst.add.f32.msk $0xffff, v0  }
0x851: {  	v0 =	vld [tilespmem:$0x5FE0];
	_ =	sdelay $0x3  }
0x852: {  	s0 =	simm.s32 $0x8760  }
0x853: {  	[tilespmem:s0+$0x0] =	vst.add.f32.msk $0xffff, v0  }
0x854: {  	v0 =	vld [tilespmem:$0x5FF0];
	_ =	sdelay $0x3  }
0x855: {  	s0 =	simm.s32 $0x87F0  }
0x856: {  	[tilespmem:s0+$0x0] =	vst.add.f32.msk $0xffff, v0  }
0x857: {  	v0 =	vld [tilespmem:$0x6000];
	_ =	sdelay $0x3  }
0x858: {  	s0 =	simm.s32 $0x8880  }
0x859: {  	[tilespmem:s0+$0x0] =	vst.add.f32.msk $0xffff, v0  }
0x85a: {  	v0 =	vld [tilespmem:$0x6010];
	_ =	sdelay $0x3  }
0x85b: {  	s0 =	simm.s32 $0x8910  }
0x85c: {  	[tilespmem:s0+$0x0] =	vst.add.f32.msk $0xffff, v0  }
0x85d: {  	v0 =	vld [tilespmem:$0x6020];
	_ =	sdelay $0x3  }
0x85e: {  	s0 =	simm.s32 $0x89A0  }
0x85f: {  	[tilespmem:s0+$0x0] =	vst.add.f32.msk $0xffff, v0  }
0x860: {  	v0 =	vld [tilespmem:$0x6030];
	_ =	sdelay $0x3  }
0x861: {  	s0 =	simm.s32 $0x8A30  }
0x862: {  	[tilespmem:s0+$0x0] =	vst.add.f32.msk $0xffff, v0  }
0x863: {  	v0 =	vld [tilespmem:$0x6040];
	_ =	sdelay $0x3  }
0x864: {  	s0 =	simm.s32 $0x8AC0  }
0x865: {  	[tilespmem:s0+$0x0] =	vst.add.f32.msk $0xffff, v0  }
0x866: {  	v0 =	vld [tilespmem:$0x6050];
	_ =	sdelay $0x3  }
0x867: {  	s0 =	simm.s32 $0x8B50  }
0x868: {  	[tilespmem:s0+$0x0] =	vst.add.f32.msk $0xffff, v0  }
0x869: {  	v0 =	vld [tilespmem:$0x6060];
	_ =	sdelay $0x3  }
0x86a: {  	s0 =	simm.s32 $0x8BE0  }
0x86b: {  	[tilespmem:s0+$0x0] =	vst.add.f32.msk $0xffff, v0  }
0x86c: {  	v0 =	vld [tilespmem:$0x6070];
	_ =	sdelay $0x3  }
0x86d: {  	s0 =	simm.s32 $0x8C70  }
0x86e: {  	[tilespmem:s0+$0x0] =	vst.add.f32.msk $0xffff, v0  }
0x86f: {  	v0 =	vld [tilespmem:$0x6080];
	_ =	sdelay $0x3  }
0x870: {  	s0 =	simm.s32 $0x8D00  }
0x871: {  	[tilespmem:s0+$0x0] =	vst.add.f32.msk $0xffff, v0  }
0x872: {  	v0 =	vld [tilespmem:$0x6090];
	_ =	sdelay $0x3  }
0x873: {  	s0 =	simm.s32 $0x8D90  }
0x874: {  	[tilespmem:s0+$0x0] =	vst.add.f32.msk $0xffff, v0  }
0x875: {  	v0 =	vld [tilespmem:$0x60A0];
	_ =	sdelay $0x3  }
0x876: {  	s0 =	simm.s32 $0x8E20  }
0x877: {  	[tilespmem:s0+$0x0] =	vst.add.f32.msk $0xffff, v0  }
0x878: {  	v0 =	vld [tilespmem:$0x60B0];
	_ =	sdelay $0x3  }
0x879: {  	s0 =	simm.s32 $0x8EB0  }
0x87a: {  	[tilespmem:s0+$0x0] =	vst.add.f32.msk $0xffff, v0  }
0x87b: {  	v0 =	vld [tilespmem:$0x60C0];
	_ =	sdelay $0x3  }
0x87c: {  	s0 =	simm.s32 $0x8F40  }
0x87d: {  	[tilespmem:s0+$0x0] =	vst.add.f32.msk $0xffff, v0  }
0x87e: {  	v0 =	vld [tilespmem:$0x60D0];
	_ =	sdelay $0x3  }
0x87f: {  	s0 =	simm.s32 $0x8FD0  }
0x880: {  	[tilespmem:s0+$0x0] =	vst.add.f32.msk $0xffff, v0  }
0x881: {  	v0 =	vld [tilespmem:$0x60E0];
	_ =	sdelay $0x3  }
0x882: {  	s0 =	simm.s32 $0x9060  }
0x883: {  	[tilespmem:s0+$0x0] =	vst.add.f32.msk $0xffff, v0  }
0x884: {  	v0 =	vld [tilespmem:$0x60F0];
	_ =	sdelay $0x3  }
0x885: {  	s0 =	simm.s32 $0x90F0  }
0x886: {  	[tilespmem:s0+$0x0] =	vst.add.f32.msk $0xffff, v0  }
0x887: {  	v0 =	vld [tilespmem:$0x6100];
	_ =	sdelay $0x3  }
0x888: {  	s0 =	simm.s32 $0x9180  }
0x889: {  	[tilespmem:s0+$0x0] =	vst.add.f32.msk $0xffff, v0  }
0x88a: {  	v0 =	vld [tilespmem:$0x6110];
	_ =	sdelay $0x3  }
0x88b: {  	s0 =	simm.s32 $0x9210  }
0x88c: {  	[tilespmem:s0+$0x0] =	vst.add.f32.msk $0xffff, v0  }
0x88d: {  	v0 =	vld [tilespmem:$0x6120];
	_ =	sdelay $0x3  }
0x88e: {  	s0 =	simm.s32 $0x92A0  }
0x88f: {  	[tilespmem:s0+$0x0] =	vst.add.f32.msk $0xffff, v0  }
0x890: {  	v0 =	vld [tilespmem:$0x6130];
	_ =	sdelay $0x3  }
0x891: {  	s0 =	simm.s32 $0x9330  }
0x892: {  	[tilespmem:s0+$0x0] =	vst.add.f32.msk $0xffff, v0  }
0x893: {  	v0 =	vld [tilespmem:$0x6140];
	_ =	sdelay $0x3  }
0x894: {  	s0 =	simm.s32 $0x93C0  }
0x895: {  	[tilespmem:s0+$0x0] =	vst.add.f32.msk $0xffff, v0  }
0x896: {  	v0 =	vld [tilespmem:$0x6150];
	_ =	sdelay $0x3  }
0x897: {  	s0 =	simm.s32 $0x9450  }
0x898: {  	[tilespmem:s0+$0x0] =	vst.add.f32.msk $0xffff, v0  }
0x899: {  	v0 =	vld [tilespmem:$0x6160];
	_ =	sdelay $0x3  }
0x89a: {  	s0 =	simm.s32 $0x94E0  }
0x89b: {  	[tilespmem:s0+$0x0] =	vst.add.f32.msk $0xffff, v0  }
0x89c: {  	v0 =	vld [tilespmem:$0x6170];
	_ =	sdelay $0x3  }
0x89d: {  	s0 =	simm.s32 $0x9570  }
0x89e: {  	[tilespmem:s0+$0x0] =	vst.add.f32.msk $0xffff, v0  }
0x89f: {  	v0 =	vld [tilespmem:$0x6180];
	_ =	sdelay $0x3  }
0x8a0: {  	s0 =	simm.s32 $0x9600  }
0x8a1: {  	[tilespmem:s0+$0x0] =	vst.add.f32.msk $0xffff, v0  }
0x8a2: {  	v0 =	vld [tilespmem:$0x6190];
	_ =	sdelay $0x3  }
0x8a3: {  	s0 =	simm.s32 $0x9690  }
0x8a4: {  	[tilespmem:s0+$0x0] =	vst.add.f32.msk $0xffff, v0  }
0x8a5: {  	v0 =	vld [tilespmem:$0x61A0];
	_ =	sdelay $0x3  }
0x8a6: {  	s0 =	simm.s32 $0x9720  }
0x8a7: {  	[tilespmem:s0+$0x0] =	vst.add.f32.msk $0xffff, v0  }
0x8a8: {  	v0 =	vld [tilespmem:$0x61B0];
	_ =	sdelay $0x3  }
0x8a9: {  	s0 =	simm.s32 $0x97B0  }
0x8aa: {  	[tilespmem:s0+$0x0] =	vst.add.f32.msk $0xffff, v0  }
0x8ab: {  	v0 =	vld [tilespmem:$0x61C0];
	_ =	sdelay $0x3  }
0x8ac: {  	s0 =	simm.s32 $0x9840  }
0x8ad: {  	[tilespmem:s0+$0x0] =	vst.add.f32.msk $0xffff, v0  }
0x8ae: {  	v0 =	vld [tilespmem:$0x61D0];
	_ =	sdelay $0x3  }
0x8af: {  	s0 =	simm.s32 $0x98D0  }
0x8b0: {  	[tilespmem:s0+$0x0] =	vst.add.f32.msk $0xffff, v0  }
0x8b1: {  	v0 =	vld [tilespmem:$0x61E0];
	_ =	sdelay $0x3  }
0x8b2: {  	s0 =	simm.s32 $0x9960  }
0x8b3: {  	[tilespmem:s0+$0x0] =	vst.add.f32.msk $0xffff, v0  }
0x8b4: {  	v0 =	vld [tilespmem:$0x61F0];
	_ =	sdelay $0x3  }
0x8b5: {  	s0 =	simm.s32 $0x99F0  }
0x8b6: {  	[tilespmem:s0+$0x0] =	vst.add.f32.msk $0xffff, v0  }
0x8b7: {  	v0 =	vld [tilespmem:$0x6200];
	_ =	sdelay $0x3  }
0x8b8: {  	s0 =	simm.s32 $0x9A80  }
0x8b9: {  	[tilespmem:s0+$0x0] =	vst.add.f32.msk $0xffff, v0  }
0x8ba: {  	v0 =	vld [tilespmem:$0x6210];
	_ =	sdelay $0x3  }
0x8bb: {  	s0 =	simm.s32 $0x9B10  }
0x8bc: {  	[tilespmem:s0+$0x0] =	vst.add.f32.msk $0xffff, v0  }
0x8bd: {  	v0 =	vld [tilespmem:$0x6220];
	_ =	sdelay $0x3  }
0x8be: {  	s0 =	simm.s32 $0x9BA0  }
0x8bf: {  	[tilespmem:s0+$0x0] =	vst.add.f32.msk $0xffff, v0  }
0x8c0: {  	v0 =	vld [tilespmem:$0x6230];
	_ =	sdelay $0x3  }
0x8c1: {  	s0 =	simm.s32 $0x9C30  }
0x8c2: {  	[tilespmem:s0+$0x0] =	vst.add.f32.msk $0xffff, v0  }
0x8c3: {  	v0 =	vld [tilespmem:$0x6240];
	_ =	sdelay $0x3  }
0x8c4: {  	s0 =	simm.s32 $0x9CC0  }
0x8c5: {  	[tilespmem:s0+$0x0] =	vst.add.f32.msk $0xffff, v0  }
0x8c6: {  	v0 =	vld [tilespmem:$0x6250];
	_ =	sdelay $0x3  }
0x8c7: {  	s0 =	simm.s32 $0x9D50  }
0x8c8: {  	[tilespmem:s0+$0x0] =	vst.add.f32.msk $0xffff, v0  }
0x8c9: {  	v0 =	vld [tilespmem:$0x6260];
	_ =	sdelay $0x3  }
0x8ca: {  	s0 =	simm.s32 $0x9DE0  }
0x8cb: {  	[tilespmem:s0+$0x0] =	vst.add.f32.msk $0xffff, v0  }
0x8cc: {  	v0 =	vld [tilespmem:$0x6270];
	_ =	sdelay $0x3  }
0x8cd: {  	s0 =	simm.s32 $0x9E70  }
0x8ce: {  	[tilespmem:s0+$0x0] =	vst.add.f32.msk $0xffff, v0  }
0x8cf: {  	v0 =	vld [tilespmem:$0x6280];
	_ =	sdelay $0x3  }
0x8d0: {  	s0 =	simm.s32 $0x9F00  }
0x8d1: {  	[tilespmem:s0+$0x0] =	vst.add.f32.msk $0xffff, v0  }
0x8d2: {  	v0 =	vld [tilespmem:$0x6290];
	_ =	sdelay $0x3  }
0x8d3: {  	s0 =	simm.s32 $0x9F90  }
0x8d4: {  	[tilespmem:s0+$0x0] =	vst.add.f32.msk $0xffff, v0  }
0x8d5: {  	v0 =	vld [tilespmem:$0x62A0];
	_ =	sdelay $0x3  }
0x8d6: {  	s0 =	simm.s32 $0xA020  }
0x8d7: {  	[tilespmem:s0+$0x0] =	vst.add.f32.msk $0xffff, v0  }
0x8d8: {  	v0 =	vld [tilespmem:$0x62B0];
	_ =	sdelay $0x3  }
0x8d9: {  	s0 =	simm.s32 $0xA0B0  }
0x8da: {  	[tilespmem:s0+$0x0] =	vst.add.f32.msk $0xffff, v0  }
0x8db: {  	v0 =	vld [tilespmem:$0x62C0];
	_ =	sdelay $0x3  }
0x8dc: {  	s0 =	simm.s32 $0xA140  }
0x8dd: {  	[tilespmem:s0+$0x0] =	vst.add.f32.msk $0xffff, v0  }
0x8de: {  	v0 =	vld [tilespmem:$0x62D0];
	_ =	sdelay $0x3  }
0x8df: {  	s0 =	simm.s32 $0xA1D0  }
0x8e0: {  	[tilespmem:s0+$0x0] =	vst.add.f32.msk $0xffff, v0  }
0x8e1: {  	v0 =	vld [tilespmem:$0x62E0];
	_ =	sdelay $0x3  }
0x8e2: {  	s0 =	simm.s32 $0xA260  }
0x8e3: {  	[tilespmem:s0+$0x0] =	vst.add.f32.msk $0xffff, v0  }
0x8e4: {  	v0 =	vld [tilespmem:$0x62F0];
	_ =	sdelay $0x3  }
0x8e5: {  	s0 =	simm.s32 $0xA2F0  }
0x8e6: {  	[tilespmem:s0+$0x0] =	vst.add.f32.msk $0xffff, v0  }
0x8e7: {  	v0 =	vld [tilespmem:$0x6300];
	_ =	sdelay $0x3  }
0x8e8: {  	s0 =	simm.s32 $0xA380  }
0x8e9: {  	[tilespmem:s0+$0x0] =	vst.add.f32.msk $0xffff, v0  }
0x8ea: {  	v0 =	vld [tilespmem:$0x6310];
	_ =	sdelay $0x3  }
0x8eb: {  	s0 =	simm.s32 $0xA410  }
0x8ec: {  	[tilespmem:s0+$0x0] =	vst.add.f32.msk $0xffff, v0  }
0x8ed: {  	v0 =	vld [tilespmem:$0x6320];
	_ =	sdelay $0x3  }
0x8ee: {  	s0 =	simm.s32 $0xA4A0  }
0x8ef: {  	[tilespmem:s0+$0x0] =	vst.add.f32.msk $0xffff, v0  }
0x8f0: {  	v0 =	vld [tilespmem:$0x6330];
	_ =	sdelay $0x3  }
0x8f1: {  	s0 =	simm.s32 $0xA530  }
0x8f2: {  	[tilespmem:s0+$0x0] =	vst.add.f32.msk $0xffff, v0  }
0x8f3: {  	v0 =	vld [tilespmem:$0x6340];
	_ =	sdelay $0x3  }
0x8f4: {  	s0 =	simm.s32 $0xA5C0  }
0x8f5: {  	[tilespmem:s0+$0x0] =	vst.add.f32.msk $0xffff, v0  }
0x8f6: {  	v0 =	vld [tilespmem:$0x6350];
	_ =	sdelay $0x3  }
0x8f7: {  	s0 =	simm.s32 $0xA650  }
0x8f8: {  	[tilespmem:s0+$0x0] =	vst.add.f32.msk $0xffff, v0  }
0x8f9: {  	v0 =	vld [tilespmem:$0x6360];
	_ =	sdelay $0x3  }
0x8fa: {  	s0 =	simm.s32 $0xA6E0  }
0x8fb: {  	[tilespmem:s0+$0x0] =	vst.add.f32.msk $0xffff, v0  }
0x8fc: {  	v0 =	vld [tilespmem:$0x6370];
	_ =	sdelay $0x3  }
0x8fd: {  	s0 =	simm.s32 $0xA770  }
0x8fe: {  	[tilespmem:s0+$0x0] =	vst.add.f32.msk $0xffff, v0  }
0x8ff: {  	v0 =	vld [tilespmem:$0x6380];
	_ =	sdelay $0x3  }
0x900: {  	s0 =	simm.s32 $0xA800  }
0x901: {  	[tilespmem:s0+$0x0] =	vst.add.f32.msk $0xffff, v0  }
0x902: {  	v0 =	vld [tilespmem:$0x6390];
	_ =	sdelay $0x3  }
0x903: {  	s0 =	simm.s32 $0xA890  }
0x904: {  	[tilespmem:s0+$0x0] =	vst.add.f32.msk $0xffff, v0  }
0x905: {  	v0 =	vld [tilespmem:$0x63A0];
	_ =	sdelay $0x3  }
0x906: {  	s0 =	simm.s32 $0xA920  }
0x907: {  	[tilespmem:s0+$0x0] =	vst.add.f32.msk $0xffff, v0  }
0x908: {  	v0 =	vld [tilespmem:$0x63B0];
	_ =	sdelay $0x3  }
0x909: {  	s0 =	simm.s32 $0xA9B0  }
0x90a: {  	[tilespmem:s0+$0x0] =	vst.add.f32.msk $0xffff, v0  }
0x90b: {  	v0 =	vld [tilespmem:$0x63C0];
	_ =	sdelay $0x3  }
0x90c: {  	s0 =	simm.s32 $0xAA40  }
0x90d: {  	[tilespmem:s0+$0x0] =	vst.add.f32.msk $0xffff, v0  }
0x90e: {  	v0 =	vld [tilespmem:$0x63D0];
	_ =	sdelay $0x3  }
0x90f: {  	s0 =	simm.s32 $0xAAD0  }
0x910: {  	[tilespmem:s0+$0x0] =	vst.add.f32.msk $0xffff, v0  }
0x911: {  	v0 =	vld [tilespmem:$0x63E0];
	_ =	sdelay $0x3  }
0x912: {  	s0 =	simm.s32 $0xAB60  }
0x913: {  	[tilespmem:s0+$0x0] =	vst.add.f32.msk $0xffff, v0  }
0x914: {  	v0 =	vld [tilespmem:$0x63F0];
	_ =	sdelay $0x3  }
0x915: {  	s0 =	simm.s32 $0xABF0  }
0x916: {  	[tilespmem:s0+$0x0] =	vst.add.f32.msk $0xffff, v0  }
0x917: {  	v0 =	vld [tilespmem:$0x6400];
	_ =	sdelay $0x3  }
0x918: {  	s0 =	simm.s32 $0xAC80  }
0x919: {  	[tilespmem:s0+$0x0] =	vst.add.f32.msk $0xffff, v0  }
0x91a: {  	v0 =	vld [tilespmem:$0x6410];
	_ =	sdelay $0x3  }
0x91b: {  	s0 =	simm.s32 $0xAD10  }
0x91c: {  	[tilespmem:s0+$0x0] =	vst.add.f32.msk $0xffff, v0  }
0x91d: {  	v0 =	vld [tilespmem:$0x6420];
	_ =	sdelay $0x3  }
0x91e: {  	s0 =	simm.s32 $0xADA0  }
0x91f: {  	[tilespmem:s0+$0x0] =	vst.add.f32.msk $0xffff, v0  }
0x920: {  	v0 =	vld [tilespmem:$0x6430];
	_ =	sdelay $0x3  }
0x921: {  	s0 =	simm.s32 $0xAE30  }
0x922: {  	[tilespmem:s0+$0x0] =	vst.add.f32.msk $0xffff, v0  }
0x923: {  	v0 =	vld [tilespmem:$0x6440];
	_ =	sdelay $0x3  }
0x924: {  	s0 =	simm.s32 $0xAEC0  }
0x925: {  	[tilespmem:s0+$0x0] =	vst.add.f32.msk $0xffff, v0  }
0x926: {  	v0 =	vld [tilespmem:$0x6450];
	_ =	sdelay $0x3  }
0x927: {  	s0 =	simm.s32 $0xAF50  }
0x928: {  	[tilespmem:s0+$0x0] =	vst.add.f32.msk $0xffff, v0  }
0x929: {  	v0 =	vld [tilespmem:$0x6460];
	_ =	sdelay $0x3  }
0x92a: {  	s0 =	simm.s32 $0xAFE0  }
0x92b: {  	[tilespmem:s0+$0x0] =	vst.add.f32.msk $0xffff, v0  }
0x92c: {  	v0 =	vld [tilespmem:$0x6470];
	_ =	sdelay $0x3  }
0x92d: {  	s0 =	simm.s32 $0xB070  }
0x92e: {  	[tilespmem:s0+$0x0] =	vst.add.f32.msk $0xffff, v0  }
0x92f: {  	v0 =	vld [tilespmem:$0x6480];
	_ =	sdelay $0x3  }
0x930: {  	s0 =	simm.s32 $0xB100  }
0x931: {  	[tilespmem:s0+$0x0] =	vst.add.f32.msk $0xffff, v0  }
0x932: {  	v0 =	vld [tilespmem:$0x6490];
	_ =	sdelay $0x3  }
0x933: {  	s0 =	simm.s32 $0xB190  }
0x934: {  	[tilespmem:s0+$0x0] =	vst.add.f32.msk $0xffff, v0  }
0x935: {  	v0 =	vld [tilespmem:$0x64A0];
	_ =	sdelay $0x3  }
0x936: {  	s0 =	simm.s32 $0xB220  }
0x937: {  	[tilespmem:s0+$0x0] =	vst.add.f32.msk $0xffff, v0  }
0x938: {  	v0 =	vld [tilespmem:$0x64B0];
	_ =	sdelay $0x3  }
0x939: {  	s0 =	simm.s32 $0xB2B0  }
0x93a: {  	[tilespmem:s0+$0x0] =	vst.add.f32.msk $0xffff, v0  }
0x93b: {  	v0 =	vld [tilespmem:$0x64C0];
	_ =	sdelay $0x3  }
0x93c: {  	s0 =	simm.s32 $0xB340  }
0x93d: {  	[tilespmem:s0+$0x0] =	vst.add.f32.msk $0xffff, v0  }
0x93e: {  	v0 =	vld [tilespmem:$0x64D0];
	_ =	sdelay $0x3  }
0x93f: {  	s0 =	simm.s32 $0xB3D0  }
0x940: {  	[tilespmem:s0+$0x0] =	vst.add.f32.msk $0xffff, v0  }
0x941: {  	v0 =	vld [tilespmem:$0x64E0]  }
0x942: {  	p0 =	seq.s32 s15, $0x0;
	s20 =	simm.s32 $0x6E10  }
0x943: {  	s22 =	simm.s32 $0x6EA0;
	s24 =	simm.s32 $0x6F30;
	s29 =	simm.s32 $0x6FC0  }
0x944: {  	s30 =	simm.s32 $0x7050;
	s31 =	simm.s32 $0x7D40;
	s1 =	simm.s32 $0xB4F0  }
0x945: {  	s10 =	simm.s32 $0x7170;
	s16 =	simm.s32 $0x7200;
	s0 =	simm.s32 $0xB460  }
0x946: {  	s21 =	simm.s32 $0x7290;
	s23 =	simm.s32 $0x7320;
	s26 =	simm.s32 $0x73B0;
	[tilespmem:s0+$0x0] =	vst.add.f32.msk $0xffff, v0  }
0x947: {  	s2 =	simm.s32 $0x7440;
	s3 =	simm.s32 $0x74D0;
	s4 =	simm.s32 $0x7560;
	v0 =	vld [tilespmem:$0x64F0]  }
.Ltmp4:
0x948: {  	s5 =	simm.s32 $0x75F0;
	s6 =	simm.s32 $0x7680;
	(pc) =	sbr.rel @p0 .LBB2_5-.Ltmp4, $4  }
0x949: {  	s7 =	simm.s32 $0x7710;
	s8 =	simm.s32 $0x77A0;
	s9 =	simm.s32 $0x7830  }
0x94a: {  	s11 =	simm.s32 $0x78C0;
	s12 =	simm.s32 $0x7950;
	s14 =	simm.s32 $0x79E0  }
0x94b: {  	s17 =	simm.s32 $0x7A70;
	s28 =	simm.s32 $0x7B00;
	s0 =	simm.s32 $0xB4F0  }
0x94c: {  	s13 =	simm.s32 $0x7B90;
	s19 =	simm.s32 $0x7C20;
	s25 =	simm.s32 $0x7CB0;
	[tilespmem:s0+$0x0] =	vst.add.f32.msk $0xffff, v0  }
.Ltmp5:
0x94d: {  	(pc) =	sbr.rel .LBB2_3-.Ltmp5, $4  }
0x94e: {  	_ = 	snop  }
0x94f: {  	s18 =	sadd.s32 $0x1D00, s18;
	s0 =	rddreg [dreg:$0x12]  }
0x950: {  	s1 =	simm.s32 $0x5D00;
	s2 =	simm.s32 $0x80;
	s15 =	sadd.s32 $0x400, s15  }
0x951: {  	[tilespmem:s1], [sflag:$0x2] =	stream.indirect.gather [hbm4b:s0+s2], $0x10, s18, s2, $0xb8;
	[tilespmem:$0xB500] =	vst v63  }
.LBB2_7:
0x952: {  	_ =	sfence.sel $0x180000  }
0x953: {  	[bflag:$0x0] =	sbarrier.arrive $0xFFFF  }
0x954: {  	_ =	strace $0x90000047  }
0x955: {  	s0 =	stileid.u32;
	[bflag:$0x2] =	sbarrier.arrive $0xFFFF  }
0x956: {  	p0 =	sne.s32 s0, $0x0;
	s0 =	rddreg [dreg:$0x1]  }
0x957: {  	s0 =	sadd.s32 @!p0 $0x100000, s0  }
0x958: {  	[sflag:s0] =	ssyncadd.tile.s32 @!p0 $0x1;
	_ =	shalt  }
.Lfunc_end2:
_tile_overlayer_lowered:
.L_overlay_start_2:
0x959: {  	(tag) =	ssettag $0x2  }
0x95a: {  	s0 =	rddreg [dreg:$0x0];
	s2 =	stileid.u32  }
0x95b: {  	s1 =	rddreg [dreg:$0x1];
	p0 =	sne.s32 s2, $0x0  }
0x95c: {  	s3 =	rddreg [dreg:$0x2];
	[bflag:$0x3] =	sbarrier.arrive $0xFFFF;
	s2 =	simm.s32 @!p0 $0x1C04  }
0x95d: {  	[timem:s3], [sflag:s2] =	dma.local @!p0 [hbm:s0], s1  }
0x95e: {  	s0 =	simm.s32 @!p0 $0x4  }
0x95f: {  	_ =	swait.ge @!p0 [sflag:s0], s1  }
0x960: {  	s1 =	ssub.s32 @!p0 $0x0, s1;
	[sflag:s0] =	ssyncset.done @!p0 $0x0  }
0x961: {  	[sflag:s0] =	ssyncadd.s32 @!p0 s1  }
0x962: {  	[bflag:$0x3] =	sbarrier.arrive $0xFFFF  }
0x963: {  	_ =	shalt  }

</sc_bundles>
